<compile_context>
chip_gen: v7x
topology: tpu7x:2x2x1
jax: 0.10.2.dev20260603
libtpu: 0.0.44.dev20260713+nightly
codegen_flags: <defaults>
</compile_context>

<pallas_src>
import jax
import jax.numpy as jnp
from jax.experimental import pallas as pl
from jax.experimental.pallas import tpu as pltpu

HEAD_VALS = (1, 2, 3, 4, 5, 6, 7, 8, 9, 10, 11, 12, 13, 17, 18)
REGION_GROUPS = ((1,), (17, 18), (4, 5, 6), (2, 3), (7, 8, 9), (10,), (12, 13), (11,))
INV_TEMP = 100.0
NORM_EPS = 1e-8


def _dot(a, b):
    return jnp.dot(a, b, preferred_element_type=jnp.float32)


def _dot_t(a, b):
    return jax.lax.dot_general(a, b, (((0,), (0,)), ((), ())),
                               preferred_element_type=jnp.float32)


def _pool2(y):
    th, w, c = y.shape
    z = y.reshape(th, w // 2, 2, c)
    z = jnp.maximum(z[:, :, 0, :], z[:, :, 1, :])
    z = z.reshape(th // 2, w, c)
    return jnp.maximum(z[:, : w // 2, :], z[:, w // 2:, :])


def _feat_kernel(cols_ref, w1_ref, w2_ref, w3_ref, wphi_ref, wth_ref, out_ref,
                 s1_ref, s2_ref, s3_ref):
    s1_ref[...] = jnp.zeros_like(s1_ref)
    s2_ref[...] = jnp.zeros_like(s2_ref)

    w1 = w1_ref[...]
    for t in range(28):
        lhs = cols_ref[0, :, t * 1792:(t + 1) * 1792]
        y = jnp.maximum(_dot_t(lhs, w1).reshape(8, 224, 64), 0.0)
        s1_ref[1 + t * 4: 1 + (t + 1) * 4, 1:113, :] = _pool2(y)

    w2 = w2_ref[...]
    for t in range(8):
        acc = jnp.zeros((14 * 112, 128), jnp.float32)
        for dx in range(3):
            xd = s1_ref[t * 14: t * 14 + 16, dx:dx + 112, :]
            for dy in range(3):
                acc = acc + _dot(xd[dy:dy + 14].reshape(14 * 112, 64),
                                 w2[dy * 3 + dx])
        y = jnp.maximum(acc.reshape(14, 112, 128), 0.0)
        s2_ref[1 + t * 7: 1 + (t + 1) * 7, 1:57, :] = _pool2(y)

    w3 = w3_ref[...]
    for t in range(4):
        acc = jnp.zeros((14 * 56, 256), jnp.float32)
        for dx in range(3):
            xd = s2_ref[t * 14: t * 14 + 16, dx:dx + 56, :]
            for dy in range(3):
                acc = acc + _dot(xd[dy:dy + 14].reshape(14 * 56, 128),
                                 w3[dy * 3 + dx])
        y = jnp.maximum(acc.reshape(14, 56, 256), 0.0)
        s3_ref[t * 7: (t + 1) * 7] = _pool2(y)

    pid = pl.program_id(0)
    wsel = jnp.where(pid < 2, wphi_ref[...], wth_ref[...])
    z = _dot(s3_ref[...].reshape(784, 256), wsel)
    z = z - jnp.mean(z, axis=1, keepdims=True)
    n = jnp.sqrt(jnp.sum(z * z, axis=1, keepdims=True)) + NORM_EPS
    out_ref[0] = z / n


def _masked_attn(S, cm, itr8):
    logits = jnp.where(cm, S, jnp.float32(-1e30))
    m = jnp.max(logits, axis=1, keepdims=True)
    e = jnp.exp(logits - m)
    f = e / jnp.sum(e, axis=1, keepdims=True)
    g = _dot(f, itr8)
    keep = jnp.any(cm, axis=1, keepdims=True)
    return jnp.where(keep, g, 0.0)


def _attn_kernel(fa_ref, ft_ref, mrow_ref, mcol_ref, it_ref, gh_ref, gi_ref):
    fa = fa_ref[0]
    ft = ft_ref[0]
    S = jax.lax.dot_general(fa, ft, (((1,), (1,)), ((), ())),
                            preferred_element_type=jnp.float32) * INV_TEMP

    mrow = mrow_ref[0]
    mcol = mcol_ref[0]
    ra_c = mcol[:, 0:1]
    rt_r = mrow[1:2, :]
    sai_c = mcol[:, 2:3]
    sti_r = mrow[3:4, :]

    it = it_ref[0].reshape(784, 3, 64)
    itm = jnp.mean(it, axis=2)
    itr8 = jnp.concatenate([itm, jnp.zeros((784, 5), jnp.float32)], axis=1)

    cm_h = jnp.logical_and(ra_c == rt_r, ra_c < 8)
    cm_i = jnp.logical_and(sai_c > 0, sti_r > 0)
    gh_ref[0] = _masked_attn(S, cm_h, itr8)
    gi_ref[0] = _masked_attn(S, cm_i, itr8)


def _dec_kernel(main_ref, tail_ref, w1_ref, w2_ref, out_ref, c1_ref):
    s = pl.program_id(1)
    w1 = w1_ref[...]
    c1_ref[:, 0:1, :] = jnp.zeros((30, 1, 64), jnp.float32)
    c1_ref[:, 225:226, :] = jnp.zeros((30, 1, 64), jnp.float32)

    def conv1_rows(lhs, t, rows):
        y = jnp.maximum(_dot_t(lhs, w1).reshape(rows, 224, 64), 0.0)
        tt = jax.lax.broadcasted_iota(jnp.int32, (rows, 1, 1), 0) + t + s * 28
        y = jnp.where(jnp.logical_and(tt >= 1, tt <= 224), y, 0.0)
        c1_ref[t:t + rows, 1:225, :] = y

    for t, rows in ((0, 8), (8, 8), (16, 8), (24, 4)):
        conv1_rows(main_ref[0, :, t * 224: (t + rows) * 224], t, rows)
    conv1_rows(tail_ref[0, :, 0:448], 28, 2)
    w2 = w2_ref[...]
    for t in range(4):
        acc2 = jnp.zeros((7 * 224, 8), jnp.float32)
        for dx in range(3):
            xd = c1_ref[t * 7: t * 7 + 9, dx:dx + 224, :]
            for dy in range(3):
                acc2 = acc2 + _dot(xd[dy:dy + 7].reshape(7 * 224, 64),
                                   w2[dy * 3 + dx])
        out_ref[0, t * 7: (t + 1) * 7] = acc2.reshape(7, 224, 8)


def _isin_mask(m, vals):
    acc = jnp.zeros(m.shape, jnp.bool_)
    for v in vals:
        acc = jnp.logical_or(acc, m == v)
    return acc.astype(jnp.float32)


def _dilate3(m):
    return jax.lax.reduce_window(m, -jnp.inf, jax.lax.max,
                                 (1, 1, 3, 3), (1, 1, 1, 1),
                                 [(0, 0), (0, 0), (1, 1), (1, 1)])


def kernel(I_a, I_gray, I_t, M_a, M_t, gt, Wf1, Wf2, Wf3, Wphi, Wth, Wd1, Wd2):
    B, _, H, W = I_a.shape
    h, w = H // 8, W // 8
    hw = h * w

    f32 = jnp.float32

    imgs = jnp.concatenate([I_a, I_t], axis=0)
    xpad = jnp.pad(imgs, ((0, 0), (0, 0), (1, 1), (1, 1)))
    cols0 = jnp.stack(
        [xpad[:, c, ky:ky + 224, kx:kx + 224]
         for ky in range(3) for kx in range(3) for c in range(3)],
        axis=1).reshape(4, 27, 224 * 224)
    cols0 = jnp.pad(cols0, ((0, 0), (0, 5), (0, 0)))
    w1 = jnp.pad(Wf1.transpose(2, 3, 1, 0).reshape(27, 64), ((0, 5), (0, 0)))
    w2 = Wf2.transpose(2, 3, 1, 0).reshape(9, 64, 128)
    w3 = Wf3.transpose(2, 3, 1, 0).reshape(9, 128, 256)
    wphi = Wphi[:, :, 0, 0].T
    wth = Wth[:, :, 0, 0].T

    feats = pl.pallas_call(
        _feat_kernel,
        grid=(2 * B,),
        in_specs=[
            pl.BlockSpec((1, 32, 224 * 224), lambda i: (i, 0, 0)),
            pl.BlockSpec((32, 64), lambda i: (0, 0)),
            pl.BlockSpec((9, 64, 128), lambda i: (0, 0, 0)),
            pl.BlockSpec((9, 128, 256), lambda i: (0, 0, 0)),
            pl.BlockSpec((256, 128), lambda i: (0, 0)),
            pl.BlockSpec((256, 128), lambda i: (0, 0)),
        ],
        out_specs=pl.BlockSpec((1, hw, 128), lambda i: (i, 0, 0)),
        out_shape=jax.ShapeDtypeStruct((2 * B, hw, 128), f32),
        scratch_shapes=[
            pltpu.VMEM((114, 114, 64), f32),
            pltpu.VMEM((58, 58, 128), f32),
            pltpu.VMEM((28, 28, 256), f32),
        ],
    )(cols0, w1, w2, w3, wphi, wth)
    fA = feats[:B]
    fT = feats[B:]

    M_Ah = _isin_mask(M_a, HEAD_VALS)
    M_Th = _isin_mask(M_t, HEAD_VALS)
    M_Td = _dilate3(M_Th)
    M_Ti = M_Td - M_Th
    s = jnp.clip(M_Ah + M_Th, 0.0, 1.0)
    M_Ad = _dilate3(s)
    M_Ai = M_Ad - M_Ah

    lut = [8] * 32
    for gidx, grp in enumerate(REGION_GROUPS):
        for v in grp:
            lut[v] = gidx
    lut = jnp.asarray(lut, jnp.int32)
    Ma_s = M_a[:, 0, ::8, ::8].reshape(B, hw)
    Mt_s = M_t[:, 0, ::8, ::8].reshape(B, hw)
    ra = lut[jnp.clip(Ma_s, 0, 31)]
    rt = lut[jnp.clip(Mt_s, 0, 31)]
    sai = (M_Ai[:, 0, ::8, ::8].reshape(B, hw) > 0.5).astype(jnp.int32)
    sti = (M_Ti[:, 0, ::8, ::8].reshape(B, hw) > 0.5).astype(jnp.int32)
    zeros_row = jnp.zeros((B, hw), jnp.int32)
    mrow = jnp.stack([ra, rt, sai, sti, zeros_row, zeros_row, zeros_row,
                      zeros_row], axis=1)
    mcol = mrow.transpose(0, 2, 1)

    itp = I_t.reshape(B, 3, h, 8, w, 8).transpose(0, 2, 4, 1, 3, 5)
    itp = itp.reshape(B, hw, 3 * 64)

    gh8, gi8 = pl.pallas_call(
        _attn_kernel,
        grid=(B,),
        in_specs=[
            pl.BlockSpec((1, hw, 128), lambda i: (i, 0, 0)),
            pl.BlockSpec((1, hw, 128), lambda i: (i, 0, 0)),
            pl.BlockSpec((1, 8, hw), lambda i: (i, 0, 0)),
            pl.BlockSpec((1, hw, 8), lambda i: (i, 0, 0)),
            pl.BlockSpec((1, hw, 192), lambda i: (i, 0, 0)),
        ],
        out_specs=[
            pl.BlockSpec((1, hw, 8), lambda i: (i, 0, 0)),
            pl.BlockSpec((1, hw, 8), lambda i: (i, 0, 0)),
        ],
        out_shape=[
            jax.ShapeDtypeStruct((B, hw, 8), f32),
            jax.ShapeDtypeStruct((B, hw, 8), f32),
        ],
    )(fA, fT, mrow, mcol, itp)

    gen_h_p = gh8[:, :, :3].reshape(B, h, w, 3).transpose(0, 3, 1, 2)
    gen_i_p = gi8[:, :, :3].reshape(B, h, w, 3).transpose(0, 3, 1, 2)
    gen_h_up = jnp.repeat(jnp.repeat(gen_h_p, 8, axis=2), 8, axis=3)
    gen_i_up = jnp.repeat(jnp.repeat(gen_i_p, 8, axis=2), 8, axis=3)
    dec_planar = jnp.concatenate(
        [gen_h_up, gen_i_up, M_Ah, gt * (1.0 - M_Ad), M_Ai, I_gray * M_Ah],
        axis=1)
    dinx = jnp.pad(dec_planar, ((0, 0), (0, 0), (2, 2), (1, 1)))
    colsx = jnp.stack(
        [dinx[:, c, ky:ky + 226, kx:kx + 224]
         for ky in range(3) for kx in range(3) for c in range(12)],
        axis=1).reshape(B, 108, 226 * 224)
    colsx = jnp.pad(colsx, ((0, 0), (0, 4), (0, 448)))

    wd1 = jnp.pad(Wd1.transpose(2, 3, 1, 0).reshape(108, 64), ((0, 4), (0, 0)))
    wd2 = Wd2.transpose(2, 3, 1, 0).reshape(9, 64, 3)
    wd2 = jnp.pad(wd2, ((0, 0), (0, 0), (0, 5)))

    out8 = pl.pallas_call(
        _dec_kernel,
        grid=(B, 8),
        in_specs=[
            pl.BlockSpec((1, 112, 28 * 224), lambda b, s: (b, 0, s)),
            pl.BlockSpec((1, 112, 4 * 224), lambda b, s: (b, 0, s * 7 + 7)),
            pl.BlockSpec((112, 64), lambda b, s: (0, 0)),
            pl.BlockSpec((9, 64, 8), lambda b, s: (0, 0, 0)),
        ],
        out_specs=pl.BlockSpec((1, 28, 224, 8), lambda b, s: (b, s, 0, 0)),
        out_shape=jax.ShapeDtypeStruct((B, H, W, 8), f32),
        scratch_shapes=[pltpu.VMEM((30, 226, 64), f32)],
    )(colsx, colsx, wd1, wd2)

    return out8[:, :, :, :3].transpose(0, 3, 1, 2)

# --- scband reference (transcript-rebuilt; emitter-appended) ---
"""Pipeline reference for scband-generator-50070728737214 (READ-ONLY COPY).

The authoritative reference and input builder live on the scoring server;
editing this copy changes nothing except your own understanding.
"""

import jax, jax.numpy as jnp
import numpy as np

HEAD_INDEX = [1,2,3,4,5,6,7,8,9,10,11,12,13,17,18]
REGIONS = [[1],[17,18],[4,5,6],[2,3],[7,8,9],[10],[12,13],[11]]
TEMPERATURE = 0.01
EPS = 1e-8
DILATE_K = 3

def conv2d(x, w):
    return jax.lax.conv_general_dilated(x, w, (1,1), 'SAME', dimension_numbers=('NCHW','OIHW','NCHW'))

def maxpool2(x):
    return jax.lax.reduce_window(x, -jnp.inf, jax.lax.max, (1,1,2,2), (1,1,2,2), 'VALID')

def dilate_np(m, k=DILATE_K):
    p = k // 2
    out = jax.lax.reduce_window(jnp.asarray(m, jnp.float32), -jnp.inf, jax.lax.max,
                                (1,1,k,k), (1,1,1,1), [(0,0),(0,0),(p,p),(p,p)])
    return out

def get_mask_np(m, idxs):
    return jnp.isin(m, jnp.asarray(idxs)).astype(jnp.float32)

def mask_indices(mask_full, r):
    small = mask_full[:, :, ::r, ::r]
    return small.reshape(small.shape[0], -1)

def avgpool_down(x, r):
    B, C, H, W = x.shape
    return x.reshape(B, C, H//r, r, W//r, r).mean(axis=(3,5))

def repeat_up(x, r):
    return jnp.repeat(jnp.repeat(x, r, axis=2), r, axis=3)

def feat(x, Wf1, Wf2, Wf3):
    x = maxpool2(jax.nn.relu(conv2d(x, Wf1)))
    x = maxpool2(jax.nn.relu(conv2d(x, Wf2)))
    x = maxpool2(jax.nn.relu(conv2d(x, Wf3)))
    return x

def normlize(x):
    x = x - x.mean(axis=0, keepdims=True)
    n = jnp.sqrt(jnp.sum(x * x, axis=0, keepdims=True)) + EPS
    return x / n

def compute_corre(fA, fT, ma, mt, Itr, gen):
    B, C, h, w = fA.shape
    hw = h * w
    for i in range(B):
        sel_a = ma[i] > 0.5
        sel_t = mt[i] > 0.5
        valid = jnp.logical_and(jnp.any(sel_a), jnp.any(sel_t))
        fAr = normlize(fA[i].reshape(C, hw))
        fTr = normlize(fT[i].reshape(C, hw))
        logits = (fAr.T @ fTr) / TEMPERATURE
        logits = jnp.where(sel_t[None, :], logits, -jnp.inf)
        f = jax.nn.softmax(logits, axis=-1)
        ref = Itr[i].reshape(3, hw) @ f.T
        keep = jnp.logical_and(valid, sel_a)[None, :]
        new_i = jnp.where(keep, ref, gen[i].reshape(3, hw))
        gen = gen.at[i].set(new_i.reshape(3, h, w))
    return gen

def setup_inputs(seed: int = 0):
    key = jax.random.key(seed)
    ks = jax.random.split(key, 16)
    B, H, W = 2, 224, 224
    inp = {}
    inp['I_a'] = jax.random.normal(ks[0], (B, 3, H, W), jnp.float32)
    inp['I_gray'] = jax.random.uniform(ks[1], (B, 1, H, W), jnp.float32)
    inp['I_t'] = jax.random.normal(ks[2], (B, 3, H, W), jnp.float32)
    inp['M_a'] = jax.random.randint(ks[3], (B, 1, H, W), 0, 19)
    inp['M_t'] = jax.random.randint(ks[4], (B, 1, H, W), 0, 19)
    inp['gt'] = jax.random.normal(ks[5], (B, 3, H, W), jnp.float32)
    inp['Wf1'] = jax.random.normal(ks[6], (64, 3, 3, 3), jnp.float32) * 0.05
    inp['Wf2'] = jax.random.normal(ks[7], (128, 64, 3, 3), jnp.float32) * 0.05
    inp['Wf3'] = jax.random.normal(ks[8], (256, 128, 3, 3), jnp.float32) * 0.05
    inp['Wphi'] = jax.random.normal(ks[9], (128, 256, 1, 1), jnp.float32) * 0.05
    inp['Wth'] = jax.random.normal(ks[10], (128, 256, 1, 1), jnp.float32) * 0.05
    inp['Wd1'] = jax.random.normal(ks[11], (64, 12, 3, 3), jnp.float32) * 0.05
    inp['Wd2'] = jax.random.normal(ks[12], (3, 64, 3, 3), jnp.float32) * 0.05
    return inp

def reference(I_a, I_gray, I_t, M_a, M_t, gt, Wf1, Wf2, Wf3, Wphi, Wth, Wd1, Wd2):
    B, _, H, W = I_a.shape
    fA = conv2d(feat(I_a, Wf1, Wf2, Wf3), Wphi)
    fT = conv2d(feat(I_t, Wf1, Wf2, Wf3), Wth)
    h, w = fA.shape[2], fA.shape[3]
    r = H // h
    M_Ah = get_mask_np(M_a, HEAD_INDEX)
    M_Th = get_mask_np(M_t, HEAD_INDEX)
    M_Th_c = jnp.clip(M_Th, 0, 1)
    M_Td = dilate_np(M_Th_c)
    M_Ti = M_Td - M_Th_c
    s = jnp.clip(M_Ah + M_Th, 0, 1)
    M_Ad = dilate_np(s)
    M_Ai = M_Ad - M_Ah
    I_t_resize = avgpool_down(I_t, r)
    gen_h = jnp.zeros((B, 3, h, w), jnp.float32)
    gen_i = jnp.zeros((B, 3, h, w), jnp.float32)
    for grp in REGIONS:
        ia = mask_indices(get_mask_np(M_a, grp), r)
        it = mask_indices(get_mask_np(M_t, grp), r)
        gen_h = compute_corre(fA, fT, ia, it, I_t_resize, gen_h)
    ia = mask_indices(M_Ai, r)
    it = mask_indices(M_Ti, r)
    gen_i = compute_corre(fA, fT, ia, it, I_t_resize, gen_i)
    gen_h = repeat_up(gen_h, r)
    gen_i = repeat_up(gen_i, r)
    M_Ah_j = jnp.asarray(M_Ah)
    M_Ai_j = jnp.asarray(M_Ai)
    M_Ad_j = jnp.asarray(M_Ad)
    I_tb = gt * (1.0 - M_Ad_j)
    I_ag = I_gray * M_Ah_j
    inp = jnp.concatenate([gen_h, gen_i, M_Ah_j, I_tb, M_Ai_j, I_ag], axis=1)
    oup = conv2d(jax.nn.relu(conv2d(inp, Wd1)), Wd2)
    return oup

if __name__ == "__main__":
    import jax
    _d = setup_inputs()
    print(jax.jit(kernel)(*tuple(_d.values())))

</pallas_src>

<mosaic_0001>
module attributes {stable_mosaic.version = 14 : i64} {
  func.func @_feat_kernel(%arg0: i32, %arg1: memref<1x32x50176xf32, #tpu.memory_space<vmem>>, %arg2: memref<32x64xf32, #tpu.memory_space<vmem>>, %arg3: memref<9x64x128xf32, #tpu.memory_space<vmem>>, %arg4: memref<9x128x256xf32, #tpu.memory_space<vmem>>, %arg5: memref<256x128xf32, #tpu.memory_space<vmem>>, %arg6: memref<256x128xf32, #tpu.memory_space<vmem>>, %arg7: memref<1x784x128xf32, #tpu.memory_space<vmem>>, %arg8: memref<114x114x64xf32, #tpu.memory_space<vmem>>, %arg9: memref<58x58x128xf32, #tpu.memory_space<vmem>>, %arg10: memref<28x28x256xf32, #tpu.memory_space<vmem>>) attributes {dimension_semantics = [#tpu.dimension_semantics<arbitrary>], iteration_bounds = array<i64: 4>, scalar_prefetch = 0 : i64, scratch_operands = 3 : i64, tpu.core_type = #tpu.core_type<tc>, window_params = [{transform_indices = @transform_0, window_bounds = array<i64: 1, 32, 50176>}, {pipeline_mode = #tpu.pipeline_mode<synchronous>, transform_indices = @transform_1, window_bounds = array<i64: 32, 64>}, {pipeline_mode = #tpu.pipeline_mode<synchronous>, transform_indices = @transform_2, window_bounds = array<i64: 9, 64, 128>}, {pipeline_mode = #tpu.pipeline_mode<synchronous>, transform_indices = @transform_3, window_bounds = array<i64: 9, 128, 256>}, {pipeline_mode = #tpu.pipeline_mode<synchronous>, transform_indices = @transform_4, window_bounds = array<i64: 256, 128>}, {pipeline_mode = #tpu.pipeline_mode<synchronous>, transform_indices = @transform_5, window_bounds = array<i64: 256, 128>}, {transform_indices = @transform_6, window_bounds = array<i64: 1, 784, 128>}]} {
    %broadcast_in_dim3A = arith.constant 0.000000e+00 : f32
    %broadcast_in_dim3A_0 = vector.broadcast %broadcast_in_dim3A : f32 to vector<114x114x64xf32>
    %swap3A = arith.constant 0 : index
    %swap3A_1 = arith.constant 0 : index
    %swap3A_2 = arith.constant 0 : index
    %swap3A_3 = vector.load %arg8[%swap3A, %swap3A_1, %swap3A_2] : memref<114x114x64xf32, #tpu.memory_space<vmem>>, vector<114x114x64xf32>
    tpu.vector_store %arg8[%swap3A, %swap3A_1, %swap3A_2], %broadcast_in_dim3A_0 {strides = array<i32>} : memref<114x114x64xf32, #tpu.memory_space<vmem>>, vector<114x114x64xf32>,
    %broadcast_in_dim3A_4 = arith.constant 0.000000e+00 : f32
    %broadcast_in_dim3A_5 = vector.broadcast %broadcast_in_dim3A_4 : f32 to vector<58x58x128xf32>
    %swap3A_6 = arith.constant 0 : index
    %swap3A_7 = arith.constant 0 : index
    %swap3A_8 = arith.constant 0 : index
    %swap3A_9 = vector.load %arg9[%swap3A_6, %swap3A_7, %swap3A_8] : memref<58x58x128xf32, #tpu.memory_space<vmem>>, vector<58x58x128xf32>
    tpu.vector_store %arg9[%swap3A_6, %swap3A_7, %swap3A_8], %broadcast_in_dim3A_5 {strides = array<i32>} : memref<58x58x128xf32, #tpu.memory_space<vmem>>, vector<58x58x128xf32>,
    %get3A = arith.constant 0 : index
    %get3A_10 = arith.constant 0 : index
    %get3A_11 = vector.load %arg2[%get3A, %get3A_10] : memref<32x64xf32, #tpu.memory_space<vmem>>, vector<32x64xf32>
    %get3A_12 = arith.constant 0 : index
    %get3A_13 = arith.constant 0 : index
    %get3A_14 = arith.constant 0 : index
    %get3A_15 = vector.load %arg1[%get3A_12, %get3A_13, %get3A_14] : memref<1x32x50176xf32, #tpu.memory_space<vmem>>, vector<1x32x1792xf32>
    %get3A_16 = vector.shape_cast %get3A_15 : vector<1x32x1792xf32> to vector<32x1792xf32>
    %dot_general3A = arith.constant dense<0.000000e+00> : vector<1792x64xf32>
    %dot_general3A_17 = tpu.matmul %get3A_16, %get3A_11, %dot_general3A {dimension_numbers = #tpu.dot_dimension_numbers<[0], [0], [1], [1], [0, 1, 1, 1], [], []>, transpose_lhs_hint = false} : vector<32x1792xf32>, vector<32x64xf32>, vector<1792x64xf32> -> vector<1792x64xf32>
    %reshape3A = vector.shape_cast %dot_general3A_17 : vector<1792x64xf32> to vector<8x224x64xf32>
    %max3A = arith.constant 0.000000e+00 : f32
    %max3A_18 = vector.broadcast %max3A : f32 to vector<8x224x64xf32>
    %max3A_19 = arith.maximumf %reshape3A, %max3A_18 : vector<8x224x64xf32>
    %reshape3A_20 = vector.shape_cast %max3A_19 : vector<8x224x64xf32> to vector<8x112x2x64xf32>
    %slice3A = vector.extract_strided_slice %reshape3A_20 {offsets = [0, 0, 0, 0], sizes = [8, 112, 1, 64], strides = [1, 1, 1, 1]} : vector<8x112x2x64xf32> to vector<8x112x1x64xf32>
    %squeeze3A = vector.shape_cast %slice3A : vector<8x112x1x64xf32> to vector<8x112x64xf32>
    %slice3A_21 = vector.extract_strided_slice %reshape3A_20 {offsets = [0, 0, 1, 0], sizes = [8, 112, 1, 64], strides = [1, 1, 1, 1]} : vector<8x112x2x64xf32> to vector<8x112x1x64xf32>
    %squeeze3A_22 = vector.shape_cast %slice3A_21 : vector<8x112x1x64xf32> to vector<8x112x64xf32>
    %max3A_23 = arith.maximumf %squeeze3A, %squeeze3A_22 : vector<8x112x64xf32>
    %reshape3A_24 = vector.shape_cast %max3A_23 : vector<8x112x64xf32> to vector<4x224x64xf32>
    %slice3A_25 = vector.extract_strided_slice %reshape3A_24 {offsets = [0, 0, 0], sizes = [4, 112, 64], strides = [1, 1, 1]} : vector<4x224x64xf32> to vector<4x112x64xf32>
    %slice3A_26 = vector.extract_strided_slice %reshape3A_24 {offsets = [0, 112, 0], sizes = [4, 112, 64], strides = [1, 1, 1]} : vector<4x224x64xf32> to vector<4x112x64xf32>
    %max3A_27 = arith.maximumf %slice3A_25, %slice3A_26 : vector<4x112x64xf32>
    %swap3A_28 = arith.constant 1 : index
    %swap3A_29 = arith.constant 1 : index
    %swap3A_30 = arith.constant 0 : index
    %swap3A_31 = vector.load %arg8[%swap3A_28, %swap3A_29, %swap3A_30] : memref<114x114x64xf32, #tpu.memory_space<vmem>>, vector<4x112x64xf32>
    tpu.vector_store %arg8[%swap3A_28, %swap3A_29, %swap3A_30], %max3A_27 {strides = array<i32>} : memref<114x114x64xf32, #tpu.memory_space<vmem>>, vector<4x112x64xf32>,
    %get3A_32 = arith.constant 0 : index
    %get3A_33 = arith.constant 0 : index
    %get3A_34 = arith.constant 1792 : index
    %get3A_35 = vector.load %arg1[%get3A_32, %get3A_33, %get3A_34] : memref<1x32x50176xf32, #tpu.memory_space<vmem>>, vector<1x32x1792xf32>
    %get3A_36 = vector.shape_cast %get3A_35 : vector<1x32x1792xf32> to vector<32x1792xf32>
    %dot_general3A_37 = arith.constant dense<0.000000e+00> : vector<1792x64xf32>
    %dot_general3A_38 = tpu.matmul %get3A_36, %get3A_11, %dot_general3A_37 {dimension_numbers = #tpu.dot_dimension_numbers<[0], [0], [1], [1], [0, 1, 1, 1], [], []>, transpose_lhs_hint = false} : vector<32x1792xf32>, vector<32x64xf32>, vector<1792x64xf32> -> vector<1792x64xf32>
    %reshape3A_39 = vector.shape_cast %dot_general3A_38 : vector<1792x64xf32> to vector<8x224x64xf32>
    %max3A_40 = arith.constant 0.000000e+00 : f32
    %max3A_41 = vector.broadcast %max3A_40 : f32 to vector<8x224x64xf32>
    %max3A_42 = arith.maximumf %reshape3A_39, %max3A_41 : vector<8x224x64xf32>
    %reshape3A_43 = vector.shape_cast %max3A_42 : vector<8x224x64xf32> to vector<8x112x2x64xf32>
    %slice3A_44 = vector.extract_strided_slice %reshape3A_43 {offsets = [0, 0, 0, 0], sizes = [8, 112, 1, 64], strides = [1, 1, 1, 1]} : vector<8x112x2x64xf32> to vector<8x112x1x64xf32>
    %squeeze3A_45 = vector.shape_cast %slice3A_44 : vector<8x112x1x64xf32> to vector<8x112x64xf32>
    %slice3A_46 = vector.extract_strided_slice %reshape3A_43 {offsets = [0, 0, 1, 0], sizes = [8, 112, 1, 64], strides = [1, 1, 1, 1]} : vector<8x112x2x64xf32> to vector<8x112x1x64xf32>
    %squeeze3A_47 = vector.shape_cast %slice3A_46 : vector<8x112x1x64xf32> to vector<8x112x64xf32>
    %max3A_48 = arith.maximumf %squeeze3A_45, %squeeze3A_47 : vector<8x112x64xf32>
    %reshape3A_49 = vector.shape_cast %max3A_48 : vector<8x112x64xf32> to vector<4x224x64xf32>
    %slice3A_50 = vector.extract_strided_slice %reshape3A_49 {offsets = [0, 0, 0], sizes = [4, 112, 64], strides = [1, 1, 1]} : vector<4x224x64xf32> to vector<4x112x64xf32>
    %slice3A_51 = vector.extract_strided_slice %reshape3A_49 {offsets = [0, 112, 0], sizes = [4, 112, 64], strides = [1, 1, 1]} : vector<4x224x64xf32> to vector<4x112x64xf32>
    %max3A_52 = arith.maximumf %slice3A_50, %slice3A_51 : vector<4x112x64xf32>
    %swap3A_53 = arith.constant 5 : index
    %swap3A_54 = arith.constant 1 : index
    %swap3A_55 = arith.constant 0 : index
    %swap3A_56 = vector.load %arg8[%swap3A_53, %swap3A_54, %swap3A_55] : memref<114x114x64xf32, #tpu.memory_space<vmem>>, vector<4x112x64xf32>
    tpu.vector_store %arg8[%swap3A_53, %swap3A_54, %swap3A_55], %max3A_52 {strides = array<i32>} : memref<114x114x64xf32, #tpu.memory_space<vmem>>, vector<4x112x64xf32>,
    %get3A_57 = arith.constant 0 : index
    %get3A_58 = arith.constant 0 : index
    %get3A_59 = arith.constant 3584 : index
    %get3A_60 = vector.load %arg1[%get3A_57, %get3A_58, %get3A_59] : memref<1x32x50176xf32, #tpu.memory_space<vmem>>, vector<1x32x1792xf32>
    %get3A_61 = vector.shape_cast %get3A_60 : vector<1x32x1792xf32> to vector<32x1792xf32>
    %dot_general3A_62 = arith.constant dense<0.000000e+00> : vector<1792x64xf32>
    %dot_general3A_63 = tpu.matmul %get3A_61, %get3A_11, %dot_general3A_62 {dimension_numbers = #tpu.dot_dimension_numbers<[0], [0], [1], [1], [0, 1, 1, 1], [], []>, transpose_lhs_hint = false} : vector<32x1792xf32>, vector<32x64xf32>, vector<1792x64xf32> -> vector<1792x64xf32>
    %reshape3A_64 = vector.shape_cast %dot_general3A_63 : vector<1792x64xf32> to vector<8x224x64xf32>
    %max3A_65 = arith.constant 0.000000e+00 : f32
    %max3A_66 = vector.broadcast %max3A_65 : f32 to vector<8x224x64xf32>
    %max3A_67 = arith.maximumf %reshape3A_64, %max3A_66 : vector<8x224x64xf32>
    %reshape3A_68 = vector.shape_cast %max3A_67 : vector<8x224x64xf32> to vector<8x112x2x64xf32>
    %slice3A_69 = vector.extract_strided_slice %reshape3A_68 {offsets = [0, 0, 0, 0], sizes = [8, 112, 1, 64], strides = [1, 1, 1, 1]} : vector<8x112x2x64xf32> to vector<8x112x1x64xf32>
    %squeeze3A_70 = vector.shape_cast %slice3A_69 : vector<8x112x1x64xf32> to vector<8x112x64xf32>
    %slice3A_71 = vector.extract_strided_slice %reshape3A_68 {offsets = [0, 0, 1, 0], sizes = [8, 112, 1, 64], strides = [1, 1, 1, 1]} : vector<8x112x2x64xf32> to vector<8x112x1x64xf32>
    %squeeze3A_72 = vector.shape_cast %slice3A_71 : vector<8x112x1x64xf32> to vector<8x112x64xf32>
    %max3A_73 = arith.maximumf %squeeze3A_70, %squeeze3A_72 : vector<8x112x64xf32>
    %reshape3A_74 = vector.shape_cast %max3A_73 : vector<8x112x64xf32> to vector<4x224x64xf32>
    %slice3A_75 = vector.extract_strided_slice %reshape3A_74 {offsets = [0, 0, 0], sizes = [4, 112, 64], strides = [1, 1, 1]} : vector<4x224x64xf32> to vector<4x112x64xf32>
    %slice3A_76 = vector.extract_strided_slice %reshape3A_74 {offsets = [0, 112, 0], sizes = [4, 112, 64], strides = [1, 1, 1]} : vector<4x224x64xf32> to vector<4x112x64xf32>
    %max3A_77 = arith.maximumf %slice3A_75, %slice3A_76 : vector<4x112x64xf32>
    %swap3A_78 = arith.constant 9 : index
    %swap3A_79 = arith.constant 1 : index
    %swap3A_80 = arith.constant 0 : index
    %swap3A_81 = vector.load %arg8[%swap3A_78, %swap3A_79, %swap3A_80] : memref<114x114x64xf32, #tpu.memory_space<vmem>>, vector<4x112x64xf32>
    tpu.vector_store %arg8[%swap3A_78, %swap3A_79, %swap3A_80], %max3A_77 {strides = array<i32>} : memref<114x114x64xf32, #tpu.memory_space<vmem>>, vector<4x112x64xf32>,
    %get3A_82 = arith.constant 0 : index
    %get3A_83 = arith.constant 0 : index
    %get3A_84 = arith.constant 5376 : index
    %get3A_85 = vector.load %arg1[%get3A_82, %get3A_83, %get3A_84] : memref<1x32x50176xf32, #tpu.memory_space<vmem>>, vector<1x32x1792xf32>
    %get3A_86 = vector.shape_cast %get3A_85 : vector<1x32x1792xf32> to vector<32x1792xf32>
    %dot_general3A_87 = arith.constant dense<0.000000e+00> : vector<1792x64xf32>
    %dot_general3A_88 = tpu.matmul %get3A_86, %get3A_11, %dot_general3A_87 {dimension_numbers = #tpu.dot_dimension_numbers<[0], [0], [1], [1], [0, 1, 1, 1], [], []>, transpose_lhs_hint = false} : vector<32x1792xf32>, vector<32x64xf32>, vector<1792x64xf32> -> vector<1792x64xf32>
    %reshape3A_89 = vector.shape_cast %dot_general3A_88 : vector<1792x64xf32> to vector<8x224x64xf32>
    %max3A_90 = arith.constant 0.000000e+00 : f32
    %max3A_91 = vector.broadcast %max3A_90 : f32 to vector<8x224x64xf32>
    %max3A_92 = arith.maximumf %reshape3A_89, %max3A_91 : vector<8x224x64xf32>
    %reshape3A_93 = vector.shape_cast %max3A_92 : vector<8x224x64xf32> to vector<8x112x2x64xf32>
    %slice3A_94 = vector.extract_strided_slice %reshape3A_93 {offsets = [0, 0, 0, 0], sizes = [8, 112, 1, 64], strides = [1, 1, 1, 1]} : vector<8x112x2x64xf32> to vector<8x112x1x64xf32>
    %squeeze3A_95 = vector.shape_cast %slice3A_94 : vector<8x112x1x64xf32> to vector<8x112x64xf32>
    %slice3A_96 = vector.extract_strided_slice %reshape3A_93 {offsets = [0, 0, 1, 0], sizes = [8, 112, 1, 64], strides = [1, 1, 1, 1]} : vector<8x112x2x64xf32> to vector<8x112x1x64xf32>
    %squeeze3A_97 = vector.shape_cast %slice3A_96 : vector<8x112x1x64xf32> to vector<8x112x64xf32>
    %max3A_98 = arith.maximumf %squeeze3A_95, %squeeze3A_97 : vector<8x112x64xf32>
    %reshape3A_99 = vector.shape_cast %max3A_98 : vector<8x112x64xf32> to vector<4x224x64xf32>
    %slice3A_100 = vector.extract_strided_slice %reshape3A_99 {offsets = [0, 0, 0], sizes = [4, 112, 64], strides = [1, 1, 1]} : vector<4x224x64xf32> to vector<4x112x64xf32>
    %slice3A_101 = vector.extract_strided_slice %reshape3A_99 {offsets = [0, 112, 0], sizes = [4, 112, 64], strides = [1, 1, 1]} : vector<4x224x64xf32> to vector<4x112x64xf32>
    %max3A_102 = arith.maximumf %slice3A_100, %slice3A_101 : vector<4x112x64xf32>
    %swap3A_103 = arith.constant 13 : index
    %swap3A_104 = arith.constant 1 : index
    %swap3A_105 = arith.constant 0 : index
    %swap3A_106 = vector.load %arg8[%swap3A_103, %swap3A_104, %swap3A_105] : memref<114x114x64xf32, #tpu.memory_space<vmem>>, vector<4x112x64xf32>
    tpu.vector_store %arg8[%swap3A_103, %swap3A_104, %swap3A_105], %max3A_102 {strides = array<i32>} : memref<114x114x64xf32, #tpu.memory_space<vmem>>, vector<4x112x64xf32>,
    %get3A_107 = arith.constant 0 : index
    %get3A_108 = arith.constant 0 : index
    %get3A_109 = arith.constant 7168 : index
    %get3A_110 = vector.load %arg1[%get3A_107, %get3A_108, %get3A_109] : memref<1x32x50176xf32, #tpu.memory_space<vmem>>, vector<1x32x1792xf32>
    %get3A_111 = vector.shape_cast %get3A_110 : vector<1x32x1792xf32> to vector<32x1792xf32>
    %dot_general3A_112 = arith.constant dense<0.000000e+00> : vector<1792x64xf32>
    %dot_general3A_113 = tpu.matmul %get3A_111, %get3A_11, %dot_general3A_112 {dimension_numbers = #tpu.dot_dimension_numbers<[0], [0], [1], [1], [0, 1, 1, 1], [], []>, transpose_lhs_hint = false} : vector<32x1792xf32>, vector<32x64xf32>, vector<1792x64xf32> -> vector<1792x64xf32>
    %reshape3A_114 = vector.shape_cast %dot_general3A_113 : vector<1792x64xf32> to vector<8x224x64xf32>
    %max3A_115 = arith.constant 0.000000e+00 : f32
    %max3A_116 = vector.broadcast %max3A_115 : f32 to vector<8x224x64xf32>
    %max3A_117 = arith.maximumf %reshape3A_114, %max3A_116 : vector<8x224x64xf32>
    %reshape3A_118 = vector.shape_cast %max3A_117 : vector<8x224x64xf32> to vector<8x112x2x64xf32>
    %slice3A_119 = vector.extract_strided_slice %reshape3A_118 {offsets = [0, 0, 0, 0], sizes = [8, 112, 1, 64], strides = [1, 1, 1, 1]} : vector<8x112x2x64xf32> to vector<8x112x1x64xf32>
    %squeeze3A_120 = vector.shape_cast %slice3A_119 : vector<8x112x1x64xf32> to vector<8x112x64xf32>
    %slice3A_121 = vector.extract_strided_slice %reshape3A_118 {offsets = [0, 0, 1, 0], sizes = [8, 112, 1, 64], strides = [1, 1, 1, 1]} : vector<8x112x2x64xf32> to vector<8x112x1x64xf32>
    %squeeze3A_122 = vector.shape_cast %slice3A_121 : vector<8x112x1x64xf32> to vector<8x112x64xf32>
    %max3A_123 = arith.maximumf %squeeze3A_120, %squeeze3A_122 : vector<8x112x64xf32>
    %reshape3A_124 = vector.shape_cast %max3A_123 : vector<8x112x64xf32> to vector<4x224x64xf32>
    %slice3A_125 = vector.extract_strided_slice %reshape3A_124 {offsets = [0, 0, 0], sizes = [4, 112, 64], strides = [1, 1, 1]} : vector<4x224x64xf32> to vector<4x112x64xf32>
    %slice3A_126 = vector.extract_strided_slice %reshape3A_124 {offsets = [0, 112, 0], sizes = [4, 112, 64], strides = [1, 1, 1]} : vector<4x224x64xf32> to vector<4x112x64xf32>
    %max3A_127 = arith.maximumf %slice3A_125, %slice3A_126 : vector<4x112x64xf32>
    %swap3A_128 = arith.constant 17 : index
    %swap3A_129 = arith.constant 1 : index
    %swap3A_130 = arith.constant 0 : index
    %swap3A_131 = vector.load %arg8[%swap3A_128, %swap3A_129, %swap3A_130] : memref<114x114x64xf32, #tpu.memory_space<vmem>>, vector<4x112x64xf32>
    tpu.vector_store %arg8[%swap3A_128, %swap3A_129, %swap3A_130], %max3A_127 {strides = array<i32>} : memref<114x114x64xf32, #tpu.memory_space<vmem>>, vector<4x112x64xf32>,
    %get3A_132 = arith.constant 0 : index
    %get3A_133 = arith.constant 0 : index
    %get3A_134 = arith.constant 8960 : index
    %get3A_135 = vector.load %arg1[%get3A_132, %get3A_133, %get3A_134] : memref<1x32x50176xf32, #tpu.memory_space<vmem>>, vector<1x32x1792xf32>
    %get3A_136 = vector.shape_cast %get3A_135 : vector<1x32x1792xf32> to vector<32x1792xf32>
    %dot_general3A_137 = arith.constant dense<0.000000e+00> : vector<1792x64xf32>
    %dot_general3A_138 = tpu.matmul %get3A_136, %get3A_11, %dot_general3A_137 {dimension_numbers = #tpu.dot_dimension_numbers<[0], [0], [1], [1], [0, 1, 1, 1], [], []>, transpose_lhs_hint = false} : vector<32x1792xf32>, vector<32x64xf32>, vector<1792x64xf32> -> vector<1792x64xf32>
    %reshape3A_139 = vector.shape_cast %dot_general3A_138 : vector<1792x64xf32> to vector<8x224x64xf32>
    %max3A_140 = arith.constant 0.000000e+00 : f32
    %max3A_141 = vector.broadcast %max3A_140 : f32 to vector<8x224x64xf32>
    %max3A_142 = arith.maximumf %reshape3A_139, %max3A_141 : vector<8x224x64xf32>
    %reshape3A_143 = vector.shape_cast %max3A_142 : vector<8x224x64xf32> to vector<8x112x2x64xf32>
    %slice3A_144 = vector.extract_strided_slice %reshape3A_143 {offsets = [0, 0, 0, 0], sizes = [8, 112, 1, 64], strides = [1, 1, 1, 1]} : vector<8x112x2x64xf32> to vector<8x112x1x64xf32>
    %squeeze3A_145 = vector.shape_cast %slice3A_144 : vector<8x112x1x64xf32> to vector<8x112x64xf32>
    %slice3A_146 = vector.extract_strided_slice %reshape3A_143 {offsets = [0, 0, 1, 0], sizes = [8, 112, 1, 64], strides = [1, 1, 1, 1]} : vector<8x112x2x64xf32> to vector<8x112x1x64xf32>
    %squeeze3A_147 = vector.shape_cast %slice3A_146 : vector<8x112x1x64xf32> to vector<8x112x64xf32>
    %max3A_148 = arith.maximumf %squeeze3A_145, %squeeze3A_147 : vector<8x112x64xf32>
    %reshape3A_149 = vector.shape_cast %max3A_148 : vector<8x112x64xf32> to vector<4x224x64xf32>
    %slice3A_150 = vector.extract_strided_slice %reshape3A_149 {offsets = [0, 0, 0], sizes = [4, 112, 64], strides = [1, 1, 1]} : vector<4x224x64xf32> to vector<4x112x64xf32>
    %slice3A_151 = vector.extract_strided_slice %reshape3A_149 {offsets = [0, 112, 0], sizes = [4, 112, 64], strides = [1, 1, 1]} : vector<4x224x64xf32> to vector<4x112x64xf32>
    %max3A_152 = arith.maximumf %slice3A_150, %slice3A_151 : vector<4x112x64xf32>
    %swap3A_153 = arith.constant 21 : index
    %swap3A_154 = arith.constant 1 : index
    %swap3A_155 = arith.constant 0 : index
    %swap3A_156 = vector.load %arg8[%swap3A_153, %swap3A_154, %swap3A_155] : memref<114x114x64xf32, #tpu.memory_space<vmem>>, vector<4x112x64xf32>
    tpu.vector_store %arg8[%swap3A_153, %swap3A_154, %swap3A_155], %max3A_152 {strides = array<i32>} : memref<114x114x64xf32, #tpu.memory_space<vmem>>, vector<4x112x64xf32>,
    %get3A_157 = arith.constant 0 : index
    %get3A_158 = arith.constant 0 : index
    %get3A_159 = arith.constant 10752 : index
    %get3A_160 = vector.load %arg1[%get3A_157, %get3A_158, %get3A_159] : memref<1x32x50176xf32, #tpu.memory_space<vmem>>, vector<1x32x1792xf32>
    %get3A_161 = vector.shape_cast %get3A_160 : vector<1x32x1792xf32> to vector<32x1792xf32>
    %dot_general3A_162 = arith.constant dense<0.000000e+00> : vector<1792x64xf32>
    %dot_general3A_163 = tpu.matmul %get3A_161, %get3A_11, %dot_general3A_162 {dimension_numbers = #tpu.dot_dimension_numbers<[0], [0], [1], [1], [0, 1, 1, 1], [], []>, transpose_lhs_hint = false} : vector<32x1792xf32>, vector<32x64xf32>, vector<1792x64xf32> -> vector<1792x64xf32>
    %reshape3A_164 = vector.shape_cast %dot_general3A_163 : vector<1792x64xf32> to vector<8x224x64xf32>
    %max3A_165 = arith.constant 0.000000e+00 : f32
    %max3A_166 = vector.broadcast %max3A_165 : f32 to vector<8x224x64xf32>
    %max3A_167 = arith.maximumf %reshape3A_164, %max3A_166 : vector<8x224x64xf32>
    %reshape3A_168 = vector.shape_cast %max3A_167 : vector<8x224x64xf32> to vector<8x112x2x64xf32>
    %slice3A_169 = vector.extract_strided_slice %reshape3A_168 {offsets = [0, 0, 0, 0], sizes = [8, 112, 1, 64], strides = [1, 1, 1, 1]} : vector<8x112x2x64xf32> to vector<8x112x1x64xf32>
    %squeeze3A_170 = vector.shape_cast %slice3A_169 : vector<8x112x1x64xf32> to vector<8x112x64xf32>
    %slice3A_171 = vector.extract_strided_slice %reshape3A_168 {offsets = [0, 0, 1, 0], sizes = [8, 112, 1, 64], strides = [1, 1, 1, 1]} : vector<8x112x2x64xf32> to vector<8x112x1x64xf32>
    %squeeze3A_172 = vector.shape_cast %slice3A_171 : vector<8x112x1x64xf32> to vector<8x112x64xf32>
    %max3A_173 = arith.maximumf %squeeze3A_170, %squeeze3A_172 : vector<8x112x64xf32>
    %reshape3A_174 = vector.shape_cast %max3A_173 : vector<8x112x64xf32> to vector<4x224x64xf32>
    %slice3A_175 = vector.extract_strided_slice %reshape3A_174 {offsets = [0, 0, 0], sizes = [4, 112, 64], strides = [1, 1, 1]} : vector<4x224x64xf32> to vector<4x112x64xf32>
    %slice3A_176 = vector.extract_strided_slice %reshape3A_174 {offsets = [0, 112, 0], sizes = [4, 112, 64], strides = [1, 1, 1]} : vector<4x224x64xf32> to vector<4x112x64xf32>
    %max3A_177 = arith.maximumf %slice3A_175, %slice3A_176 : vector<4x112x64xf32>
    %swap3A_178 = arith.constant 25 : index
    %swap3A_179 = arith.constant 1 : index
    %swap3A_180 = arith.constant 0 : index
    %swap3A_181 = vector.load %arg8[%swap3A_178, %swap3A_179, %swap3A_180] : memref<114x114x64xf32, #tpu.memory_space<vmem>>, vector<4x112x64xf32>
    tpu.vector_store %arg8[%swap3A_178, %swap3A_179, %swap3A_180], %max3A_177 {strides = array<i32>} : memref<114x114x64xf32, #tpu.memory_space<vmem>>, vector<4x112x64xf32>,
    %get3A_182 = arith.constant 0 : index
    %get3A_183 = arith.constant 0 : index
    %get3A_184 = arith.constant 12544 : index
    %get3A_185 = vector.load %arg1[%get3A_182, %get3A_183, %get3A_184] : memref<1x32x50176xf32, #tpu.memory_space<vmem>>, vector<1x32x1792xf32>
    %get3A_186 = vector.shape_cast %get3A_185 : vector<1x32x1792xf32> to vector<32x1792xf32>
    %dot_general3A_187 = arith.constant dense<0.000000e+00> : vector<1792x64xf32>
    %dot_general3A_188 = tpu.matmul %get3A_186, %get3A_11, %dot_general3A_187 {dimension_numbers = #tpu.dot_dimension_numbers<[0], [0], [1], [1], [0, 1, 1, 1], [], []>, transpose_lhs_hint = false} : vector<32x1792xf32>, vector<32x64xf32>, vector<1792x64xf32> -> vector<1792x64xf32>
    %reshape3A_189 = vector.shape_cast %dot_general3A_188 : vector<1792x64xf32> to vector<8x224x64xf32>
    %max3A_190 = arith.constant 0.000000e+00 : f32
    %max3A_191 = vector.broadcast %max3A_190 : f32 to vector<8x224x64xf32>
    %max3A_192 = arith.maximumf %reshape3A_189, %max3A_191 : vector<8x224x64xf32>
    %reshape3A_193 = vector.shape_cast %max3A_192 : vector<8x224x64xf32> to vector<8x112x2x64xf32>
    %slice3A_194 = vector.extract_strided_slice %reshape3A_193 {offsets = [0, 0, 0, 0], sizes = [8, 112, 1, 64], strides = [1, 1, 1, 1]} : vector<8x112x2x64xf32> to vector<8x112x1x64xf32>
    %squeeze3A_195 = vector.shape_cast %slice3A_194 : vector<8x112x1x64xf32> to vector<8x112x64xf32>
    %slice3A_196 = vector.extract_strided_slice %reshape3A_193 {offsets = [0, 0, 1, 0], sizes = [8, 112, 1, 64], strides = [1, 1, 1, 1]} : vector<8x112x2x64xf32> to vector<8x112x1x64xf32>
    %squeeze3A_197 = vector.shape_cast %slice3A_196 : vector<8x112x1x64xf32> to vector<8x112x64xf32>
    %max3A_198 = arith.maximumf %squeeze3A_195, %squeeze3A_197 : vector<8x112x64xf32>
    %reshape3A_199 = vector.shape_cast %max3A_198 : vector<8x112x64xf32> to vector<4x224x64xf32>
    %slice3A_200 = vector.extract_strided_slice %reshape3A_199 {offsets = [0, 0, 0], sizes = [4, 112, 64], strides = [1, 1, 1]} : vector<4x224x64xf32> to vector<4x112x64xf32>
    %slice3A_201 = vector.extract_strided_slice %reshape3A_199 {offsets = [0, 112, 0], sizes = [4, 112, 64], strides = [1, 1, 1]} : vector<4x224x64xf32> to vector<4x112x64xf32>
    %max3A_202 = arith.maximumf %slice3A_200, %slice3A_201 : vector<4x112x64xf32>
    %swap3A_203 = arith.constant 29 : index
    %swap3A_204 = arith.constant 1 : index
    %swap3A_205 = arith.constant 0 : index
    %swap3A_206 = vector.load %arg8[%swap3A_203, %swap3A_204, %swap3A_205] : memref<114x114x64xf32, #tpu.memory_space<vmem>>, vector<4x112x64xf32>
    tpu.vector_store %arg8[%swap3A_203, %swap3A_204, %swap3A_205], %max3A_202 {strides = array<i32>} : memref<114x114x64xf32, #tpu.memory_space<vmem>>, vector<4x112x64xf32>,
    %get3A_207 = arith.constant 0 : index
    %get3A_208 = arith.constant 0 : index
    %get3A_209 = arith.constant 14336 : index
    %get3A_210 = vector.load %arg1[%get3A_207, %get3A_208, %get3A_209] : memref<1x32x50176xf32, #tpu.memory_space<vmem>>, vector<1x32x1792xf32>
    %get3A_211 = vector.shape_cast %get3A_210 : vector<1x32x1792xf32> to vector<32x1792xf32>
    %dot_general3A_212 = arith.constant dense<0.000000e+00> : vector<1792x64xf32>
    %dot_general3A_213 = tpu.matmul %get3A_211, %get3A_11, %dot_general3A_212 {dimension_numbers = #tpu.dot_dimension_numbers<[0], [0], [1], [1], [0, 1, 1, 1], [], []>, transpose_lhs_hint = false} : vector<32x1792xf32>, vector<32x64xf32>, vector<1792x64xf32> -> vector<1792x64xf32>
    %reshape3A_214 = vector.shape_cast %dot_general3A_213 : vector<1792x64xf32> to vector<8x224x64xf32>
    %max3A_215 = arith.constant 0.000000e+00 : f32
    %max3A_216 = vector.broadcast %max3A_215 : f32 to vector<8x224x64xf32>
    %max3A_217 = arith.maximumf %reshape3A_214, %max3A_216 : vector<8x224x64xf32>
    %reshape3A_218 = vector.shape_cast %max3A_217 : vector<8x224x64xf32> to vector<8x112x2x64xf32>
    %slice3A_219 = vector.extract_strided_slice %reshape3A_218 {offsets = [0, 0, 0, 0], sizes = [8, 112, 1, 64], strides = [1, 1, 1, 1]} : vector<8x112x2x64xf32> to vector<8x112x1x64xf32>
    %squeeze3A_220 = vector.shape_cast %slice3A_219 : vector<8x112x1x64xf32> to vector<8x112x64xf32>
    %slice3A_221 = vector.extract_strided_slice %reshape3A_218 {offsets = [0, 0, 1, 0], sizes = [8, 112, 1, 64], strides = [1, 1, 1, 1]} : vector<8x112x2x64xf32> to vector<8x112x1x64xf32>
    %squeeze3A_222 = vector.shape_cast %slice3A_221 : vector<8x112x1x64xf32> to vector<8x112x64xf32>
    %max3A_223 = arith.maximumf %squeeze3A_220, %squeeze3A_222 : vector<8x112x64xf32>
    %reshape3A_224 = vector.shape_cast %max3A_223 : vector<8x112x64xf32> to vector<4x224x64xf32>
    %slice3A_225 = vector.extract_strided_slice %reshape3A_224 {offsets = [0, 0, 0], sizes = [4, 112, 64], strides = [1, 1, 1]} : vector<4x224x64xf32> to vector<4x112x64xf32>
    %slice3A_226 = vector.extract_strided_slice %reshape3A_224 {offsets = [0, 112, 0], sizes = [4, 112, 64], strides = [1, 1, 1]} : vector<4x224x64xf32> to vector<4x112x64xf32>
    %max3A_227 = arith.maximumf %slice3A_225, %slice3A_226 : vector<4x112x64xf32>
    %swap3A_228 = arith.constant 33 : index
    %swap3A_229 = arith.constant 1 : index
    %swap3A_230 = arith.constant 0 : index
    %swap3A_231 = vector.load %arg8[%swap3A_228, %swap3A_229, %swap3A_230] : memref<114x114x64xf32, #tpu.memory_space<vmem>>, vector<4x112x64xf32>
    tpu.vector_store %arg8[%swap3A_228, %swap3A_229, %swap3A_230], %max3A_227 {strides = array<i32>} : memref<114x114x64xf32, #tpu.memory_space<vmem>>, vector<4x112x64xf32>,
    %get3A_232 = arith.constant 0 : index
    %get3A_233 = arith.constant 0 : index
    %get3A_234 = arith.constant 16128 : index
    %get3A_235 = vector.load %arg1[%get3A_232, %get3A_233, %get3A_234] : memref<1x32x50176xf32, #tpu.memory_space<vmem>>, vector<1x32x1792xf32>
    %get3A_236 = vector.shape_cast %get3A_235 : vector<1x32x1792xf32> to vector<32x1792xf32>
    %dot_general3A_237 = arith.constant dense<0.000000e+00> : vector<1792x64xf32>
    %dot_general3A_238 = tpu.matmul %get3A_236, %get3A_11, %dot_general3A_237 {dimension_numbers = #tpu.dot_dimension_numbers<[0], [0], [1], [1], [0, 1, 1, 1], [], []>, transpose_lhs_hint = false} : vector<32x1792xf32>, vector<32x64xf32>, vector<1792x64xf32> -> vector<1792x64xf32>
    %reshape3A_239 = vector.shape_cast %dot_general3A_238 : vector<1792x64xf32> to vector<8x224x64xf32>
    %max3A_240 = arith.constant 0.000000e+00 : f32
    %max3A_241 = vector.broadcast %max3A_240 : f32 to vector<8x224x64xf32>
    %max3A_242 = arith.maximumf %reshape3A_239, %max3A_241 : vector<8x224x64xf32>
    %reshape3A_243 = vector.shape_cast %max3A_242 : vector<8x224x64xf32> to vector<8x112x2x64xf32>
    %slice3A_244 = vector.extract_strided_slice %reshape3A_243 {offsets = [0, 0, 0, 0], sizes = [8, 112, 1, 64], strides = [1, 1, 1, 1]} : vector<8x112x2x64xf32> to vector<8x112x1x64xf32>
    %squeeze3A_245 = vector.shape_cast %slice3A_244 : vector<8x112x1x64xf32> to vector<8x112x64xf32>
    %slice3A_246 = vector.extract_strided_slice %reshape3A_243 {offsets = [0, 0, 1, 0], sizes = [8, 112, 1, 64], strides = [1, 1, 1, 1]} : vector<8x112x2x64xf32> to vector<8x112x1x64xf32>
    %squeeze3A_247 = vector.shape_cast %slice3A_246 : vector<8x112x1x64xf32> to vector<8x112x64xf32>
    %max3A_248 = arith.maximumf %squeeze3A_245, %squeeze3A_247 : vector<8x112x64xf32>
    %reshape3A_249 = vector.shape_cast %max3A_248 : vector<8x112x64xf32> to vector<4x224x64xf32>
    %slice3A_250 = vector.extract_strided_slice %reshape3A_249 {offsets = [0, 0, 0], sizes = [4, 112, 64], strides = [1, 1, 1]} : vector<4x224x64xf32> to vector<4x112x64xf32>
    %slice3A_251 = vector.extract_strided_slice %reshape3A_249 {offsets = [0, 112, 0], sizes = [4, 112, 64], strides = [1, 1, 1]} : vector<4x224x64xf32> to vector<4x112x64xf32>
    %max3A_252 = arith.maximumf %slice3A_250, %slice3A_251 : vector<4x112x64xf32>
    %swap3A_253 = arith.constant 37 : index
    %swap3A_254 = arith.constant 1 : index
    %swap3A_255 = arith.constant 0 : index
    %swap3A_256 = vector.load %arg8[%swap3A_253, %swap3A_254, %swap3A_255] : memref<114x114x64xf32, #tpu.memory_space<vmem>>, vector<4x112x64xf32>
    tpu.vector_store %arg8[%swap3A_253, %swap3A_254, %swap3A_255], %max3A_252 {strides = array<i32>} : memref<114x114x64xf32, #tpu.memory_space<vmem>>, vector<4x112x64xf32>,
    %get3A_257 = arith.constant 0 : index
    %get3A_258 = arith.constant 0 : index
    %get3A_259 = arith.constant 17920 : index
    %get3A_260 = vector.load %arg1[%get3A_257, %get3A_258, %get3A_259] : memref<1x32x50176xf32, #tpu.memory_space<vmem>>, vector<1x32x1792xf32>
    %get3A_261 = vector.shape_cast %get3A_260 : vector<1x32x1792xf32> to vector<32x1792xf32>
    %dot_general3A_262 = arith.constant dense<0.000000e+00> : vector<1792x64xf32>
    %dot_general3A_263 = tpu.matmul %get3A_261, %get3A_11, %dot_general3A_262 {dimension_numbers = #tpu.dot_dimension_numbers<[0], [0], [1], [1], [0, 1, 1, 1], [], []>, transpose_lhs_hint = false} : vector<32x1792xf32>, vector<32x64xf32>, vector<1792x64xf32> -> vector<1792x64xf32>
    %reshape3A_264 = vector.shape_cast %dot_general3A_263 : vector<1792x64xf32> to vector<8x224x64xf32>
    %max3A_265 = arith.constant 0.000000e+00 : f32
    %max3A_266 = vector.broadcast %max3A_265 : f32 to vector<8x224x64xf32>
    %max3A_267 = arith.maximumf %reshape3A_264, %max3A_266 : vector<8x224x64xf32>
    %reshape3A_268 = vector.shape_cast %max3A_267 : vector<8x224x64xf32> to vector<8x112x2x64xf32>
    %slice3A_269 = vector.extract_strided_slice %reshape3A_268 {offsets = [0, 0, 0, 0], sizes = [8, 112, 1, 64], strides = [1, 1, 1, 1]} : vector<8x112x2x64xf32> to vector<8x112x1x64xf32>
    %squeeze3A_270 = vector.shape_cast %slice3A_269 : vector<8x112x1x64xf32> to vector<8x112x64xf32>
    %slice3A_271 = vector.extract_strided_slice %reshape3A_268 {offsets = [0, 0, 1, 0], sizes = [8, 112, 1, 64], strides = [1, 1, 1, 1]} : vector<8x112x2x64xf32> to vector<8x112x1x64xf32>
    %squeeze3A_272 = vector.shape_cast %slice3A_271 : vector<8x112x1x64xf32> to vector<8x112x64xf32>
    %max3A_273 = arith.maximumf %squeeze3A_270, %squeeze3A_272 : vector<8x112x64xf32>
    %reshape3A_274 = vector.shape_cast %max3A_273 : vector<8x112x64xf32> to vector<4x224x64xf32>
    %slice3A_275 = vector.extract_strided_slice %reshape3A_274 {offsets = [0, 0, 0], sizes = [4, 112, 64], strides = [1, 1, 1]} : vector<4x224x64xf32> to vector<4x112x64xf32>
    %slice3A_276 = vector.extract_strided_slice %reshape3A_274 {offsets = [0, 112, 0], sizes = [4, 112, 64], strides = [1, 1, 1]} : vector<4x224x64xf32> to vector<4x112x64xf32>
    %max3A_277 = arith.maximumf %slice3A_275, %slice3A_276 : vector<4x112x64xf32>
    %swap3A_278 = arith.constant 41 : index
    %swap3A_279 = arith.constant 1 : index
    %swap3A_280 = arith.constant 0 : index
    %swap3A_281 = vector.load %arg8[%swap3A_278, %swap3A_279, %swap3A_280] : memref<114x114x64xf32, #tpu.memory_space<vmem>>, vector<4x112x64xf32>
    tpu.vector_store %arg8[%swap3A_278, %swap3A_279, %swap3A_280], %max3A_277 {strides = array<i32>} : memref<114x114x64xf32, #tpu.memory_space<vmem>>, vector<4x112x64xf32>,
    %get3A_282 = arith.constant 0 : index
    %get3A_283 = arith.constant 0 : index
    %get3A_284 = arith.constant 19712 : index
    %get3A_285 = vector.load %arg1[%get3A_282, %get3A_283, %get3A_284] : memref<1x32x50176xf32, #tpu.memory_space<vmem>>, vector<1x32x1792xf32>
    %get3A_286 = vector.shape_cast %get3A_285 : vector<1x32x1792xf32> to vector<32x1792xf32>
    %dot_general3A_287 = arith.constant dense<0.000000e+00> : vector<1792x64xf32>
    %dot_general3A_288 = tpu.matmul %get3A_286, %get3A_11, %dot_general3A_287 {dimension_numbers = #tpu.dot_dimension_numbers<[0], [0], [1], [1], [0, 1, 1, 1], [], []>, transpose_lhs_hint = false} : vector<32x1792xf32>, vector<32x64xf32>, vector<1792x64xf32> -> vector<1792x64xf32>
    %reshape3A_289 = vector.shape_cast %dot_general3A_288 : vector<1792x64xf32> to vector<8x224x64xf32>
    %max3A_290 = arith.constant 0.000000e+00 : f32
    %max3A_291 = vector.broadcast %max3A_290 : f32 to vector<8x224x64xf32>
    %max3A_292 = arith.maximumf %reshape3A_289, %max3A_291 : vector<8x224x64xf32>
    %reshape3A_293 = vector.shape_cast %max3A_292 : vector<8x224x64xf32> to vector<8x112x2x64xf32>
    %slice3A_294 = vector.extract_strided_slice %reshape3A_293 {offsets = [0, 0, 0, 0], sizes = [8, 112, 1, 64], strides = [1, 1, 1, 1]} : vector<8x112x2x64xf32> to vector<8x112x1x64xf32>
    %squeeze3A_295 = vector.shape_cast %slice3A_294 : vector<8x112x1x64xf32> to vector<8x112x64xf32>
    %slice3A_296 = vector.extract_strided_slice %reshape3A_293 {offsets = [0, 0, 1, 0], sizes = [8, 112, 1, 64], strides = [1, 1, 1, 1]} : vector<8x112x2x64xf32> to vector<8x112x1x64xf32>
    %squeeze3A_297 = vector.shape_cast %slice3A_296 : vector<8x112x1x64xf32> to vector<8x112x64xf32>
    %max3A_298 = arith.maximumf %squeeze3A_295, %squeeze3A_297 : vector<8x112x64xf32>
    %reshape3A_299 = vector.shape_cast %max3A_298 : vector<8x112x64xf32> to vector<4x224x64xf32>
    %slice3A_300 = vector.extract_strided_slice %reshape3A_299 {offsets = [0, 0, 0], sizes = [4, 112, 64], strides = [1, 1, 1]} : vector<4x224x64xf32> to vector<4x112x64xf32>
    %slice3A_301 = vector.extract_strided_slice %reshape3A_299 {offsets = [0, 112, 0], sizes = [4, 112, 64], strides = [1, 1, 1]} : vector<4x224x64xf32> to vector<4x112x64xf32>
    %max3A_302 = arith.maximumf %slice3A_300, %slice3A_301 : vector<4x112x64xf32>
    %swap3A_303 = arith.constant 45 : index
    %swap3A_304 = arith.constant 1 : index
    %swap3A_305 = arith.constant 0 : index
    %swap3A_306 = vector.load %arg8[%swap3A_303, %swap3A_304, %swap3A_305] : memref<114x114x64xf32, #tpu.memory_space<vmem>>, vector<4x112x64xf32>
    tpu.vector_store %arg8[%swap3A_303, %swap3A_304, %swap3A_305], %max3A_302 {strides = array<i32>} : memref<114x114x64xf32, #tpu.memory_space<vmem>>, vector<4x112x64xf32>,
    %get3A_307 = arith.constant 0 : index
    %get3A_308 = arith.constant 0 : index
    %get3A_309 = arith.constant 21504 : index
    %get3A_310 = vector.load %arg1[%get3A_307, %get3A_308, %get3A_309] : memref<1x32x50176xf32, #tpu.memory_space<vmem>>, vector<1x32x1792xf32>
    %get3A_311 = vector.shape_cast %get3A_310 : vector<1x32x1792xf32> to vector<32x1792xf32>
    %dot_general3A_312 = arith.constant dense<0.000000e+00> : vector<1792x64xf32>
    %dot_general3A_313 = tpu.matmul %get3A_311, %get3A_11, %dot_general3A_312 {dimension_numbers = #tpu.dot_dimension_numbers<[0], [0], [1], [1], [0, 1, 1, 1], [], []>, transpose_lhs_hint = false} : vector<32x1792xf32>, vector<32x64xf32>, vector<1792x64xf32> -> vector<1792x64xf32>
    %reshape3A_314 = vector.shape_cast %dot_general3A_313 : vector<1792x64xf32> to vector<8x224x64xf32>
    %max3A_315 = arith.constant 0.000000e+00 : f32
    %max3A_316 = vector.broadcast %max3A_315 : f32 to vector<8x224x64xf32>
    %max3A_317 = arith.maximumf %reshape3A_314, %max3A_316 : vector<8x224x64xf32>
    %reshape3A_318 = vector.shape_cast %max3A_317 : vector<8x224x64xf32> to vector<8x112x2x64xf32>
    %slice3A_319 = vector.extract_strided_slice %reshape3A_318 {offsets = [0, 0, 0, 0], sizes = [8, 112, 1, 64], strides = [1, 1, 1, 1]} : vector<8x112x2x64xf32> to vector<8x112x1x64xf32>
    %squeeze3A_320 = vector.shape_cast %slice3A_319 : vector<8x112x1x64xf32> to vector<8x112x64xf32>
    %slice3A_321 = vector.extract_strided_slice %reshape3A_318 {offsets = [0, 0, 1, 0], sizes = [8, 112, 1, 64], strides = [1, 1, 1, 1]} : vector<8x112x2x64xf32> to vector<8x112x1x64xf32>
    %squeeze3A_322 = vector.shape_cast %slice3A_321 : vector<8x112x1x64xf32> to vector<8x112x64xf32>
    %max3A_323 = arith.maximumf %squeeze3A_320, %squeeze3A_322 : vector<8x112x64xf32>
    %reshape3A_324 = vector.shape_cast %max3A_323 : vector<8x112x64xf32> to vector<4x224x64xf32>
    %slice3A_325 = vector.extract_strided_slice %reshape3A_324 {offsets = [0, 0, 0], sizes = [4, 112, 64], strides = [1, 1, 1]} : vector<4x224x64xf32> to vector<4x112x64xf32>
    %slice3A_326 = vector.extract_strided_slice %reshape3A_324 {offsets = [0, 112, 0], sizes = [4, 112, 64], strides = [1, 1, 1]} : vector<4x224x64xf32> to vector<4x112x64xf32>
    %max3A_327 = arith.maximumf %slice3A_325, %slice3A_326 : vector<4x112x64xf32>
    %swap3A_328 = arith.constant 49 : index
    %swap3A_329 = arith.constant 1 : index
    %swap3A_330 = arith.constant 0 : index
    %swap3A_331 = vector.load %arg8[%swap3A_328, %swap3A_329, %swap3A_330] : memref<114x114x64xf32, #tpu.memory_space<vmem>>, vector<4x112x64xf32>
    tpu.vector_store %arg8[%swap3A_328, %swap3A_329, %swap3A_330], %max3A_327 {strides = array<i32>} : memref<114x114x64xf32, #tpu.memory_space<vmem>>, vector<4x112x64xf32>,
    %get3A_332 = arith.constant 0 : index
    %get3A_333 = arith.constant 0 : index
    %get3A_334 = arith.constant 23296 : index
    %get3A_335 = vector.load %arg1[%get3A_332, %get3A_333, %get3A_334] : memref<1x32x50176xf32, #tpu.memory_space<vmem>>, vector<1x32x1792xf32>
    %get3A_336 = vector.shape_cast %get3A_335 : vector<1x32x1792xf32> to vector<32x1792xf32>
    %dot_general3A_337 = arith.constant dense<0.000000e+00> : vector<1792x64xf32>
    %dot_general3A_338 = tpu.matmul %get3A_336, %get3A_11, %dot_general3A_337 {dimension_numbers = #tpu.dot_dimension_numbers<[0], [0], [1], [1], [0, 1, 1, 1], [], []>, transpose_lhs_hint = false} : vector<32x1792xf32>, vector<32x64xf32>, vector<1792x64xf32> -> vector<1792x64xf32>
    %reshape3A_339 = vector.shape_cast %dot_general3A_338 : vector<1792x64xf32> to vector<8x224x64xf32>
    %max3A_340 = arith.constant 0.000000e+00 : f32
    %max3A_341 = vector.broadcast %max3A_340 : f32 to vector<8x224x64xf32>
    %max3A_342 = arith.maximumf %reshape3A_339, %max3A_341 : vector<8x224x64xf32>
    %reshape3A_343 = vector.shape_cast %max3A_342 : vector<8x224x64xf32> to vector<8x112x2x64xf32>
    %slice3A_344 = vector.extract_strided_slice %reshape3A_343 {offsets = [0, 0, 0, 0], sizes = [8, 112, 1, 64], strides = [1, 1, 1, 1]} : vector<8x112x2x64xf32> to vector<8x112x1x64xf32>
    %squeeze3A_345 = vector.shape_cast %slice3A_344 : vector<8x112x1x64xf32> to vector<8x112x64xf32>
    %slice3A_346 = vector.extract_strided_slice %reshape3A_343 {offsets = [0, 0, 1, 0], sizes = [8, 112, 1, 64], strides = [1, 1, 1, 1]} : vector<8x112x2x64xf32> to vector<8x112x1x64xf32>
    %squeeze3A_347 = vector.shape_cast %slice3A_346 : vector<8x112x1x64xf32> to vector<8x112x64xf32>
    %max3A_348 = arith.maximumf %squeeze3A_345, %squeeze3A_347 : vector<8x112x64xf32>
    %reshape3A_349 = vector.shape_cast %max3A_348 : vector<8x112x64xf32> to vector<4x224x64xf32>
    %slice3A_350 = vector.extract_strided_slice %reshape3A_349 {offsets = [0, 0, 0], sizes = [4, 112, 64], strides = [1, 1, 1]} : vector<4x224x64xf32> to vector<4x112x64xf32>
    %slice3A_351 = vector.extract_strided_slice %reshape3A_349 {offsets = [0, 112, 0], sizes = [4, 112, 64], strides = [1, 1, 1]} : vector<4x224x64xf32> to vector<4x112x64xf32>
    %max3A_352 = arith.maximumf %slice3A_350, %slice3A_351 : vector<4x112x64xf32>
    %swap3A_353 = arith.constant 53 : index
    %swap3A_354 = arith.constant 1 : index
    %swap3A_355 = arith.constant 0 : index
    %swap3A_356 = vector.load %arg8[%swap3A_353, %swap3A_354, %swap3A_355] : memref<114x114x64xf32, #tpu.memory_space<vmem>>, vector<4x112x64xf32>
    tpu.vector_store %arg8[%swap3A_353, %swap3A_354, %swap3A_355], %max3A_352 {strides = array<i32>} : memref<114x114x64xf32, #tpu.memory_space<vmem>>, vector<4x112x64xf32>,
    %get3A_357 = arith.constant 0 : index
    %get3A_358 = arith.constant 0 : index
    %get3A_359 = arith.constant 25088 : index
    %get3A_360 = vector.load %arg1[%get3A_357, %get3A_358, %get3A_359] : memref<1x32x50176xf32, #tpu.memory_space<vmem>>, vector<1x32x1792xf32>
    %get3A_361 = vector.shape_cast %get3A_360 : vector<1x32x1792xf32> to vector<32x1792xf32>
    %dot_general3A_362 = arith.constant dense<0.000000e+00> : vector<1792x64xf32>
    %dot_general3A_363 = tpu.matmul %get3A_361, %get3A_11, %dot_general3A_362 {dimension_numbers = #tpu.dot_dimension_numbers<[0], [0], [1], [1], [0, 1, 1, 1], [], []>, transpose_lhs_hint = false} : vector<32x1792xf32>, vector<32x64xf32>, vector<1792x64xf32> -> vector<1792x64xf32>
    %reshape3A_364 = vector.shape_cast %dot_general3A_363 : vector<1792x64xf32> to vector<8x224x64xf32>
    %max3A_365 = arith.constant 0.000000e+00 : f32
    %max3A_366 = vector.broadcast %max3A_365 : f32 to vector<8x224x64xf32>
    %max3A_367 = arith.maximumf %reshape3A_364, %max3A_366 : vector<8x224x64xf32>
    %reshape3A_368 = vector.shape_cast %max3A_367 : vector<8x224x64xf32> to vector<8x112x2x64xf32>
    %slice3A_369 = vector.extract_strided_slice %reshape3A_368 {offsets = [0, 0, 0, 0], sizes = [8, 112, 1, 64], strides = [1, 1, 1, 1]} : vector<8x112x2x64xf32> to vector<8x112x1x64xf32>
    %squeeze3A_370 = vector.shape_cast %slice3A_369 : vector<8x112x1x64xf32> to vector<8x112x64xf32>
    %slice3A_371 = vector.extract_strided_slice %reshape3A_368 {offsets = [0, 0, 1, 0], sizes = [8, 112, 1, 64], strides = [1, 1, 1, 1]} : vector<8x112x2x64xf32> to vector<8x112x1x64xf32>
    %squeeze3A_372 = vector.shape_cast %slice3A_371 : vector<8x112x1x64xf32> to vector<8x112x64xf32>
    %max3A_373 = arith.maximumf %squeeze3A_370, %squeeze3A_372 : vector<8x112x64xf32>
    %reshape3A_374 = vector.shape_cast %max3A_373 : vector<8x112x64xf32> to vector<4x224x64xf32>
    %slice3A_375 = vector.extract_strided_slice %reshape3A_374 {offsets = [0, 0, 0], sizes = [4, 112, 64], strides = [1, 1, 1]} : vector<4x224x64xf32> to vector<4x112x64xf32>
    %slice3A_376 = vector.extract_strided_slice %reshape3A_374 {offsets = [0, 112, 0], sizes = [4, 112, 64], strides = [1, 1, 1]} : vector<4x224x64xf32> to vector<4x112x64xf32>
    %max3A_377 = arith.maximumf %slice3A_375, %slice3A_376 : vector<4x112x64xf32>
    %swap3A_378 = arith.constant 57 : index
    %swap3A_379 = arith.constant 1 : index
    %swap3A_380 = arith.constant 0 : index
    %swap3A_381 = vector.load %arg8[%swap3A_378, %swap3A_379, %swap3A_380] : memref<114x114x64xf32, #tpu.memory_space<vmem>>, vector<4x112x64xf32>
    tpu.vector_store %arg8[%swap3A_378, %swap3A_379, %swap3A_380], %max3A_377 {strides = array<i32>} : memref<114x114x64xf32, #tpu.memory_space<vmem>>, vector<4x112x64xf32>,
    %get3A_382 = arith.constant 0 : index
    %get3A_383 = arith.constant 0 : index
    %get3A_384 = arith.constant 26880 : index
    %get3A_385 = vector.load %arg1[%get3A_382, %get3A_383, %get3A_384] : memref<1x32x50176xf32, #tpu.memory_space<vmem>>, vector<1x32x1792xf32>
    %get3A_386 = vector.shape_cast %get3A_385 : vector<1x32x1792xf32> to vector<32x1792xf32>
    %dot_general3A_387 = arith.constant dense<0.000000e+00> : vector<1792x64xf32>
    %dot_general3A_388 = tpu.matmul %get3A_386, %get3A_11, %dot_general3A_387 {dimension_numbers = #tpu.dot_dimension_numbers<[0], [0], [1], [1], [0, 1, 1, 1], [], []>, transpose_lhs_hint = false} : vector<32x1792xf32>, vector<32x64xf32>, vector<1792x64xf32> -> vector<1792x64xf32>
    %reshape3A_389 = vector.shape_cast %dot_general3A_388 : vector<1792x64xf32> to vector<8x224x64xf32>
    %max3A_390 = arith.constant 0.000000e+00 : f32
    %max3A_391 = vector.broadcast %max3A_390 : f32 to vector<8x224x64xf32>
    %max3A_392 = arith.maximumf %reshape3A_389, %max3A_391 : vector<8x224x64xf32>
    %reshape3A_393 = vector.shape_cast %max3A_392 : vector<8x224x64xf32> to vector<8x112x2x64xf32>
    %slice3A_394 = vector.extract_strided_slice %reshape3A_393 {offsets = [0, 0, 0, 0], sizes = [8, 112, 1, 64], strides = [1, 1, 1, 1]} : vector<8x112x2x64xf32> to vector<8x112x1x64xf32>
    %squeeze3A_395 = vector.shape_cast %slice3A_394 : vector<8x112x1x64xf32> to vector<8x112x64xf32>
    %slice3A_396 = vector.extract_strided_slice %reshape3A_393 {offsets = [0, 0, 1, 0], sizes = [8, 112, 1, 64], strides = [1, 1, 1, 1]} : vector<8x112x2x64xf32> to vector<8x112x1x64xf32>
    %squeeze3A_397 = vector.shape_cast %slice3A_396 : vector<8x112x1x64xf32> to vector<8x112x64xf32>
    %max3A_398 = arith.maximumf %squeeze3A_395, %squeeze3A_397 : vector<8x112x64xf32>
    %reshape3A_399 = vector.shape_cast %max3A_398 : vector<8x112x64xf32> to vector<4x224x64xf32>
    %slice3A_400 = vector.extract_strided_slice %reshape3A_399 {offsets = [0, 0, 0], sizes = [4, 112, 64], strides = [1, 1, 1]} : vector<4x224x64xf32> to vector<4x112x64xf32>
    %slice3A_401 = vector.extract_strided_slice %reshape3A_399 {offsets = [0, 112, 0], sizes = [4, 112, 64], strides = [1, 1, 1]} : vector<4x224x64xf32> to vector<4x112x64xf32>
    %max3A_402 = arith.maximumf %slice3A_400, %slice3A_401 : vector<4x112x64xf32>
    %swap3A_403 = arith.constant 61 : index
    %swap3A_404 = arith.constant 1 : index
    %swap3A_405 = arith.constant 0 : index
    %swap3A_406 = vector.load %arg8[%swap3A_403, %swap3A_404, %swap3A_405] : memref<114x114x64xf32, #tpu.memory_space<vmem>>, vector<4x112x64xf32>
    tpu.vector_store %arg8[%swap3A_403, %swap3A_404, %swap3A_405], %max3A_402 {strides = array<i32>} : memref<114x114x64xf32, #tpu.memory_space<vmem>>, vector<4x112x64xf32>,
    %get3A_407 = arith.constant 0 : index
    %get3A_408 = arith.constant 0 : index
    %get3A_409 = arith.constant 28672 : index
    %get3A_410 = vector.load %arg1[%get3A_407, %get3A_408, %get3A_409] : memref<1x32x50176xf32, #tpu.memory_space<vmem>>, vector<1x32x1792xf32>
    %get3A_411 = vector.shape_cast %get3A_410 : vector<1x32x1792xf32> to vector<32x1792xf32>
    %dot_general3A_412 = arith.constant dense<0.000000e+00> : vector<1792x64xf32>
    %dot_general3A_413 = tpu.matmul %get3A_411, %get3A_11, %dot_general3A_412 {dimension_numbers = #tpu.dot_dimension_numbers<[0], [0], [1], [1], [0, 1, 1, 1], [], []>, transpose_lhs_hint = false} : vector<32x1792xf32>, vector<32x64xf32>, vector<1792x64xf32> -> vector<1792x64xf32>
    %reshape3A_414 = vector.shape_cast %dot_general3A_413 : vector<1792x64xf32> to vector<8x224x64xf32>
    %max3A_415 = arith.constant 0.000000e+00 : f32
    %max3A_416 = vector.broadcast %max3A_415 : f32 to vector<8x224x64xf32>
    %max3A_417 = arith.maximumf %reshape3A_414, %max3A_416 : vector<8x224x64xf32>
    %reshape3A_418 = vector.shape_cast %max3A_417 : vector<8x224x64xf32> to vector<8x112x2x64xf32>
    %slice3A_419 = vector.extract_strided_slice %reshape3A_418 {offsets = [0, 0, 0, 0], sizes = [8, 112, 1, 64], strides = [1, 1, 1, 1]} : vector<8x112x2x64xf32> to vector<8x112x1x64xf32>
    %squeeze3A_420 = vector.shape_cast %slice3A_419 : vector<8x112x1x64xf32> to vector<8x112x64xf32>
    %slice3A_421 = vector.extract_strided_slice %reshape3A_418 {offsets = [0, 0, 1, 0], sizes = [8, 112, 1, 64], strides = [1, 1, 1, 1]} : vector<8x112x2x64xf32> to vector<8x112x1x64xf32>
    %squeeze3A_422 = vector.shape_cast %slice3A_421 : vector<8x112x1x64xf32> to vector<8x112x64xf32>
    %max3A_423 = arith.maximumf %squeeze3A_420, %squeeze3A_422 : vector<8x112x64xf32>
    %reshape3A_424 = vector.shape_cast %max3A_423 : vector<8x112x64xf32> to vector<4x224x64xf32>
    %slice3A_425 = vector.extract_strided_slice %reshape3A_424 {offsets = [0, 0, 0], sizes = [4, 112, 64], strides = [1, 1, 1]} : vector<4x224x64xf32> to vector<4x112x64xf32>
    %slice3A_426 = vector.extract_strided_slice %reshape3A_424 {offsets = [0, 112, 0], sizes = [4, 112, 64], strides = [1, 1, 1]} : vector<4x224x64xf32> to vector<4x112x64xf32>
    %max3A_427 = arith.maximumf %slice3A_425, %slice3A_426 : vector<4x112x64xf32>
    %swap3A_428 = arith.constant 65 : index
    %swap3A_429 = arith.constant 1 : index
    %swap3A_430 = arith.constant 0 : index
    %swap3A_431 = vector.load %arg8[%swap3A_428, %swap3A_429, %swap3A_430] : memref<114x114x64xf32, #tpu.memory_space<vmem>>, vector<4x112x64xf32>
    tpu.vector_store %arg8[%swap3A_428, %swap3A_429, %swap3A_430], %max3A_427 {strides = array<i32>} : memref<114x114x64xf32, #tpu.memory_space<vmem>>, vector<4x112x64xf32>,
    %get3A_432 = arith.constant 0 : index
    %get3A_433 = arith.constant 0 : index
    %get3A_434 = arith.constant 30464 : index
    %get3A_435 = vector.load %arg1[%get3A_432, %get3A_433, %get3A_434] : memref<1x32x50176xf32, #tpu.memory_space<vmem>>, vector<1x32x1792xf32>
    %get3A_436 = vector.shape_cast %get3A_435 : vector<1x32x1792xf32> to vector<32x1792xf32>
    %dot_general3A_437 = arith.constant dense<0.000000e+00> : vector<1792x64xf32>
    %dot_general3A_438 = tpu.matmul %get3A_436, %get3A_11, %dot_general3A_437 {dimension_numbers = #tpu.dot_dimension_numbers<[0], [0], [1], [1], [0, 1, 1, 1], [], []>, transpose_lhs_hint = false} : vector<32x1792xf32>, vector<32x64xf32>, vector<1792x64xf32> -> vector<1792x64xf32>
    %reshape3A_439 = vector.shape_cast %dot_general3A_438 : vector<1792x64xf32> to vector<8x224x64xf32>
    %max3A_440 = arith.constant 0.000000e+00 : f32
    %max3A_441 = vector.broadcast %max3A_440 : f32 to vector<8x224x64xf32>
    %max3A_442 = arith.maximumf %reshape3A_439, %max3A_441 : vector<8x224x64xf32>
    %reshape3A_443 = vector.shape_cast %max3A_442 : vector<8x224x64xf32> to vector<8x112x2x64xf32>
    %slice3A_444 = vector.extract_strided_slice %reshape3A_443 {offsets = [0, 0, 0, 0], sizes = [8, 112, 1, 64], strides = [1, 1, 1, 1]} : vector<8x112x2x64xf32> to vector<8x112x1x64xf32>
    %squeeze3A_445 = vector.shape_cast %slice3A_444 : vector<8x112x1x64xf32> to vector<8x112x64xf32>
    %slice3A_446 = vector.extract_strided_slice %reshape3A_443 {offsets = [0, 0, 1, 0], sizes = [8, 112, 1, 64], strides = [1, 1, 1, 1]} : vector<8x112x2x64xf32> to vector<8x112x1x64xf32>
    %squeeze3A_447 = vector.shape_cast %slice3A_446 : vector<8x112x1x64xf32> to vector<8x112x64xf32>
    %max3A_448 = arith.maximumf %squeeze3A_445, %squeeze3A_447 : vector<8x112x64xf32>
    %reshape3A_449 = vector.shape_cast %max3A_448 : vector<8x112x64xf32> to vector<4x224x64xf32>
    %slice3A_450 = vector.extract_strided_slice %reshape3A_449 {offsets = [0, 0, 0], sizes = [4, 112, 64], strides = [1, 1, 1]} : vector<4x224x64xf32> to vector<4x112x64xf32>
    %slice3A_451 = vector.extract_strided_slice %reshape3A_449 {offsets = [0, 112, 0], sizes = [4, 112, 64], strides = [1, 1, 1]} : vector<4x224x64xf32> to vector<4x112x64xf32>
    %max3A_452 = arith.maximumf %slice3A_450, %slice3A_451 : vector<4x112x64xf32>
    %swap3A_453 = arith.constant 69 : index
    %swap3A_454 = arith.constant 1 : index
    %swap3A_455 = arith.constant 0 : index
    %swap3A_456 = vector.load %arg8[%swap3A_453, %swap3A_454, %swap3A_455] : memref<114x114x64xf32, #tpu.memory_space<vmem>>, vector<4x112x64xf32>
    tpu.vector_store %arg8[%swap3A_453, %swap3A_454, %swap3A_455], %max3A_452 {strides = array<i32>} : memref<114x114x64xf32, #tpu.memory_space<vmem>>, vector<4x112x64xf32>,
    %get3A_457 = arith.constant 0 : index
    %get3A_458 = arith.constant 0 : index
    %get3A_459 = arith.constant 32256 : index
    %get3A_460 = vector.load %arg1[%get3A_457, %get3A_458, %get3A_459] : memref<1x32x50176xf32, #tpu.memory_space<vmem>>, vector<1x32x1792xf32>
    %get3A_461 = vector.shape_cast %get3A_460 : vector<1x32x1792xf32> to vector<32x1792xf32>
    %dot_general3A_462 = arith.constant dense<0.000000e+00> : vector<1792x64xf32>
    %dot_general3A_463 = tpu.matmul %get3A_461, %get3A_11, %dot_general3A_462 {dimension_numbers = #tpu.dot_dimension_numbers<[0], [0], [1], [1], [0, 1, 1, 1], [], []>, transpose_lhs_hint = false} : vector<32x1792xf32>, vector<32x64xf32>, vector<1792x64xf32> -> vector<1792x64xf32>
    %reshape3A_464 = vector.shape_cast %dot_general3A_463 : vector<1792x64xf32> to vector<8x224x64xf32>
    %max3A_465 = arith.constant 0.000000e+00 : f32
    %max3A_466 = vector.broadcast %max3A_465 : f32 to vector<8x224x64xf32>
    %max3A_467 = arith.maximumf %reshape3A_464, %max3A_466 : vector<8x224x64xf32>
    %reshape3A_468 = vector.shape_cast %max3A_467 : vector<8x224x64xf32> to vector<8x112x2x64xf32>
    %slice3A_469 = vector.extract_strided_slice %reshape3A_468 {offsets = [0, 0, 0, 0], sizes = [8, 112, 1, 64], strides = [1, 1, 1, 1]} : vector<8x112x2x64xf32> to vector<8x112x1x64xf32>
    %squeeze3A_470 = vector.shape_cast %slice3A_469 : vector<8x112x1x64xf32> to vector<8x112x64xf32>
    %slice3A_471 = vector.extract_strided_slice %reshape3A_468 {offsets = [0, 0, 1, 0], sizes = [8, 112, 1, 64], strides = [1, 1, 1, 1]} : vector<8x112x2x64xf32> to vector<8x112x1x64xf32>
    %squeeze3A_472 = vector.shape_cast %slice3A_471 : vector<8x112x1x64xf32> to vector<8x112x64xf32>
    %max3A_473 = arith.maximumf %squeeze3A_470, %squeeze3A_472 : vector<8x112x64xf32>
    %reshape3A_474 = vector.shape_cast %max3A_473 : vector<8x112x64xf32> to vector<4x224x64xf32>
    %slice3A_475 = vector.extract_strided_slice %reshape3A_474 {offsets = [0, 0, 0], sizes = [4, 112, 64], strides = [1, 1, 1]} : vector<4x224x64xf32> to vector<4x112x64xf32>
    %slice3A_476 = vector.extract_strided_slice %reshape3A_474 {offsets = [0, 112, 0], sizes = [4, 112, 64], strides = [1, 1, 1]} : vector<4x224x64xf32> to vector<4x112x64xf32>
    %max3A_477 = arith.maximumf %slice3A_475, %slice3A_476 : vector<4x112x64xf32>
    %swap3A_478 = arith.constant 73 : index
    %swap3A_479 = arith.constant 1 : index
    %swap3A_480 = arith.constant 0 : index
    %swap3A_481 = vector.load %arg8[%swap3A_478, %swap3A_479, %swap3A_480] : memref<114x114x64xf32, #tpu.memory_space<vmem>>, vector<4x112x64xf32>
    tpu.vector_store %arg8[%swap3A_478, %swap3A_479, %swap3A_480], %max3A_477 {strides = array<i32>} : memref<114x114x64xf32, #tpu.memory_space<vmem>>, vector<4x112x64xf32>,
    %get3A_482 = arith.constant 0 : index
    %get3A_483 = arith.constant 0 : index
    %get3A_484 = arith.constant 34048 : index
    %get3A_485 = vector.load %arg1[%get3A_482, %get3A_483, %get3A_484] : memref<1x32x50176xf32, #tpu.memory_space<vmem>>, vector<1x32x1792xf32>
    %get3A_486 = vector.shape_cast %get3A_485 : vector<1x32x1792xf32> to vector<32x1792xf32>
    %dot_general3A_487 = arith.constant dense<0.000000e+00> : vector<1792x64xf32>
    %dot_general3A_488 = tpu.matmul %get3A_486, %get3A_11, %dot_general3A_487 {dimension_numbers = #tpu.dot_dimension_numbers<[0], [0], [1], [1], [0, 1, 1, 1], [], []>, transpose_lhs_hint = false} : vector<32x1792xf32>, vector<32x64xf32>, vector<1792x64xf32> -> vector<1792x64xf32>
    %reshape3A_489 = vector.shape_cast %dot_general3A_488 : vector<1792x64xf32> to vector<8x224x64xf32>
    %max3A_490 = arith.constant 0.000000e+00 : f32
    %max3A_491 = vector.broadcast %max3A_490 : f32 to vector<8x224x64xf32>
    %max3A_492 = arith.maximumf %reshape3A_489, %max3A_491 : vector<8x224x64xf32>
    %reshape3A_493 = vector.shape_cast %max3A_492 : vector<8x224x64xf32> to vector<8x112x2x64xf32>
    %slice3A_494 = vector.extract_strided_slice %reshape3A_493 {offsets = [0, 0, 0, 0], sizes = [8, 112, 1, 64], strides = [1, 1, 1, 1]} : vector<8x112x2x64xf32> to vector<8x112x1x64xf32>
    %squeeze3A_495 = vector.shape_cast %slice3A_494 : vector<8x112x1x64xf32> to vector<8x112x64xf32>
    %slice3A_496 = vector.extract_strided_slice %reshape3A_493 {offsets = [0, 0, 1, 0], sizes = [8, 112, 1, 64], strides = [1, 1, 1, 1]} : vector<8x112x2x64xf32> to vector<8x112x1x64xf32>
    %squeeze3A_497 = vector.shape_cast %slice3A_496 : vector<8x112x1x64xf32> to vector<8x112x64xf32>
    %max3A_498 = arith.maximumf %squeeze3A_495, %squeeze3A_497 : vector<8x112x64xf32>
    %reshape3A_499 = vector.shape_cast %max3A_498 : vector<8x112x64xf32> to vector<4x224x64xf32>
    %slice3A_500 = vector.extract_strided_slice %reshape3A_499 {offsets = [0, 0, 0], sizes = [4, 112, 64], strides = [1, 1, 1]} : vector<4x224x64xf32> to vector<4x112x64xf32>
    %slice3A_501 = vector.extract_strided_slice %reshape3A_499 {offsets = [0, 112, 0], sizes = [4, 112, 64], strides = [1, 1, 1]} : vector<4x224x64xf32> to vector<4x112x64xf32>
    %max3A_502 = arith.maximumf %slice3A_500, %slice3A_501 : vector<4x112x64xf32>
    %swap3A_503 = arith.constant 77 : index
    %swap3A_504 = arith.constant 1 : index
    %swap3A_505 = arith.constant 0 : index
    %swap3A_506 = vector.load %arg8[%swap3A_503, %swap3A_504, %swap3A_505] : memref<114x114x64xf32, #tpu.memory_space<vmem>>, vector<4x112x64xf32>
    tpu.vector_store %arg8[%swap3A_503, %swap3A_504, %swap3A_505], %max3A_502 {strides = array<i32>} : memref<114x114x64xf32, #tpu.memory_space<vmem>>, vector<4x112x64xf32>,
    %get3A_507 = arith.constant 0 : index
    %get3A_508 = arith.constant 0 : index
    %get3A_509 = arith.constant 35840 : index
    %get3A_510 = vector.load %arg1[%get3A_507, %get3A_508, %get3A_509] : memref<1x32x50176xf32, #tpu.memory_space<vmem>>, vector<1x32x1792xf32>
    %get3A_511 = vector.shape_cast %get3A_510 : vector<1x32x1792xf32> to vector<32x1792xf32>
    %dot_general3A_512 = arith.constant dense<0.000000e+00> : vector<1792x64xf32>
    %dot_general3A_513 = tpu.matmul %get3A_511, %get3A_11, %dot_general3A_512 {dimension_numbers = #tpu.dot_dimension_numbers<[0], [0], [1], [1], [0, 1, 1, 1], [], []>, transpose_lhs_hint = false} : vector<32x1792xf32>, vector<32x64xf32>, vector<1792x64xf32> -> vector<1792x64xf32>
    %reshape3A_514 = vector.shape_cast %dot_general3A_513 : vector<1792x64xf32> to vector<8x224x64xf32>
    %max3A_515 = arith.constant 0.000000e+00 : f32
    %max3A_516 = vector.broadcast %max3A_515 : f32 to vector<8x224x64xf32>
    %max3A_517 = arith.maximumf %reshape3A_514, %max3A_516 : vector<8x224x64xf32>
    %reshape3A_518 = vector.shape_cast %max3A_517 : vector<8x224x64xf32> to vector<8x112x2x64xf32>
    %slice3A_519 = vector.extract_strided_slice %reshape3A_518 {offsets = [0, 0, 0, 0], sizes = [8, 112, 1, 64], strides = [1, 1, 1, 1]} : vector<8x112x2x64xf32> to vector<8x112x1x64xf32>
    %squeeze3A_520 = vector.shape_cast %slice3A_519 : vector<8x112x1x64xf32> to vector<8x112x64xf32>
    %slice3A_521 = vector.extract_strided_slice %reshape3A_518 {offsets = [0, 0, 1, 0], sizes = [8, 112, 1, 64], strides = [1, 1, 1, 1]} : vector<8x112x2x64xf32> to vector<8x112x1x64xf32>
    %squeeze3A_522 = vector.shape_cast %slice3A_521 : vector<8x112x1x64xf32> to vector<8x112x64xf32>
    %max3A_523 = arith.maximumf %squeeze3A_520, %squeeze3A_522 : vector<8x112x64xf32>
    %reshape3A_524 = vector.shape_cast %max3A_523 : vector<8x112x64xf32> to vector<4x224x64xf32>
    %slice3A_525 = vector.extract_strided_slice %reshape3A_524 {offsets = [0, 0, 0], sizes = [4, 112, 64], strides = [1, 1, 1]} : vector<4x224x64xf32> to vector<4x112x64xf32>
    %slice3A_526 = vector.extract_strided_slice %reshape3A_524 {offsets = [0, 112, 0], sizes = [4, 112, 64], strides = [1, 1, 1]} : vector<4x224x64xf32> to vector<4x112x64xf32>
    %max3A_527 = arith.maximumf %slice3A_525, %slice3A_526 : vector<4x112x64xf32>
    %swap3A_528 = arith.constant 81 : index
    %swap3A_529 = arith.constant 1 : index
    %swap3A_530 = arith.constant 0 : index
    %swap3A_531 = vector.load %arg8[%swap3A_528, %swap3A_529, %swap3A_530] : memref<114x114x64xf32, #tpu.memory_space<vmem>>, vector<4x112x64xf32>
    tpu.vector_store %arg8[%swap3A_528, %swap3A_529, %swap3A_530], %max3A_527 {strides = array<i32>} : memref<114x114x64xf32, #tpu.memory_space<vmem>>, vector<4x112x64xf32>,
    %get3A_532 = arith.constant 0 : index
    %get3A_533 = arith.constant 0 : index
    %get3A_534 = arith.constant 37632 : index
    %get3A_535 = vector.load %arg1[%get3A_532, %get3A_533, %get3A_534] : memref<1x32x50176xf32, #tpu.memory_space<vmem>>, vector<1x32x1792xf32>
    %get3A_536 = vector.shape_cast %get3A_535 : vector<1x32x1792xf32> to vector<32x1792xf32>
    %dot_general3A_537 = arith.constant dense<0.000000e+00> : vector<1792x64xf32>
    %dot_general3A_538 = tpu.matmul %get3A_536, %get3A_11, %dot_general3A_537 {dimension_numbers = #tpu.dot_dimension_numbers<[0], [0], [1], [1], [0, 1, 1, 1], [], []>, transpose_lhs_hint = false} : vector<32x1792xf32>, vector<32x64xf32>, vector<1792x64xf32> -> vector<1792x64xf32>
    %reshape3A_539 = vector.shape_cast %dot_general3A_538 : vector<1792x64xf32> to vector<8x224x64xf32>
    %max3A_540 = arith.constant 0.000000e+00 : f32
    %max3A_541 = vector.broadcast %max3A_540 : f32 to vector<8x224x64xf32>
    %max3A_542 = arith.maximumf %reshape3A_539, %max3A_541 : vector<8x224x64xf32>
    %reshape3A_543 = vector.shape_cast %max3A_542 : vector<8x224x64xf32> to vector<8x112x2x64xf32>
    %slice3A_544 = vector.extract_strided_slice %reshape3A_543 {offsets = [0, 0, 0, 0], sizes = [8, 112, 1, 64], strides = [1, 1, 1, 1]} : vector<8x112x2x64xf32> to vector<8x112x1x64xf32>
    %squeeze3A_545 = vector.shape_cast %slice3A_544 : vector<8x112x1x64xf32> to vector<8x112x64xf32>
    %slice3A_546 = vector.extract_strided_slice %reshape3A_543 {offsets = [0, 0, 1, 0], sizes = [8, 112, 1, 64], strides = [1, 1, 1, 1]} : vector<8x112x2x64xf32> to vector<8x112x1x64xf32>
    %squeeze3A_547 = vector.shape_cast %slice3A_546 : vector<8x112x1x64xf32> to vector<8x112x64xf32>
    %max3A_548 = arith.maximumf %squeeze3A_545, %squeeze3A_547 : vector<8x112x64xf32>
    %reshape3A_549 = vector.shape_cast %max3A_548 : vector<8x112x64xf32> to vector<4x224x64xf32>
    %slice3A_550 = vector.extract_strided_slice %reshape3A_549 {offsets = [0, 0, 0], sizes = [4, 112, 64], strides = [1, 1, 1]} : vector<4x224x64xf32> to vector<4x112x64xf32>
    %slice3A_551 = vector.extract_strided_slice %reshape3A_549 {offsets = [0, 112, 0], sizes = [4, 112, 64], strides = [1, 1, 1]} : vector<4x224x64xf32> to vector<4x112x64xf32>
    %max3A_552 = arith.maximumf %slice3A_550, %slice3A_551 : vector<4x112x64xf32>
    %swap3A_553 = arith.constant 85 : index
    %swap3A_554 = arith.constant 1 : index
    %swap3A_555 = arith.constant 0 : index
    %swap3A_556 = vector.load %arg8[%swap3A_553, %swap3A_554, %swap3A_555] : memref<114x114x64xf32, #tpu.memory_space<vmem>>, vector<4x112x64xf32>
    tpu.vector_store %arg8[%swap3A_553, %swap3A_554, %swap3A_555], %max3A_552 {strides = array<i32>} : memref<114x114x64xf32, #tpu.memory_space<vmem>>, vector<4x112x64xf32>,
    %get3A_557 = arith.constant 0 : index
    %get3A_558 = arith.constant 0 : index
    %get3A_559 = arith.constant 39424 : index
    %get3A_560 = vector.load %arg1[%get3A_557, %get3A_558, %get3A_559] : memref<1x32x50176xf32, #tpu.memory_space<vmem>>, vector<1x32x1792xf32>
    %get3A_561 = vector.shape_cast %get3A_560 : vector<1x32x1792xf32> to vector<32x1792xf32>
    %dot_general3A_562 = arith.constant dense<0.000000e+00> : vector<1792x64xf32>
    %dot_general3A_563 = tpu.matmul %get3A_561, %get3A_11, %dot_general3A_562 {dimension_numbers = #tpu.dot_dimension_numbers<[0], [0], [1], [1], [0, 1, 1, 1], [], []>, transpose_lhs_hint = false} : vector<32x1792xf32>, vector<32x64xf32>, vector<1792x64xf32> -> vector<1792x64xf32>
    %reshape3A_564 = vector.shape_cast %dot_general3A_563 : vector<1792x64xf32> to vector<8x224x64xf32>
    %max3A_565 = arith.constant 0.000000e+00 : f32
    %max3A_566 = vector.broadcast %max3A_565 : f32 to vector<8x224x64xf32>
    %max3A_567 = arith.maximumf %reshape3A_564, %max3A_566 : vector<8x224x64xf32>
    %reshape3A_568 = vector.shape_cast %max3A_567 : vector<8x224x64xf32> to vector<8x112x2x64xf32>
    %slice3A_569 = vector.extract_strided_slice %reshape3A_568 {offsets = [0, 0, 0, 0], sizes = [8, 112, 1, 64], strides = [1, 1, 1, 1]} : vector<8x112x2x64xf32> to vector<8x112x1x64xf32>
    %squeeze3A_570 = vector.shape_cast %slice3A_569 : vector<8x112x1x64xf32> to vector<8x112x64xf32>
    %slice3A_571 = vector.extract_strided_slice %reshape3A_568 {offsets = [0, 0, 1, 0], sizes = [8, 112, 1, 64], strides = [1, 1, 1, 1]} : vector<8x112x2x64xf32> to vector<8x112x1x64xf32>
    %squeeze3A_572 = vector.shape_cast %slice3A_571 : vector<8x112x1x64xf32> to vector<8x112x64xf32>
    %max3A_573 = arith.maximumf %squeeze3A_570, %squeeze3A_572 : vector<8x112x64xf32>
    %reshape3A_574 = vector.shape_cast %max3A_573 : vector<8x112x64xf32> to vector<4x224x64xf32>
    %slice3A_575 = vector.extract_strided_slice %reshape3A_574 {offsets = [0, 0, 0], sizes = [4, 112, 64], strides = [1, 1, 1]} : vector<4x224x64xf32> to vector<4x112x64xf32>
    %slice3A_576 = vector.extract_strided_slice %reshape3A_574 {offsets = [0, 112, 0], sizes = [4, 112, 64], strides = [1, 1, 1]} : vector<4x224x64xf32> to vector<4x112x64xf32>
    %max3A_577 = arith.maximumf %slice3A_575, %slice3A_576 : vector<4x112x64xf32>
    %swap3A_578 = arith.constant 89 : index
    %swap3A_579 = arith.constant 1 : index
    %swap3A_580 = arith.constant 0 : index
    %swap3A_581 = vector.load %arg8[%swap3A_578, %swap3A_579, %swap3A_580] : memref<114x114x64xf32, #tpu.memory_space<vmem>>, vector<4x112x64xf32>
    tpu.vector_store %arg8[%swap3A_578, %swap3A_579, %swap3A_580], %max3A_577 {strides = array<i32>} : memref<114x114x64xf32, #tpu.memory_space<vmem>>, vector<4x112x64xf32>,
    %get3A_582 = arith.constant 0 : index
    %get3A_583 = arith.constant 0 : index
    %get3A_584 = arith.constant 41216 : index
    %get3A_585 = vector.load %arg1[%get3A_582, %get3A_583, %get3A_584] : memref<1x32x50176xf32, #tpu.memory_space<vmem>>, vector<1x32x1792xf32>
    %get3A_586 = vector.shape_cast %get3A_585 : vector<1x32x1792xf32> to vector<32x1792xf32>
    %dot_general3A_587 = arith.constant dense<0.000000e+00> : vector<1792x64xf32>
    %dot_general3A_588 = tpu.matmul %get3A_586, %get3A_11, %dot_general3A_587 {dimension_numbers = #tpu.dot_dimension_numbers<[0], [0], [1], [1], [0, 1, 1, 1], [], []>, transpose_lhs_hint = false} : vector<32x1792xf32>, vector<32x64xf32>, vector<1792x64xf32> -> vector<1792x64xf32>
    %reshape3A_589 = vector.shape_cast %dot_general3A_588 : vector<1792x64xf32> to vector<8x224x64xf32>
    %max3A_590 = arith.constant 0.000000e+00 : f32
    %max3A_591 = vector.broadcast %max3A_590 : f32 to vector<8x224x64xf32>
    %max3A_592 = arith.maximumf %reshape3A_589, %max3A_591 : vector<8x224x64xf32>
    %reshape3A_593 = vector.shape_cast %max3A_592 : vector<8x224x64xf32> to vector<8x112x2x64xf32>
    %slice3A_594 = vector.extract_strided_slice %reshape3A_593 {offsets = [0, 0, 0, 0], sizes = [8, 112, 1, 64], strides = [1, 1, 1, 1]} : vector<8x112x2x64xf32> to vector<8x112x1x64xf32>
    %squeeze3A_595 = vector.shape_cast %slice3A_594 : vector<8x112x1x64xf32> to vector<8x112x64xf32>
    %slice3A_596 = vector.extract_strided_slice %reshape3A_593 {offsets = [0, 0, 1, 0], sizes = [8, 112, 1, 64], strides = [1, 1, 1, 1]} : vector<8x112x2x64xf32> to vector<8x112x1x64xf32>
    %squeeze3A_597 = vector.shape_cast %slice3A_596 : vector<8x112x1x64xf32> to vector<8x112x64xf32>
    %max3A_598 = arith.maximumf %squeeze3A_595, %squeeze3A_597 : vector<8x112x64xf32>
    %reshape3A_599 = vector.shape_cast %max3A_598 : vector<8x112x64xf32> to vector<4x224x64xf32>
    %slice3A_600 = vector.extract_strided_slice %reshape3A_599 {offsets = [0, 0, 0], sizes = [4, 112, 64], strides = [1, 1, 1]} : vector<4x224x64xf32> to vector<4x112x64xf32>
    %slice3A_601 = vector.extract_strided_slice %reshape3A_599 {offsets = [0, 112, 0], sizes = [4, 112, 64], strides = [1, 1, 1]} : vector<4x224x64xf32> to vector<4x112x64xf32>
    %max3A_602 = arith.maximumf %slice3A_600, %slice3A_601 : vector<4x112x64xf32>
    %swap3A_603 = arith.constant 93 : index
    %swap3A_604 = arith.constant 1 : index
    %swap3A_605 = arith.constant 0 : index
    %swap3A_606 = vector.load %arg8[%swap3A_603, %swap3A_604, %swap3A_605] : memref<114x114x64xf32, #tpu.memory_space<vmem>>, vector<4x112x64xf32>
    tpu.vector_store %arg8[%swap3A_603, %swap3A_604, %swap3A_605], %max3A_602 {strides = array<i32>} : memref<114x114x64xf32, #tpu.memory_space<vmem>>, vector<4x112x64xf32>,
    %get3A_607 = arith.constant 0 : index
    %get3A_608 = arith.constant 0 : index
    %get3A_609 = arith.constant 43008 : index
    %get3A_610 = vector.load %arg1[%get3A_607, %get3A_608, %get3A_609] : memref<1x32x50176xf32, #tpu.memory_space<vmem>>, vector<1x32x1792xf32>
    %get3A_611 = vector.shape_cast %get3A_610 : vector<1x32x1792xf32> to vector<32x1792xf32>
    %dot_general3A_612 = arith.constant dense<0.000000e+00> : vector<1792x64xf32>
    %dot_general3A_613 = tpu.matmul %get3A_611, %get3A_11, %dot_general3A_612 {dimension_numbers = #tpu.dot_dimension_numbers<[0], [0], [1], [1], [0, 1, 1, 1], [], []>, transpose_lhs_hint = false} : vector<32x1792xf32>, vector<32x64xf32>, vector<1792x64xf32> -> vector<1792x64xf32>
    %reshape3A_614 = vector.shape_cast %dot_general3A_613 : vector<1792x64xf32> to vector<8x224x64xf32>
    %max3A_615 = arith.constant 0.000000e+00 : f32
    %max3A_616 = vector.broadcast %max3A_615 : f32 to vector<8x224x64xf32>
    %max3A_617 = arith.maximumf %reshape3A_614, %max3A_616 : vector<8x224x64xf32>
    %reshape3A_618 = vector.shape_cast %max3A_617 : vector<8x224x64xf32> to vector<8x112x2x64xf32>
    %slice3A_619 = vector.extract_strided_slice %reshape3A_618 {offsets = [0, 0, 0, 0], sizes = [8, 112, 1, 64], strides = [1, 1, 1, 1]} : vector<8x112x2x64xf32> to vector<8x112x1x64xf32>
    %squeeze3A_620 = vector.shape_cast %slice3A_619 : vector<8x112x1x64xf32> to vector<8x112x64xf32>
    %slice3A_621 = vector.extract_strided_slice %reshape3A_618 {offsets = [0, 0, 1, 0], sizes = [8, 112, 1, 64], strides = [1, 1, 1, 1]} : vector<8x112x2x64xf32> to vector<8x112x1x64xf32>
    %squeeze3A_622 = vector.shape_cast %slice3A_621 : vector<8x112x1x64xf32> to vector<8x112x64xf32>
    %max3A_623 = arith.maximumf %squeeze3A_620, %squeeze3A_622 : vector<8x112x64xf32>
    %reshape3A_624 = vector.shape_cast %max3A_623 : vector<8x112x64xf32> to vector<4x224x64xf32>
    %slice3A_625 = vector.extract_strided_slice %reshape3A_624 {offsets = [0, 0, 0], sizes = [4, 112, 64], strides = [1, 1, 1]} : vector<4x224x64xf32> to vector<4x112x64xf32>
    %slice3A_626 = vector.extract_strided_slice %reshape3A_624 {offsets = [0, 112, 0], sizes = [4, 112, 64], strides = [1, 1, 1]} : vector<4x224x64xf32> to vector<4x112x64xf32>
    %max3A_627 = arith.maximumf %slice3A_625, %slice3A_626 : vector<4x112x64xf32>
    %swap3A_628 = arith.constant 97 : index
    %swap3A_629 = arith.constant 1 : index
    %swap3A_630 = arith.constant 0 : index
    %swap3A_631 = vector.load %arg8[%swap3A_628, %swap3A_629, %swap3A_630] : memref<114x114x64xf32, #tpu.memory_space<vmem>>, vector<4x112x64xf32>
    tpu.vector_store %arg8[%swap3A_628, %swap3A_629, %swap3A_630], %max3A_627 {strides = array<i32>} : memref<114x114x64xf32, #tpu.memory_space<vmem>>, vector<4x112x64xf32>,
    %get3A_632 = arith.constant 0 : index
    %get3A_633 = arith.constant 0 : index
    %get3A_634 = arith.constant 44800 : index
    %get3A_635 = vector.load %arg1[%get3A_632, %get3A_633, %get3A_634] : memref<1x32x50176xf32, #tpu.memory_space<vmem>>, vector<1x32x1792xf32>
    %get3A_636 = vector.shape_cast %get3A_635 : vector<1x32x1792xf32> to vector<32x1792xf32>
    %dot_general3A_637 = arith.constant dense<0.000000e+00> : vector<1792x64xf32>
    %dot_general3A_638 = tpu.matmul %get3A_636, %get3A_11, %dot_general3A_637 {dimension_numbers = #tpu.dot_dimension_numbers<[0], [0], [1], [1], [0, 1, 1, 1], [], []>, transpose_lhs_hint = false} : vector<32x1792xf32>, vector<32x64xf32>, vector<1792x64xf32> -> vector<1792x64xf32>
    %reshape3A_639 = vector.shape_cast %dot_general3A_638 : vector<1792x64xf32> to vector<8x224x64xf32>
    %max3A_640 = arith.constant 0.000000e+00 : f32
    %max3A_641 = vector.broadcast %max3A_640 : f32 to vector<8x224x64xf32>
    %max3A_642 = arith.maximumf %reshape3A_639, %max3A_641 : vector<8x224x64xf32>
    %reshape3A_643 = vector.shape_cast %max3A_642 : vector<8x224x64xf32> to vector<8x112x2x64xf32>
    %slice3A_644 = vector.extract_strided_slice %reshape3A_643 {offsets = [0, 0, 0, 0], sizes = [8, 112, 1, 64], strides = [1, 1, 1, 1]} : vector<8x112x2x64xf32> to vector<8x112x1x64xf32>
    %squeeze3A_645 = vector.shape_cast %slice3A_644 : vector<8x112x1x64xf32> to vector<8x112x64xf32>
    %slice3A_646 = vector.extract_strided_slice %reshape3A_643 {offsets = [0, 0, 1, 0], sizes = [8, 112, 1, 64], strides = [1, 1, 1, 1]} : vector<8x112x2x64xf32> to vector<8x112x1x64xf32>
    %squeeze3A_647 = vector.shape_cast %slice3A_646 : vector<8x112x1x64xf32> to vector<8x112x64xf32>
    %max3A_648 = arith.maximumf %squeeze3A_645, %squeeze3A_647 : vector<8x112x64xf32>
    %reshape3A_649 = vector.shape_cast %max3A_648 : vector<8x112x64xf32> to vector<4x224x64xf32>
    %slice3A_650 = vector.extract_strided_slice %reshape3A_649 {offsets = [0, 0, 0], sizes = [4, 112, 64], strides = [1, 1, 1]} : vector<4x224x64xf32> to vector<4x112x64xf32>
    %slice3A_651 = vector.extract_strided_slice %reshape3A_649 {offsets = [0, 112, 0], sizes = [4, 112, 64], strides = [1, 1, 1]} : vector<4x224x64xf32> to vector<4x112x64xf32>
    %max3A_652 = arith.maximumf %slice3A_650, %slice3A_651 : vector<4x112x64xf32>
    %swap3A_653 = arith.constant 101 : index
    %swap3A_654 = arith.constant 1 : index
    %swap3A_655 = arith.constant 0 : index
    %swap3A_656 = vector.load %arg8[%swap3A_653, %swap3A_654, %swap3A_655] : memref<114x114x64xf32, #tpu.memory_space<vmem>>, vector<4x112x64xf32>
    tpu.vector_store %arg8[%swap3A_653, %swap3A_654, %swap3A_655], %max3A_652 {strides = array<i32>} : memref<114x114x64xf32, #tpu.memory_space<vmem>>, vector<4x112x64xf32>,
    %get3A_657 = arith.constant 0 : index
    %get3A_658 = arith.constant 0 : index
    %get3A_659 = arith.constant 46592 : index
    %get3A_660 = vector.load %arg1[%get3A_657, %get3A_658, %get3A_659] : memref<1x32x50176xf32, #tpu.memory_space<vmem>>, vector<1x32x1792xf32>
    %get3A_661 = vector.shape_cast %get3A_660 : vector<1x32x1792xf32> to vector<32x1792xf32>
    %dot_general3A_662 = arith.constant dense<0.000000e+00> : vector<1792x64xf32>
    %dot_general3A_663 = tpu.matmul %get3A_661, %get3A_11, %dot_general3A_662 {dimension_numbers = #tpu.dot_dimension_numbers<[0], [0], [1], [1], [0, 1, 1, 1], [], []>, transpose_lhs_hint = false} : vector<32x1792xf32>, vector<32x64xf32>, vector<1792x64xf32> -> vector<1792x64xf32>
    %reshape3A_664 = vector.shape_cast %dot_general3A_663 : vector<1792x64xf32> to vector<8x224x64xf32>
    %max3A_665 = arith.constant 0.000000e+00 : f32
    %max3A_666 = vector.broadcast %max3A_665 : f32 to vector<8x224x64xf32>
    %max3A_667 = arith.maximumf %reshape3A_664, %max3A_666 : vector<8x224x64xf32>
    %reshape3A_668 = vector.shape_cast %max3A_667 : vector<8x224x64xf32> to vector<8x112x2x64xf32>
    %slice3A_669 = vector.extract_strided_slice %reshape3A_668 {offsets = [0, 0, 0, 0], sizes = [8, 112, 1, 64], strides = [1, 1, 1, 1]} : vector<8x112x2x64xf32> to vector<8x112x1x64xf32>
    %squeeze3A_670 = vector.shape_cast %slice3A_669 : vector<8x112x1x64xf32> to vector<8x112x64xf32>
    %slice3A_671 = vector.extract_strided_slice %reshape3A_668 {offsets = [0, 0, 1, 0], sizes = [8, 112, 1, 64], strides = [1, 1, 1, 1]} : vector<8x112x2x64xf32> to vector<8x112x1x64xf32>
    %squeeze3A_672 = vector.shape_cast %slice3A_671 : vector<8x112x1x64xf32> to vector<8x112x64xf32>
    %max3A_673 = arith.maximumf %squeeze3A_670, %squeeze3A_672 : vector<8x112x64xf32>
    %reshape3A_674 = vector.shape_cast %max3A_673 : vector<8x112x64xf32> to vector<4x224x64xf32>
    %slice3A_675 = vector.extract_strided_slice %reshape3A_674 {offsets = [0, 0, 0], sizes = [4, 112, 64], strides = [1, 1, 1]} : vector<4x224x64xf32> to vector<4x112x64xf32>
    %slice3A_676 = vector.extract_strided_slice %reshape3A_674 {offsets = [0, 112, 0], sizes = [4, 112, 64], strides = [1, 1, 1]} : vector<4x224x64xf32> to vector<4x112x64xf32>
    %max3A_677 = arith.maximumf %slice3A_675, %slice3A_676 : vector<4x112x64xf32>
    %swap3A_678 = arith.constant 105 : index
    %swap3A_679 = arith.constant 1 : index
    %swap3A_680 = arith.constant 0 : index
    %swap3A_681 = vector.load %arg8[%swap3A_678, %swap3A_679, %swap3A_680] : memref<114x114x64xf32, #tpu.memory_space<vmem>>, vector<4x112x64xf32>
    tpu.vector_store %arg8[%swap3A_678, %swap3A_679, %swap3A_680], %max3A_677 {strides = array<i32>} : memref<114x114x64xf32, #tpu.memory_space<vmem>>, vector<4x112x64xf32>,
    %get3A_682 = arith.constant 0 : index
    %get3A_683 = arith.constant 0 : index
    %get3A_684 = arith.constant 48384 : index
    %get3A_685 = vector.load %arg1[%get3A_682, %get3A_683, %get3A_684] : memref<1x32x50176xf32, #tpu.memory_space<vmem>>, vector<1x32x1792xf32>
    %get3A_686 = vector.shape_cast %get3A_685 : vector<1x32x1792xf32> to vector<32x1792xf32>
    %dot_general3A_687 = arith.constant dense<0.000000e+00> : vector<1792x64xf32>
    %dot_general3A_688 = tpu.matmul %get3A_686, %get3A_11, %dot_general3A_687 {dimension_numbers = #tpu.dot_dimension_numbers<[0], [0], [1], [1], [0, 1, 1, 1], [], []>, transpose_lhs_hint = false} : vector<32x1792xf32>, vector<32x64xf32>, vector<1792x64xf32> -> vector<1792x64xf32>
    %reshape3A_689 = vector.shape_cast %dot_general3A_688 : vector<1792x64xf32> to vector<8x224x64xf32>
    %max3A_690 = arith.constant 0.000000e+00 : f32
    %max3A_691 = vector.broadcast %max3A_690 : f32 to vector<8x224x64xf32>
    %max3A_692 = arith.maximumf %reshape3A_689, %max3A_691 : vector<8x224x64xf32>
    %reshape3A_693 = vector.shape_cast %max3A_692 : vector<8x224x64xf32> to vector<8x112x2x64xf32>
    %slice3A_694 = vector.extract_strided_slice %reshape3A_693 {offsets = [0, 0, 0, 0], sizes = [8, 112, 1, 64], strides = [1, 1, 1, 1]} : vector<8x112x2x64xf32> to vector<8x112x1x64xf32>
    %squeeze3A_695 = vector.shape_cast %slice3A_694 : vector<8x112x1x64xf32> to vector<8x112x64xf32>
    %slice3A_696 = vector.extract_strided_slice %reshape3A_693 {offsets = [0, 0, 1, 0], sizes = [8, 112, 1, 64], strides = [1, 1, 1, 1]} : vector<8x112x2x64xf32> to vector<8x112x1x64xf32>
    %squeeze3A_697 = vector.shape_cast %slice3A_696 : vector<8x112x1x64xf32> to vector<8x112x64xf32>
    %max3A_698 = arith.maximumf %squeeze3A_695, %squeeze3A_697 : vector<8x112x64xf32>
    %reshape3A_699 = vector.shape_cast %max3A_698 : vector<8x112x64xf32> to vector<4x224x64xf32>
    %slice3A_700 = vector.extract_strided_slice %reshape3A_699 {offsets = [0, 0, 0], sizes = [4, 112, 64], strides = [1, 1, 1]} : vector<4x224x64xf32> to vector<4x112x64xf32>
    %slice3A_701 = vector.extract_strided_slice %reshape3A_699 {offsets = [0, 112, 0], sizes = [4, 112, 64], strides = [1, 1, 1]} : vector<4x224x64xf32> to vector<4x112x64xf32>
    %max3A_702 = arith.maximumf %slice3A_700, %slice3A_701 : vector<4x112x64xf32>
    %swap3A_703 = arith.constant 109 : index
    %swap3A_704 = arith.constant 1 : index
    %swap3A_705 = arith.constant 0 : index
    %swap3A_706 = vector.load %arg8[%swap3A_703, %swap3A_704, %swap3A_705] : memref<114x114x64xf32, #tpu.memory_space<vmem>>, vector<4x112x64xf32>
    tpu.vector_store %arg8[%swap3A_703, %swap3A_704, %swap3A_705], %max3A_702 {strides = array<i32>} : memref<114x114x64xf32, #tpu.memory_space<vmem>>, vector<4x112x64xf32>,
    %get3A_707 = arith.constant 0 : index
    %get3A_708 = arith.constant 0 : index
    %get3A_709 = arith.constant 0 : index
    %get3A_710 = vector.load %arg3[%get3A_707, %get3A_708, %get3A_709] : memref<9x64x128xf32, #tpu.memory_space<vmem>>, vector<9x64x128xf32>
    %broadcast_in_dim3A_711 = arith.constant 0.000000e+00 : f32
    %broadcast_in_dim3A_712 = vector.broadcast %broadcast_in_dim3A_711 : f32 to vector<1568x128xf32>
    %get3A_713 = arith.constant 0 : index
    %get3A_714 = arith.constant 0 : index
    %get3A_715 = arith.constant 0 : index
    %get3A_716 = vector.load %arg8[%get3A_713, %get3A_714, %get3A_715] : memref<114x114x64xf32, #tpu.memory_space<vmem>>, vector<16x112x64xf32>
    %slice3A_717 = vector.extract_strided_slice %get3A_716 {offsets = [0, 0, 0], sizes = [14, 112, 64], strides = [1, 1, 1]} : vector<16x112x64xf32> to vector<14x112x64xf32>
    %reshape3A_718 = vector.shape_cast %slice3A_717 : vector<14x112x64xf32> to vector<1568x64xf32>
    %slice3A_719 = vector.extract_strided_slice %get3A_710 {offsets = [0, 0, 0], sizes = [1, 64, 128], strides = [1, 1, 1]} : vector<9x64x128xf32> to vector<1x64x128xf32>
    %squeeze3A_720 = vector.shape_cast %slice3A_719 : vector<1x64x128xf32> to vector<64x128xf32>
    %dot_general3A_721 = arith.constant dense<0.000000e+00> : vector<1568x128xf32>
    %dot_general3A_722 = tpu.matmul %reshape3A_718, %squeeze3A_720, %dot_general3A_721 {dimension_numbers = #tpu.dot_dimension_numbers<[1], [0], [0], [1], [0, 0, 1, 1], [], []>, transpose_lhs_hint = false} : vector<1568x64xf32>, vector<64x128xf32>, vector<1568x128xf32> -> vector<1568x128xf32>
    %add3A = arith.addf %broadcast_in_dim3A_712, %dot_general3A_722 : vector<1568x128xf32>
    %slice3A_723 = vector.extract_strided_slice %get3A_716 {offsets = [1, 0, 0], sizes = [14, 112, 64], strides = [1, 1, 1]} : vector<16x112x64xf32> to vector<14x112x64xf32>
    %reshape3A_724 = vector.shape_cast %slice3A_723 : vector<14x112x64xf32> to vector<1568x64xf32>
    %slice3A_725 = vector.extract_strided_slice %get3A_710 {offsets = [3, 0, 0], sizes = [1, 64, 128], strides = [1, 1, 1]} : vector<9x64x128xf32> to vector<1x64x128xf32>
    %squeeze3A_726 = vector.shape_cast %slice3A_725 : vector<1x64x128xf32> to vector<64x128xf32>
    %dot_general3A_727 = arith.constant dense<0.000000e+00> : vector<1568x128xf32>
    %dot_general3A_728 = tpu.matmul %reshape3A_724, %squeeze3A_726, %dot_general3A_727 {dimension_numbers = #tpu.dot_dimension_numbers<[1], [0], [0], [1], [0, 0, 1, 1], [], []>, transpose_lhs_hint = false} : vector<1568x64xf32>, vector<64x128xf32>, vector<1568x128xf32> -> vector<1568x128xf32>
    %add3A_729 = arith.addf %add3A, %dot_general3A_728 : vector<1568x128xf32>
    %slice3A_730 = vector.extract_strided_slice %get3A_716 {offsets = [2, 0, 0], sizes = [14, 112, 64], strides = [1, 1, 1]} : vector<16x112x64xf32> to vector<14x112x64xf32>
    %reshape3A_731 = vector.shape_cast %slice3A_730 : vector<14x112x64xf32> to vector<1568x64xf32>
    %slice3A_732 = vector.extract_strided_slice %get3A_710 {offsets = [6, 0, 0], sizes = [1, 64, 128], strides = [1, 1, 1]} : vector<9x64x128xf32> to vector<1x64x128xf32>
    %squeeze3A_733 = vector.shape_cast %slice3A_732 : vector<1x64x128xf32> to vector<64x128xf32>
    %dot_general3A_734 = arith.constant dense<0.000000e+00> : vector<1568x128xf32>
    %dot_general3A_735 = tpu.matmul %reshape3A_731, %squeeze3A_733, %dot_general3A_734 {dimension_numbers = #tpu.dot_dimension_numbers<[1], [0], [0], [1], [0, 0, 1, 1], [], []>, transpose_lhs_hint = false} : vector<1568x64xf32>, vector<64x128xf32>, vector<1568x128xf32> -> vector<1568x128xf32>
    %add3A_736 = arith.addf %add3A_729, %dot_general3A_735 : vector<1568x128xf32>
    %get3A_737 = arith.constant 0 : index
    %get3A_738 = arith.constant 1 : index
    %get3A_739 = arith.constant 0 : index
    %get3A_740 = vector.load %arg8[%get3A_737, %get3A_738, %get3A_739] : memref<114x114x64xf32, #tpu.memory_space<vmem>>, vector<16x112x64xf32>
    %slice3A_741 = vector.extract_strided_slice %get3A_740 {offsets = [0, 0, 0], sizes = [14, 112, 64], strides = [1, 1, 1]} : vector<16x112x64xf32> to vector<14x112x64xf32>
    %reshape3A_742 = vector.shape_cast %slice3A_741 : vector<14x112x64xf32> to vector<1568x64xf32>
    %slice3A_743 = vector.extract_strided_slice %get3A_710 {offsets = [1, 0, 0], sizes = [1, 64, 128], strides = [1, 1, 1]} : vector<9x64x128xf32> to vector<1x64x128xf32>
    %squeeze3A_744 = vector.shape_cast %slice3A_743 : vector<1x64x128xf32> to vector<64x128xf32>
    %dot_general3A_745 = arith.constant dense<0.000000e+00> : vector<1568x128xf32>
    %dot_general3A_746 = tpu.matmul %reshape3A_742, %squeeze3A_744, %dot_general3A_745 {dimension_numbers = #tpu.dot_dimension_numbers<[1], [0], [0], [1], [0, 0, 1, 1], [], []>, transpose_lhs_hint = false} : vector<1568x64xf32>, vector<64x128xf32>, vector<1568x128xf32> -> vector<1568x128xf32>
    %add3A_747 = arith.addf %add3A_736, %dot_general3A_746 : vector<1568x128xf32>
    %slice3A_748 = vector.extract_strided_slice %get3A_740 {offsets = [1, 0, 0], sizes = [14, 112, 64], strides = [1, 1, 1]} : vector<16x112x64xf32> to vector<14x112x64xf32>
    %reshape3A_749 = vector.shape_cast %slice3A_748 : vector<14x112x64xf32> to vector<1568x64xf32>
    %slice3A_750 = vector.extract_strided_slice %get3A_710 {offsets = [4, 0, 0], sizes = [1, 64, 128], strides = [1, 1, 1]} : vector<9x64x128xf32> to vector<1x64x128xf32>
    %squeeze3A_751 = vector.shape_cast %slice3A_750 : vector<1x64x128xf32> to vector<64x128xf32>
    %dot_general3A_752 = arith.constant dense<0.000000e+00> : vector<1568x128xf32>
    %dot_general3A_753 = tpu.matmul %reshape3A_749, %squeeze3A_751, %dot_general3A_752 {dimension_numbers = #tpu.dot_dimension_numbers<[1], [0], [0], [1], [0, 0, 1, 1], [], []>, transpose_lhs_hint = false} : vector<1568x64xf32>, vector<64x128xf32>, vector<1568x128xf32> -> vector<1568x128xf32>
    %add3A_754 = arith.addf %add3A_747, %dot_general3A_753 : vector<1568x128xf32>
    %slice3A_755 = vector.extract_strided_slice %get3A_740 {offsets = [2, 0, 0], sizes = [14, 112, 64], strides = [1, 1, 1]} : vector<16x112x64xf32> to vector<14x112x64xf32>
    %reshape3A_756 = vector.shape_cast %slice3A_755 : vector<14x112x64xf32> to vector<1568x64xf32>
    %slice3A_757 = vector.extract_strided_slice %get3A_710 {offsets = [7, 0, 0], sizes = [1, 64, 128], strides = [1, 1, 1]} : vector<9x64x128xf32> to vector<1x64x128xf32>
    %squeeze3A_758 = vector.shape_cast %slice3A_757 : vector<1x64x128xf32> to vector<64x128xf32>
    %dot_general3A_759 = arith.constant dense<0.000000e+00> : vector<1568x128xf32>
    %dot_general3A_760 = tpu.matmul %reshape3A_756, %squeeze3A_758, %dot_general3A_759 {dimension_numbers = #tpu.dot_dimension_numbers<[1], [0], [0], [1], [0, 0, 1, 1], [], []>, transpose_lhs_hint = false} : vector<1568x64xf32>, vector<64x128xf32>, vector<1568x128xf32> -> vector<1568x128xf32>
    %add3A_761 = arith.addf %add3A_754, %dot_general3A_760 : vector<1568x128xf32>
    %get3A_762 = arith.constant 0 : index
    %get3A_763 = arith.constant 2 : index
    %get3A_764 = arith.constant 0 : index
    %get3A_765 = vector.load %arg8[%get3A_762, %get3A_763, %get3A_764] : memref<114x114x64xf32, #tpu.memory_space<vmem>>, vector<16x112x64xf32>
    %slice3A_766 = vector.extract_strided_slice %get3A_765 {offsets = [0, 0, 0], sizes = [14, 112, 64], strides = [1, 1, 1]} : vector<16x112x64xf32> to vector<14x112x64xf32>
    %reshape3A_767 = vector.shape_cast %slice3A_766 : vector<14x112x64xf32> to vector<1568x64xf32>
    %slice3A_768 = vector.extract_strided_slice %get3A_710 {offsets = [2, 0, 0], sizes = [1, 64, 128], strides = [1, 1, 1]} : vector<9x64x128xf32> to vector<1x64x128xf32>
    %squeeze3A_769 = vector.shape_cast %slice3A_768 : vector<1x64x128xf32> to vector<64x128xf32>
    %dot_general3A_770 = arith.constant dense<0.000000e+00> : vector<1568x128xf32>
    %dot_general3A_771 = tpu.matmul %reshape3A_767, %squeeze3A_769, %dot_general3A_770 {dimension_numbers = #tpu.dot_dimension_numbers<[1], [0], [0], [1], [0, 0, 1, 1], [], []>, transpose_lhs_hint = false} : vector<1568x64xf32>, vector<64x128xf32>, vector<1568x128xf32> -> vector<1568x128xf32>
    %add3A_772 = arith.addf %add3A_761, %dot_general3A_771 : vector<1568x128xf32>
    %slice3A_773 = vector.extract_strided_slice %get3A_765 {offsets = [1, 0, 0], sizes = [14, 112, 64], strides = [1, 1, 1]} : vector<16x112x64xf32> to vector<14x112x64xf32>
    %reshape3A_774 = vector.shape_cast %slice3A_773 : vector<14x112x64xf32> to vector<1568x64xf32>
    %slice3A_775 = vector.extract_strided_slice %get3A_710 {offsets = [5, 0, 0], sizes = [1, 64, 128], strides = [1, 1, 1]} : vector<9x64x128xf32> to vector<1x64x128xf32>
    %squeeze3A_776 = vector.shape_cast %slice3A_775 : vector<1x64x128xf32> to vector<64x128xf32>
    %dot_general3A_777 = arith.constant dense<0.000000e+00> : vector<1568x128xf32>
    %dot_general3A_778 = tpu.matmul %reshape3A_774, %squeeze3A_776, %dot_general3A_777 {dimension_numbers = #tpu.dot_dimension_numbers<[1], [0], [0], [1], [0, 0, 1, 1], [], []>, transpose_lhs_hint = false} : vector<1568x64xf32>, vector<64x128xf32>, vector<1568x128xf32> -> vector<1568x128xf32>
    %add3A_779 = arith.addf %add3A_772, %dot_general3A_778 : vector<1568x128xf32>
    %slice3A_780 = vector.extract_strided_slice %get3A_765 {offsets = [2, 0, 0], sizes = [14, 112, 64], strides = [1, 1, 1]} : vector<16x112x64xf32> to vector<14x112x64xf32>
    %reshape3A_781 = vector.shape_cast %slice3A_780 : vector<14x112x64xf32> to vector<1568x64xf32>
    %slice3A_782 = vector.extract_strided_slice %get3A_710 {offsets = [8, 0, 0], sizes = [1, 64, 128], strides = [1, 1, 1]} : vector<9x64x128xf32> to vector<1x64x128xf32>
    %squeeze3A_783 = vector.shape_cast %slice3A_782 : vector<1x64x128xf32> to vector<64x128xf32>
    %dot_general3A_784 = arith.constant dense<0.000000e+00> : vector<1568x128xf32>
    %dot_general3A_785 = tpu.matmul %reshape3A_781, %squeeze3A_783, %dot_general3A_784 {dimension_numbers = #tpu.dot_dimension_numbers<[1], [0], [0], [1], [0, 0, 1, 1], [], []>, transpose_lhs_hint = false} : vector<1568x64xf32>, vector<64x128xf32>, vector<1568x128xf32> -> vector<1568x128xf32>
    %add3A_786 = arith.addf %add3A_779, %dot_general3A_785 : vector<1568x128xf32>
    %reshape3A_787 = vector.shape_cast %add3A_786 : vector<1568x128xf32> to vector<14x112x128xf32>
    %max3A_788 = arith.constant 0.000000e+00 : f32
    %max3A_789 = vector.broadcast %max3A_788 : f32 to vector<14x112x128xf32>
    %max3A_790 = arith.maximumf %reshape3A_787, %max3A_789 : vector<14x112x128xf32>
    %reshape3A_791 = vector.shape_cast %max3A_790 : vector<14x112x128xf32> to vector<14x56x2x128xf32>
    %slice3A_792 = vector.extract_strided_slice %reshape3A_791 {offsets = [0, 0, 0, 0], sizes = [14, 56, 1, 128], strides = [1, 1, 1, 1]} : vector<14x56x2x128xf32> to vector<14x56x1x128xf32>
    %squeeze3A_793 = vector.shape_cast %slice3A_792 : vector<14x56x1x128xf32> to vector<14x56x128xf32>
    %slice3A_794 = vector.extract_strided_slice %reshape3A_791 {offsets = [0, 0, 1, 0], sizes = [14, 56, 1, 128], strides = [1, 1, 1, 1]} : vector<14x56x2x128xf32> to vector<14x56x1x128xf32>
    %squeeze3A_795 = vector.shape_cast %slice3A_794 : vector<14x56x1x128xf32> to vector<14x56x128xf32>
    %max3A_796 = arith.maximumf %squeeze3A_793, %squeeze3A_795 : vector<14x56x128xf32>
    %reshape3A_797 = vector.shape_cast %max3A_796 : vector<14x56x128xf32> to vector<7x112x128xf32>
    %slice3A_798 = vector.extract_strided_slice %reshape3A_797 {offsets = [0, 0, 0], sizes = [7, 56, 128], strides = [1, 1, 1]} : vector<7x112x128xf32> to vector<7x56x128xf32>
    %slice3A_799 = vector.extract_strided_slice %reshape3A_797 {offsets = [0, 56, 0], sizes = [7, 56, 128], strides = [1, 1, 1]} : vector<7x112x128xf32> to vector<7x56x128xf32>
    %max3A_800 = arith.maximumf %slice3A_798, %slice3A_799 : vector<7x56x128xf32>
    %swap3A_801 = arith.constant 1 : index
    %swap3A_802 = arith.constant 1 : index
    %swap3A_803 = arith.constant 0 : index
    %swap3A_804 = vector.load %arg9[%swap3A_801, %swap3A_802, %swap3A_803] : memref<58x58x128xf32, #tpu.memory_space<vmem>>, vector<7x56x128xf32>
    tpu.vector_store %arg9[%swap3A_801, %swap3A_802, %swap3A_803], %max3A_800 {strides = array<i32>} : memref<58x58x128xf32, #tpu.memory_space<vmem>>, vector<7x56x128xf32>,
    %broadcast_in_dim3A_805 = arith.constant 0.000000e+00 : f32
    %broadcast_in_dim3A_806 = vector.broadcast %broadcast_in_dim3A_805 : f32 to vector<1568x128xf32>
    %get3A_807 = arith.constant 14 : index
    %get3A_808 = arith.constant 0 : index
    %get3A_809 = arith.constant 0 : index
    %get3A_810 = vector.load %arg8[%get3A_807, %get3A_808, %get3A_809] : memref<114x114x64xf32, #tpu.memory_space<vmem>>, vector<16x112x64xf32>
    %slice3A_811 = vector.extract_strided_slice %get3A_810 {offsets = [0, 0, 0], sizes = [14, 112, 64], strides = [1, 1, 1]} : vector<16x112x64xf32> to vector<14x112x64xf32>
    %reshape3A_812 = vector.shape_cast %slice3A_811 : vector<14x112x64xf32> to vector<1568x64xf32>
    %slice3A_813 = vector.extract_strided_slice %get3A_710 {offsets = [0, 0, 0], sizes = [1, 64, 128], strides = [1, 1, 1]} : vector<9x64x128xf32> to vector<1x64x128xf32>
    %squeeze3A_814 = vector.shape_cast %slice3A_813 : vector<1x64x128xf32> to vector<64x128xf32>
    %dot_general3A_815 = arith.constant dense<0.000000e+00> : vector<1568x128xf32>
    %dot_general3A_816 = tpu.matmul %reshape3A_812, %squeeze3A_814, %dot_general3A_815 {dimension_numbers = #tpu.dot_dimension_numbers<[1], [0], [0], [1], [0, 0, 1, 1], [], []>, transpose_lhs_hint = false} : vector<1568x64xf32>, vector<64x128xf32>, vector<1568x128xf32> -> vector<1568x128xf32>
    %add3A_817 = arith.addf %broadcast_in_dim3A_806, %dot_general3A_816 : vector<1568x128xf32>
    %slice3A_818 = vector.extract_strided_slice %get3A_810 {offsets = [1, 0, 0], sizes = [14, 112, 64], strides = [1, 1, 1]} : vector<16x112x64xf32> to vector<14x112x64xf32>
    %reshape3A_819 = vector.shape_cast %slice3A_818 : vector<14x112x64xf32> to vector<1568x64xf32>
    %slice3A_820 = vector.extract_strided_slice %get3A_710 {offsets = [3, 0, 0], sizes = [1, 64, 128], strides = [1, 1, 1]} : vector<9x64x128xf32> to vector<1x64x128xf32>
    %squeeze3A_821 = vector.shape_cast %slice3A_820 : vector<1x64x128xf32> to vector<64x128xf32>
    %dot_general3A_822 = arith.constant dense<0.000000e+00> : vector<1568x128xf32>
    %dot_general3A_823 = tpu.matmul %reshape3A_819, %squeeze3A_821, %dot_general3A_822 {dimension_numbers = #tpu.dot_dimension_numbers<[1], [0], [0], [1], [0, 0, 1, 1], [], []>, transpose_lhs_hint = false} : vector<1568x64xf32>, vector<64x128xf32>, vector<1568x128xf32> -> vector<1568x128xf32>
    %add3A_824 = arith.addf %add3A_817, %dot_general3A_823 : vector<1568x128xf32>
    %slice3A_825 = vector.extract_strided_slice %get3A_810 {offsets = [2, 0, 0], sizes = [14, 112, 64], strides = [1, 1, 1]} : vector<16x112x64xf32> to vector<14x112x64xf32>
    %reshape3A_826 = vector.shape_cast %slice3A_825 : vector<14x112x64xf32> to vector<1568x64xf32>
    %slice3A_827 = vector.extract_strided_slice %get3A_710 {offsets = [6, 0, 0], sizes = [1, 64, 128], strides = [1, 1, 1]} : vector<9x64x128xf32> to vector<1x64x128xf32>
    %squeeze3A_828 = vector.shape_cast %slice3A_827 : vector<1x64x128xf32> to vector<64x128xf32>
    %dot_general3A_829 = arith.constant dense<0.000000e+00> : vector<1568x128xf32>
    %dot_general3A_830 = tpu.matmul %reshape3A_826, %squeeze3A_828, %dot_general3A_829 {dimension_numbers = #tpu.dot_dimension_numbers<[1], [0], [0], [1], [0, 0, 1, 1], [], []>, transpose_lhs_hint = false} : vector<1568x64xf32>, vector<64x128xf32>, vector<1568x128xf32> -> vector<1568x128xf32>
    %add3A_831 = arith.addf %add3A_824, %dot_general3A_830 : vector<1568x128xf32>
    %get3A_832 = arith.constant 14 : index
    %get3A_833 = arith.constant 1 : index
    %get3A_834 = arith.constant 0 : index
    %get3A_835 = vector.load %arg8[%get3A_832, %get3A_833, %get3A_834] : memref<114x114x64xf32, #tpu.memory_space<vmem>>, vector<16x112x64xf32>
    %slice3A_836 = vector.extract_strided_slice %get3A_835 {offsets = [0, 0, 0], sizes = [14, 112, 64], strides = [1, 1, 1]} : vector<16x112x64xf32> to vector<14x112x64xf32>
    %reshape3A_837 = vector.shape_cast %slice3A_836 : vector<14x112x64xf32> to vector<1568x64xf32>
    %slice3A_838 = vector.extract_strided_slice %get3A_710 {offsets = [1, 0, 0], sizes = [1, 64, 128], strides = [1, 1, 1]} : vector<9x64x128xf32> to vector<1x64x128xf32>
    %squeeze3A_839 = vector.shape_cast %slice3A_838 : vector<1x64x128xf32> to vector<64x128xf32>
    %dot_general3A_840 = arith.constant dense<0.000000e+00> : vector<1568x128xf32>
    %dot_general3A_841 = tpu.matmul %reshape3A_837, %squeeze3A_839, %dot_general3A_840 {dimension_numbers = #tpu.dot_dimension_numbers<[1], [0], [0], [1], [0, 0, 1, 1], [], []>, transpose_lhs_hint = false} : vector<1568x64xf32>, vector<64x128xf32>, vector<1568x128xf32> -> vector<1568x128xf32>
    %add3A_842 = arith.addf %add3A_831, %dot_general3A_841 : vector<1568x128xf32>
    %slice3A_843 = vector.extract_strided_slice %get3A_835 {offsets = [1, 0, 0], sizes = [14, 112, 64], strides = [1, 1, 1]} : vector<16x112x64xf32> to vector<14x112x64xf32>
    %reshape3A_844 = vector.shape_cast %slice3A_843 : vector<14x112x64xf32> to vector<1568x64xf32>
    %slice3A_845 = vector.extract_strided_slice %get3A_710 {offsets = [4, 0, 0], sizes = [1, 64, 128], strides = [1, 1, 1]} : vector<9x64x128xf32> to vector<1x64x128xf32>
    %squeeze3A_846 = vector.shape_cast %slice3A_845 : vector<1x64x128xf32> to vector<64x128xf32>
    %dot_general3A_847 = arith.constant dense<0.000000e+00> : vector<1568x128xf32>
    %dot_general3A_848 = tpu.matmul %reshape3A_844, %squeeze3A_846, %dot_general3A_847 {dimension_numbers = #tpu.dot_dimension_numbers<[1], [0], [0], [1], [0, 0, 1, 1], [], []>, transpose_lhs_hint = false} : vector<1568x64xf32>, vector<64x128xf32>, vector<1568x128xf32> -> vector<1568x128xf32>
    %add3A_849 = arith.addf %add3A_842, %dot_general3A_848 : vector<1568x128xf32>
    %slice3A_850 = vector.extract_strided_slice %get3A_835 {offsets = [2, 0, 0], sizes = [14, 112, 64], strides = [1, 1, 1]} : vector<16x112x64xf32> to vector<14x112x64xf32>
    %reshape3A_851 = vector.shape_cast %slice3A_850 : vector<14x112x64xf32> to vector<1568x64xf32>
    %slice3A_852 = vector.extract_strided_slice %get3A_710 {offsets = [7, 0, 0], sizes = [1, 64, 128], strides = [1, 1, 1]} : vector<9x64x128xf32> to vector<1x64x128xf32>
    %squeeze3A_853 = vector.shape_cast %slice3A_852 : vector<1x64x128xf32> to vector<64x128xf32>
    %dot_general3A_854 = arith.constant dense<0.000000e+00> : vector<1568x128xf32>
    %dot_general3A_855 = tpu.matmul %reshape3A_851, %squeeze3A_853, %dot_general3A_854 {dimension_numbers = #tpu.dot_dimension_numbers<[1], [0], [0], [1], [0, 0, 1, 1], [], []>, transpose_lhs_hint = false} : vector<1568x64xf32>, vector<64x128xf32>, vector<1568x128xf32> -> vector<1568x128xf32>
    %add3A_856 = arith.addf %add3A_849, %dot_general3A_855 : vector<1568x128xf32>
    %get3A_857 = arith.constant 14 : index
    %get3A_858 = arith.constant 2 : index
    %get3A_859 = arith.constant 0 : index
    %get3A_860 = vector.load %arg8[%get3A_857, %get3A_858, %get3A_859] : memref<114x114x64xf32, #tpu.memory_space<vmem>>, vector<16x112x64xf32>
    %slice3A_861 = vector.extract_strided_slice %get3A_860 {offsets = [0, 0, 0], sizes = [14, 112, 64], strides = [1, 1, 1]} : vector<16x112x64xf32> to vector<14x112x64xf32>
    %reshape3A_862 = vector.shape_cast %slice3A_861 : vector<14x112x64xf32> to vector<1568x64xf32>
    %slice3A_863 = vector.extract_strided_slice %get3A_710 {offsets = [2, 0, 0], sizes = [1, 64, 128], strides = [1, 1, 1]} : vector<9x64x128xf32> to vector<1x64x128xf32>
    %squeeze3A_864 = vector.shape_cast %slice3A_863 : vector<1x64x128xf32> to vector<64x128xf32>
    %dot_general3A_865 = arith.constant dense<0.000000e+00> : vector<1568x128xf32>
    %dot_general3A_866 = tpu.matmul %reshape3A_862, %squeeze3A_864, %dot_general3A_865 {dimension_numbers = #tpu.dot_dimension_numbers<[1], [0], [0], [1], [0, 0, 1, 1], [], []>, transpose_lhs_hint = false} : vector<1568x64xf32>, vector<64x128xf32>, vector<1568x128xf32> -> vector<1568x128xf32>
    %add3A_867 = arith.addf %add3A_856, %dot_general3A_866 : vector<1568x128xf32>
    %slice3A_868 = vector.extract_strided_slice %get3A_860 {offsets = [1, 0, 0], sizes = [14, 112, 64], strides = [1, 1, 1]} : vector<16x112x64xf32> to vector<14x112x64xf32>
    %reshape3A_869 = vector.shape_cast %slice3A_868 : vector<14x112x64xf32> to vector<1568x64xf32>
    %slice3A_870 = vector.extract_strided_slice %get3A_710 {offsets = [5, 0, 0], sizes = [1, 64, 128], strides = [1, 1, 1]} : vector<9x64x128xf32> to vector<1x64x128xf32>
    %squeeze3A_871 = vector.shape_cast %slice3A_870 : vector<1x64x128xf32> to vector<64x128xf32>
    %dot_general3A_872 = arith.constant dense<0.000000e+00> : vector<1568x128xf32>
    %dot_general3A_873 = tpu.matmul %reshape3A_869, %squeeze3A_871, %dot_general3A_872 {dimension_numbers = #tpu.dot_dimension_numbers<[1], [0], [0], [1], [0, 0, 1, 1], [], []>, transpose_lhs_hint = false} : vector<1568x64xf32>, vector<64x128xf32>, vector<1568x128xf32> -> vector<1568x128xf32>
    %add3A_874 = arith.addf %add3A_867, %dot_general3A_873 : vector<1568x128xf32>
    %slice3A_875 = vector.extract_strided_slice %get3A_860 {offsets = [2, 0, 0], sizes = [14, 112, 64], strides = [1, 1, 1]} : vector<16x112x64xf32> to vector<14x112x64xf32>
    %reshape3A_876 = vector.shape_cast %slice3A_875 : vector<14x112x64xf32> to vector<1568x64xf32>
    %slice3A_877 = vector.extract_strided_slice %get3A_710 {offsets = [8, 0, 0], sizes = [1, 64, 128], strides = [1, 1, 1]} : vector<9x64x128xf32> to vector<1x64x128xf32>
    %squeeze3A_878 = vector.shape_cast %slice3A_877 : vector<1x64x128xf32> to vector<64x128xf32>
    %dot_general3A_879 = arith.constant dense<0.000000e+00> : vector<1568x128xf32>
    %dot_general3A_880 = tpu.matmul %reshape3A_876, %squeeze3A_878, %dot_general3A_879 {dimension_numbers = #tpu.dot_dimension_numbers<[1], [0], [0], [1], [0, 0, 1, 1], [], []>, transpose_lhs_hint = false} : vector<1568x64xf32>, vector<64x128xf32>, vector<1568x128xf32> -> vector<1568x128xf32>
    %add3A_881 = arith.addf %add3A_874, %dot_general3A_880 : vector<1568x128xf32>
    %reshape3A_882 = vector.shape_cast %add3A_881 : vector<1568x128xf32> to vector<14x112x128xf32>
    %max3A_883 = arith.constant 0.000000e+00 : f32
    %max3A_884 = vector.broadcast %max3A_883 : f32 to vector<14x112x128xf32>
    %max3A_885 = arith.maximumf %reshape3A_882, %max3A_884 : vector<14x112x128xf32>
    %reshape3A_886 = vector.shape_cast %max3A_885 : vector<14x112x128xf32> to vector<14x56x2x128xf32>
    %slice3A_887 = vector.extract_strided_slice %reshape3A_886 {offsets = [0, 0, 0, 0], sizes = [14, 56, 1, 128], strides = [1, 1, 1, 1]} : vector<14x56x2x128xf32> to vector<14x56x1x128xf32>
    %squeeze3A_888 = vector.shape_cast %slice3A_887 : vector<14x56x1x128xf32> to vector<14x56x128xf32>
    %slice3A_889 = vector.extract_strided_slice %reshape3A_886 {offsets = [0, 0, 1, 0], sizes = [14, 56, 1, 128], strides = [1, 1, 1, 1]} : vector<14x56x2x128xf32> to vector<14x56x1x128xf32>
    %squeeze3A_890 = vector.shape_cast %slice3A_889 : vector<14x56x1x128xf32> to vector<14x56x128xf32>
    %max3A_891 = arith.maximumf %squeeze3A_888, %squeeze3A_890 : vector<14x56x128xf32>
    %reshape3A_892 = vector.shape_cast %max3A_891 : vector<14x56x128xf32> to vector<7x112x128xf32>
    %slice3A_893 = vector.extract_strided_slice %reshape3A_892 {offsets = [0, 0, 0], sizes = [7, 56, 128], strides = [1, 1, 1]} : vector<7x112x128xf32> to vector<7x56x128xf32>
    %slice3A_894 = vector.extract_strided_slice %reshape3A_892 {offsets = [0, 56, 0], sizes = [7, 56, 128], strides = [1, 1, 1]} : vector<7x112x128xf32> to vector<7x56x128xf32>
    %max3A_895 = arith.maximumf %slice3A_893, %slice3A_894 : vector<7x56x128xf32>
    %swap3A_896 = arith.constant 8 : index
    %swap3A_897 = arith.constant 1 : index
    %swap3A_898 = arith.constant 0 : index
    %swap3A_899 = vector.load %arg9[%swap3A_896, %swap3A_897, %swap3A_898] : memref<58x58x128xf32, #tpu.memory_space<vmem>>, vector<7x56x128xf32>
    tpu.vector_store %arg9[%swap3A_896, %swap3A_897, %swap3A_898], %max3A_895 {strides = array<i32>} : memref<58x58x128xf32, #tpu.memory_space<vmem>>, vector<7x56x128xf32>,
    %broadcast_in_dim3A_900 = arith.constant 0.000000e+00 : f32
    %broadcast_in_dim3A_901 = vector.broadcast %broadcast_in_dim3A_900 : f32 to vector<1568x128xf32>
    %get3A_902 = arith.constant 28 : index
    %get3A_903 = arith.constant 0 : index
    %get3A_904 = arith.constant 0 : index
    %get3A_905 = vector.load %arg8[%get3A_902, %get3A_903, %get3A_904] : memref<114x114x64xf32, #tpu.memory_space<vmem>>, vector<16x112x64xf32>
    %slice3A_906 = vector.extract_strided_slice %get3A_905 {offsets = [0, 0, 0], sizes = [14, 112, 64], strides = [1, 1, 1]} : vector<16x112x64xf32> to vector<14x112x64xf32>
    %reshape3A_907 = vector.shape_cast %slice3A_906 : vector<14x112x64xf32> to vector<1568x64xf32>
    %slice3A_908 = vector.extract_strided_slice %get3A_710 {offsets = [0, 0, 0], sizes = [1, 64, 128], strides = [1, 1, 1]} : vector<9x64x128xf32> to vector<1x64x128xf32>
    %squeeze3A_909 = vector.shape_cast %slice3A_908 : vector<1x64x128xf32> to vector<64x128xf32>
    %dot_general3A_910 = arith.constant dense<0.000000e+00> : vector<1568x128xf32>
    %dot_general3A_911 = tpu.matmul %reshape3A_907, %squeeze3A_909, %dot_general3A_910 {dimension_numbers = #tpu.dot_dimension_numbers<[1], [0], [0], [1], [0, 0, 1, 1], [], []>, transpose_lhs_hint = false} : vector<1568x64xf32>, vector<64x128xf32>, vector<1568x128xf32> -> vector<1568x128xf32>
    %add3A_912 = arith.addf %broadcast_in_dim3A_901, %dot_general3A_911 : vector<1568x128xf32>
    %slice3A_913 = vector.extract_strided_slice %get3A_905 {offsets = [1, 0, 0], sizes = [14, 112, 64], strides = [1, 1, 1]} : vector<16x112x64xf32> to vector<14x112x64xf32>
    %reshape3A_914 = vector.shape_cast %slice3A_913 : vector<14x112x64xf32> to vector<1568x64xf32>
    %slice3A_915 = vector.extract_strided_slice %get3A_710 {offsets = [3, 0, 0], sizes = [1, 64, 128], strides = [1, 1, 1]} : vector<9x64x128xf32> to vector<1x64x128xf32>
    %squeeze3A_916 = vector.shape_cast %slice3A_915 : vector<1x64x128xf32> to vector<64x128xf32>
    %dot_general3A_917 = arith.constant dense<0.000000e+00> : vector<1568x128xf32>
    %dot_general3A_918 = tpu.matmul %reshape3A_914, %squeeze3A_916, %dot_general3A_917 {dimension_numbers = #tpu.dot_dimension_numbers<[1], [0], [0], [1], [0, 0, 1, 1], [], []>, transpose_lhs_hint = false} : vector<1568x64xf32>, vector<64x128xf32>, vector<1568x128xf32> -> vector<1568x128xf32>
    %add3A_919 = arith.addf %add3A_912, %dot_general3A_918 : vector<1568x128xf32>
    %slice3A_920 = vector.extract_strided_slice %get3A_905 {offsets = [2, 0, 0], sizes = [14, 112, 64], strides = [1, 1, 1]} : vector<16x112x64xf32> to vector<14x112x64xf32>
    %reshape3A_921 = vector.shape_cast %slice3A_920 : vector<14x112x64xf32> to vector<1568x64xf32>
    %slice3A_922 = vector.extract_strided_slice %get3A_710 {offsets = [6, 0, 0], sizes = [1, 64, 128], strides = [1, 1, 1]} : vector<9x64x128xf32> to vector<1x64x128xf32>
    %squeeze3A_923 = vector.shape_cast %slice3A_922 : vector<1x64x128xf32> to vector<64x128xf32>
    %dot_general3A_924 = arith.constant dense<0.000000e+00> : vector<1568x128xf32>
    %dot_general3A_925 = tpu.matmul %reshape3A_921, %squeeze3A_923, %dot_general3A_924 {dimension_numbers = #tpu.dot_dimension_numbers<[1], [0], [0], [1], [0, 0, 1, 1], [], []>, transpose_lhs_hint = false} : vector<1568x64xf32>, vector<64x128xf32>, vector<1568x128xf32> -> vector<1568x128xf32>
    %add3A_926 = arith.addf %add3A_919, %dot_general3A_925 : vector<1568x128xf32>
    %get3A_927 = arith.constant 28 : index
    %get3A_928 = arith.constant 1 : index
    %get3A_929 = arith.constant 0 : index
    %get3A_930 = vector.load %arg8[%get3A_927, %get3A_928, %get3A_929] : memref<114x114x64xf32, #tpu.memory_space<vmem>>, vector<16x112x64xf32>
    %slice3A_931 = vector.extract_strided_slice %get3A_930 {offsets = [0, 0, 0], sizes = [14, 112, 64], strides = [1, 1, 1]} : vector<16x112x64xf32> to vector<14x112x64xf32>
    %reshape3A_932 = vector.shape_cast %slice3A_931 : vector<14x112x64xf32> to vector<1568x64xf32>
    %slice3A_933 = vector.extract_strided_slice %get3A_710 {offsets = [1, 0, 0], sizes = [1, 64, 128], strides = [1, 1, 1]} : vector<9x64x128xf32> to vector<1x64x128xf32>
    %squeeze3A_934 = vector.shape_cast %slice3A_933 : vector<1x64x128xf32> to vector<64x128xf32>
    %dot_general3A_935 = arith.constant dense<0.000000e+00> : vector<1568x128xf32>
    %dot_general3A_936 = tpu.matmul %reshape3A_932, %squeeze3A_934, %dot_general3A_935 {dimension_numbers = #tpu.dot_dimension_numbers<[1], [0], [0], [1], [0, 0, 1, 1], [], []>, transpose_lhs_hint = false} : vector<1568x64xf32>, vector<64x128xf32>, vector<1568x128xf32> -> vector<1568x128xf32>
    %add3A_937 = arith.addf %add3A_926, %dot_general3A_936 : vector<1568x128xf32>
    %slice3A_938 = vector.extract_strided_slice %get3A_930 {offsets = [1, 0, 0], sizes = [14, 112, 64], strides = [1, 1, 1]} : vector<16x112x64xf32> to vector<14x112x64xf32>
    %reshape3A_939 = vector.shape_cast %slice3A_938 : vector<14x112x64xf32> to vector<1568x64xf32>
    %slice3A_940 = vector.extract_strided_slice %get3A_710 {offsets = [4, 0, 0], sizes = [1, 64, 128], strides = [1, 1, 1]} : vector<9x64x128xf32> to vector<1x64x128xf32>
    %squeeze3A_941 = vector.shape_cast %slice3A_940 : vector<1x64x128xf32> to vector<64x128xf32>
    %dot_general3A_942 = arith.constant dense<0.000000e+00> : vector<1568x128xf32>
    %dot_general3A_943 = tpu.matmul %reshape3A_939, %squeeze3A_941, %dot_general3A_942 {dimension_numbers = #tpu.dot_dimension_numbers<[1], [0], [0], [1], [0, 0, 1, 1], [], []>, transpose_lhs_hint = false} : vector<1568x64xf32>, vector<64x128xf32>, vector<1568x128xf32> -> vector<1568x128xf32>
    %add3A_944 = arith.addf %add3A_937, %dot_general3A_943 : vector<1568x128xf32>
    %slice3A_945 = vector.extract_strided_slice %get3A_930 {offsets = [2, 0, 0], sizes = [14, 112, 64], strides = [1, 1, 1]} : vector<16x112x64xf32> to vector<14x112x64xf32>
    %reshape3A_946 = vector.shape_cast %slice3A_945 : vector<14x112x64xf32> to vector<1568x64xf32>
    %slice3A_947 = vector.extract_strided_slice %get3A_710 {offsets = [7, 0, 0], sizes = [1, 64, 128], strides = [1, 1, 1]} : vector<9x64x128xf32> to vector<1x64x128xf32>
    %squeeze3A_948 = vector.shape_cast %slice3A_947 : vector<1x64x128xf32> to vector<64x128xf32>
    %dot_general3A_949 = arith.constant dense<0.000000e+00> : vector<1568x128xf32>
    %dot_general3A_950 = tpu.matmul %reshape3A_946, %squeeze3A_948, %dot_general3A_949 {dimension_numbers = #tpu.dot_dimension_numbers<[1], [0], [0], [1], [0, 0, 1, 1], [], []>, transpose_lhs_hint = false} : vector<1568x64xf32>, vector<64x128xf32>, vector<1568x128xf32> -> vector<1568x128xf32>
    %add3A_951 = arith.addf %add3A_944, %dot_general3A_950 : vector<1568x128xf32>
    %get3A_952 = arith.constant 28 : index
    %get3A_953 = arith.constant 2 : index
    %get3A_954 = arith.constant 0 : index
    %get3A_955 = vector.load %arg8[%get3A_952, %get3A_953, %get3A_954] : memref<114x114x64xf32, #tpu.memory_space<vmem>>, vector<16x112x64xf32>
    %slice3A_956 = vector.extract_strided_slice %get3A_955 {offsets = [0, 0, 0], sizes = [14, 112, 64], strides = [1, 1, 1]} : vector<16x112x64xf32> to vector<14x112x64xf32>
    %reshape3A_957 = vector.shape_cast %slice3A_956 : vector<14x112x64xf32> to vector<1568x64xf32>
    %slice3A_958 = vector.extract_strided_slice %get3A_710 {offsets = [2, 0, 0], sizes = [1, 64, 128], strides = [1, 1, 1]} : vector<9x64x128xf32> to vector<1x64x128xf32>
    %squeeze3A_959 = vector.shape_cast %slice3A_958 : vector<1x64x128xf32> to vector<64x128xf32>
    %dot_general3A_960 = arith.constant dense<0.000000e+00> : vector<1568x128xf32>
    %dot_general3A_961 = tpu.matmul %reshape3A_957, %squeeze3A_959, %dot_general3A_960 {dimension_numbers = #tpu.dot_dimension_numbers<[1], [0], [0], [1], [0, 0, 1, 1], [], []>, transpose_lhs_hint = false} : vector<1568x64xf32>, vector<64x128xf32>, vector<1568x128xf32> -> vector<1568x128xf32>
    %add3A_962 = arith.addf %add3A_951, %dot_general3A_961 : vector<1568x128xf32>
    %slice3A_963 = vector.extract_strided_slice %get3A_955 {offsets = [1, 0, 0], sizes = [14, 112, 64], strides = [1, 1, 1]} : vector<16x112x64xf32> to vector<14x112x64xf32>
    %reshape3A_964 = vector.shape_cast %slice3A_963 : vector<14x112x64xf32> to vector<1568x64xf32>
    %slice3A_965 = vector.extract_strided_slice %get3A_710 {offsets = [5, 0, 0], sizes = [1, 64, 128], strides = [1, 1, 1]} : vector<9x64x128xf32> to vector<1x64x128xf32>
    %squeeze3A_966 = vector.shape_cast %slice3A_965 : vector<1x64x128xf32> to vector<64x128xf32>
    %dot_general3A_967 = arith.constant dense<0.000000e+00> : vector<1568x128xf32>
    %dot_general3A_968 = tpu.matmul %reshape3A_964, %squeeze3A_966, %dot_general3A_967 {dimension_numbers = #tpu.dot_dimension_numbers<[1], [0], [0], [1], [0, 0, 1, 1], [], []>, transpose_lhs_hint = false} : vector<1568x64xf32>, vector<64x128xf32>, vector<1568x128xf32> -> vector<1568x128xf32>
    %add3A_969 = arith.addf %add3A_962, %dot_general3A_968 : vector<1568x128xf32>
    %slice3A_970 = vector.extract_strided_slice %get3A_955 {offsets = [2, 0, 0], sizes = [14, 112, 64], strides = [1, 1, 1]} : vector<16x112x64xf32> to vector<14x112x64xf32>
    %reshape3A_971 = vector.shape_cast %slice3A_970 : vector<14x112x64xf32> to vector<1568x64xf32>
    %slice3A_972 = vector.extract_strided_slice %get3A_710 {offsets = [8, 0, 0], sizes = [1, 64, 128], strides = [1, 1, 1]} : vector<9x64x128xf32> to vector<1x64x128xf32>
    %squeeze3A_973 = vector.shape_cast %slice3A_972 : vector<1x64x128xf32> to vector<64x128xf32>
    %dot_general3A_974 = arith.constant dense<0.000000e+00> : vector<1568x128xf32>
    %dot_general3A_975 = tpu.matmul %reshape3A_971, %squeeze3A_973, %dot_general3A_974 {dimension_numbers = #tpu.dot_dimension_numbers<[1], [0], [0], [1], [0, 0, 1, 1], [], []>, transpose_lhs_hint = false} : vector<1568x64xf32>, vector<64x128xf32>, vector<1568x128xf32> -> vector<1568x128xf32>
    %add3A_976 = arith.addf %add3A_969, %dot_general3A_975 : vector<1568x128xf32>
    %reshape3A_977 = vector.shape_cast %add3A_976 : vector<1568x128xf32> to vector<14x112x128xf32>
    %max3A_978 = arith.constant 0.000000e+00 : f32
    %max3A_979 = vector.broadcast %max3A_978 : f32 to vector<14x112x128xf32>
    %max3A_980 = arith.maximumf %reshape3A_977, %max3A_979 : vector<14x112x128xf32>
    %reshape3A_981 = vector.shape_cast %max3A_980 : vector<14x112x128xf32> to vector<14x56x2x128xf32>
    %slice3A_982 = vector.extract_strided_slice %reshape3A_981 {offsets = [0, 0, 0, 0], sizes = [14, 56, 1, 128], strides = [1, 1, 1, 1]} : vector<14x56x2x128xf32> to vector<14x56x1x128xf32>
    %squeeze3A_983 = vector.shape_cast %slice3A_982 : vector<14x56x1x128xf32> to vector<14x56x128xf32>
    %slice3A_984 = vector.extract_strided_slice %reshape3A_981 {offsets = [0, 0, 1, 0], sizes = [14, 56, 1, 128], strides = [1, 1, 1, 1]} : vector<14x56x2x128xf32> to vector<14x56x1x128xf32>
    %squeeze3A_985 = vector.shape_cast %slice3A_984 : vector<14x56x1x128xf32> to vector<14x56x128xf32>
    %max3A_986 = arith.maximumf %squeeze3A_983, %squeeze3A_985 : vector<14x56x128xf32>
    %reshape3A_987 = vector.shape_cast %max3A_986 : vector<14x56x128xf32> to vector<7x112x128xf32>
    %slice3A_988 = vector.extract_strided_slice %reshape3A_987 {offsets = [0, 0, 0], sizes = [7, 56, 128], strides = [1, 1, 1]} : vector<7x112x128xf32> to vector<7x56x128xf32>
    %slice3A_989 = vector.extract_strided_slice %reshape3A_987 {offsets = [0, 56, 0], sizes = [7, 56, 128], strides = [1, 1, 1]} : vector<7x112x128xf32> to vector<7x56x128xf32>
    %max3A_990 = arith.maximumf %slice3A_988, %slice3A_989 : vector<7x56x128xf32>
    %swap3A_991 = arith.constant 15 : index
    %swap3A_992 = arith.constant 1 : index
    %swap3A_993 = arith.constant 0 : index
    %swap3A_994 = vector.load %arg9[%swap3A_991, %swap3A_992, %swap3A_993] : memref<58x58x128xf32, #tpu.memory_space<vmem>>, vector<7x56x128xf32>
    tpu.vector_store %arg9[%swap3A_991, %swap3A_992, %swap3A_993], %max3A_990 {strides = array<i32>} : memref<58x58x128xf32, #tpu.memory_space<vmem>>, vector<7x56x128xf32>,
    %broadcast_in_dim3A_995 = arith.constant 0.000000e+00 : f32
    %broadcast_in_dim3A_996 = vector.broadcast %broadcast_in_dim3A_995 : f32 to vector<1568x128xf32>
    %get3A_997 = arith.constant 42 : index
    %get3A_998 = arith.constant 0 : index
    %get3A_999 = arith.constant 0 : index
    %get3A_1000 = vector.load %arg8[%get3A_997, %get3A_998, %get3A_999] : memref<114x114x64xf32, #tpu.memory_space<vmem>>, vector<16x112x64xf32>
    %slice3A_1001 = vector.extract_strided_slice %get3A_1000 {offsets = [0, 0, 0], sizes = [14, 112, 64], strides = [1, 1, 1]} : vector<16x112x64xf32> to vector<14x112x64xf32>
    %reshape3A_1002 = vector.shape_cast %slice3A_1001 : vector<14x112x64xf32> to vector<1568x64xf32>
    %slice3A_1003 = vector.extract_strided_slice %get3A_710 {offsets = [0, 0, 0], sizes = [1, 64, 128], strides = [1, 1, 1]} : vector<9x64x128xf32> to vector<1x64x128xf32>
    %squeeze3A_1004 = vector.shape_cast %slice3A_1003 : vector<1x64x128xf32> to vector<64x128xf32>
    %dot_general3A_1005 = arith.constant dense<0.000000e+00> : vector<1568x128xf32>
    %dot_general3A_1006 = tpu.matmul %reshape3A_1002, %squeeze3A_1004, %dot_general3A_1005 {dimension_numbers = #tpu.dot_dimension_numbers<[1], [0], [0], [1], [0, 0, 1, 1], [], []>, transpose_lhs_hint = false} : vector<1568x64xf32>, vector<64x128xf32>, vector<1568x128xf32> -> vector<1568x128xf32>
    %add3A_1007 = arith.addf %broadcast_in_dim3A_996, %dot_general3A_1006 : vector<1568x128xf32>
    %slice3A_1008 = vector.extract_strided_slice %get3A_1000 {offsets = [1, 0, 0], sizes = [14, 112, 64], strides = [1, 1, 1]} : vector<16x112x64xf32> to vector<14x112x64xf32>
    %reshape3A_1009 = vector.shape_cast %slice3A_1008 : vector<14x112x64xf32> to vector<1568x64xf32>
    %slice3A_1010 = vector.extract_strided_slice %get3A_710 {offsets = [3, 0, 0], sizes = [1, 64, 128], strides = [1, 1, 1]} : vector<9x64x128xf32> to vector<1x64x128xf32>
    %squeeze3A_1011 = vector.shape_cast %slice3A_1010 : vector<1x64x128xf32> to vector<64x128xf32>
    %dot_general3A_1012 = arith.constant dense<0.000000e+00> : vector<1568x128xf32>
    %dot_general3A_1013 = tpu.matmul %reshape3A_1009, %squeeze3A_1011, %dot_general3A_1012 {dimension_numbers = #tpu.dot_dimension_numbers<[1], [0], [0], [1], [0, 0, 1, 1], [], []>, transpose_lhs_hint = false} : vector<1568x64xf32>, vector<64x128xf32>, vector<1568x128xf32> -> vector<1568x128xf32>
    %add3A_1014 = arith.addf %add3A_1007, %dot_general3A_1013 : vector<1568x128xf32>
    %slice3A_1015 = vector.extract_strided_slice %get3A_1000 {offsets = [2, 0, 0], sizes = [14, 112, 64], strides = [1, 1, 1]} : vector<16x112x64xf32> to vector<14x112x64xf32>
    %reshape3A_1016 = vector.shape_cast %slice3A_1015 : vector<14x112x64xf32> to vector<1568x64xf32>
    %slice3A_1017 = vector.extract_strided_slice %get3A_710 {offsets = [6, 0, 0], sizes = [1, 64, 128], strides = [1, 1, 1]} : vector<9x64x128xf32> to vector<1x64x128xf32>
    %squeeze3A_1018 = vector.shape_cast %slice3A_1017 : vector<1x64x128xf32> to vector<64x128xf32>
    %dot_general3A_1019 = arith.constant dense<0.000000e+00> : vector<1568x128xf32>
    %dot_general3A_1020 = tpu.matmul %reshape3A_1016, %squeeze3A_1018, %dot_general3A_1019 {dimension_numbers = #tpu.dot_dimension_numbers<[1], [0], [0], [1], [0, 0, 1, 1], [], []>, transpose_lhs_hint = false} : vector<1568x64xf32>, vector<64x128xf32>, vector<1568x128xf32> -> vector<1568x128xf32>
    %add3A_1021 = arith.addf %add3A_1014, %dot_general3A_1020 : vector<1568x128xf32>
    %get3A_1022 = arith.constant 42 : index
    %get3A_1023 = arith.constant 1 : index
    %get3A_1024 = arith.constant 0 : index
    %get3A_1025 = vector.load %arg8[%get3A_1022, %get3A_1023, %get3A_1024] : memref<114x114x64xf32, #tpu.memory_space<vmem>>, vector<16x112x64xf32>
    %slice3A_1026 = vector.extract_strided_slice %get3A_1025 {offsets = [0, 0, 0], sizes = [14, 112, 64], strides = [1, 1, 1]} : vector<16x112x64xf32> to vector<14x112x64xf32>
    %reshape3A_1027 = vector.shape_cast %slice3A_1026 : vector<14x112x64xf32> to vector<1568x64xf32>
    %slice3A_1028 = vector.extract_strided_slice %get3A_710 {offsets = [1, 0, 0], sizes = [1, 64, 128], strides = [1, 1, 1]} : vector<9x64x128xf32> to vector<1x64x128xf32>
    %squeeze3A_1029 = vector.shape_cast %slice3A_1028 : vector<1x64x128xf32> to vector<64x128xf32>
    %dot_general3A_1030 = arith.constant dense<0.000000e+00> : vector<1568x128xf32>
    %dot_general3A_1031 = tpu.matmul %reshape3A_1027, %squeeze3A_1029, %dot_general3A_1030 {dimension_numbers = #tpu.dot_dimension_numbers<[1], [0], [0], [1], [0, 0, 1, 1], [], []>, transpose_lhs_hint = false} : vector<1568x64xf32>, vector<64x128xf32>, vector<1568x128xf32> -> vector<1568x128xf32>
    %add3A_1032 = arith.addf %add3A_1021, %dot_general3A_1031 : vector<1568x128xf32>
    %slice3A_1033 = vector.extract_strided_slice %get3A_1025 {offsets = [1, 0, 0], sizes = [14, 112, 64], strides = [1, 1, 1]} : vector<16x112x64xf32> to vector<14x112x64xf32>
    %reshape3A_1034 = vector.shape_cast %slice3A_1033 : vector<14x112x64xf32> to vector<1568x64xf32>
    %slice3A_1035 = vector.extract_strided_slice %get3A_710 {offsets = [4, 0, 0], sizes = [1, 64, 128], strides = [1, 1, 1]} : vector<9x64x128xf32> to vector<1x64x128xf32>
    %squeeze3A_1036 = vector.shape_cast %slice3A_1035 : vector<1x64x128xf32> to vector<64x128xf32>
    %dot_general3A_1037 = arith.constant dense<0.000000e+00> : vector<1568x128xf32>
    %dot_general3A_1038 = tpu.matmul %reshape3A_1034, %squeeze3A_1036, %dot_general3A_1037 {dimension_numbers = #tpu.dot_dimension_numbers<[1], [0], [0], [1], [0, 0, 1, 1], [], []>, transpose_lhs_hint = false} : vector<1568x64xf32>, vector<64x128xf32>, vector<1568x128xf32> -> vector<1568x128xf32>
    %add3A_1039 = arith.addf %add3A_1032, %dot_general3A_1038 : vector<1568x128xf32>
    %slice3A_1040 = vector.extract_strided_slice %get3A_1025 {offsets = [2, 0, 0], sizes = [14, 112, 64], strides = [1, 1, 1]} : vector<16x112x64xf32> to vector<14x112x64xf32>
    %reshape3A_1041 = vector.shape_cast %slice3A_1040 : vector<14x112x64xf32> to vector<1568x64xf32>
    %slice3A_1042 = vector.extract_strided_slice %get3A_710 {offsets = [7, 0, 0], sizes = [1, 64, 128], strides = [1, 1, 1]} : vector<9x64x128xf32> to vector<1x64x128xf32>
    %squeeze3A_1043 = vector.shape_cast %slice3A_1042 : vector<1x64x128xf32> to vector<64x128xf32>
    %dot_general3A_1044 = arith.constant dense<0.000000e+00> : vector<1568x128xf32>
    %dot_general3A_1045 = tpu.matmul %reshape3A_1041, %squeeze3A_1043, %dot_general3A_1044 {dimension_numbers = #tpu.dot_dimension_numbers<[1], [0], [0], [1], [0, 0, 1, 1], [], []>, transpose_lhs_hint = false} : vector<1568x64xf32>, vector<64x128xf32>, vector<1568x128xf32> -> vector<1568x128xf32>
    %add3A_1046 = arith.addf %add3A_1039, %dot_general3A_1045 : vector<1568x128xf32>
    %get3A_1047 = arith.constant 42 : index
    %get3A_1048 = arith.constant 2 : index
    %get3A_1049 = arith.constant 0 : index
    %get3A_1050 = vector.load %arg8[%get3A_1047, %get3A_1048, %get3A_1049] : memref<114x114x64xf32, #tpu.memory_space<vmem>>, vector<16x112x64xf32>
    %slice3A_1051 = vector.extract_strided_slice %get3A_1050 {offsets = [0, 0, 0], sizes = [14, 112, 64], strides = [1, 1, 1]} : vector<16x112x64xf32> to vector<14x112x64xf32>
    %reshape3A_1052 = vector.shape_cast %slice3A_1051 : vector<14x112x64xf32> to vector<1568x64xf32>
    %slice3A_1053 = vector.extract_strided_slice %get3A_710 {offsets = [2, 0, 0], sizes = [1, 64, 128], strides = [1, 1, 1]} : vector<9x64x128xf32> to vector<1x64x128xf32>
    %squeeze3A_1054 = vector.shape_cast %slice3A_1053 : vector<1x64x128xf32> to vector<64x128xf32>
    %dot_general3A_1055 = arith.constant dense<0.000000e+00> : vector<1568x128xf32>
    %dot_general3A_1056 = tpu.matmul %reshape3A_1052, %squeeze3A_1054, %dot_general3A_1055 {dimension_numbers = #tpu.dot_dimension_numbers<[1], [0], [0], [1], [0, 0, 1, 1], [], []>, transpose_lhs_hint = false} : vector<1568x64xf32>, vector<64x128xf32>, vector<1568x128xf32> -> vector<1568x128xf32>
    %add3A_1057 = arith.addf %add3A_1046, %dot_general3A_1056 : vector<1568x128xf32>
    %slice3A_1058 = vector.extract_strided_slice %get3A_1050 {offsets = [1, 0, 0], sizes = [14, 112, 64], strides = [1, 1, 1]} : vector<16x112x64xf32> to vector<14x112x64xf32>
    %reshape3A_1059 = vector.shape_cast %slice3A_1058 : vector<14x112x64xf32> to vector<1568x64xf32>
    %slice3A_1060 = vector.extract_strided_slice %get3A_710 {offsets = [5, 0, 0], sizes = [1, 64, 128], strides = [1, 1, 1]} : vector<9x64x128xf32> to vector<1x64x128xf32>
    %squeeze3A_1061 = vector.shape_cast %slice3A_1060 : vector<1x64x128xf32> to vector<64x128xf32>
    %dot_general3A_1062 = arith.constant dense<0.000000e+00> : vector<1568x128xf32>
    %dot_general3A_1063 = tpu.matmul %reshape3A_1059, %squeeze3A_1061, %dot_general3A_1062 {dimension_numbers = #tpu.dot_dimension_numbers<[1], [0], [0], [1], [0, 0, 1, 1], [], []>, transpose_lhs_hint = false} : vector<1568x64xf32>, vector<64x128xf32>, vector<1568x128xf32> -> vector<1568x128xf32>
    %add3A_1064 = arith.addf %add3A_1057, %dot_general3A_1063 : vector<1568x128xf32>
    %slice3A_1065 = vector.extract_strided_slice %get3A_1050 {offsets = [2, 0, 0], sizes = [14, 112, 64], strides = [1, 1, 1]} : vector<16x112x64xf32> to vector<14x112x64xf32>
    %reshape3A_1066 = vector.shape_cast %slice3A_1065 : vector<14x112x64xf32> to vector<1568x64xf32>
    %slice3A_1067 = vector.extract_strided_slice %get3A_710 {offsets = [8, 0, 0], sizes = [1, 64, 128], strides = [1, 1, 1]} : vector<9x64x128xf32> to vector<1x64x128xf32>
    %squeeze3A_1068 = vector.shape_cast %slice3A_1067 : vector<1x64x128xf32> to vector<64x128xf32>
    %dot_general3A_1069 = arith.constant dense<0.000000e+00> : vector<1568x128xf32>
    %dot_general3A_1070 = tpu.matmul %reshape3A_1066, %squeeze3A_1068, %dot_general3A_1069 {dimension_numbers = #tpu.dot_dimension_numbers<[1], [0], [0], [1], [0, 0, 1, 1], [], []>, transpose_lhs_hint = false} : vector<1568x64xf32>, vector<64x128xf32>, vector<1568x128xf32> -> vector<1568x128xf32>
    %add3A_1071 = arith.addf %add3A_1064, %dot_general3A_1070 : vector<1568x128xf32>
    %reshape3A_1072 = vector.shape_cast %add3A_1071 : vector<1568x128xf32> to vector<14x112x128xf32>
    %max3A_1073 = arith.constant 0.000000e+00 : f32
    %max3A_1074 = vector.broadcast %max3A_1073 : f32 to vector<14x112x128xf32>
    %max3A_1075 = arith.maximumf %reshape3A_1072, %max3A_1074 : vector<14x112x128xf32>
    %reshape3A_1076 = vector.shape_cast %max3A_1075 : vector<14x112x128xf32> to vector<14x56x2x128xf32>
    %slice3A_1077 = vector.extract_strided_slice %reshape3A_1076 {offsets = [0, 0, 0, 0], sizes = [14, 56, 1, 128], strides = [1, 1, 1, 1]} : vector<14x56x2x128xf32> to vector<14x56x1x128xf32>
    %squeeze3A_1078 = vector.shape_cast %slice3A_1077 : vector<14x56x1x128xf32> to vector<14x56x128xf32>
    %slice3A_1079 = vector.extract_strided_slice %reshape3A_1076 {offsets = [0, 0, 1, 0], sizes = [14, 56, 1, 128], strides = [1, 1, 1, 1]} : vector<14x56x2x128xf32> to vector<14x56x1x128xf32>
    %squeeze3A_1080 = vector.shape_cast %slice3A_1079 : vector<14x56x1x128xf32> to vector<14x56x128xf32>
    %max3A_1081 = arith.maximumf %squeeze3A_1078, %squeeze3A_1080 : vector<14x56x128xf32>
    %reshape3A_1082 = vector.shape_cast %max3A_1081 : vector<14x56x128xf32> to vector<7x112x128xf32>
    %slice3A_1083 = vector.extract_strided_slice %reshape3A_1082 {offsets = [0, 0, 0], sizes = [7, 56, 128], strides = [1, 1, 1]} : vector<7x112x128xf32> to vector<7x56x128xf32>
    %slice3A_1084 = vector.extract_strided_slice %reshape3A_1082 {offsets = [0, 56, 0], sizes = [7, 56, 128], strides = [1, 1, 1]} : vector<7x112x128xf32> to vector<7x56x128xf32>
    %max3A_1085 = arith.maximumf %slice3A_1083, %slice3A_1084 : vector<7x56x128xf32>
    %swap3A_1086 = arith.constant 22 : index
    %swap3A_1087 = arith.constant 1 : index
    %swap3A_1088 = arith.constant 0 : index
    %swap3A_1089 = vector.load %arg9[%swap3A_1086, %swap3A_1087, %swap3A_1088] : memref<58x58x128xf32, #tpu.memory_space<vmem>>, vector<7x56x128xf32>
    tpu.vector_store %arg9[%swap3A_1086, %swap3A_1087, %swap3A_1088], %max3A_1085 {strides = array<i32>} : memref<58x58x128xf32, #tpu.memory_space<vmem>>, vector<7x56x128xf32>,
    %broadcast_in_dim3A_1090 = arith.constant 0.000000e+00 : f32
    %broadcast_in_dim3A_1091 = vector.broadcast %broadcast_in_dim3A_1090 : f32 to vector<1568x128xf32>
    %get3A_1092 = arith.constant 56 : index
    %get3A_1093 = arith.constant 0 : index
    %get3A_1094 = arith.constant 0 : index
    %get3A_1095 = vector.load %arg8[%get3A_1092, %get3A_1093, %get3A_1094] : memref<114x114x64xf32, #tpu.memory_space<vmem>>, vector<16x112x64xf32>
    %slice3A_1096 = vector.extract_strided_slice %get3A_1095 {offsets = [0, 0, 0], sizes = [14, 112, 64], strides = [1, 1, 1]} : vector<16x112x64xf32> to vector<14x112x64xf32>
    %reshape3A_1097 = vector.shape_cast %slice3A_1096 : vector<14x112x64xf32> to vector<1568x64xf32>
    %slice3A_1098 = vector.extract_strided_slice %get3A_710 {offsets = [0, 0, 0], sizes = [1, 64, 128], strides = [1, 1, 1]} : vector<9x64x128xf32> to vector<1x64x128xf32>
    %squeeze3A_1099 = vector.shape_cast %slice3A_1098 : vector<1x64x128xf32> to vector<64x128xf32>
    %dot_general3A_1100 = arith.constant dense<0.000000e+00> : vector<1568x128xf32>
    %dot_general3A_1101 = tpu.matmul %reshape3A_1097, %squeeze3A_1099, %dot_general3A_1100 {dimension_numbers = #tpu.dot_dimension_numbers<[1], [0], [0], [1], [0, 0, 1, 1], [], []>, transpose_lhs_hint = false} : vector<1568x64xf32>, vector<64x128xf32>, vector<1568x128xf32> -> vector<1568x128xf32>
    %add3A_1102 = arith.addf %broadcast_in_dim3A_1091, %dot_general3A_1101 : vector<1568x128xf32>
    %slice3A_1103 = vector.extract_strided_slice %get3A_1095 {offsets = [1, 0, 0], sizes = [14, 112, 64], strides = [1, 1, 1]} : vector<16x112x64xf32> to vector<14x112x64xf32>
    %reshape3A_1104 = vector.shape_cast %slice3A_1103 : vector<14x112x64xf32> to vector<1568x64xf32>
    %slice3A_1105 = vector.extract_strided_slice %get3A_710 {offsets = [3, 0, 0], sizes = [1, 64, 128], strides = [1, 1, 1]} : vector<9x64x128xf32> to vector<1x64x128xf32>
    %squeeze3A_1106 = vector.shape_cast %slice3A_1105 : vector<1x64x128xf32> to vector<64x128xf32>
    %dot_general3A_1107 = arith.constant dense<0.000000e+00> : vector<1568x128xf32>
    %dot_general3A_1108 = tpu.matmul %reshape3A_1104, %squeeze3A_1106, %dot_general3A_1107 {dimension_numbers = #tpu.dot_dimension_numbers<[1], [0], [0], [1], [0, 0, 1, 1], [], []>, transpose_lhs_hint = false} : vector<1568x64xf32>, vector<64x128xf32>, vector<1568x128xf32> -> vector<1568x128xf32>
    %add3A_1109 = arith.addf %add3A_1102, %dot_general3A_1108 : vector<1568x128xf32>
    %slice3A_1110 = vector.extract_strided_slice %get3A_1095 {offsets = [2, 0, 0], sizes = [14, 112, 64], strides = [1, 1, 1]} : vector<16x112x64xf32> to vector<14x112x64xf32>
    %reshape3A_1111 = vector.shape_cast %slice3A_1110 : vector<14x112x64xf32> to vector<1568x64xf32>
    %slice3A_1112 = vector.extract_strided_slice %get3A_710 {offsets = [6, 0, 0], sizes = [1, 64, 128], strides = [1, 1, 1]} : vector<9x64x128xf32> to vector<1x64x128xf32>
    %squeeze3A_1113 = vector.shape_cast %slice3A_1112 : vector<1x64x128xf32> to vector<64x128xf32>
    %dot_general3A_1114 = arith.constant dense<0.000000e+00> : vector<1568x128xf32>
    %dot_general3A_1115 = tpu.matmul %reshape3A_1111, %squeeze3A_1113, %dot_general3A_1114 {dimension_numbers = #tpu.dot_dimension_numbers<[1], [0], [0], [1], [0, 0, 1, 1], [], []>, transpose_lhs_hint = false} : vector<1568x64xf32>, vector<64x128xf32>, vector<1568x128xf32> -> vector<1568x128xf32>
    %add3A_1116 = arith.addf %add3A_1109, %dot_general3A_1115 : vector<1568x128xf32>
    %get3A_1117 = arith.constant 56 : index
    %get3A_1118 = arith.constant 1 : index
    %get3A_1119 = arith.constant 0 : index
    %get3A_1120 = vector.load %arg8[%get3A_1117, %get3A_1118, %get3A_1119] : memref<114x114x64xf32, #tpu.memory_space<vmem>>, vector<16x112x64xf32>
    %slice3A_1121 = vector.extract_strided_slice %get3A_1120 {offsets = [0, 0, 0], sizes = [14, 112, 64], strides = [1, 1, 1]} : vector<16x112x64xf32> to vector<14x112x64xf32>
    %reshape3A_1122 = vector.shape_cast %slice3A_1121 : vector<14x112x64xf32> to vector<1568x64xf32>
    %slice3A_1123 = vector.extract_strided_slice %get3A_710 {offsets = [1, 0, 0], sizes = [1, 64, 128], strides = [1, 1, 1]} : vector<9x64x128xf32> to vector<1x64x128xf32>
    %squeeze3A_1124 = vector.shape_cast %slice3A_1123 : vector<1x64x128xf32> to vector<64x128xf32>
    %dot_general3A_1125 = arith.constant dense<0.000000e+00> : vector<1568x128xf32>
    %dot_general3A_1126 = tpu.matmul %reshape3A_1122, %squeeze3A_1124, %dot_general3A_1125 {dimension_numbers = #tpu.dot_dimension_numbers<[1], [0], [0], [1], [0, 0, 1, 1], [], []>, transpose_lhs_hint = false} : vector<1568x64xf32>, vector<64x128xf32>, vector<1568x128xf32> -> vector<1568x128xf32>
    %add3A_1127 = arith.addf %add3A_1116, %dot_general3A_1126 : vector<1568x128xf32>
    %slice3A_1128 = vector.extract_strided_slice %get3A_1120 {offsets = [1, 0, 0], sizes = [14, 112, 64], strides = [1, 1, 1]} : vector<16x112x64xf32> to vector<14x112x64xf32>
    %reshape3A_1129 = vector.shape_cast %slice3A_1128 : vector<14x112x64xf32> to vector<1568x64xf32>
    %slice3A_1130 = vector.extract_strided_slice %get3A_710 {offsets = [4, 0, 0], sizes = [1, 64, 128], strides = [1, 1, 1]} : vector<9x64x128xf32> to vector<1x64x128xf32>
    %squeeze3A_1131 = vector.shape_cast %slice3A_1130 : vector<1x64x128xf32> to vector<64x128xf32>
    %dot_general3A_1132 = arith.constant dense<0.000000e+00> : vector<1568x128xf32>
    %dot_general3A_1133 = tpu.matmul %reshape3A_1129, %squeeze3A_1131, %dot_general3A_1132 {dimension_numbers = #tpu.dot_dimension_numbers<[1], [0], [0], [1], [0, 0, 1, 1], [], []>, transpose_lhs_hint = false} : vector<1568x64xf32>, vector<64x128xf32>, vector<1568x128xf32> -> vector<1568x128xf32>
    %add3A_1134 = arith.addf %add3A_1127, %dot_general3A_1133 : vector<1568x128xf32>
    %slice3A_1135 = vector.extract_strided_slice %get3A_1120 {offsets = [2, 0, 0], sizes = [14, 112, 64], strides = [1, 1, 1]} : vector<16x112x64xf32> to vector<14x112x64xf32>
    %reshape3A_1136 = vector.shape_cast %slice3A_1135 : vector<14x112x64xf32> to vector<1568x64xf32>
    %slice3A_1137 = vector.extract_strided_slice %get3A_710 {offsets = [7, 0, 0], sizes = [1, 64, 128], strides = [1, 1, 1]} : vector<9x64x128xf32> to vector<1x64x128xf32>
    %squeeze3A_1138 = vector.shape_cast %slice3A_1137 : vector<1x64x128xf32> to vector<64x128xf32>
    %dot_general3A_1139 = arith.constant dense<0.000000e+00> : vector<1568x128xf32>
    %dot_general3A_1140 = tpu.matmul %reshape3A_1136, %squeeze3A_1138, %dot_general3A_1139 {dimension_numbers = #tpu.dot_dimension_numbers<[1], [0], [0], [1], [0, 0, 1, 1], [], []>, transpose_lhs_hint = false} : vector<1568x64xf32>, vector<64x128xf32>, vector<1568x128xf32> -> vector<1568x128xf32>
    %add3A_1141 = arith.addf %add3A_1134, %dot_general3A_1140 : vector<1568x128xf32>
    %get3A_1142 = arith.constant 56 : index
    %get3A_1143 = arith.constant 2 : index
    %get3A_1144 = arith.constant 0 : index
    %get3A_1145 = vector.load %arg8[%get3A_1142, %get3A_1143, %get3A_1144] : memref<114x114x64xf32, #tpu.memory_space<vmem>>, vector<16x112x64xf32>
    %slice3A_1146 = vector.extract_strided_slice %get3A_1145 {offsets = [0, 0, 0], sizes = [14, 112, 64], strides = [1, 1, 1]} : vector<16x112x64xf32> to vector<14x112x64xf32>
    %reshape3A_1147 = vector.shape_cast %slice3A_1146 : vector<14x112x64xf32> to vector<1568x64xf32>
    %slice3A_1148 = vector.extract_strided_slice %get3A_710 {offsets = [2, 0, 0], sizes = [1, 64, 128], strides = [1, 1, 1]} : vector<9x64x128xf32> to vector<1x64x128xf32>
    %squeeze3A_1149 = vector.shape_cast %slice3A_1148 : vector<1x64x128xf32> to vector<64x128xf32>
    %dot_general3A_1150 = arith.constant dense<0.000000e+00> : vector<1568x128xf32>
    %dot_general3A_1151 = tpu.matmul %reshape3A_1147, %squeeze3A_1149, %dot_general3A_1150 {dimension_numbers = #tpu.dot_dimension_numbers<[1], [0], [0], [1], [0, 0, 1, 1], [], []>, transpose_lhs_hint = false} : vector<1568x64xf32>, vector<64x128xf32>, vector<1568x128xf32> -> vector<1568x128xf32>
    %add3A_1152 = arith.addf %add3A_1141, %dot_general3A_1151 : vector<1568x128xf32>
    %slice3A_1153 = vector.extract_strided_slice %get3A_1145 {offsets = [1, 0, 0], sizes = [14, 112, 64], strides = [1, 1, 1]} : vector<16x112x64xf32> to vector<14x112x64xf32>
    %reshape3A_1154 = vector.shape_cast %slice3A_1153 : vector<14x112x64xf32> to vector<1568x64xf32>
    %slice3A_1155 = vector.extract_strided_slice %get3A_710 {offsets = [5, 0, 0], sizes = [1, 64, 128], strides = [1, 1, 1]} : vector<9x64x128xf32> to vector<1x64x128xf32>
    %squeeze3A_1156 = vector.shape_cast %slice3A_1155 : vector<1x64x128xf32> to vector<64x128xf32>
    %dot_general3A_1157 = arith.constant dense<0.000000e+00> : vector<1568x128xf32>
    %dot_general3A_1158 = tpu.matmul %reshape3A_1154, %squeeze3A_1156, %dot_general3A_1157 {dimension_numbers = #tpu.dot_dimension_numbers<[1], [0], [0], [1], [0, 0, 1, 1], [], []>, transpose_lhs_hint = false} : vector<1568x64xf32>, vector<64x128xf32>, vector<1568x128xf32> -> vector<1568x128xf32>
    %add3A_1159 = arith.addf %add3A_1152, %dot_general3A_1158 : vector<1568x128xf32>
    %slice3A_1160 = vector.extract_strided_slice %get3A_1145 {offsets = [2, 0, 0], sizes = [14, 112, 64], strides = [1, 1, 1]} : vector<16x112x64xf32> to vector<14x112x64xf32>
    %reshape3A_1161 = vector.shape_cast %slice3A_1160 : vector<14x112x64xf32> to vector<1568x64xf32>
    %slice3A_1162 = vector.extract_strided_slice %get3A_710 {offsets = [8, 0, 0], sizes = [1, 64, 128], strides = [1, 1, 1]} : vector<9x64x128xf32> to vector<1x64x128xf32>
    %squeeze3A_1163 = vector.shape_cast %slice3A_1162 : vector<1x64x128xf32> to vector<64x128xf32>
    %dot_general3A_1164 = arith.constant dense<0.000000e+00> : vector<1568x128xf32>
    %dot_general3A_1165 = tpu.matmul %reshape3A_1161, %squeeze3A_1163, %dot_general3A_1164 {dimension_numbers = #tpu.dot_dimension_numbers<[1], [0], [0], [1], [0, 0, 1, 1], [], []>, transpose_lhs_hint = false} : vector<1568x64xf32>, vector<64x128xf32>, vector<1568x128xf32> -> vector<1568x128xf32>
    %add3A_1166 = arith.addf %add3A_1159, %dot_general3A_1165 : vector<1568x128xf32>
    %reshape3A_1167 = vector.shape_cast %add3A_1166 : vector<1568x128xf32> to vector<14x112x128xf32>
    %max3A_1168 = arith.constant 0.000000e+00 : f32
    %max3A_1169 = vector.broadcast %max3A_1168 : f32 to vector<14x112x128xf32>
    %max3A_1170 = arith.maximumf %reshape3A_1167, %max3A_1169 : vector<14x112x128xf32>
    %reshape3A_1171 = vector.shape_cast %max3A_1170 : vector<14x112x128xf32> to vector<14x56x2x128xf32>
    %slice3A_1172 = vector.extract_strided_slice %reshape3A_1171 {offsets = [0, 0, 0, 0], sizes = [14, 56, 1, 128], strides = [1, 1, 1, 1]} : vector<14x56x2x128xf32> to vector<14x56x1x128xf32>
    %squeeze3A_1173 = vector.shape_cast %slice3A_1172 : vector<14x56x1x128xf32> to vector<14x56x128xf32>
    %slice3A_1174 = vector.extract_strided_slice %reshape3A_1171 {offsets = [0, 0, 1, 0], sizes = [14, 56, 1, 128], strides = [1, 1, 1, 1]} : vector<14x56x2x128xf32> to vector<14x56x1x128xf32>
    %squeeze3A_1175 = vector.shape_cast %slice3A_1174 : vector<14x56x1x128xf32> to vector<14x56x128xf32>
    %max3A_1176 = arith.maximumf %squeeze3A_1173, %squeeze3A_1175 : vector<14x56x128xf32>
    %reshape3A_1177 = vector.shape_cast %max3A_1176 : vector<14x56x128xf32> to vector<7x112x128xf32>
    %slice3A_1178 = vector.extract_strided_slice %reshape3A_1177 {offsets = [0, 0, 0], sizes = [7, 56, 128], strides = [1, 1, 1]} : vector<7x112x128xf32> to vector<7x56x128xf32>
    %slice3A_1179 = vector.extract_strided_slice %reshape3A_1177 {offsets = [0, 56, 0], sizes = [7, 56, 128], strides = [1, 1, 1]} : vector<7x112x128xf32> to vector<7x56x128xf32>
    %max3A_1180 = arith.maximumf %slice3A_1178, %slice3A_1179 : vector<7x56x128xf32>
    %swap3A_1181 = arith.constant 29 : index
    %swap3A_1182 = arith.constant 1 : index
    %swap3A_1183 = arith.constant 0 : index
    %swap3A_1184 = vector.load %arg9[%swap3A_1181, %swap3A_1182, %swap3A_1183] : memref<58x58x128xf32, #tpu.memory_space<vmem>>, vector<7x56x128xf32>
    tpu.vector_store %arg9[%swap3A_1181, %swap3A_1182, %swap3A_1183], %max3A_1180 {strides = array<i32>} : memref<58x58x128xf32, #tpu.memory_space<vmem>>, vector<7x56x128xf32>,
    %broadcast_in_dim3A_1185 = arith.constant 0.000000e+00 : f32
    %broadcast_in_dim3A_1186 = vector.broadcast %broadcast_in_dim3A_1185 : f32 to vector<1568x128xf32>
    %get3A_1187 = arith.constant 70 : index
    %get3A_1188 = arith.constant 0 : index
    %get3A_1189 = arith.constant 0 : index
    %get3A_1190 = vector.load %arg8[%get3A_1187, %get3A_1188, %get3A_1189] : memref<114x114x64xf32, #tpu.memory_space<vmem>>, vector<16x112x64xf32>
    %slice3A_1191 = vector.extract_strided_slice %get3A_1190 {offsets = [0, 0, 0], sizes = [14, 112, 64], strides = [1, 1, 1]} : vector<16x112x64xf32> to vector<14x112x64xf32>
    %reshape3A_1192 = vector.shape_cast %slice3A_1191 : vector<14x112x64xf32> to vector<1568x64xf32>
    %slice3A_1193 = vector.extract_strided_slice %get3A_710 {offsets = [0, 0, 0], sizes = [1, 64, 128], strides = [1, 1, 1]} : vector<9x64x128xf32> to vector<1x64x128xf32>
    %squeeze3A_1194 = vector.shape_cast %slice3A_1193 : vector<1x64x128xf32> to vector<64x128xf32>
    %dot_general3A_1195 = arith.constant dense<0.000000e+00> : vector<1568x128xf32>
    %dot_general3A_1196 = tpu.matmul %reshape3A_1192, %squeeze3A_1194, %dot_general3A_1195 {dimension_numbers = #tpu.dot_dimension_numbers<[1], [0], [0], [1], [0, 0, 1, 1], [], []>, transpose_lhs_hint = false} : vector<1568x64xf32>, vector<64x128xf32>, vector<1568x128xf32> -> vector<1568x128xf32>
    %add3A_1197 = arith.addf %broadcast_in_dim3A_1186, %dot_general3A_1196 : vector<1568x128xf32>
    %slice3A_1198 = vector.extract_strided_slice %get3A_1190 {offsets = [1, 0, 0], sizes = [14, 112, 64], strides = [1, 1, 1]} : vector<16x112x64xf32> to vector<14x112x64xf32>
    %reshape3A_1199 = vector.shape_cast %slice3A_1198 : vector<14x112x64xf32> to vector<1568x64xf32>
    %slice3A_1200 = vector.extract_strided_slice %get3A_710 {offsets = [3, 0, 0], sizes = [1, 64, 128], strides = [1, 1, 1]} : vector<9x64x128xf32> to vector<1x64x128xf32>
    %squeeze3A_1201 = vector.shape_cast %slice3A_1200 : vector<1x64x128xf32> to vector<64x128xf32>
    %dot_general3A_1202 = arith.constant dense<0.000000e+00> : vector<1568x128xf32>
    %dot_general3A_1203 = tpu.matmul %reshape3A_1199, %squeeze3A_1201, %dot_general3A_1202 {dimension_numbers = #tpu.dot_dimension_numbers<[1], [0], [0], [1], [0, 0, 1, 1], [], []>, transpose_lhs_hint = false} : vector<1568x64xf32>, vector<64x128xf32>, vector<1568x128xf32> -> vector<1568x128xf32>
    %add3A_1204 = arith.addf %add3A_1197, %dot_general3A_1203 : vector<1568x128xf32>
    %slice3A_1205 = vector.extract_strided_slice %get3A_1190 {offsets = [2, 0, 0], sizes = [14, 112, 64], strides = [1, 1, 1]} : vector<16x112x64xf32> to vector<14x112x64xf32>
    %reshape3A_1206 = vector.shape_cast %slice3A_1205 : vector<14x112x64xf32> to vector<1568x64xf32>
    %slice3A_1207 = vector.extract_strided_slice %get3A_710 {offsets = [6, 0, 0], sizes = [1, 64, 128], strides = [1, 1, 1]} : vector<9x64x128xf32> to vector<1x64x128xf32>
    %squeeze3A_1208 = vector.shape_cast %slice3A_1207 : vector<1x64x128xf32> to vector<64x128xf32>
    %dot_general3A_1209 = arith.constant dense<0.000000e+00> : vector<1568x128xf32>
    %dot_general3A_1210 = tpu.matmul %reshape3A_1206, %squeeze3A_1208, %dot_general3A_1209 {dimension_numbers = #tpu.dot_dimension_numbers<[1], [0], [0], [1], [0, 0, 1, 1], [], []>, transpose_lhs_hint = false} : vector<1568x64xf32>, vector<64x128xf32>, vector<1568x128xf32> -> vector<1568x128xf32>
    %add3A_1211 = arith.addf %add3A_1204, %dot_general3A_1210 : vector<1568x128xf32>
    %get3A_1212 = arith.constant 70 : index
    %get3A_1213 = arith.constant 1 : index
    %get3A_1214 = arith.constant 0 : index
    %get3A_1215 = vector.load %arg8[%get3A_1212, %get3A_1213, %get3A_1214] : memref<114x114x64xf32, #tpu.memory_space<vmem>>, vector<16x112x64xf32>
    %slice3A_1216 = vector.extract_strided_slice %get3A_1215 {offsets = [0, 0, 0], sizes = [14, 112, 64], strides = [1, 1, 1]} : vector<16x112x64xf32> to vector<14x112x64xf32>
    %reshape3A_1217 = vector.shape_cast %slice3A_1216 : vector<14x112x64xf32> to vector<1568x64xf32>
    %slice3A_1218 = vector.extract_strided_slice %get3A_710 {offsets = [1, 0, 0], sizes = [1, 64, 128], strides = [1, 1, 1]} : vector<9x64x128xf32> to vector<1x64x128xf32>
    %squeeze3A_1219 = vector.shape_cast %slice3A_1218 : vector<1x64x128xf32> to vector<64x128xf32>
    %dot_general3A_1220 = arith.constant dense<0.000000e+00> : vector<1568x128xf32>
    %dot_general3A_1221 = tpu.matmul %reshape3A_1217, %squeeze3A_1219, %dot_general3A_1220 {dimension_numbers = #tpu.dot_dimension_numbers<[1], [0], [0], [1], [0, 0, 1, 1], [], []>, transpose_lhs_hint = false} : vector<1568x64xf32>, vector<64x128xf32>, vector<1568x128xf32> -> vector<1568x128xf32>
    %add3A_1222 = arith.addf %add3A_1211, %dot_general3A_1221 : vector<1568x128xf32>
    %slice3A_1223 = vector.extract_strided_slice %get3A_1215 {offsets = [1, 0, 0], sizes = [14, 112, 64], strides = [1, 1, 1]} : vector<16x112x64xf32> to vector<14x112x64xf32>
    %reshape3A_1224 = vector.shape_cast %slice3A_1223 : vector<14x112x64xf32> to vector<1568x64xf32>
    %slice3A_1225 = vector.extract_strided_slice %get3A_710 {offsets = [4, 0, 0], sizes = [1, 64, 128], strides = [1, 1, 1]} : vector<9x64x128xf32> to vector<1x64x128xf32>
    %squeeze3A_1226 = vector.shape_cast %slice3A_1225 : vector<1x64x128xf32> to vector<64x128xf32>
    %dot_general3A_1227 = arith.constant dense<0.000000e+00> : vector<1568x128xf32>
    %dot_general3A_1228 = tpu.matmul %reshape3A_1224, %squeeze3A_1226, %dot_general3A_1227 {dimension_numbers = #tpu.dot_dimension_numbers<[1], [0], [0], [1], [0, 0, 1, 1], [], []>, transpose_lhs_hint = false} : vector<1568x64xf32>, vector<64x128xf32>, vector<1568x128xf32> -> vector<1568x128xf32>
    %add3A_1229 = arith.addf %add3A_1222, %dot_general3A_1228 : vector<1568x128xf32>
    %slice3A_1230 = vector.extract_strided_slice %get3A_1215 {offsets = [2, 0, 0], sizes = [14, 112, 64], strides = [1, 1, 1]} : vector<16x112x64xf32> to vector<14x112x64xf32>
    %reshape3A_1231 = vector.shape_cast %slice3A_1230 : vector<14x112x64xf32> to vector<1568x64xf32>
    %slice3A_1232 = vector.extract_strided_slice %get3A_710 {offsets = [7, 0, 0], sizes = [1, 64, 128], strides = [1, 1, 1]} : vector<9x64x128xf32> to vector<1x64x128xf32>
    %squeeze3A_1233 = vector.shape_cast %slice3A_1232 : vector<1x64x128xf32> to vector<64x128xf32>
    %dot_general3A_1234 = arith.constant dense<0.000000e+00> : vector<1568x128xf32>
    %dot_general3A_1235 = tpu.matmul %reshape3A_1231, %squeeze3A_1233, %dot_general3A_1234 {dimension_numbers = #tpu.dot_dimension_numbers<[1], [0], [0], [1], [0, 0, 1, 1], [], []>, transpose_lhs_hint = false} : vector<1568x64xf32>, vector<64x128xf32>, vector<1568x128xf32> -> vector<1568x128xf32>
    %add3A_1236 = arith.addf %add3A_1229, %dot_general3A_1235 : vector<1568x128xf32>
    %get3A_1237 = arith.constant 70 : index
    %get3A_1238 = arith.constant 2 : index
    %get3A_1239 = arith.constant 0 : index
    %get3A_1240 = vector.load %arg8[%get3A_1237, %get3A_1238, %get3A_1239] : memref<114x114x64xf32, #tpu.memory_space<vmem>>, vector<16x112x64xf32>
    %slice3A_1241 = vector.extract_strided_slice %get3A_1240 {offsets = [0, 0, 0], sizes = [14, 112, 64], strides = [1, 1, 1]} : vector<16x112x64xf32> to vector<14x112x64xf32>
    %reshape3A_1242 = vector.shape_cast %slice3A_1241 : vector<14x112x64xf32> to vector<1568x64xf32>
    %slice3A_1243 = vector.extract_strided_slice %get3A_710 {offsets = [2, 0, 0], sizes = [1, 64, 128], strides = [1, 1, 1]} : vector<9x64x128xf32> to vector<1x64x128xf32>
    %squeeze3A_1244 = vector.shape_cast %slice3A_1243 : vector<1x64x128xf32> to vector<64x128xf32>
    %dot_general3A_1245 = arith.constant dense<0.000000e+00> : vector<1568x128xf32>
    %dot_general3A_1246 = tpu.matmul %reshape3A_1242, %squeeze3A_1244, %dot_general3A_1245 {dimension_numbers = #tpu.dot_dimension_numbers<[1], [0], [0], [1], [0, 0, 1, 1], [], []>, transpose_lhs_hint = false} : vector<1568x64xf32>, vector<64x128xf32>, vector<1568x128xf32> -> vector<1568x128xf32>
    %add3A_1247 = arith.addf %add3A_1236, %dot_general3A_1246 : vector<1568x128xf32>
    %slice3A_1248 = vector.extract_strided_slice %get3A_1240 {offsets = [1, 0, 0], sizes = [14, 112, 64], strides = [1, 1, 1]} : vector<16x112x64xf32> to vector<14x112x64xf32>
    %reshape3A_1249 = vector.shape_cast %slice3A_1248 : vector<14x112x64xf32> to vector<1568x64xf32>
    %slice3A_1250 = vector.extract_strided_slice %get3A_710 {offsets = [5, 0, 0], sizes = [1, 64, 128], strides = [1, 1, 1]} : vector<9x64x128xf32> to vector<1x64x128xf32>
    %squeeze3A_1251 = vector.shape_cast %slice3A_1250 : vector<1x64x128xf32> to vector<64x128xf32>
    %dot_general3A_1252 = arith.constant dense<0.000000e+00> : vector<1568x128xf32>
    %dot_general3A_1253 = tpu.matmul %reshape3A_1249, %squeeze3A_1251, %dot_general3A_1252 {dimension_numbers = #tpu.dot_dimension_numbers<[1], [0], [0], [1], [0, 0, 1, 1], [], []>, transpose_lhs_hint = false} : vector<1568x64xf32>, vector<64x128xf32>, vector<1568x128xf32> -> vector<1568x128xf32>
    %add3A_1254 = arith.addf %add3A_1247, %dot_general3A_1253 : vector<1568x128xf32>
    %slice3A_1255 = vector.extract_strided_slice %get3A_1240 {offsets = [2, 0, 0], sizes = [14, 112, 64], strides = [1, 1, 1]} : vector<16x112x64xf32> to vector<14x112x64xf32>
    %reshape3A_1256 = vector.shape_cast %slice3A_1255 : vector<14x112x64xf32> to vector<1568x64xf32>
    %slice3A_1257 = vector.extract_strided_slice %get3A_710 {offsets = [8, 0, 0], sizes = [1, 64, 128], strides = [1, 1, 1]} : vector<9x64x128xf32> to vector<1x64x128xf32>
    %squeeze3A_1258 = vector.shape_cast %slice3A_1257 : vector<1x64x128xf32> to vector<64x128xf32>
    %dot_general3A_1259 = arith.constant dense<0.000000e+00> : vector<1568x128xf32>
    %dot_general3A_1260 = tpu.matmul %reshape3A_1256, %squeeze3A_1258, %dot_general3A_1259 {dimension_numbers = #tpu.dot_dimension_numbers<[1], [0], [0], [1], [0, 0, 1, 1], [], []>, transpose_lhs_hint = false} : vector<1568x64xf32>, vector<64x128xf32>, vector<1568x128xf32> -> vector<1568x128xf32>
    %add3A_1261 = arith.addf %add3A_1254, %dot_general3A_1260 : vector<1568x128xf32>
    %reshape3A_1262 = vector.shape_cast %add3A_1261 : vector<1568x128xf32> to vector<14x112x128xf32>
    %max3A_1263 = arith.constant 0.000000e+00 : f32
    %max3A_1264 = vector.broadcast %max3A_1263 : f32 to vector<14x112x128xf32>
    %max3A_1265 = arith.maximumf %reshape3A_1262, %max3A_1264 : vector<14x112x128xf32>
    %reshape3A_1266 = vector.shape_cast %max3A_1265 : vector<14x112x128xf32> to vector<14x56x2x128xf32>
    %slice3A_1267 = vector.extract_strided_slice %reshape3A_1266 {offsets = [0, 0, 0, 0], sizes = [14, 56, 1, 128], strides = [1, 1, 1, 1]} : vector<14x56x2x128xf32> to vector<14x56x1x128xf32>
    %squeeze3A_1268 = vector.shape_cast %slice3A_1267 : vector<14x56x1x128xf32> to vector<14x56x128xf32>
    %slice3A_1269 = vector.extract_strided_slice %reshape3A_1266 {offsets = [0, 0, 1, 0], sizes = [14, 56, 1, 128], strides = [1, 1, 1, 1]} : vector<14x56x2x128xf32> to vector<14x56x1x128xf32>
    %squeeze3A_1270 = vector.shape_cast %slice3A_1269 : vector<14x56x1x128xf32> to vector<14x56x128xf32>
    %max3A_1271 = arith.maximumf %squeeze3A_1268, %squeeze3A_1270 : vector<14x56x128xf32>
    %reshape3A_1272 = vector.shape_cast %max3A_1271 : vector<14x56x128xf32> to vector<7x112x128xf32>
    %slice3A_1273 = vector.extract_strided_slice %reshape3A_1272 {offsets = [0, 0, 0], sizes = [7, 56, 128], strides = [1, 1, 1]} : vector<7x112x128xf32> to vector<7x56x128xf32>
    %slice3A_1274 = vector.extract_strided_slice %reshape3A_1272 {offsets = [0, 56, 0], sizes = [7, 56, 128], strides = [1, 1, 1]} : vector<7x112x128xf32> to vector<7x56x128xf32>
    %max3A_1275 = arith.maximumf %slice3A_1273, %slice3A_1274 : vector<7x56x128xf32>
    %swap3A_1276 = arith.constant 36 : index
    %swap3A_1277 = arith.constant 1 : index
    %swap3A_1278 = arith.constant 0 : index
    %swap3A_1279 = vector.load %arg9[%swap3A_1276, %swap3A_1277, %swap3A_1278] : memref<58x58x128xf32, #tpu.memory_space<vmem>>, vector<7x56x128xf32>
    tpu.vector_store %arg9[%swap3A_1276, %swap3A_1277, %swap3A_1278], %max3A_1275 {strides = array<i32>} : memref<58x58x128xf32, #tpu.memory_space<vmem>>, vector<7x56x128xf32>,
    %broadcast_in_dim3A_1280 = arith.constant 0.000000e+00 : f32
    %broadcast_in_dim3A_1281 = vector.broadcast %broadcast_in_dim3A_1280 : f32 to vector<1568x128xf32>
    %get3A_1282 = arith.constant 84 : index
    %get3A_1283 = arith.constant 0 : index
    %get3A_1284 = arith.constant 0 : index
    %get3A_1285 = vector.load %arg8[%get3A_1282, %get3A_1283, %get3A_1284] : memref<114x114x64xf32, #tpu.memory_space<vmem>>, vector<16x112x64xf32>
    %slice3A_1286 = vector.extract_strided_slice %get3A_1285 {offsets = [0, 0, 0], sizes = [14, 112, 64], strides = [1, 1, 1]} : vector<16x112x64xf32> to vector<14x112x64xf32>
    %reshape3A_1287 = vector.shape_cast %slice3A_1286 : vector<14x112x64xf32> to vector<1568x64xf32>
    %slice3A_1288 = vector.extract_strided_slice %get3A_710 {offsets = [0, 0, 0], sizes = [1, 64, 128], strides = [1, 1, 1]} : vector<9x64x128xf32> to vector<1x64x128xf32>
    %squeeze3A_1289 = vector.shape_cast %slice3A_1288 : vector<1x64x128xf32> to vector<64x128xf32>
    %dot_general3A_1290 = arith.constant dense<0.000000e+00> : vector<1568x128xf32>
    %dot_general3A_1291 = tpu.matmul %reshape3A_1287, %squeeze3A_1289, %dot_general3A_1290 {dimension_numbers = #tpu.dot_dimension_numbers<[1], [0], [0], [1], [0, 0, 1, 1], [], []>, transpose_lhs_hint = false} : vector<1568x64xf32>, vector<64x128xf32>, vector<1568x128xf32> -> vector<1568x128xf32>
    %add3A_1292 = arith.addf %broadcast_in_dim3A_1281, %dot_general3A_1291 : vector<1568x128xf32>
    %slice3A_1293 = vector.extract_strided_slice %get3A_1285 {offsets = [1, 0, 0], sizes = [14, 112, 64], strides = [1, 1, 1]} : vector<16x112x64xf32> to vector<14x112x64xf32>
    %reshape3A_1294 = vector.shape_cast %slice3A_1293 : vector<14x112x64xf32> to vector<1568x64xf32>
    %slice3A_1295 = vector.extract_strided_slice %get3A_710 {offsets = [3, 0, 0], sizes = [1, 64, 128], strides = [1, 1, 1]} : vector<9x64x128xf32> to vector<1x64x128xf32>
    %squeeze3A_1296 = vector.shape_cast %slice3A_1295 : vector<1x64x128xf32> to vector<64x128xf32>
    %dot_general3A_1297 = arith.constant dense<0.000000e+00> : vector<1568x128xf32>
    %dot_general3A_1298 = tpu.matmul %reshape3A_1294, %squeeze3A_1296, %dot_general3A_1297 {dimension_numbers = #tpu.dot_dimension_numbers<[1], [0], [0], [1], [0, 0, 1, 1], [], []>, transpose_lhs_hint = false} : vector<1568x64xf32>, vector<64x128xf32>, vector<1568x128xf32> -> vector<1568x128xf32>
    %add3A_1299 = arith.addf %add3A_1292, %dot_general3A_1298 : vector<1568x128xf32>
    %slice3A_1300 = vector.extract_strided_slice %get3A_1285 {offsets = [2, 0, 0], sizes = [14, 112, 64], strides = [1, 1, 1]} : vector<16x112x64xf32> to vector<14x112x64xf32>
    %reshape3A_1301 = vector.shape_cast %slice3A_1300 : vector<14x112x64xf32> to vector<1568x64xf32>
    %slice3A_1302 = vector.extract_strided_slice %get3A_710 {offsets = [6, 0, 0], sizes = [1, 64, 128], strides = [1, 1, 1]} : vector<9x64x128xf32> to vector<1x64x128xf32>
    %squeeze3A_1303 = vector.shape_cast %slice3A_1302 : vector<1x64x128xf32> to vector<64x128xf32>
    %dot_general3A_1304 = arith.constant dense<0.000000e+00> : vector<1568x128xf32>
    %dot_general3A_1305 = tpu.matmul %reshape3A_1301, %squeeze3A_1303, %dot_general3A_1304 {dimension_numbers = #tpu.dot_dimension_numbers<[1], [0], [0], [1], [0, 0, 1, 1], [], []>, transpose_lhs_hint = false} : vector<1568x64xf32>, vector<64x128xf32>, vector<1568x128xf32> -> vector<1568x128xf32>
    %add3A_1306 = arith.addf %add3A_1299, %dot_general3A_1305 : vector<1568x128xf32>
    %get3A_1307 = arith.constant 84 : index
    %get3A_1308 = arith.constant 1 : index
    %get3A_1309 = arith.constant 0 : index
    %get3A_1310 = vector.load %arg8[%get3A_1307, %get3A_1308, %get3A_1309] : memref<114x114x64xf32, #tpu.memory_space<vmem>>, vector<16x112x64xf32>
    %slice3A_1311 = vector.extract_strided_slice %get3A_1310 {offsets = [0, 0, 0], sizes = [14, 112, 64], strides = [1, 1, 1]} : vector<16x112x64xf32> to vector<14x112x64xf32>
    %reshape3A_1312 = vector.shape_cast %slice3A_1311 : vector<14x112x64xf32> to vector<1568x64xf32>
    %slice3A_1313 = vector.extract_strided_slice %get3A_710 {offsets = [1, 0, 0], sizes = [1, 64, 128], strides = [1, 1, 1]} : vector<9x64x128xf32> to vector<1x64x128xf32>
    %squeeze3A_1314 = vector.shape_cast %slice3A_1313 : vector<1x64x128xf32> to vector<64x128xf32>
    %dot_general3A_1315 = arith.constant dense<0.000000e+00> : vector<1568x128xf32>
    %dot_general3A_1316 = tpu.matmul %reshape3A_1312, %squeeze3A_1314, %dot_general3A_1315 {dimension_numbers = #tpu.dot_dimension_numbers<[1], [0], [0], [1], [0, 0, 1, 1], [], []>, transpose_lhs_hint = false} : vector<1568x64xf32>, vector<64x128xf32>, vector<1568x128xf32> -> vector<1568x128xf32>
    %add3A_1317 = arith.addf %add3A_1306, %dot_general3A_1316 : vector<1568x128xf32>
    %slice3A_1318 = vector.extract_strided_slice %get3A_1310 {offsets = [1, 0, 0], sizes = [14, 112, 64], strides = [1, 1, 1]} : vector<16x112x64xf32> to vector<14x112x64xf32>
    %reshape3A_1319 = vector.shape_cast %slice3A_1318 : vector<14x112x64xf32> to vector<1568x64xf32>
    %slice3A_1320 = vector.extract_strided_slice %get3A_710 {offsets = [4, 0, 0], sizes = [1, 64, 128], strides = [1, 1, 1]} : vector<9x64x128xf32> to vector<1x64x128xf32>
    %squeeze3A_1321 = vector.shape_cast %slice3A_1320 : vector<1x64x128xf32> to vector<64x128xf32>
    %dot_general3A_1322 = arith.constant dense<0.000000e+00> : vector<1568x128xf32>
    %dot_general3A_1323 = tpu.matmul %reshape3A_1319, %squeeze3A_1321, %dot_general3A_1322 {dimension_numbers = #tpu.dot_dimension_numbers<[1], [0], [0], [1], [0, 0, 1, 1], [], []>, transpose_lhs_hint = false} : vector<1568x64xf32>, vector<64x128xf32>, vector<1568x128xf32> -> vector<1568x128xf32>
    %add3A_1324 = arith.addf %add3A_1317, %dot_general3A_1323 : vector<1568x128xf32>
    %slice3A_1325 = vector.extract_strided_slice %get3A_1310 {offsets = [2, 0, 0], sizes = [14, 112, 64], strides = [1, 1, 1]} : vector<16x112x64xf32> to vector<14x112x64xf32>
    %reshape3A_1326 = vector.shape_cast %slice3A_1325 : vector<14x112x64xf32> to vector<1568x64xf32>
    %slice3A_1327 = vector.extract_strided_slice %get3A_710 {offsets = [7, 0, 0], sizes = [1, 64, 128], strides = [1, 1, 1]} : vector<9x64x128xf32> to vector<1x64x128xf32>
    %squeeze3A_1328 = vector.shape_cast %slice3A_1327 : vector<1x64x128xf32> to vector<64x128xf32>
    %dot_general3A_1329 = arith.constant dense<0.000000e+00> : vector<1568x128xf32>
    %dot_general3A_1330 = tpu.matmul %reshape3A_1326, %squeeze3A_1328, %dot_general3A_1329 {dimension_numbers = #tpu.dot_dimension_numbers<[1], [0], [0], [1], [0, 0, 1, 1], [], []>, transpose_lhs_hint = false} : vector<1568x64xf32>, vector<64x128xf32>, vector<1568x128xf32> -> vector<1568x128xf32>
    %add3A_1331 = arith.addf %add3A_1324, %dot_general3A_1330 : vector<1568x128xf32>
    %get3A_1332 = arith.constant 84 : index
    %get3A_1333 = arith.constant 2 : index
    %get3A_1334 = arith.constant 0 : index
    %get3A_1335 = vector.load %arg8[%get3A_1332, %get3A_1333, %get3A_1334] : memref<114x114x64xf32, #tpu.memory_space<vmem>>, vector<16x112x64xf32>
    %slice3A_1336 = vector.extract_strided_slice %get3A_1335 {offsets = [0, 0, 0], sizes = [14, 112, 64], strides = [1, 1, 1]} : vector<16x112x64xf32> to vector<14x112x64xf32>
    %reshape3A_1337 = vector.shape_cast %slice3A_1336 : vector<14x112x64xf32> to vector<1568x64xf32>
    %slice3A_1338 = vector.extract_strided_slice %get3A_710 {offsets = [2, 0, 0], sizes = [1, 64, 128], strides = [1, 1, 1]} : vector<9x64x128xf32> to vector<1x64x128xf32>
    %squeeze3A_1339 = vector.shape_cast %slice3A_1338 : vector<1x64x128xf32> to vector<64x128xf32>
    %dot_general3A_1340 = arith.constant dense<0.000000e+00> : vector<1568x128xf32>
    %dot_general3A_1341 = tpu.matmul %reshape3A_1337, %squeeze3A_1339, %dot_general3A_1340 {dimension_numbers = #tpu.dot_dimension_numbers<[1], [0], [0], [1], [0, 0, 1, 1], [], []>, transpose_lhs_hint = false} : vector<1568x64xf32>, vector<64x128xf32>, vector<1568x128xf32> -> vector<1568x128xf32>
    %add3A_1342 = arith.addf %add3A_1331, %dot_general3A_1341 : vector<1568x128xf32>
    %slice3A_1343 = vector.extract_strided_slice %get3A_1335 {offsets = [1, 0, 0], sizes = [14, 112, 64], strides = [1, 1, 1]} : vector<16x112x64xf32> to vector<14x112x64xf32>
    %reshape3A_1344 = vector.shape_cast %slice3A_1343 : vector<14x112x64xf32> to vector<1568x64xf32>
    %slice3A_1345 = vector.extract_strided_slice %get3A_710 {offsets = [5, 0, 0], sizes = [1, 64, 128], strides = [1, 1, 1]} : vector<9x64x128xf32> to vector<1x64x128xf32>
    %squeeze3A_1346 = vector.shape_cast %slice3A_1345 : vector<1x64x128xf32> to vector<64x128xf32>
    %dot_general3A_1347 = arith.constant dense<0.000000e+00> : vector<1568x128xf32>
    %dot_general3A_1348 = tpu.matmul %reshape3A_1344, %squeeze3A_1346, %dot_general3A_1347 {dimension_numbers = #tpu.dot_dimension_numbers<[1], [0], [0], [1], [0, 0, 1, 1], [], []>, transpose_lhs_hint = false} : vector<1568x64xf32>, vector<64x128xf32>, vector<1568x128xf32> -> vector<1568x128xf32>
    %add3A_1349 = arith.addf %add3A_1342, %dot_general3A_1348 : vector<1568x128xf32>
    %slice3A_1350 = vector.extract_strided_slice %get3A_1335 {offsets = [2, 0, 0], sizes = [14, 112, 64], strides = [1, 1, 1]} : vector<16x112x64xf32> to vector<14x112x64xf32>
    %reshape3A_1351 = vector.shape_cast %slice3A_1350 : vector<14x112x64xf32> to vector<1568x64xf32>
    %slice3A_1352 = vector.extract_strided_slice %get3A_710 {offsets = [8, 0, 0], sizes = [1, 64, 128], strides = [1, 1, 1]} : vector<9x64x128xf32> to vector<1x64x128xf32>
    %squeeze3A_1353 = vector.shape_cast %slice3A_1352 : vector<1x64x128xf32> to vector<64x128xf32>
    %dot_general3A_1354 = arith.constant dense<0.000000e+00> : vector<1568x128xf32>
    %dot_general3A_1355 = tpu.matmul %reshape3A_1351, %squeeze3A_1353, %dot_general3A_1354 {dimension_numbers = #tpu.dot_dimension_numbers<[1], [0], [0], [1], [0, 0, 1, 1], [], []>, transpose_lhs_hint = false} : vector<1568x64xf32>, vector<64x128xf32>, vector<1568x128xf32> -> vector<1568x128xf32>
    %add3A_1356 = arith.addf %add3A_1349, %dot_general3A_1355 : vector<1568x128xf32>
    %reshape3A_1357 = vector.shape_cast %add3A_1356 : vector<1568x128xf32> to vector<14x112x128xf32>
    %max3A_1358 = arith.constant 0.000000e+00 : f32
    %max3A_1359 = vector.broadcast %max3A_1358 : f32 to vector<14x112x128xf32>
    %max3A_1360 = arith.maximumf %reshape3A_1357, %max3A_1359 : vector<14x112x128xf32>
    %reshape3A_1361 = vector.shape_cast %max3A_1360 : vector<14x112x128xf32> to vector<14x56x2x128xf32>
    %slice3A_1362 = vector.extract_strided_slice %reshape3A_1361 {offsets = [0, 0, 0, 0], sizes = [14, 56, 1, 128], strides = [1, 1, 1, 1]} : vector<14x56x2x128xf32> to vector<14x56x1x128xf32>
    %squeeze3A_1363 = vector.shape_cast %slice3A_1362 : vector<14x56x1x128xf32> to vector<14x56x128xf32>
    %slice3A_1364 = vector.extract_strided_slice %reshape3A_1361 {offsets = [0, 0, 1, 0], sizes = [14, 56, 1, 128], strides = [1, 1, 1, 1]} : vector<14x56x2x128xf32> to vector<14x56x1x128xf32>
    %squeeze3A_1365 = vector.shape_cast %slice3A_1364 : vector<14x56x1x128xf32> to vector<14x56x128xf32>
    %max3A_1366 = arith.maximumf %squeeze3A_1363, %squeeze3A_1365 : vector<14x56x128xf32>
    %reshape3A_1367 = vector.shape_cast %max3A_1366 : vector<14x56x128xf32> to vector<7x112x128xf32>
    %slice3A_1368 = vector.extract_strided_slice %reshape3A_1367 {offsets = [0, 0, 0], sizes = [7, 56, 128], strides = [1, 1, 1]} : vector<7x112x128xf32> to vector<7x56x128xf32>
    %slice3A_1369 = vector.extract_strided_slice %reshape3A_1367 {offsets = [0, 56, 0], sizes = [7, 56, 128], strides = [1, 1, 1]} : vector<7x112x128xf32> to vector<7x56x128xf32>
    %max3A_1370 = arith.maximumf %slice3A_1368, %slice3A_1369 : vector<7x56x128xf32>
    %swap3A_1371 = arith.constant 43 : index
    %swap3A_1372 = arith.constant 1 : index
    %swap3A_1373 = arith.constant 0 : index
    %swap3A_1374 = vector.load %arg9[%swap3A_1371, %swap3A_1372, %swap3A_1373] : memref<58x58x128xf32, #tpu.memory_space<vmem>>, vector<7x56x128xf32>
    tpu.vector_store %arg9[%swap3A_1371, %swap3A_1372, %swap3A_1373], %max3A_1370 {strides = array<i32>} : memref<58x58x128xf32, #tpu.memory_space<vmem>>, vector<7x56x128xf32>,
    %broadcast_in_dim3A_1375 = arith.constant 0.000000e+00 : f32
    %broadcast_in_dim3A_1376 = vector.broadcast %broadcast_in_dim3A_1375 : f32 to vector<1568x128xf32>
    %get3A_1377 = arith.constant 98 : index
    %get3A_1378 = arith.constant 0 : index
    %get3A_1379 = arith.constant 0 : index
    %get3A_1380 = vector.load %arg8[%get3A_1377, %get3A_1378, %get3A_1379] : memref<114x114x64xf32, #tpu.memory_space<vmem>>, vector<16x112x64xf32>
    %slice3A_1381 = vector.extract_strided_slice %get3A_1380 {offsets = [0, 0, 0], sizes = [14, 112, 64], strides = [1, 1, 1]} : vector<16x112x64xf32> to vector<14x112x64xf32>
    %reshape3A_1382 = vector.shape_cast %slice3A_1381 : vector<14x112x64xf32> to vector<1568x64xf32>
    %slice3A_1383 = vector.extract_strided_slice %get3A_710 {offsets = [0, 0, 0], sizes = [1, 64, 128], strides = [1, 1, 1]} : vector<9x64x128xf32> to vector<1x64x128xf32>
    %squeeze3A_1384 = vector.shape_cast %slice3A_1383 : vector<1x64x128xf32> to vector<64x128xf32>
    %dot_general3A_1385 = arith.constant dense<0.000000e+00> : vector<1568x128xf32>
    %dot_general3A_1386 = tpu.matmul %reshape3A_1382, %squeeze3A_1384, %dot_general3A_1385 {dimension_numbers = #tpu.dot_dimension_numbers<[1], [0], [0], [1], [0, 0, 1, 1], [], []>, transpose_lhs_hint = false} : vector<1568x64xf32>, vector<64x128xf32>, vector<1568x128xf32> -> vector<1568x128xf32>
    %add3A_1387 = arith.addf %broadcast_in_dim3A_1376, %dot_general3A_1386 : vector<1568x128xf32>
    %slice3A_1388 = vector.extract_strided_slice %get3A_1380 {offsets = [1, 0, 0], sizes = [14, 112, 64], strides = [1, 1, 1]} : vector<16x112x64xf32> to vector<14x112x64xf32>
    %reshape3A_1389 = vector.shape_cast %slice3A_1388 : vector<14x112x64xf32> to vector<1568x64xf32>
    %slice3A_1390 = vector.extract_strided_slice %get3A_710 {offsets = [3, 0, 0], sizes = [1, 64, 128], strides = [1, 1, 1]} : vector<9x64x128xf32> to vector<1x64x128xf32>
    %squeeze3A_1391 = vector.shape_cast %slice3A_1390 : vector<1x64x128xf32> to vector<64x128xf32>
    %dot_general3A_1392 = arith.constant dense<0.000000e+00> : vector<1568x128xf32>
    %dot_general3A_1393 = tpu.matmul %reshape3A_1389, %squeeze3A_1391, %dot_general3A_1392 {dimension_numbers = #tpu.dot_dimension_numbers<[1], [0], [0], [1], [0, 0, 1, 1], [], []>, transpose_lhs_hint = false} : vector<1568x64xf32>, vector<64x128xf32>, vector<1568x128xf32> -> vector<1568x128xf32>
    %add3A_1394 = arith.addf %add3A_1387, %dot_general3A_1393 : vector<1568x128xf32>
    %slice3A_1395 = vector.extract_strided_slice %get3A_1380 {offsets = [2, 0, 0], sizes = [14, 112, 64], strides = [1, 1, 1]} : vector<16x112x64xf32> to vector<14x112x64xf32>
    %reshape3A_1396 = vector.shape_cast %slice3A_1395 : vector<14x112x64xf32> to vector<1568x64xf32>
    %slice3A_1397 = vector.extract_strided_slice %get3A_710 {offsets = [6, 0, 0], sizes = [1, 64, 128], strides = [1, 1, 1]} : vector<9x64x128xf32> to vector<1x64x128xf32>
    %squeeze3A_1398 = vector.shape_cast %slice3A_1397 : vector<1x64x128xf32> to vector<64x128xf32>
    %dot_general3A_1399 = arith.constant dense<0.000000e+00> : vector<1568x128xf32>
    %dot_general3A_1400 = tpu.matmul %reshape3A_1396, %squeeze3A_1398, %dot_general3A_1399 {dimension_numbers = #tpu.dot_dimension_numbers<[1], [0], [0], [1], [0, 0, 1, 1], [], []>, transpose_lhs_hint = false} : vector<1568x64xf32>, vector<64x128xf32>, vector<1568x128xf32> -> vector<1568x128xf32>
    %add3A_1401 = arith.addf %add3A_1394, %dot_general3A_1400 : vector<1568x128xf32>
    %get3A_1402 = arith.constant 98 : index
    %get3A_1403 = arith.constant 1 : index
    %get3A_1404 = arith.constant 0 : index
    %get3A_1405 = vector.load %arg8[%get3A_1402, %get3A_1403, %get3A_1404] : memref<114x114x64xf32, #tpu.memory_space<vmem>>, vector<16x112x64xf32>
    %slice3A_1406 = vector.extract_strided_slice %get3A_1405 {offsets = [0, 0, 0], sizes = [14, 112, 64], strides = [1, 1, 1]} : vector<16x112x64xf32> to vector<14x112x64xf32>
    %reshape3A_1407 = vector.shape_cast %slice3A_1406 : vector<14x112x64xf32> to vector<1568x64xf32>
    %slice3A_1408 = vector.extract_strided_slice %get3A_710 {offsets = [1, 0, 0], sizes = [1, 64, 128], strides = [1, 1, 1]} : vector<9x64x128xf32> to vector<1x64x128xf32>
    %squeeze3A_1409 = vector.shape_cast %slice3A_1408 : vector<1x64x128xf32> to vector<64x128xf32>
    %dot_general3A_1410 = arith.constant dense<0.000000e+00> : vector<1568x128xf32>
    %dot_general3A_1411 = tpu.matmul %reshape3A_1407, %squeeze3A_1409, %dot_general3A_1410 {dimension_numbers = #tpu.dot_dimension_numbers<[1], [0], [0], [1], [0, 0, 1, 1], [], []>, transpose_lhs_hint = false} : vector<1568x64xf32>, vector<64x128xf32>, vector<1568x128xf32> -> vector<1568x128xf32>
    %add3A_1412 = arith.addf %add3A_1401, %dot_general3A_1411 : vector<1568x128xf32>
    %slice3A_1413 = vector.extract_strided_slice %get3A_1405 {offsets = [1, 0, 0], sizes = [14, 112, 64], strides = [1, 1, 1]} : vector<16x112x64xf32> to vector<14x112x64xf32>
    %reshape3A_1414 = vector.shape_cast %slice3A_1413 : vector<14x112x64xf32> to vector<1568x64xf32>
    %slice3A_1415 = vector.extract_strided_slice %get3A_710 {offsets = [4, 0, 0], sizes = [1, 64, 128], strides = [1, 1, 1]} : vector<9x64x128xf32> to vector<1x64x128xf32>
    %squeeze3A_1416 = vector.shape_cast %slice3A_1415 : vector<1x64x128xf32> to vector<64x128xf32>
    %dot_general3A_1417 = arith.constant dense<0.000000e+00> : vector<1568x128xf32>
    %dot_general3A_1418 = tpu.matmul %reshape3A_1414, %squeeze3A_1416, %dot_general3A_1417 {dimension_numbers = #tpu.dot_dimension_numbers<[1], [0], [0], [1], [0, 0, 1, 1], [], []>, transpose_lhs_hint = false} : vector<1568x64xf32>, vector<64x128xf32>, vector<1568x128xf32> -> vector<1568x128xf32>
    %add3A_1419 = arith.addf %add3A_1412, %dot_general3A_1418 : vector<1568x128xf32>
    %slice3A_1420 = vector.extract_strided_slice %get3A_1405 {offsets = [2, 0, 0], sizes = [14, 112, 64], strides = [1, 1, 1]} : vector<16x112x64xf32> to vector<14x112x64xf32>
    %reshape3A_1421 = vector.shape_cast %slice3A_1420 : vector<14x112x64xf32> to vector<1568x64xf32>
    %slice3A_1422 = vector.extract_strided_slice %get3A_710 {offsets = [7, 0, 0], sizes = [1, 64, 128], strides = [1, 1, 1]} : vector<9x64x128xf32> to vector<1x64x128xf32>
    %squeeze3A_1423 = vector.shape_cast %slice3A_1422 : vector<1x64x128xf32> to vector<64x128xf32>
    %dot_general3A_1424 = arith.constant dense<0.000000e+00> : vector<1568x128xf32>
    %dot_general3A_1425 = tpu.matmul %reshape3A_1421, %squeeze3A_1423, %dot_general3A_1424 {dimension_numbers = #tpu.dot_dimension_numbers<[1], [0], [0], [1], [0, 0, 1, 1], [], []>, transpose_lhs_hint = false} : vector<1568x64xf32>, vector<64x128xf32>, vector<1568x128xf32> -> vector<1568x128xf32>
    %add3A_1426 = arith.addf %add3A_1419, %dot_general3A_1425 : vector<1568x128xf32>
    %get3A_1427 = arith.constant 98 : index
    %get3A_1428 = arith.constant 2 : index
    %get3A_1429 = arith.constant 0 : index
    %get3A_1430 = vector.load %arg8[%get3A_1427, %get3A_1428, %get3A_1429] : memref<114x114x64xf32, #tpu.memory_space<vmem>>, vector<16x112x64xf32>
    %slice3A_1431 = vector.extract_strided_slice %get3A_1430 {offsets = [0, 0, 0], sizes = [14, 112, 64], strides = [1, 1, 1]} : vector<16x112x64xf32> to vector<14x112x64xf32>
    %reshape3A_1432 = vector.shape_cast %slice3A_1431 : vector<14x112x64xf32> to vector<1568x64xf32>
    %slice3A_1433 = vector.extract_strided_slice %get3A_710 {offsets = [2, 0, 0], sizes = [1, 64, 128], strides = [1, 1, 1]} : vector<9x64x128xf32> to vector<1x64x128xf32>
    %squeeze3A_1434 = vector.shape_cast %slice3A_1433 : vector<1x64x128xf32> to vector<64x128xf32>
    %dot_general3A_1435 = arith.constant dense<0.000000e+00> : vector<1568x128xf32>
    %dot_general3A_1436 = tpu.matmul %reshape3A_1432, %squeeze3A_1434, %dot_general3A_1435 {dimension_numbers = #tpu.dot_dimension_numbers<[1], [0], [0], [1], [0, 0, 1, 1], [], []>, transpose_lhs_hint = false} : vector<1568x64xf32>, vector<64x128xf32>, vector<1568x128xf32> -> vector<1568x128xf32>
    %add3A_1437 = arith.addf %add3A_1426, %dot_general3A_1436 : vector<1568x128xf32>
    %slice3A_1438 = vector.extract_strided_slice %get3A_1430 {offsets = [1, 0, 0], sizes = [14, 112, 64], strides = [1, 1, 1]} : vector<16x112x64xf32> to vector<14x112x64xf32>
    %reshape3A_1439 = vector.shape_cast %slice3A_1438 : vector<14x112x64xf32> to vector<1568x64xf32>
    %slice3A_1440 = vector.extract_strided_slice %get3A_710 {offsets = [5, 0, 0], sizes = [1, 64, 128], strides = [1, 1, 1]} : vector<9x64x128xf32> to vector<1x64x128xf32>
    %squeeze3A_1441 = vector.shape_cast %slice3A_1440 : vector<1x64x128xf32> to vector<64x128xf32>
    %dot_general3A_1442 = arith.constant dense<0.000000e+00> : vector<1568x128xf32>
    %dot_general3A_1443 = tpu.matmul %reshape3A_1439, %squeeze3A_1441, %dot_general3A_1442 {dimension_numbers = #tpu.dot_dimension_numbers<[1], [0], [0], [1], [0, 0, 1, 1], [], []>, transpose_lhs_hint = false} : vector<1568x64xf32>, vector<64x128xf32>, vector<1568x128xf32> -> vector<1568x128xf32>
    %add3A_1444 = arith.addf %add3A_1437, %dot_general3A_1443 : vector<1568x128xf32>
    %slice3A_1445 = vector.extract_strided_slice %get3A_1430 {offsets = [2, 0, 0], sizes = [14, 112, 64], strides = [1, 1, 1]} : vector<16x112x64xf32> to vector<14x112x64xf32>
    %reshape3A_1446 = vector.shape_cast %slice3A_1445 : vector<14x112x64xf32> to vector<1568x64xf32>
    %slice3A_1447 = vector.extract_strided_slice %get3A_710 {offsets = [8, 0, 0], sizes = [1, 64, 128], strides = [1, 1, 1]} : vector<9x64x128xf32> to vector<1x64x128xf32>
    %squeeze3A_1448 = vector.shape_cast %slice3A_1447 : vector<1x64x128xf32> to vector<64x128xf32>
    %dot_general3A_1449 = arith.constant dense<0.000000e+00> : vector<1568x128xf32>
    %dot_general3A_1450 = tpu.matmul %reshape3A_1446, %squeeze3A_1448, %dot_general3A_1449 {dimension_numbers = #tpu.dot_dimension_numbers<[1], [0], [0], [1], [0, 0, 1, 1], [], []>, transpose_lhs_hint = false} : vector<1568x64xf32>, vector<64x128xf32>, vector<1568x128xf32> -> vector<1568x128xf32>
    %add3A_1451 = arith.addf %add3A_1444, %dot_general3A_1450 : vector<1568x128xf32>
    %reshape3A_1452 = vector.shape_cast %add3A_1451 : vector<1568x128xf32> to vector<14x112x128xf32>
    %max3A_1453 = arith.constant 0.000000e+00 : f32
    %max3A_1454 = vector.broadcast %max3A_1453 : f32 to vector<14x112x128xf32>
    %max3A_1455 = arith.maximumf %reshape3A_1452, %max3A_1454 : vector<14x112x128xf32>
    %reshape3A_1456 = vector.shape_cast %max3A_1455 : vector<14x112x128xf32> to vector<14x56x2x128xf32>
    %slice3A_1457 = vector.extract_strided_slice %reshape3A_1456 {offsets = [0, 0, 0, 0], sizes = [14, 56, 1, 128], strides = [1, 1, 1, 1]} : vector<14x56x2x128xf32> to vector<14x56x1x128xf32>
    %squeeze3A_1458 = vector.shape_cast %slice3A_1457 : vector<14x56x1x128xf32> to vector<14x56x128xf32>
    %slice3A_1459 = vector.extract_strided_slice %reshape3A_1456 {offsets = [0, 0, 1, 0], sizes = [14, 56, 1, 128], strides = [1, 1, 1, 1]} : vector<14x56x2x128xf32> to vector<14x56x1x128xf32>
    %squeeze3A_1460 = vector.shape_cast %slice3A_1459 : vector<14x56x1x128xf32> to vector<14x56x128xf32>
    %max3A_1461 = arith.maximumf %squeeze3A_1458, %squeeze3A_1460 : vector<14x56x128xf32>
    %reshape3A_1462 = vector.shape_cast %max3A_1461 : vector<14x56x128xf32> to vector<7x112x128xf32>
    %slice3A_1463 = vector.extract_strided_slice %reshape3A_1462 {offsets = [0, 0, 0], sizes = [7, 56, 128], strides = [1, 1, 1]} : vector<7x112x128xf32> to vector<7x56x128xf32>
    %slice3A_1464 = vector.extract_strided_slice %reshape3A_1462 {offsets = [0, 56, 0], sizes = [7, 56, 128], strides = [1, 1, 1]} : vector<7x112x128xf32> to vector<7x56x128xf32>
    %max3A_1465 = arith.maximumf %slice3A_1463, %slice3A_1464 : vector<7x56x128xf32>
    %swap3A_1466 = arith.constant 50 : index
    %swap3A_1467 = arith.constant 1 : index
    %swap3A_1468 = arith.constant 0 : index
    %swap3A_1469 = vector.load %arg9[%swap3A_1466, %swap3A_1467, %swap3A_1468] : memref<58x58x128xf32, #tpu.memory_space<vmem>>, vector<7x56x128xf32>
    tpu.vector_store %arg9[%swap3A_1466, %swap3A_1467, %swap3A_1468], %max3A_1465 {strides = array<i32>} : memref<58x58x128xf32, #tpu.memory_space<vmem>>, vector<7x56x128xf32>,
    %get3A_1470 = arith.constant 0 : index
    %get3A_1471 = arith.constant 0 : index
    %get3A_1472 = arith.constant 0 : index
    %get3A_1473 = vector.load %arg4[%get3A_1470, %get3A_1471, %get3A_1472] : memref<9x128x256xf32, #tpu.memory_space<vmem>>, vector<9x128x256xf32>
    %broadcast_in_dim3A_1474 = arith.constant 0.000000e+00 : f32
    %broadcast_in_dim3A_1475 = vector.broadcast %broadcast_in_dim3A_1474 : f32 to vector<784x256xf32>
    %get3A_1476 = arith.constant 0 : index
    %get3A_1477 = arith.constant 0 : index
    %get3A_1478 = arith.constant 0 : index
    %get3A_1479 = vector.load %arg9[%get3A_1476, %get3A_1477, %get3A_1478] : memref<58x58x128xf32, #tpu.memory_space<vmem>>, vector<16x56x128xf32>
    %slice3A_1480 = vector.extract_strided_slice %get3A_1479 {offsets = [0, 0, 0], sizes = [14, 56, 128], strides = [1, 1, 1]} : vector<16x56x128xf32> to vector<14x56x128xf32>
    %reshape3A_1481 = vector.shape_cast %slice3A_1480 : vector<14x56x128xf32> to vector<784x128xf32>
    %slice3A_1482 = vector.extract_strided_slice %get3A_1473 {offsets = [0, 0, 0], sizes = [1, 128, 256], strides = [1, 1, 1]} : vector<9x128x256xf32> to vector<1x128x256xf32>
    %squeeze3A_1483 = vector.shape_cast %slice3A_1482 : vector<1x128x256xf32> to vector<128x256xf32>
    %dot_general3A_1484 = arith.constant dense<0.000000e+00> : vector<784x256xf32>
    %dot_general3A_1485 = tpu.matmul %reshape3A_1481, %squeeze3A_1483, %dot_general3A_1484 {dimension_numbers = #tpu.dot_dimension_numbers<[1], [0], [0], [1], [0, 0, 1, 1], [], []>, transpose_lhs_hint = false} : vector<784x128xf32>, vector<128x256xf32>, vector<784x256xf32> -> vector<784x256xf32>
    %add3A_1486 = arith.addf %broadcast_in_dim3A_1475, %dot_general3A_1485 : vector<784x256xf32>
    %slice3A_1487 = vector.extract_strided_slice %get3A_1479 {offsets = [1, 0, 0], sizes = [14, 56, 128], strides = [1, 1, 1]} : vector<16x56x128xf32> to vector<14x56x128xf32>
    %reshape3A_1488 = vector.shape_cast %slice3A_1487 : vector<14x56x128xf32> to vector<784x128xf32>
    %slice3A_1489 = vector.extract_strided_slice %get3A_1473 {offsets = [3, 0, 0], sizes = [1, 128, 256], strides = [1, 1, 1]} : vector<9x128x256xf32> to vector<1x128x256xf32>
    %squeeze3A_1490 = vector.shape_cast %slice3A_1489 : vector<1x128x256xf32> to vector<128x256xf32>
    %dot_general3A_1491 = arith.constant dense<0.000000e+00> : vector<784x256xf32>
    %dot_general3A_1492 = tpu.matmul %reshape3A_1488, %squeeze3A_1490, %dot_general3A_1491 {dimension_numbers = #tpu.dot_dimension_numbers<[1], [0], [0], [1], [0, 0, 1, 1], [], []>, transpose_lhs_hint = false} : vector<784x128xf32>, vector<128x256xf32>, vector<784x256xf32> -> vector<784x256xf32>
    %add3A_1493 = arith.addf %add3A_1486, %dot_general3A_1492 : vector<784x256xf32>
    %slice3A_1494 = vector.extract_strided_slice %get3A_1479 {offsets = [2, 0, 0], sizes = [14, 56, 128], strides = [1, 1, 1]} : vector<16x56x128xf32> to vector<14x56x128xf32>
    %reshape3A_1495 = vector.shape_cast %slice3A_1494 : vector<14x56x128xf32> to vector<784x128xf32>
    %slice3A_1496 = vector.extract_strided_slice %get3A_1473 {offsets = [6, 0, 0], sizes = [1, 128, 256], strides = [1, 1, 1]} : vector<9x128x256xf32> to vector<1x128x256xf32>
    %squeeze3A_1497 = vector.shape_cast %slice3A_1496 : vector<1x128x256xf32> to vector<128x256xf32>
    %dot_general3A_1498 = arith.constant dense<0.000000e+00> : vector<784x256xf32>
    %dot_general3A_1499 = tpu.matmul %reshape3A_1495, %squeeze3A_1497, %dot_general3A_1498 {dimension_numbers = #tpu.dot_dimension_numbers<[1], [0], [0], [1], [0, 0, 1, 1], [], []>, transpose_lhs_hint = false} : vector<784x128xf32>, vector<128x256xf32>, vector<784x256xf32> -> vector<784x256xf32>
    %add3A_1500 = arith.addf %add3A_1493, %dot_general3A_1499 : vector<784x256xf32>
    %get3A_1501 = arith.constant 0 : index
    %get3A_1502 = arith.constant 1 : index
    %get3A_1503 = arith.constant 0 : index
    %get3A_1504 = vector.load %arg9[%get3A_1501, %get3A_1502, %get3A_1503] : memref<58x58x128xf32, #tpu.memory_space<vmem>>, vector<16x56x128xf32>
    %slice3A_1505 = vector.extract_strided_slice %get3A_1504 {offsets = [0, 0, 0], sizes = [14, 56, 128], strides = [1, 1, 1]} : vector<16x56x128xf32> to vector<14x56x128xf32>
    %reshape3A_1506 = vector.shape_cast %slice3A_1505 : vector<14x56x128xf32> to vector<784x128xf32>
    %slice3A_1507 = vector.extract_strided_slice %get3A_1473 {offsets = [1, 0, 0], sizes = [1, 128, 256], strides = [1, 1, 1]} : vector<9x128x256xf32> to vector<1x128x256xf32>
    %squeeze3A_1508 = vector.shape_cast %slice3A_1507 : vector<1x128x256xf32> to vector<128x256xf32>
    %dot_general3A_1509 = arith.constant dense<0.000000e+00> : vector<784x256xf32>
    %dot_general3A_1510 = tpu.matmul %reshape3A_1506, %squeeze3A_1508, %dot_general3A_1509 {dimension_numbers = #tpu.dot_dimension_numbers<[1], [0], [0], [1], [0, 0, 1, 1], [], []>, transpose_lhs_hint = false} : vector<784x128xf32>, vector<128x256xf32>, vector<784x256xf32> -> vector<784x256xf32>
    %add3A_1511 = arith.addf %add3A_1500, %dot_general3A_1510 : vector<784x256xf32>
    %slice3A_1512 = vector.extract_strided_slice %get3A_1504 {offsets = [1, 0, 0], sizes = [14, 56, 128], strides = [1, 1, 1]} : vector<16x56x128xf32> to vector<14x56x128xf32>
    %reshape3A_1513 = vector.shape_cast %slice3A_1512 : vector<14x56x128xf32> to vector<784x128xf32>
    %slice3A_1514 = vector.extract_strided_slice %get3A_1473 {offsets = [4, 0, 0], sizes = [1, 128, 256], strides = [1, 1, 1]} : vector<9x128x256xf32> to vector<1x128x256xf32>
    %squeeze3A_1515 = vector.shape_cast %slice3A_1514 : vector<1x128x256xf32> to vector<128x256xf32>
    %dot_general3A_1516 = arith.constant dense<0.000000e+00> : vector<784x256xf32>
    %dot_general3A_1517 = tpu.matmul %reshape3A_1513, %squeeze3A_1515, %dot_general3A_1516 {dimension_numbers = #tpu.dot_dimension_numbers<[1], [0], [0], [1], [0, 0, 1, 1], [], []>, transpose_lhs_hint = false} : vector<784x128xf32>, vector<128x256xf32>, vector<784x256xf32> -> vector<784x256xf32>
    %add3A_1518 = arith.addf %add3A_1511, %dot_general3A_1517 : vector<784x256xf32>
    %slice3A_1519 = vector.extract_strided_slice %get3A_1504 {offsets = [2, 0, 0], sizes = [14, 56, 128], strides = [1, 1, 1]} : vector<16x56x128xf32> to vector<14x56x128xf32>
    %reshape3A_1520 = vector.shape_cast %slice3A_1519 : vector<14x56x128xf32> to vector<784x128xf32>
    %slice3A_1521 = vector.extract_strided_slice %get3A_1473 {offsets = [7, 0, 0], sizes = [1, 128, 256], strides = [1, 1, 1]} : vector<9x128x256xf32> to vector<1x128x256xf32>
    %squeeze3A_1522 = vector.shape_cast %slice3A_1521 : vector<1x128x256xf32> to vector<128x256xf32>
    %dot_general3A_1523 = arith.constant dense<0.000000e+00> : vector<784x256xf32>
    %dot_general3A_1524 = tpu.matmul %reshape3A_1520, %squeeze3A_1522, %dot_general3A_1523 {dimension_numbers = #tpu.dot_dimension_numbers<[1], [0], [0], [1], [0, 0, 1, 1], [], []>, transpose_lhs_hint = false} : vector<784x128xf32>, vector<128x256xf32>, vector<784x256xf32> -> vector<784x256xf32>
    %add3A_1525 = arith.addf %add3A_1518, %dot_general3A_1524 : vector<784x256xf32>
    %get3A_1526 = arith.constant 0 : index
    %get3A_1527 = arith.constant 2 : index
    %get3A_1528 = arith.constant 0 : index
    %get3A_1529 = vector.load %arg9[%get3A_1526, %get3A_1527, %get3A_1528] : memref<58x58x128xf32, #tpu.memory_space<vmem>>, vector<16x56x128xf32>
    %slice3A_1530 = vector.extract_strided_slice %get3A_1529 {offsets = [0, 0, 0], sizes = [14, 56, 128], strides = [1, 1, 1]} : vector<16x56x128xf32> to vector<14x56x128xf32>
    %reshape3A_1531 = vector.shape_cast %slice3A_1530 : vector<14x56x128xf32> to vector<784x128xf32>
    %slice3A_1532 = vector.extract_strided_slice %get3A_1473 {offsets = [2, 0, 0], sizes = [1, 128, 256], strides = [1, 1, 1]} : vector<9x128x256xf32> to vector<1x128x256xf32>
    %squeeze3A_1533 = vector.shape_cast %slice3A_1532 : vector<1x128x256xf32> to vector<128x256xf32>
    %dot_general3A_1534 = arith.constant dense<0.000000e+00> : vector<784x256xf32>
    %dot_general3A_1535 = tpu.matmul %reshape3A_1531, %squeeze3A_1533, %dot_general3A_1534 {dimension_numbers = #tpu.dot_dimension_numbers<[1], [0], [0], [1], [0, 0, 1, 1], [], []>, transpose_lhs_hint = false} : vector<784x128xf32>, vector<128x256xf32>, vector<784x256xf32> -> vector<784x256xf32>
    %add3A_1536 = arith.addf %add3A_1525, %dot_general3A_1535 : vector<784x256xf32>
    %slice3A_1537 = vector.extract_strided_slice %get3A_1529 {offsets = [1, 0, 0], sizes = [14, 56, 128], strides = [1, 1, 1]} : vector<16x56x128xf32> to vector<14x56x128xf32>
    %reshape3A_1538 = vector.shape_cast %slice3A_1537 : vector<14x56x128xf32> to vector<784x128xf32>
    %slice3A_1539 = vector.extract_strided_slice %get3A_1473 {offsets = [5, 0, 0], sizes = [1, 128, 256], strides = [1, 1, 1]} : vector<9x128x256xf32> to vector<1x128x256xf32>
    %squeeze3A_1540 = vector.shape_cast %slice3A_1539 : vector<1x128x256xf32> to vector<128x256xf32>
    %dot_general3A_1541 = arith.constant dense<0.000000e+00> : vector<784x256xf32>
    %dot_general3A_1542 = tpu.matmul %reshape3A_1538, %squeeze3A_1540, %dot_general3A_1541 {dimension_numbers = #tpu.dot_dimension_numbers<[1], [0], [0], [1], [0, 0, 1, 1], [], []>, transpose_lhs_hint = false} : vector<784x128xf32>, vector<128x256xf32>, vector<784x256xf32> -> vector<784x256xf32>
    %add3A_1543 = arith.addf %add3A_1536, %dot_general3A_1542 : vector<784x256xf32>
    %slice3A_1544 = vector.extract_strided_slice %get3A_1529 {offsets = [2, 0, 0], sizes = [14, 56, 128], strides = [1, 1, 1]} : vector<16x56x128xf32> to vector<14x56x128xf32>
    %reshape3A_1545 = vector.shape_cast %slice3A_1544 : vector<14x56x128xf32> to vector<784x128xf32>
    %slice3A_1546 = vector.extract_strided_slice %get3A_1473 {offsets = [8, 0, 0], sizes = [1, 128, 256], strides = [1, 1, 1]} : vector<9x128x256xf32> to vector<1x128x256xf32>
    %squeeze3A_1547 = vector.shape_cast %slice3A_1546 : vector<1x128x256xf32> to vector<128x256xf32>
    %dot_general3A_1548 = arith.constant dense<0.000000e+00> : vector<784x256xf32>
    %dot_general3A_1549 = tpu.matmul %reshape3A_1545, %squeeze3A_1547, %dot_general3A_1548 {dimension_numbers = #tpu.dot_dimension_numbers<[1], [0], [0], [1], [0, 0, 1, 1], [], []>, transpose_lhs_hint = false} : vector<784x128xf32>, vector<128x256xf32>, vector<784x256xf32> -> vector<784x256xf32>
    %add3A_1550 = arith.addf %add3A_1543, %dot_general3A_1549 : vector<784x256xf32>
    %reshape3A_1551 = vector.shape_cast %add3A_1550 : vector<784x256xf32> to vector<14x56x256xf32>
    %max3A_1552 = arith.constant 0.000000e+00 : f32
    %max3A_1553 = vector.broadcast %max3A_1552 : f32 to vector<14x56x256xf32>
    %max3A_1554 = arith.maximumf %reshape3A_1551, %max3A_1553 : vector<14x56x256xf32>
    %reshape3A_1555 = vector.shape_cast %max3A_1554 : vector<14x56x256xf32> to vector<14x28x2x256xf32>
    %slice3A_1556 = vector.extract_strided_slice %reshape3A_1555 {offsets = [0, 0, 0, 0], sizes = [14, 28, 1, 256], strides = [1, 1, 1, 1]} : vector<14x28x2x256xf32> to vector<14x28x1x256xf32>
    %squeeze3A_1557 = vector.shape_cast %slice3A_1556 : vector<14x28x1x256xf32> to vector<14x28x256xf32>
    %slice3A_1558 = vector.extract_strided_slice %reshape3A_1555 {offsets = [0, 0, 1, 0], sizes = [14, 28, 1, 256], strides = [1, 1, 1, 1]} : vector<14x28x2x256xf32> to vector<14x28x1x256xf32>
    %squeeze3A_1559 = vector.shape_cast %slice3A_1558 : vector<14x28x1x256xf32> to vector<14x28x256xf32>
    %max3A_1560 = arith.maximumf %squeeze3A_1557, %squeeze3A_1559 : vector<14x28x256xf32>
    %reshape3A_1561 = vector.shape_cast %max3A_1560 : vector<14x28x256xf32> to vector<7x56x256xf32>
    %slice3A_1562 = vector.extract_strided_slice %reshape3A_1561 {offsets = [0, 0, 0], sizes = [7, 28, 256], strides = [1, 1, 1]} : vector<7x56x256xf32> to vector<7x28x256xf32>
    %slice3A_1563 = vector.extract_strided_slice %reshape3A_1561 {offsets = [0, 28, 0], sizes = [7, 28, 256], strides = [1, 1, 1]} : vector<7x56x256xf32> to vector<7x28x256xf32>
    %max3A_1564 = arith.maximumf %slice3A_1562, %slice3A_1563 : vector<7x28x256xf32>
    %swap3A_1565 = arith.constant 0 : index
    %swap3A_1566 = arith.constant 0 : index
    %swap3A_1567 = arith.constant 0 : index
    %swap3A_1568 = vector.load %arg10[%swap3A_1565, %swap3A_1566, %swap3A_1567] : memref<28x28x256xf32, #tpu.memory_space<vmem>>, vector<7x28x256xf32>
    tpu.vector_store %arg10[%swap3A_1565, %swap3A_1566, %swap3A_1567], %max3A_1564 {strides = array<i32>} : memref<28x28x256xf32, #tpu.memory_space<vmem>>, vector<7x28x256xf32>,
    %broadcast_in_dim3A_1569 = arith.constant 0.000000e+00 : f32
    %broadcast_in_dim3A_1570 = vector.broadcast %broadcast_in_dim3A_1569 : f32 to vector<784x256xf32>
    %get3A_1571 = arith.constant 14 : index
    %get3A_1572 = arith.constant 0 : index
    %get3A_1573 = arith.constant 0 : index
    %get3A_1574 = vector.load %arg9[%get3A_1571, %get3A_1572, %get3A_1573] : memref<58x58x128xf32, #tpu.memory_space<vmem>>, vector<16x56x128xf32>
    %slice3A_1575 = vector.extract_strided_slice %get3A_1574 {offsets = [0, 0, 0], sizes = [14, 56, 128], strides = [1, 1, 1]} : vector<16x56x128xf32> to vector<14x56x128xf32>
    %reshape3A_1576 = vector.shape_cast %slice3A_1575 : vector<14x56x128xf32> to vector<784x128xf32>
    %slice3A_1577 = vector.extract_strided_slice %get3A_1473 {offsets = [0, 0, 0], sizes = [1, 128, 256], strides = [1, 1, 1]} : vector<9x128x256xf32> to vector<1x128x256xf32>
    %squeeze3A_1578 = vector.shape_cast %slice3A_1577 : vector<1x128x256xf32> to vector<128x256xf32>
    %dot_general3A_1579 = arith.constant dense<0.000000e+00> : vector<784x256xf32>
    %dot_general3A_1580 = tpu.matmul %reshape3A_1576, %squeeze3A_1578, %dot_general3A_1579 {dimension_numbers = #tpu.dot_dimension_numbers<[1], [0], [0], [1], [0, 0, 1, 1], [], []>, transpose_lhs_hint = false} : vector<784x128xf32>, vector<128x256xf32>, vector<784x256xf32> -> vector<784x256xf32>
    %add3A_1581 = arith.addf %broadcast_in_dim3A_1570, %dot_general3A_1580 : vector<784x256xf32>
    %slice3A_1582 = vector.extract_strided_slice %get3A_1574 {offsets = [1, 0, 0], sizes = [14, 56, 128], strides = [1, 1, 1]} : vector<16x56x128xf32> to vector<14x56x128xf32>
    %reshape3A_1583 = vector.shape_cast %slice3A_1582 : vector<14x56x128xf32> to vector<784x128xf32>
    %slice3A_1584 = vector.extract_strided_slice %get3A_1473 {offsets = [3, 0, 0], sizes = [1, 128, 256], strides = [1, 1, 1]} : vector<9x128x256xf32> to vector<1x128x256xf32>
    %squeeze3A_1585 = vector.shape_cast %slice3A_1584 : vector<1x128x256xf32> to vector<128x256xf32>
    %dot_general3A_1586 = arith.constant dense<0.000000e+00> : vector<784x256xf32>
    %dot_general3A_1587 = tpu.matmul %reshape3A_1583, %squeeze3A_1585, %dot_general3A_1586 {dimension_numbers = #tpu.dot_dimension_numbers<[1], [0], [0], [1], [0, 0, 1, 1], [], []>, transpose_lhs_hint = false} : vector<784x128xf32>, vector<128x256xf32>, vector<784x256xf32> -> vector<784x256xf32>
    %add3A_1588 = arith.addf %add3A_1581, %dot_general3A_1587 : vector<784x256xf32>
    %slice3A_1589 = vector.extract_strided_slice %get3A_1574 {offsets = [2, 0, 0], sizes = [14, 56, 128], strides = [1, 1, 1]} : vector<16x56x128xf32> to vector<14x56x128xf32>
    %reshape3A_1590 = vector.shape_cast %slice3A_1589 : vector<14x56x128xf32> to vector<784x128xf32>
    %slice3A_1591 = vector.extract_strided_slice %get3A_1473 {offsets = [6, 0, 0], sizes = [1, 128, 256], strides = [1, 1, 1]} : vector<9x128x256xf32> to vector<1x128x256xf32>
    %squeeze3A_1592 = vector.shape_cast %slice3A_1591 : vector<1x128x256xf32> to vector<128x256xf32>
    %dot_general3A_1593 = arith.constant dense<0.000000e+00> : vector<784x256xf32>
    %dot_general3A_1594 = tpu.matmul %reshape3A_1590, %squeeze3A_1592, %dot_general3A_1593 {dimension_numbers = #tpu.dot_dimension_numbers<[1], [0], [0], [1], [0, 0, 1, 1], [], []>, transpose_lhs_hint = false} : vector<784x128xf32>, vector<128x256xf32>, vector<784x256xf32> -> vector<784x256xf32>
    %add3A_1595 = arith.addf %add3A_1588, %dot_general3A_1594 : vector<784x256xf32>
    %get3A_1596 = arith.constant 14 : index
    %get3A_1597 = arith.constant 1 : index
    %get3A_1598 = arith.constant 0 : index
    %get3A_1599 = vector.load %arg9[%get3A_1596, %get3A_1597, %get3A_1598] : memref<58x58x128xf32, #tpu.memory_space<vmem>>, vector<16x56x128xf32>
    %slice3A_1600 = vector.extract_strided_slice %get3A_1599 {offsets = [0, 0, 0], sizes = [14, 56, 128], strides = [1, 1, 1]} : vector<16x56x128xf32> to vector<14x56x128xf32>
    %reshape3A_1601 = vector.shape_cast %slice3A_1600 : vector<14x56x128xf32> to vector<784x128xf32>
    %slice3A_1602 = vector.extract_strided_slice %get3A_1473 {offsets = [1, 0, 0], sizes = [1, 128, 256], strides = [1, 1, 1]} : vector<9x128x256xf32> to vector<1x128x256xf32>
    %squeeze3A_1603 = vector.shape_cast %slice3A_1602 : vector<1x128x256xf32> to vector<128x256xf32>
    %dot_general3A_1604 = arith.constant dense<0.000000e+00> : vector<784x256xf32>
    %dot_general3A_1605 = tpu.matmul %reshape3A_1601, %squeeze3A_1603, %dot_general3A_1604 {dimension_numbers = #tpu.dot_dimension_numbers<[1], [0], [0], [1], [0, 0, 1, 1], [], []>, transpose_lhs_hint = false} : vector<784x128xf32>, vector<128x256xf32>, vector<784x256xf32> -> vector<784x256xf32>
    %add3A_1606 = arith.addf %add3A_1595, %dot_general3A_1605 : vector<784x256xf32>
    %slice3A_1607 = vector.extract_strided_slice %get3A_1599 {offsets = [1, 0, 0], sizes = [14, 56, 128], strides = [1, 1, 1]} : vector<16x56x128xf32> to vector<14x56x128xf32>
    %reshape3A_1608 = vector.shape_cast %slice3A_1607 : vector<14x56x128xf32> to vector<784x128xf32>
    %slice3A_1609 = vector.extract_strided_slice %get3A_1473 {offsets = [4, 0, 0], sizes = [1, 128, 256], strides = [1, 1, 1]} : vector<9x128x256xf32> to vector<1x128x256xf32>
    %squeeze3A_1610 = vector.shape_cast %slice3A_1609 : vector<1x128x256xf32> to vector<128x256xf32>
    %dot_general3A_1611 = arith.constant dense<0.000000e+00> : vector<784x256xf32>
    %dot_general3A_1612 = tpu.matmul %reshape3A_1608, %squeeze3A_1610, %dot_general3A_1611 {dimension_numbers = #tpu.dot_dimension_numbers<[1], [0], [0], [1], [0, 0, 1, 1], [], []>, transpose_lhs_hint = false} : vector<784x128xf32>, vector<128x256xf32>, vector<784x256xf32> -> vector<784x256xf32>
    %add3A_1613 = arith.addf %add3A_1606, %dot_general3A_1612 : vector<784x256xf32>
    %slice3A_1614 = vector.extract_strided_slice %get3A_1599 {offsets = [2, 0, 0], sizes = [14, 56, 128], strides = [1, 1, 1]} : vector<16x56x128xf32> to vector<14x56x128xf32>
    %reshape3A_1615 = vector.shape_cast %slice3A_1614 : vector<14x56x128xf32> to vector<784x128xf32>
    %slice3A_1616 = vector.extract_strided_slice %get3A_1473 {offsets = [7, 0, 0], sizes = [1, 128, 256], strides = [1, 1, 1]} : vector<9x128x256xf32> to vector<1x128x256xf32>
    %squeeze3A_1617 = vector.shape_cast %slice3A_1616 : vector<1x128x256xf32> to vector<128x256xf32>
    %dot_general3A_1618 = arith.constant dense<0.000000e+00> : vector<784x256xf32>
    %dot_general3A_1619 = tpu.matmul %reshape3A_1615, %squeeze3A_1617, %dot_general3A_1618 {dimension_numbers = #tpu.dot_dimension_numbers<[1], [0], [0], [1], [0, 0, 1, 1], [], []>, transpose_lhs_hint = false} : vector<784x128xf32>, vector<128x256xf32>, vector<784x256xf32> -> vector<784x256xf32>
    %add3A_1620 = arith.addf %add3A_1613, %dot_general3A_1619 : vector<784x256xf32>
    %get3A_1621 = arith.constant 14 : index
    %get3A_1622 = arith.constant 2 : index
    %get3A_1623 = arith.constant 0 : index
    %get3A_1624 = vector.load %arg9[%get3A_1621, %get3A_1622, %get3A_1623] : memref<58x58x128xf32, #tpu.memory_space<vmem>>, vector<16x56x128xf32>
    %slice3A_1625 = vector.extract_strided_slice %get3A_1624 {offsets = [0, 0, 0], sizes = [14, 56, 128], strides = [1, 1, 1]} : vector<16x56x128xf32> to vector<14x56x128xf32>
    %reshape3A_1626 = vector.shape_cast %slice3A_1625 : vector<14x56x128xf32> to vector<784x128xf32>
    %slice3A_1627 = vector.extract_strided_slice %get3A_1473 {offsets = [2, 0, 0], sizes = [1, 128, 256], strides = [1, 1, 1]} : vector<9x128x256xf32> to vector<1x128x256xf32>
    %squeeze3A_1628 = vector.shape_cast %slice3A_1627 : vector<1x128x256xf32> to vector<128x256xf32>
    %dot_general3A_1629 = arith.constant dense<0.000000e+00> : vector<784x256xf32>
    %dot_general3A_1630 = tpu.matmul %reshape3A_1626, %squeeze3A_1628, %dot_general3A_1629 {dimension_numbers = #tpu.dot_dimension_numbers<[1], [0], [0], [1], [0, 0, 1, 1], [], []>, transpose_lhs_hint = false} : vector<784x128xf32>, vector<128x256xf32>, vector<784x256xf32> -> vector<784x256xf32>
    %add3A_1631 = arith.addf %add3A_1620, %dot_general3A_1630 : vector<784x256xf32>
    %slice3A_1632 = vector.extract_strided_slice %get3A_1624 {offsets = [1, 0, 0], sizes = [14, 56, 128], strides = [1, 1, 1]} : vector<16x56x128xf32> to vector<14x56x128xf32>
    %reshape3A_1633 = vector.shape_cast %slice3A_1632 : vector<14x56x128xf32> to vector<784x128xf32>
    %slice3A_1634 = vector.extract_strided_slice %get3A_1473 {offsets = [5, 0, 0], sizes = [1, 128, 256], strides = [1, 1, 1]} : vector<9x128x256xf32> to vector<1x128x256xf32>
    %squeeze3A_1635 = vector.shape_cast %slice3A_1634 : vector<1x128x256xf32> to vector<128x256xf32>
    %dot_general3A_1636 = arith.constant dense<0.000000e+00> : vector<784x256xf32>
    %dot_general3A_1637 = tpu.matmul %reshape3A_1633, %squeeze3A_1635, %dot_general3A_1636 {dimension_numbers = #tpu.dot_dimension_numbers<[1], [0], [0], [1], [0, 0, 1, 1], [], []>, transpose_lhs_hint = false} : vector<784x128xf32>, vector<128x256xf32>, vector<784x256xf32> -> vector<784x256xf32>
    %add3A_1638 = arith.addf %add3A_1631, %dot_general3A_1637 : vector<784x256xf32>
    %slice3A_1639 = vector.extract_strided_slice %get3A_1624 {offsets = [2, 0, 0], sizes = [14, 56, 128], strides = [1, 1, 1]} : vector<16x56x128xf32> to vector<14x56x128xf32>
    %reshape3A_1640 = vector.shape_cast %slice3A_1639 : vector<14x56x128xf32> to vector<784x128xf32>
    %slice3A_1641 = vector.extract_strided_slice %get3A_1473 {offsets = [8, 0, 0], sizes = [1, 128, 256], strides = [1, 1, 1]} : vector<9x128x256xf32> to vector<1x128x256xf32>
    %squeeze3A_1642 = vector.shape_cast %slice3A_1641 : vector<1x128x256xf32> to vector<128x256xf32>
    %dot_general3A_1643 = arith.constant dense<0.000000e+00> : vector<784x256xf32>
    %dot_general3A_1644 = tpu.matmul %reshape3A_1640, %squeeze3A_1642, %dot_general3A_1643 {dimension_numbers = #tpu.dot_dimension_numbers<[1], [0], [0], [1], [0, 0, 1, 1], [], []>, transpose_lhs_hint = false} : vector<784x128xf32>, vector<128x256xf32>, vector<784x256xf32> -> vector<784x256xf32>
    %add3A_1645 = arith.addf %add3A_1638, %dot_general3A_1644 : vector<784x256xf32>
    %reshape3A_1646 = vector.shape_cast %add3A_1645 : vector<784x256xf32> to vector<14x56x256xf32>
    %max3A_1647 = arith.constant 0.000000e+00 : f32
    %max3A_1648 = vector.broadcast %max3A_1647 : f32 to vector<14x56x256xf32>
    %max3A_1649 = arith.maximumf %reshape3A_1646, %max3A_1648 : vector<14x56x256xf32>
    %reshape3A_1650 = vector.shape_cast %max3A_1649 : vector<14x56x256xf32> to vector<14x28x2x256xf32>
    %slice3A_1651 = vector.extract_strided_slice %reshape3A_1650 {offsets = [0, 0, 0, 0], sizes = [14, 28, 1, 256], strides = [1, 1, 1, 1]} : vector<14x28x2x256xf32> to vector<14x28x1x256xf32>
    %squeeze3A_1652 = vector.shape_cast %slice3A_1651 : vector<14x28x1x256xf32> to vector<14x28x256xf32>
    %slice3A_1653 = vector.extract_strided_slice %reshape3A_1650 {offsets = [0, 0, 1, 0], sizes = [14, 28, 1, 256], strides = [1, 1, 1, 1]} : vector<14x28x2x256xf32> to vector<14x28x1x256xf32>
    %squeeze3A_1654 = vector.shape_cast %slice3A_1653 : vector<14x28x1x256xf32> to vector<14x28x256xf32>
    %max3A_1655 = arith.maximumf %squeeze3A_1652, %squeeze3A_1654 : vector<14x28x256xf32>
    %reshape3A_1656 = vector.shape_cast %max3A_1655 : vector<14x28x256xf32> to vector<7x56x256xf32>
    %slice3A_1657 = vector.extract_strided_slice %reshape3A_1656 {offsets = [0, 0, 0], sizes = [7, 28, 256], strides = [1, 1, 1]} : vector<7x56x256xf32> to vector<7x28x256xf32>
    %slice3A_1658 = vector.extract_strided_slice %reshape3A_1656 {offsets = [0, 28, 0], sizes = [7, 28, 256], strides = [1, 1, 1]} : vector<7x56x256xf32> to vector<7x28x256xf32>
    %max3A_1659 = arith.maximumf %slice3A_1657, %slice3A_1658 : vector<7x28x256xf32>
    %swap3A_1660 = arith.constant 7 : index
    %swap3A_1661 = arith.constant 0 : index
    %swap3A_1662 = arith.constant 0 : index
    %swap3A_1663 = vector.load %arg10[%swap3A_1660, %swap3A_1661, %swap3A_1662] : memref<28x28x256xf32, #tpu.memory_space<vmem>>, vector<7x28x256xf32>
    tpu.vector_store %arg10[%swap3A_1660, %swap3A_1661, %swap3A_1662], %max3A_1659 {strides = array<i32>} : memref<28x28x256xf32, #tpu.memory_space<vmem>>, vector<7x28x256xf32>,
    %broadcast_in_dim3A_1664 = arith.constant 0.000000e+00 : f32
    %broadcast_in_dim3A_1665 = vector.broadcast %broadcast_in_dim3A_1664 : f32 to vector<784x256xf32>
    %get3A_1666 = arith.constant 28 : index
    %get3A_1667 = arith.constant 0 : index
    %get3A_1668 = arith.constant 0 : index
    %get3A_1669 = vector.load %arg9[%get3A_1666, %get3A_1667, %get3A_1668] : memref<58x58x128xf32, #tpu.memory_space<vmem>>, vector<16x56x128xf32>
    %slice3A_1670 = vector.extract_strided_slice %get3A_1669 {offsets = [0, 0, 0], sizes = [14, 56, 128], strides = [1, 1, 1]} : vector<16x56x128xf32> to vector<14x56x128xf32>
    %reshape3A_1671 = vector.shape_cast %slice3A_1670 : vector<14x56x128xf32> to vector<784x128xf32>
    %slice3A_1672 = vector.extract_strided_slice %get3A_1473 {offsets = [0, 0, 0], sizes = [1, 128, 256], strides = [1, 1, 1]} : vector<9x128x256xf32> to vector<1x128x256xf32>
    %squeeze3A_1673 = vector.shape_cast %slice3A_1672 : vector<1x128x256xf32> to vector<128x256xf32>
    %dot_general3A_1674 = arith.constant dense<0.000000e+00> : vector<784x256xf32>
    %dot_general3A_1675 = tpu.matmul %reshape3A_1671, %squeeze3A_1673, %dot_general3A_1674 {dimension_numbers = #tpu.dot_dimension_numbers<[1], [0], [0], [1], [0, 0, 1, 1], [], []>, transpose_lhs_hint = false} : vector<784x128xf32>, vector<128x256xf32>, vector<784x256xf32> -> vector<784x256xf32>
    %add3A_1676 = arith.addf %broadcast_in_dim3A_1665, %dot_general3A_1675 : vector<784x256xf32>
    %slice3A_1677 = vector.extract_strided_slice %get3A_1669 {offsets = [1, 0, 0], sizes = [14, 56, 128], strides = [1, 1, 1]} : vector<16x56x128xf32> to vector<14x56x128xf32>
    %reshape3A_1678 = vector.shape_cast %slice3A_1677 : vector<14x56x128xf32> to vector<784x128xf32>
    %slice3A_1679 = vector.extract_strided_slice %get3A_1473 {offsets = [3, 0, 0], sizes = [1, 128, 256], strides = [1, 1, 1]} : vector<9x128x256xf32> to vector<1x128x256xf32>
    %squeeze3A_1680 = vector.shape_cast %slice3A_1679 : vector<1x128x256xf32> to vector<128x256xf32>
    %dot_general3A_1681 = arith.constant dense<0.000000e+00> : vector<784x256xf32>
    %dot_general3A_1682 = tpu.matmul %reshape3A_1678, %squeeze3A_1680, %dot_general3A_1681 {dimension_numbers = #tpu.dot_dimension_numbers<[1], [0], [0], [1], [0, 0, 1, 1], [], []>, transpose_lhs_hint = false} : vector<784x128xf32>, vector<128x256xf32>, vector<784x256xf32> -> vector<784x256xf32>
    %add3A_1683 = arith.addf %add3A_1676, %dot_general3A_1682 : vector<784x256xf32>
    %slice3A_1684 = vector.extract_strided_slice %get3A_1669 {offsets = [2, 0, 0], sizes = [14, 56, 128], strides = [1, 1, 1]} : vector<16x56x128xf32> to vector<14x56x128xf32>
    %reshape3A_1685 = vector.shape_cast %slice3A_1684 : vector<14x56x128xf32> to vector<784x128xf32>
    %slice3A_1686 = vector.extract_strided_slice %get3A_1473 {offsets = [6, 0, 0], sizes = [1, 128, 256], strides = [1, 1, 1]} : vector<9x128x256xf32> to vector<1x128x256xf32>
    %squeeze3A_1687 = vector.shape_cast %slice3A_1686 : vector<1x128x256xf32> to vector<128x256xf32>
    %dot_general3A_1688 = arith.constant dense<0.000000e+00> : vector<784x256xf32>
    %dot_general3A_1689 = tpu.matmul %reshape3A_1685, %squeeze3A_1687, %dot_general3A_1688 {dimension_numbers = #tpu.dot_dimension_numbers<[1], [0], [0], [1], [0, 0, 1, 1], [], []>, transpose_lhs_hint = false} : vector<784x128xf32>, vector<128x256xf32>, vector<784x256xf32> -> vector<784x256xf32>
    %add3A_1690 = arith.addf %add3A_1683, %dot_general3A_1689 : vector<784x256xf32>
    %get3A_1691 = arith.constant 28 : index
    %get3A_1692 = arith.constant 1 : index
    %get3A_1693 = arith.constant 0 : index
    %get3A_1694 = vector.load %arg9[%get3A_1691, %get3A_1692, %get3A_1693] : memref<58x58x128xf32, #tpu.memory_space<vmem>>, vector<16x56x128xf32>
    %slice3A_1695 = vector.extract_strided_slice %get3A_1694 {offsets = [0, 0, 0], sizes = [14, 56, 128], strides = [1, 1, 1]} : vector<16x56x128xf32> to vector<14x56x128xf32>
    %reshape3A_1696 = vector.shape_cast %slice3A_1695 : vector<14x56x128xf32> to vector<784x128xf32>
    %slice3A_1697 = vector.extract_strided_slice %get3A_1473 {offsets = [1, 0, 0], sizes = [1, 128, 256], strides = [1, 1, 1]} : vector<9x128x256xf32> to vector<1x128x256xf32>
    %squeeze3A_1698 = vector.shape_cast %slice3A_1697 : vector<1x128x256xf32> to vector<128x256xf32>
    %dot_general3A_1699 = arith.constant dense<0.000000e+00> : vector<784x256xf32>
    %dot_general3A_1700 = tpu.matmul %reshape3A_1696, %squeeze3A_1698, %dot_general3A_1699 {dimension_numbers = #tpu.dot_dimension_numbers<[1], [0], [0], [1], [0, 0, 1, 1], [], []>, transpose_lhs_hint = false} : vector<784x128xf32>, vector<128x256xf32>, vector<784x256xf32> -> vector<784x256xf32>
    %add3A_1701 = arith.addf %add3A_1690, %dot_general3A_1700 : vector<784x256xf32>
    %slice3A_1702 = vector.extract_strided_slice %get3A_1694 {offsets = [1, 0, 0], sizes = [14, 56, 128], strides = [1, 1, 1]} : vector<16x56x128xf32> to vector<14x56x128xf32>
    %reshape3A_1703 = vector.shape_cast %slice3A_1702 : vector<14x56x128xf32> to vector<784x128xf32>
    %slice3A_1704 = vector.extract_strided_slice %get3A_1473 {offsets = [4, 0, 0], sizes = [1, 128, 256], strides = [1, 1, 1]} : vector<9x128x256xf32> to vector<1x128x256xf32>
    %squeeze3A_1705 = vector.shape_cast %slice3A_1704 : vector<1x128x256xf32> to vector<128x256xf32>
    %dot_general3A_1706 = arith.constant dense<0.000000e+00> : vector<784x256xf32>
    %dot_general3A_1707 = tpu.matmul %reshape3A_1703, %squeeze3A_1705, %dot_general3A_1706 {dimension_numbers = #tpu.dot_dimension_numbers<[1], [0], [0], [1], [0, 0, 1, 1], [], []>, transpose_lhs_hint = false} : vector<784x128xf32>, vector<128x256xf32>, vector<784x256xf32> -> vector<784x256xf32>
    %add3A_1708 = arith.addf %add3A_1701, %dot_general3A_1707 : vector<784x256xf32>
    %slice3A_1709 = vector.extract_strided_slice %get3A_1694 {offsets = [2, 0, 0], sizes = [14, 56, 128], strides = [1, 1, 1]} : vector<16x56x128xf32> to vector<14x56x128xf32>
    %reshape3A_1710 = vector.shape_cast %slice3A_1709 : vector<14x56x128xf32> to vector<784x128xf32>
    %slice3A_1711 = vector.extract_strided_slice %get3A_1473 {offsets = [7, 0, 0], sizes = [1, 128, 256], strides = [1, 1, 1]} : vector<9x128x256xf32> to vector<1x128x256xf32>
    %squeeze3A_1712 = vector.shape_cast %slice3A_1711 : vector<1x128x256xf32> to vector<128x256xf32>
    %dot_general3A_1713 = arith.constant dense<0.000000e+00> : vector<784x256xf32>
    %dot_general3A_1714 = tpu.matmul %reshape3A_1710, %squeeze3A_1712, %dot_general3A_1713 {dimension_numbers = #tpu.dot_dimension_numbers<[1], [0], [0], [1], [0, 0, 1, 1], [], []>, transpose_lhs_hint = false} : vector<784x128xf32>, vector<128x256xf32>, vector<784x256xf32> -> vector<784x256xf32>
    %add3A_1715 = arith.addf %add3A_1708, %dot_general3A_1714 : vector<784x256xf32>
    %get3A_1716 = arith.constant 28 : index
    %get3A_1717 = arith.constant 2 : index
    %get3A_1718 = arith.constant 0 : index
    %get3A_1719 = vector.load %arg9[%get3A_1716, %get3A_1717, %get3A_1718] : memref<58x58x128xf32, #tpu.memory_space<vmem>>, vector<16x56x128xf32>
    %slice3A_1720 = vector.extract_strided_slice %get3A_1719 {offsets = [0, 0, 0], sizes = [14, 56, 128], strides = [1, 1, 1]} : vector<16x56x128xf32> to vector<14x56x128xf32>
    %reshape3A_1721 = vector.shape_cast %slice3A_1720 : vector<14x56x128xf32> to vector<784x128xf32>
    %slice3A_1722 = vector.extract_strided_slice %get3A_1473 {offsets = [2, 0, 0], sizes = [1, 128, 256], strides = [1, 1, 1]} : vector<9x128x256xf32> to vector<1x128x256xf32>
    %squeeze3A_1723 = vector.shape_cast %slice3A_1722 : vector<1x128x256xf32> to vector<128x256xf32>
    %dot_general3A_1724 = arith.constant dense<0.000000e+00> : vector<784x256xf32>
    %dot_general3A_1725 = tpu.matmul %reshape3A_1721, %squeeze3A_1723, %dot_general3A_1724 {dimension_numbers = #tpu.dot_dimension_numbers<[1], [0], [0], [1], [0, 0, 1, 1], [], []>, transpose_lhs_hint = false} : vector<784x128xf32>, vector<128x256xf32>, vector<784x256xf32> -> vector<784x256xf32>
    %add3A_1726 = arith.addf %add3A_1715, %dot_general3A_1725 : vector<784x256xf32>
    %slice3A_1727 = vector.extract_strided_slice %get3A_1719 {offsets = [1, 0, 0], sizes = [14, 56, 128], strides = [1, 1, 1]} : vector<16x56x128xf32> to vector<14x56x128xf32>
    %reshape3A_1728 = vector.shape_cast %slice3A_1727 : vector<14x56x128xf32> to vector<784x128xf32>
    %slice3A_1729 = vector.extract_strided_slice %get3A_1473 {offsets = [5, 0, 0], sizes = [1, 128, 256], strides = [1, 1, 1]} : vector<9x128x256xf32> to vector<1x128x256xf32>
    %squeeze3A_1730 = vector.shape_cast %slice3A_1729 : vector<1x128x256xf32> to vector<128x256xf32>
    %dot_general3A_1731 = arith.constant dense<0.000000e+00> : vector<784x256xf32>
    %dot_general3A_1732 = tpu.matmul %reshape3A_1728, %squeeze3A_1730, %dot_general3A_1731 {dimension_numbers = #tpu.dot_dimension_numbers<[1], [0], [0], [1], [0, 0, 1, 1], [], []>, transpose_lhs_hint = false} : vector<784x128xf32>, vector<128x256xf32>, vector<784x256xf32> -> vector<784x256xf32>
    %add3A_1733 = arith.addf %add3A_1726, %dot_general3A_1732 : vector<784x256xf32>
    %slice3A_1734 = vector.extract_strided_slice %get3A_1719 {offsets = [2, 0, 0], sizes = [14, 56, 128], strides = [1, 1, 1]} : vector<16x56x128xf32> to vector<14x56x128xf32>
    %reshape3A_1735 = vector.shape_cast %slice3A_1734 : vector<14x56x128xf32> to vector<784x128xf32>
    %slice3A_1736 = vector.extract_strided_slice %get3A_1473 {offsets = [8, 0, 0], sizes = [1, 128, 256], strides = [1, 1, 1]} : vector<9x128x256xf32> to vector<1x128x256xf32>
    %squeeze3A_1737 = vector.shape_cast %slice3A_1736 : vector<1x128x256xf32> to vector<128x256xf32>
    %dot_general3A_1738 = arith.constant dense<0.000000e+00> : vector<784x256xf32>
    %dot_general3A_1739 = tpu.matmul %reshape3A_1735, %squeeze3A_1737, %dot_general3A_1738 {dimension_numbers = #tpu.dot_dimension_numbers<[1], [0], [0], [1], [0, 0, 1, 1], [], []>, transpose_lhs_hint = false} : vector<784x128xf32>, vector<128x256xf32>, vector<784x256xf32> -> vector<784x256xf32>
    %add3A_1740 = arith.addf %add3A_1733, %dot_general3A_1739 : vector<784x256xf32>
    %reshape3A_1741 = vector.shape_cast %add3A_1740 : vector<784x256xf32> to vector<14x56x256xf32>
    %max3A_1742 = arith.constant 0.000000e+00 : f32
    %max3A_1743 = vector.broadcast %max3A_1742 : f32 to vector<14x56x256xf32>
    %max3A_1744 = arith.maximumf %reshape3A_1741, %max3A_1743 : vector<14x56x256xf32>
    %reshape3A_1745 = vector.shape_cast %max3A_1744 : vector<14x56x256xf32> to vector<14x28x2x256xf32>
    %slice3A_1746 = vector.extract_strided_slice %reshape3A_1745 {offsets = [0, 0, 0, 0], sizes = [14, 28, 1, 256], strides = [1, 1, 1, 1]} : vector<14x28x2x256xf32> to vector<14x28x1x256xf32>
    %squeeze3A_1747 = vector.shape_cast %slice3A_1746 : vector<14x28x1x256xf32> to vector<14x28x256xf32>
    %slice3A_1748 = vector.extract_strided_slice %reshape3A_1745 {offsets = [0, 0, 1, 0], sizes = [14, 28, 1, 256], strides = [1, 1, 1, 1]} : vector<14x28x2x256xf32> to vector<14x28x1x256xf32>
    %squeeze3A_1749 = vector.shape_cast %slice3A_1748 : vector<14x28x1x256xf32> to vector<14x28x256xf32>
    %max3A_1750 = arith.maximumf %squeeze3A_1747, %squeeze3A_1749 : vector<14x28x256xf32>
    %reshape3A_1751 = vector.shape_cast %max3A_1750 : vector<14x28x256xf32> to vector<7x56x256xf32>
    %slice3A_1752 = vector.extract_strided_slice %reshape3A_1751 {offsets = [0, 0, 0], sizes = [7, 28, 256], strides = [1, 1, 1]} : vector<7x56x256xf32> to vector<7x28x256xf32>
    %slice3A_1753 = vector.extract_strided_slice %reshape3A_1751 {offsets = [0, 28, 0], sizes = [7, 28, 256], strides = [1, 1, 1]} : vector<7x56x256xf32> to vector<7x28x256xf32>
    %max3A_1754 = arith.maximumf %slice3A_1752, %slice3A_1753 : vector<7x28x256xf32>
    %swap3A_1755 = arith.constant 14 : index
    %swap3A_1756 = arith.constant 0 : index
    %swap3A_1757 = arith.constant 0 : index
    %swap3A_1758 = vector.load %arg10[%swap3A_1755, %swap3A_1756, %swap3A_1757] : memref<28x28x256xf32, #tpu.memory_space<vmem>>, vector<7x28x256xf32>
    tpu.vector_store %arg10[%swap3A_1755, %swap3A_1756, %swap3A_1757], %max3A_1754 {strides = array<i32>} : memref<28x28x256xf32, #tpu.memory_space<vmem>>, vector<7x28x256xf32>,
    %broadcast_in_dim3A_1759 = arith.constant 0.000000e+00 : f32
    %broadcast_in_dim3A_1760 = vector.broadcast %broadcast_in_dim3A_1759 : f32 to vector<784x256xf32>
    %get3A_1761 = arith.constant 42 : index
    %get3A_1762 = arith.constant 0 : index
    %get3A_1763 = arith.constant 0 : index
    %get3A_1764 = vector.load %arg9[%get3A_1761, %get3A_1762, %get3A_1763] : memref<58x58x128xf32, #tpu.memory_space<vmem>>, vector<16x56x128xf32>
    %slice3A_1765 = vector.extract_strided_slice %get3A_1764 {offsets = [0, 0, 0], sizes = [14, 56, 128], strides = [1, 1, 1]} : vector<16x56x128xf32> to vector<14x56x128xf32>
    %reshape3A_1766 = vector.shape_cast %slice3A_1765 : vector<14x56x128xf32> to vector<784x128xf32>
    %slice3A_1767 = vector.extract_strided_slice %get3A_1473 {offsets = [0, 0, 0], sizes = [1, 128, 256], strides = [1, 1, 1]} : vector<9x128x256xf32> to vector<1x128x256xf32>
    %squeeze3A_1768 = vector.shape_cast %slice3A_1767 : vector<1x128x256xf32> to vector<128x256xf32>
    %dot_general3A_1769 = arith.constant dense<0.000000e+00> : vector<784x256xf32>
    %dot_general3A_1770 = tpu.matmul %reshape3A_1766, %squeeze3A_1768, %dot_general3A_1769 {dimension_numbers = #tpu.dot_dimension_numbers<[1], [0], [0], [1], [0, 0, 1, 1], [], []>, transpose_lhs_hint = false} : vector<784x128xf32>, vector<128x256xf32>, vector<784x256xf32> -> vector<784x256xf32>
    %add3A_1771 = arith.addf %broadcast_in_dim3A_1760, %dot_general3A_1770 : vector<784x256xf32>
    %slice3A_1772 = vector.extract_strided_slice %get3A_1764 {offsets = [1, 0, 0], sizes = [14, 56, 128], strides = [1, 1, 1]} : vector<16x56x128xf32> to vector<14x56x128xf32>
    %reshape3A_1773 = vector.shape_cast %slice3A_1772 : vector<14x56x128xf32> to vector<784x128xf32>
    %slice3A_1774 = vector.extract_strided_slice %get3A_1473 {offsets = [3, 0, 0], sizes = [1, 128, 256], strides = [1, 1, 1]} : vector<9x128x256xf32> to vector<1x128x256xf32>
    %squeeze3A_1775 = vector.shape_cast %slice3A_1774 : vector<1x128x256xf32> to vector<128x256xf32>
    %dot_general3A_1776 = arith.constant dense<0.000000e+00> : vector<784x256xf32>
    %dot_general3A_1777 = tpu.matmul %reshape3A_1773, %squeeze3A_1775, %dot_general3A_1776 {dimension_numbers = #tpu.dot_dimension_numbers<[1], [0], [0], [1], [0, 0, 1, 1], [], []>, transpose_lhs_hint = false} : vector<784x128xf32>, vector<128x256xf32>, vector<784x256xf32> -> vector<784x256xf32>
    %add3A_1778 = arith.addf %add3A_1771, %dot_general3A_1777 : vector<784x256xf32>
    %slice3A_1779 = vector.extract_strided_slice %get3A_1764 {offsets = [2, 0, 0], sizes = [14, 56, 128], strides = [1, 1, 1]} : vector<16x56x128xf32> to vector<14x56x128xf32>
    %reshape3A_1780 = vector.shape_cast %slice3A_1779 : vector<14x56x128xf32> to vector<784x128xf32>
    %slice3A_1781 = vector.extract_strided_slice %get3A_1473 {offsets = [6, 0, 0], sizes = [1, 128, 256], strides = [1, 1, 1]} : vector<9x128x256xf32> to vector<1x128x256xf32>
    %squeeze3A_1782 = vector.shape_cast %slice3A_1781 : vector<1x128x256xf32> to vector<128x256xf32>
    %dot_general3A_1783 = arith.constant dense<0.000000e+00> : vector<784x256xf32>
    %dot_general3A_1784 = tpu.matmul %reshape3A_1780, %squeeze3A_1782, %dot_general3A_1783 {dimension_numbers = #tpu.dot_dimension_numbers<[1], [0], [0], [1], [0, 0, 1, 1], [], []>, transpose_lhs_hint = false} : vector<784x128xf32>, vector<128x256xf32>, vector<784x256xf32> -> vector<784x256xf32>
    %add3A_1785 = arith.addf %add3A_1778, %dot_general3A_1784 : vector<784x256xf32>
    %get3A_1786 = arith.constant 42 : index
    %get3A_1787 = arith.constant 1 : index
    %get3A_1788 = arith.constant 0 : index
    %get3A_1789 = vector.load %arg9[%get3A_1786, %get3A_1787, %get3A_1788] : memref<58x58x128xf32, #tpu.memory_space<vmem>>, vector<16x56x128xf32>
    %slice3A_1790 = vector.extract_strided_slice %get3A_1789 {offsets = [0, 0, 0], sizes = [14, 56, 128], strides = [1, 1, 1]} : vector<16x56x128xf32> to vector<14x56x128xf32>
    %reshape3A_1791 = vector.shape_cast %slice3A_1790 : vector<14x56x128xf32> to vector<784x128xf32>
    %slice3A_1792 = vector.extract_strided_slice %get3A_1473 {offsets = [1, 0, 0], sizes = [1, 128, 256], strides = [1, 1, 1]} : vector<9x128x256xf32> to vector<1x128x256xf32>
    %squeeze3A_1793 = vector.shape_cast %slice3A_1792 : vector<1x128x256xf32> to vector<128x256xf32>
    %dot_general3A_1794 = arith.constant dense<0.000000e+00> : vector<784x256xf32>
    %dot_general3A_1795 = tpu.matmul %reshape3A_1791, %squeeze3A_1793, %dot_general3A_1794 {dimension_numbers = #tpu.dot_dimension_numbers<[1], [0], [0], [1], [0, 0, 1, 1], [], []>, transpose_lhs_hint = false} : vector<784x128xf32>, vector<128x256xf32>, vector<784x256xf32> -> vector<784x256xf32>
    %add3A_1796 = arith.addf %add3A_1785, %dot_general3A_1795 : vector<784x256xf32>
    %slice3A_1797 = vector.extract_strided_slice %get3A_1789 {offsets = [1, 0, 0], sizes = [14, 56, 128], strides = [1, 1, 1]} : vector<16x56x128xf32> to vector<14x56x128xf32>
    %reshape3A_1798 = vector.shape_cast %slice3A_1797 : vector<14x56x128xf32> to vector<784x128xf32>
    %slice3A_1799 = vector.extract_strided_slice %get3A_1473 {offsets = [4, 0, 0], sizes = [1, 128, 256], strides = [1, 1, 1]} : vector<9x128x256xf32> to vector<1x128x256xf32>
    %squeeze3A_1800 = vector.shape_cast %slice3A_1799 : vector<1x128x256xf32> to vector<128x256xf32>
    %dot_general3A_1801 = arith.constant dense<0.000000e+00> : vector<784x256xf32>
    %dot_general3A_1802 = tpu.matmul %reshape3A_1798, %squeeze3A_1800, %dot_general3A_1801 {dimension_numbers = #tpu.dot_dimension_numbers<[1], [0], [0], [1], [0, 0, 1, 1], [], []>, transpose_lhs_hint = false} : vector<784x128xf32>, vector<128x256xf32>, vector<784x256xf32> -> vector<784x256xf32>
    %add3A_1803 = arith.addf %add3A_1796, %dot_general3A_1802 : vector<784x256xf32>
    %slice3A_1804 = vector.extract_strided_slice %get3A_1789 {offsets = [2, 0, 0], sizes = [14, 56, 128], strides = [1, 1, 1]} : vector<16x56x128xf32> to vector<14x56x128xf32>
    %reshape3A_1805 = vector.shape_cast %slice3A_1804 : vector<14x56x128xf32> to vector<784x128xf32>
    %slice3A_1806 = vector.extract_strided_slice %get3A_1473 {offsets = [7, 0, 0], sizes = [1, 128, 256], strides = [1, 1, 1]} : vector<9x128x256xf32> to vector<1x128x256xf32>
    %squeeze3A_1807 = vector.shape_cast %slice3A_1806 : vector<1x128x256xf32> to vector<128x256xf32>
    %dot_general3A_1808 = arith.constant dense<0.000000e+00> : vector<784x256xf32>
    %dot_general3A_1809 = tpu.matmul %reshape3A_1805, %squeeze3A_1807, %dot_general3A_1808 {dimension_numbers = #tpu.dot_dimension_numbers<[1], [0], [0], [1], [0, 0, 1, 1], [], []>, transpose_lhs_hint = false} : vector<784x128xf32>, vector<128x256xf32>, vector<784x256xf32> -> vector<784x256xf32>
    %add3A_1810 = arith.addf %add3A_1803, %dot_general3A_1809 : vector<784x256xf32>
    %get3A_1811 = arith.constant 42 : index
    %get3A_1812 = arith.constant 2 : index
    %get3A_1813 = arith.constant 0 : index
    %get3A_1814 = vector.load %arg9[%get3A_1811, %get3A_1812, %get3A_1813] : memref<58x58x128xf32, #tpu.memory_space<vmem>>, vector<16x56x128xf32>
    %slice3A_1815 = vector.extract_strided_slice %get3A_1814 {offsets = [0, 0, 0], sizes = [14, 56, 128], strides = [1, 1, 1]} : vector<16x56x128xf32> to vector<14x56x128xf32>
    %reshape3A_1816 = vector.shape_cast %slice3A_1815 : vector<14x56x128xf32> to vector<784x128xf32>
    %slice3A_1817 = vector.extract_strided_slice %get3A_1473 {offsets = [2, 0, 0], sizes = [1, 128, 256], strides = [1, 1, 1]} : vector<9x128x256xf32> to vector<1x128x256xf32>
    %squeeze3A_1818 = vector.shape_cast %slice3A_1817 : vector<1x128x256xf32> to vector<128x256xf32>
    %dot_general3A_1819 = arith.constant dense<0.000000e+00> : vector<784x256xf32>
    %dot_general3A_1820 = tpu.matmul %reshape3A_1816, %squeeze3A_1818, %dot_general3A_1819 {dimension_numbers = #tpu.dot_dimension_numbers<[1], [0], [0], [1], [0, 0, 1, 1], [], []>, transpose_lhs_hint = false} : vector<784x128xf32>, vector<128x256xf32>, vector<784x256xf32> -> vector<784x256xf32>
    %add3A_1821 = arith.addf %add3A_1810, %dot_general3A_1820 : vector<784x256xf32>
    %slice3A_1822 = vector.extract_strided_slice %get3A_1814 {offsets = [1, 0, 0], sizes = [14, 56, 128], strides = [1, 1, 1]} : vector<16x56x128xf32> to vector<14x56x128xf32>
    %reshape3A_1823 = vector.shape_cast %slice3A_1822 : vector<14x56x128xf32> to vector<784x128xf32>
    %slice3A_1824 = vector.extract_strided_slice %get3A_1473 {offsets = [5, 0, 0], sizes = [1, 128, 256], strides = [1, 1, 1]} : vector<9x128x256xf32> to vector<1x128x256xf32>
    %squeeze3A_1825 = vector.shape_cast %slice3A_1824 : vector<1x128x256xf32> to vector<128x256xf32>
    %dot_general3A_1826 = arith.constant dense<0.000000e+00> : vector<784x256xf32>
    %dot_general3A_1827 = tpu.matmul %reshape3A_1823, %squeeze3A_1825, %dot_general3A_1826 {dimension_numbers = #tpu.dot_dimension_numbers<[1], [0], [0], [1], [0, 0, 1, 1], [], []>, transpose_lhs_hint = false} : vector<784x128xf32>, vector<128x256xf32>, vector<784x256xf32> -> vector<784x256xf32>
    %add3A_1828 = arith.addf %add3A_1821, %dot_general3A_1827 : vector<784x256xf32>
    %slice3A_1829 = vector.extract_strided_slice %get3A_1814 {offsets = [2, 0, 0], sizes = [14, 56, 128], strides = [1, 1, 1]} : vector<16x56x128xf32> to vector<14x56x128xf32>
    %reshape3A_1830 = vector.shape_cast %slice3A_1829 : vector<14x56x128xf32> to vector<784x128xf32>
    %slice3A_1831 = vector.extract_strided_slice %get3A_1473 {offsets = [8, 0, 0], sizes = [1, 128, 256], strides = [1, 1, 1]} : vector<9x128x256xf32> to vector<1x128x256xf32>
    %squeeze3A_1832 = vector.shape_cast %slice3A_1831 : vector<1x128x256xf32> to vector<128x256xf32>
    %dot_general3A_1833 = arith.constant dense<0.000000e+00> : vector<784x256xf32>
    %dot_general3A_1834 = tpu.matmul %reshape3A_1830, %squeeze3A_1832, %dot_general3A_1833 {dimension_numbers = #tpu.dot_dimension_numbers<[1], [0], [0], [1], [0, 0, 1, 1], [], []>, transpose_lhs_hint = false} : vector<784x128xf32>, vector<128x256xf32>, vector<784x256xf32> -> vector<784x256xf32>
    %add3A_1835 = arith.addf %add3A_1828, %dot_general3A_1834 : vector<784x256xf32>
    %reshape3A_1836 = vector.shape_cast %add3A_1835 : vector<784x256xf32> to vector<14x56x256xf32>
    %max3A_1837 = arith.constant 0.000000e+00 : f32
    %max3A_1838 = vector.broadcast %max3A_1837 : f32 to vector<14x56x256xf32>
    %max3A_1839 = arith.maximumf %reshape3A_1836, %max3A_1838 : vector<14x56x256xf32>
    %reshape3A_1840 = vector.shape_cast %max3A_1839 : vector<14x56x256xf32> to vector<14x28x2x256xf32>
    %slice3A_1841 = vector.extract_strided_slice %reshape3A_1840 {offsets = [0, 0, 0, 0], sizes = [14, 28, 1, 256], strides = [1, 1, 1, 1]} : vector<14x28x2x256xf32> to vector<14x28x1x256xf32>
    %squeeze3A_1842 = vector.shape_cast %slice3A_1841 : vector<14x28x1x256xf32> to vector<14x28x256xf32>
    %slice3A_1843 = vector.extract_strided_slice %reshape3A_1840 {offsets = [0, 0, 1, 0], sizes = [14, 28, 1, 256], strides = [1, 1, 1, 1]} : vector<14x28x2x256xf32> to vector<14x28x1x256xf32>
    %squeeze3A_1844 = vector.shape_cast %slice3A_1843 : vector<14x28x1x256xf32> to vector<14x28x256xf32>
    %max3A_1845 = arith.maximumf %squeeze3A_1842, %squeeze3A_1844 : vector<14x28x256xf32>
    %reshape3A_1846 = vector.shape_cast %max3A_1845 : vector<14x28x256xf32> to vector<7x56x256xf32>
    %slice3A_1847 = vector.extract_strided_slice %reshape3A_1846 {offsets = [0, 0, 0], sizes = [7, 28, 256], strides = [1, 1, 1]} : vector<7x56x256xf32> to vector<7x28x256xf32>
    %slice3A_1848 = vector.extract_strided_slice %reshape3A_1846 {offsets = [0, 28, 0], sizes = [7, 28, 256], strides = [1, 1, 1]} : vector<7x56x256xf32> to vector<7x28x256xf32>
    %max3A_1849 = arith.maximumf %slice3A_1847, %slice3A_1848 : vector<7x28x256xf32>
    %swap3A_1850 = arith.constant 21 : index
    %swap3A_1851 = arith.constant 0 : index
    %swap3A_1852 = arith.constant 0 : index
    %swap3A_1853 = vector.load %arg10[%swap3A_1850, %swap3A_1851, %swap3A_1852] : memref<28x28x256xf32, #tpu.memory_space<vmem>>, vector<7x28x256xf32>
    tpu.vector_store %arg10[%swap3A_1850, %swap3A_1851, %swap3A_1852], %max3A_1849 {strides = array<i32>} : memref<28x28x256xf32, #tpu.memory_space<vmem>>, vector<7x28x256xf32>,
    %lt3A = arith.constant 2 : i32
    %lt3A_1854 = arith.cmpi slt, %arg0, %lt3A : i32
    %get3A_1855 = arith.constant 0 : index
    %get3A_1856 = arith.constant 0 : index
    %get3A_1857 = vector.load %arg5[%get3A_1855, %get3A_1856] : memref<256x128xf32, #tpu.memory_space<vmem>>, vector<256x128xf32>
    %get3A_1858 = arith.constant 0 : index
    %get3A_1859 = arith.constant 0 : index
    %get3A_1860 = vector.load %arg6[%get3A_1858, %get3A_1859] : memref<256x128xf32, #tpu.memory_space<vmem>>, vector<256x128xf32>
    %select_n3A = arith.select %lt3A_1854, %get3A_1857, %get3A_1860 : vector<256x128xf32>
    %get3A_1861 = arith.constant 0 : index
    %get3A_1862 = arith.constant 0 : index
    %get3A_1863 = arith.constant 0 : index
    %get3A_1864 = vector.load %arg10[%get3A_1861, %get3A_1862, %get3A_1863] : memref<28x28x256xf32, #tpu.memory_space<vmem>>, vector<28x28x256xf32>
    %reshape3A_1865 = vector.shape_cast %get3A_1864 : vector<28x28x256xf32> to vector<784x256xf32>
    %dot_general3A_1866 = arith.constant dense<0.000000e+00> : vector<784x128xf32>
    %dot_general3A_1867 = tpu.matmul %reshape3A_1865, %select_n3A, %dot_general3A_1866 {dimension_numbers = #tpu.dot_dimension_numbers<[1], [0], [0], [1], [0, 0, 1, 1], [], []>, transpose_lhs_hint = false} : vector<784x256xf32>, vector<256x128xf32>, vector<784x128xf32> -> vector<784x128xf32>
    %reduce_sum3A = arith.constant dense<0.000000e+00> : vector<784xf32>
    %reduce_sum3A_1868 = vector.multi_reduction <add>, %dot_general3A_1867, %reduce_sum3A [1] : vector<784x128xf32> to vector<784xf32>
    %broadcast_in_dim3A_1869 = vector.shape_cast %reduce_sum3A_1868 : vector<784xf32> to vector<784x1xf32>
    %div3A = arith.constant 1.280000e+02 : f32
    %div3A_1870 = vector.broadcast %div3A : f32 to vector<784x1xf32>
    %div3A_1871 = arith.divf %broadcast_in_dim3A_1869, %div3A_1870 : vector<784x1xf32>
    %sub3A = vector.broadcast %div3A_1871 : vector<784x1xf32> to vector<784x128xf32>
    %sub3A_1872 = arith.subf %dot_general3A_1867, %sub3A : vector<784x128xf32>
    %mul3A = arith.mulf %sub3A_1872, %sub3A_1872 : vector<784x128xf32>
    %reduce_sum3A_1873 = arith.constant dense<0.000000e+00> : vector<784xf32>
    %reduce_sum3A_1874 = vector.multi_reduction <add>, %mul3A, %reduce_sum3A_1873 [1] : vector<784x128xf32> to vector<784xf32>
    %broadcast_in_dim3A_1875 = vector.shape_cast %reduce_sum3A_1874 : vector<784xf32> to vector<784x1xf32>
    %sqrt3A = math.sqrt %broadcast_in_dim3A_1875 : vector<784x1xf32>
    %add3A_1876 = arith.constant 9.99999993E-9 : f32
    %add3A_1877 = vector.broadcast %add3A_1876 : f32 to vector<784x1xf32>
    %add3A_1878 = arith.addf %sqrt3A, %add3A_1877 : vector<784x1xf32>
    %div3A_1879 = vector.broadcast %add3A_1878 : vector<784x1xf32> to vector<784x128xf32>
    %div3A_1880 = arith.divf %sub3A_1872, %div3A_1879 : vector<784x128xf32>
    %swap3A_1881 = arith.constant 0 : index
    %swap3A_1882 = arith.constant 0 : index
    %swap3A_1883 = arith.constant 0 : index
    %swap3A_1884 = vector.load %arg7[%swap3A_1881, %swap3A_1882, %swap3A_1883] : memref<1x784x128xf32, #tpu.memory_space<vmem>>, vector<1x784x128xf32>
    %swap3A_1885 = vector.shape_cast %swap3A_1884 : vector<1x784x128xf32> to vector<784x128xf32>
    %swap3A_1886 = vector.shape_cast %div3A_1880 : vector<784x128xf32> to vector<1x784x128xf32>
    tpu.vector_store %arg7[%swap3A_1881, %swap3A_1882, %swap3A_1883], %swap3A_1886 {strides = array<i32>} : memref<1x784x128xf32, #tpu.memory_space<vmem>>, vector<1x784x128xf32>,
    return
  }
  func.func @transform_0(%arg0: i32) -> (i32, i32, i32) {
    %c0_i32 = arith.constant 0 : i32
    %c0_i32_0 = arith.constant 0 : i32
    %c0_i32_1 = arith.constant 0 : i32
    return %arg0, %c0_i32, %c0_i32_0 : i32, i32, i32
  }
  func.func @transform_1(%arg0: i32) -> (i32, i32) {
    %c0_i32 = arith.constant 0 : i32
    %c0_i32_0 = arith.constant 0 : i32
    %c0_i32_1 = arith.constant 0 : i32
    return %c0_i32, %c0_i32_0 : i32, i32
  }
  func.func @transform_2(%arg0: i32) -> (i32, i32, i32) {
    %c0_i32 = arith.constant 0 : i32
    %c0_i32_0 = arith.constant 0 : i32
    %c0_i32_1 = arith.constant 0 : i32
    %c0_i32_2 = arith.constant 0 : i32
    return %c0_i32, %c0_i32_0, %c0_i32_1 : i32, i32, i32
  }
  func.func @transform_3(%arg0: i32) -> (i32, i32, i32) {
    %c0_i32 = arith.constant 0 : i32
    %c0_i32_0 = arith.constant 0 : i32
    %c0_i32_1 = arith.constant 0 : i32
    %c0_i32_2 = arith.constant 0 : i32
    return %c0_i32, %c0_i32_0, %c0_i32_1 : i32, i32, i32
  }
  func.func @transform_4(%arg0: i32) -> (i32, i32) {
    %c0_i32 = arith.constant 0 : i32
    %c0_i32_0 = arith.constant 0 : i32
    %c0_i32_1 = arith.constant 0 : i32
    return %c0_i32, %c0_i32_0 : i32, i32
  }
  func.func @transform_5(%arg0: i32) -> (i32, i32) {
    %c0_i32 = arith.constant 0 : i32
    %c0_i32_0 = arith.constant 0 : i32
    %c0_i32_1 = arith.constant 0 : i32
    return %c0_i32, %c0_i32_0 : i32, i32
  }
  func.func @transform_6(%arg0: i32) -> (i32, i32, i32) {
    %c0_i32 = arith.constant 0 : i32
    %c0_i32_0 = arith.constant 0 : i32
    %c0_i32_1 = arith.constant 0 : i32
    return %arg0, %c0_i32, %c0_i32_0 : i32, i32, i32
  }
}

module attributes {stable_mosaic.version = 14 : i64} {
  func.func @_attn_kernel(%arg0: i32, %arg1: memref<1x784x128xf32, #tpu.memory_space<vmem>>, %arg2: memref<1x784x128xf32, #tpu.memory_space<vmem>>, %arg3: memref<1x8x784xi32, #tpu.memory_space<vmem>>, %arg4: memref<1x784x8xi32, #tpu.memory_space<vmem>>, %arg5: memref<1x784x192xf32, #tpu.memory_space<vmem>>, %arg6: memref<1x784x8xf32, #tpu.memory_space<vmem>>, %arg7: memref<1x784x8xf32, #tpu.memory_space<vmem>>) attributes {dimension_semantics = [#tpu.dimension_semantics<arbitrary>], iteration_bounds = array<i64: 2>, scalar_prefetch = 0 : i64, scratch_operands = 0 : i64, tpu.core_type = #tpu.core_type<tc>, window_params = [{transform_indices = @transform_0, window_bounds = array<i64: 1, 784, 128>}, {transform_indices = @transform_1, window_bounds = array<i64: 1, 784, 128>}, {transform_indices = @transform_2, window_bounds = array<i64: 1, 8, 784>}, {transform_indices = @transform_3, window_bounds = array<i64: 1, 784, 8>}, {transform_indices = @transform_4, window_bounds = array<i64: 1, 784, 192>}, {transform_indices = @transform_5, window_bounds = array<i64: 1, 784, 8>}, {transform_indices = @transform_6, window_bounds = array<i64: 1, 784, 8>}]} {
    %get3A = arith.constant 0 : index
    %get3A_0 = arith.constant 0 : index
    %get3A_1 = arith.constant 0 : index
    %get3A_2 = vector.load %arg1[%get3A, %get3A_0, %get3A_1] : memref<1x784x128xf32, #tpu.memory_space<vmem>>, vector<1x784x128xf32>
    %get3A_3 = vector.shape_cast %get3A_2 : vector<1x784x128xf32> to vector<784x128xf32>
    %get3A_4 = arith.constant 0 : index
    %get3A_5 = arith.constant 0 : index
    %get3A_6 = arith.constant 0 : index
    %get3A_7 = vector.load %arg2[%get3A_4, %get3A_5, %get3A_6] : memref<1x784x128xf32, #tpu.memory_space<vmem>>, vector<1x784x128xf32>
    %get3A_8 = vector.shape_cast %get3A_7 : vector<1x784x128xf32> to vector<784x128xf32>
    %dot_general3A = arith.constant dense<0.000000e+00> : vector<784x784xf32>
    %dot_general3A_9 = tpu.matmul %get3A_3, %get3A_8, %dot_general3A {dimension_numbers = #tpu.dot_dimension_numbers<[1], [1], [0], [0], [0, 0, 1, 0], [], []>, transpose_lhs_hint = false} : vector<784x128xf32>, vector<784x128xf32>, vector<784x784xf32> -> vector<784x784xf32>
    %mul3A = arith.constant 1.000000e+02 : f32
    %mul3A_10 = vector.broadcast %mul3A : f32 to vector<784x784xf32>
    %mul3A_11 = arith.mulf %dot_general3A_9, %mul3A_10 : vector<784x784xf32>
    %get3A_12 = arith.constant 0 : index
    %get3A_13 = arith.constant 0 : index
    %get3A_14 = arith.constant 0 : index
    %get3A_15 = vector.load %arg3[%get3A_12, %get3A_13, %get3A_14] : memref<1x8x784xi32, #tpu.memory_space<vmem>>, vector<1x8x784xi32>
    %get3A_16 = vector.shape_cast %get3A_15 : vector<1x8x784xi32> to vector<8x784xi32>
    %get3A_17 = arith.constant 0 : index
    %get3A_18 = arith.constant 0 : index
    %get3A_19 = arith.constant 0 : index
    %get3A_20 = vector.load %arg4[%get3A_17, %get3A_18, %get3A_19] : memref<1x784x8xi32, #tpu.memory_space<vmem>>, vector<1x784x8xi32>
    %get3A_21 = vector.shape_cast %get3A_20 : vector<1x784x8xi32> to vector<784x8xi32>
    %slice3A = vector.extract_strided_slice %get3A_21 {offsets = [0, 0], sizes = [784, 1], strides = [1, 1]} : vector<784x8xi32> to vector<784x1xi32>
    %slice3A_22 = vector.extract_strided_slice %get3A_16 {offsets = [1, 0], sizes = [1, 784], strides = [1, 1]} : vector<8x784xi32> to vector<1x784xi32>
    %slice3A_23 = vector.extract_strided_slice %get3A_21 {offsets = [0, 2], sizes = [784, 1], strides = [1, 1]} : vector<784x8xi32> to vector<784x1xi32>
    %slice3A_24 = vector.extract_strided_slice %get3A_16 {offsets = [3, 0], sizes = [1, 784], strides = [1, 1]} : vector<8x784xi32> to vector<1x784xi32>
    %get3A_25 = arith.constant 0 : index
    %get3A_26 = arith.constant 0 : index
    %get3A_27 = arith.constant 0 : index
    %get3A_28 = vector.load %arg5[%get3A_25, %get3A_26, %get3A_27] : memref<1x784x192xf32, #tpu.memory_space<vmem>>, vector<1x784x192xf32>
    %get3A_29 = vector.shape_cast %get3A_28 : vector<1x784x192xf32> to vector<784x192xf32>
    %reshape3A = vector.shape_cast %get3A_29 : vector<784x192xf32> to vector<784x3x64xf32>
    %reduce_sum3A = arith.constant dense<0.000000e+00> : vector<784x3xf32>
    %reduce_sum3A_30 = vector.multi_reduction <add>, %reshape3A, %reduce_sum3A [2] : vector<784x3x64xf32> to vector<784x3xf32>
    %div3A = arith.constant 6.400000e+01 : f32
    %div3A_31 = vector.broadcast %div3A : f32 to vector<784x3xf32>
    %div3A_32 = arith.divf %reduce_sum3A_30, %div3A_31 : vector<784x3xf32>
    %broadcast_in_dim3A = arith.constant 0.000000e+00 : f32
    %broadcast_in_dim3A_33 = vector.broadcast %broadcast_in_dim3A : f32 to vector<784x5xf32>
    %concatenate3A = tpu.concatenate %div3A_32, %broadcast_in_dim3A_33 in 1 : vector<784x3xf32>, vector<784x5xf32> -> vector<784x8xf32>
    %eq3A = vector.broadcast %slice3A : vector<784x1xi32> to vector<784x784xi32>
    %eq3A_34 = vector.broadcast %slice3A_22 : vector<1x784xi32> to vector<784x784xi32>
    %eq3A_35 = arith.cmpi eq, %eq3A, %eq3A_34 : vector<784x784xi32>
    %lt3A = arith.constant 8 : i32
    %lt3A_36 = vector.broadcast %lt3A : i32 to vector<784x1xi32>
    %lt3A_37 = arith.cmpi slt, %slice3A, %lt3A_36 : vector<784x1xi32>
    %and3A = vector.broadcast %lt3A_37 : vector<784x1xi1> to vector<784x784xi1>
    %and3A_38 = arith.andi %eq3A_35, %and3A : vector<784x784xi1>
    %gt3A = arith.constant 0 : i32
    %gt3A_39 = vector.broadcast %gt3A : i32 to vector<784x1xi32>
    %gt3A_40 = arith.cmpi sgt, %slice3A_23, %gt3A_39 : vector<784x1xi32>
    %gt3A_41 = arith.constant 0 : i32
    %gt3A_42 = vector.broadcast %gt3A_41 : i32 to vector<1x784xi32>
    %gt3A_43 = arith.cmpi sgt, %slice3A_24, %gt3A_42 : vector<1x784xi32>
    %and3A_44 = vector.broadcast %gt3A_40 : vector<784x1xi1> to vector<784x784xi1>
    %and3A_45 = vector.broadcast %gt3A_43 : vector<1x784xi1> to vector<784x784xi1>
    %and3A_46 = arith.andi %and3A_44, %and3A_45 : vector<784x784xi1>
    %jit3A = arith.constant -1.000000e+30 : f32
    %broadcast_in_dim3A_47 = vector.broadcast %jit3A : f32 to vector<784x784xf32>
    %select_n3A = arith.select %and3A_38, %mul3A_11, %broadcast_in_dim3A_47 : vector<784x784xi1>, vector<784x784xf32>
    %reduce_max3A = arith.constant dense<0xFF800000> : vector<784xf32>
    %reduce_max3A_48 = vector.multi_reduction <maximumf>, %select_n3A, %reduce_max3A [1] : vector<784x784xf32> to vector<784xf32>
    %broadcast_in_dim3A_49 = vector.shape_cast %reduce_max3A_48 : vector<784xf32> to vector<784x1xf32>
    %sub3A = vector.broadcast %broadcast_in_dim3A_49 : vector<784x1xf32> to vector<784x784xf32>
    %sub3A_50 = arith.subf %select_n3A, %sub3A : vector<784x784xf32>
    %exp3A = math.exp %sub3A_50 : vector<784x784xf32>
    %reduce_sum3A_51 = arith.constant dense<0.000000e+00> : vector<784xf32>
    %reduce_sum3A_52 = vector.multi_reduction <add>, %exp3A, %reduce_sum3A_51 [1] : vector<784x784xf32> to vector<784xf32>
    %broadcast_in_dim3A_53 = vector.shape_cast %reduce_sum3A_52 : vector<784xf32> to vector<784x1xf32>
    %div3A_54 = vector.broadcast %broadcast_in_dim3A_53 : vector<784x1xf32> to vector<784x784xf32>
    %div3A_55 = arith.divf %exp3A, %div3A_54 : vector<784x784xf32>
    %dot_general3A_56 = arith.constant dense<0.000000e+00> : vector<784x8xf32>
    %dot_general3A_57 = tpu.matmul %div3A_55, %concatenate3A, %dot_general3A_56 {dimension_numbers = #tpu.dot_dimension_numbers<[1], [0], [0], [1], [0, 0, 1, 1], [], []>, transpose_lhs_hint = false} : vector<784x784xf32>, vector<784x8xf32>, vector<784x8xf32> -> vector<784x8xf32>
    %reduce_or3A = arith.constant 1.000000e+00 : f32
    %reduce_or3A_58 = arith.constant 0.000000e+00 : f32
    %reduce_or3A_59 = vector.broadcast %reduce_or3A : f32 to vector<784x784xf32>
    %reduce_or3A_60 = vector.broadcast %reduce_or3A_58 : f32 to vector<784x784xf32>
    %reduce_or3A_61 = arith.select %and3A_38, %reduce_or3A_59, %reduce_or3A_60 : vector<784x784xi1>, vector<784x784xf32>
    %reduce_or3A_62 = arith.constant dense<0xFF800000> : vector<784xf32>
    %reduce_or3A_63 = vector.multi_reduction <maximumf>, %reduce_or3A_61, %reduce_or3A_62 [1] : vector<784x784xf32> to vector<784xf32>
    %reduce_or3A_64 = arith.constant 0.000000e+00 : f32
    %reduce_or3A_65 = vector.broadcast %reduce_or3A_64 : f32 to vector<784xf32>
    %reduce_or3A_66 = arith.cmpf ogt, %reduce_or3A_63, %reduce_or3A_65 : vector<784xf32>
    %broadcast_in_dim3A_67 = vector.shape_cast %reduce_or3A_66 : vector<784xi1> to vector<784x1xi1>
    %jit3A_68 = arith.constant 0.000000e+00 : f32
    %broadcast_in_dim3A_69 = vector.shape_cast %broadcast_in_dim3A_67 : vector<784x1xi1> to vector<784x1xi1>
    %broadcast_in_dim3A_70 = vector.broadcast %broadcast_in_dim3A_69 : vector<784x1xi1> to vector<784x8xi1>
    %broadcast_in_dim3A_71 = vector.broadcast %jit3A_68 : f32 to vector<784x8xf32>
    %select_n3A_72 = arith.select %broadcast_in_dim3A_70, %dot_general3A_57, %broadcast_in_dim3A_71 : vector<784x8xi1>, vector<784x8xf32>
    %swap3A = arith.constant 0 : index
    %swap3A_73 = arith.constant 0 : index
    %swap3A_74 = arith.constant 0 : index
    %swap3A_75 = vector.load %arg6[%swap3A, %swap3A_73, %swap3A_74] : memref<1x784x8xf32, #tpu.memory_space<vmem>>, vector<1x784x8xf32>
    %swap3A_76 = vector.shape_cast %swap3A_75 : vector<1x784x8xf32> to vector<784x8xf32>
    %swap3A_77 = vector.shape_cast %select_n3A_72 : vector<784x8xf32> to vector<1x784x8xf32>
    tpu.vector_store %arg6[%swap3A, %swap3A_73, %swap3A_74], %swap3A_77 {strides = array<i32>} : memref<1x784x8xf32, #tpu.memory_space<vmem>>, vector<1x784x8xf32>,
    %jit3A_78 = arith.constant -1.000000e+30 : f32
    %broadcast_in_dim3A_79 = vector.broadcast %jit3A_78 : f32 to vector<784x784xf32>
    %select_n3A_80 = arith.select %and3A_46, %mul3A_11, %broadcast_in_dim3A_79 : vector<784x784xi1>, vector<784x784xf32>
    %reduce_max3A_81 = arith.constant dense<0xFF800000> : vector<784xf32>
    %reduce_max3A_82 = vector.multi_reduction <maximumf>, %select_n3A_80, %reduce_max3A_81 [1] : vector<784x784xf32> to vector<784xf32>
    %broadcast_in_dim3A_83 = vector.shape_cast %reduce_max3A_82 : vector<784xf32> to vector<784x1xf32>
    %sub3A_84 = vector.broadcast %broadcast_in_dim3A_83 : vector<784x1xf32> to vector<784x784xf32>
    %sub3A_85 = arith.subf %select_n3A_80, %sub3A_84 : vector<784x784xf32>
    %exp3A_86 = math.exp %sub3A_85 : vector<784x784xf32>
    %reduce_sum3A_87 = arith.constant dense<0.000000e+00> : vector<784xf32>
    %reduce_sum3A_88 = vector.multi_reduction <add>, %exp3A_86, %reduce_sum3A_87 [1] : vector<784x784xf32> to vector<784xf32>
    %broadcast_in_dim3A_89 = vector.shape_cast %reduce_sum3A_88 : vector<784xf32> to vector<784x1xf32>
    %div3A_90 = vector.broadcast %broadcast_in_dim3A_89 : vector<784x1xf32> to vector<784x784xf32>
    %div3A_91 = arith.divf %exp3A_86, %div3A_90 : vector<784x784xf32>
    %dot_general3A_92 = arith.constant dense<0.000000e+00> : vector<784x8xf32>
    %dot_general3A_93 = tpu.matmul %div3A_91, %concatenate3A, %dot_general3A_92 {dimension_numbers = #tpu.dot_dimension_numbers<[1], [0], [0], [1], [0, 0, 1, 1], [], []>, transpose_lhs_hint = false} : vector<784x784xf32>, vector<784x8xf32>, vector<784x8xf32> -> vector<784x8xf32>
    %reduce_or3A_94 = arith.constant 1.000000e+00 : f32
    %reduce_or3A_95 = arith.constant 0.000000e+00 : f32
    %reduce_or3A_96 = vector.broadcast %reduce_or3A_94 : f32 to vector<784x784xf32>
    %reduce_or3A_97 = vector.broadcast %reduce_or3A_95 : f32 to vector<784x784xf32>
    %reduce_or3A_98 = arith.select %and3A_46, %reduce_or3A_96, %reduce_or3A_97 : vector<784x784xi1>, vector<784x784xf32>
    %reduce_or3A_99 = arith.constant dense<0xFF800000> : vector<784xf32>
    %reduce_or3A_100 = vector.multi_reduction <maximumf>, %reduce_or3A_98, %reduce_or3A_99 [1] : vector<784x784xf32> to vector<784xf32>
    %reduce_or3A_101 = arith.constant 0.000000e+00 : f32
    %reduce_or3A_102 = vector.broadcast %reduce_or3A_101 : f32 to vector<784xf32>
    %reduce_or3A_103 = arith.cmpf ogt, %reduce_or3A_100, %reduce_or3A_102 : vector<784xf32>
    %broadcast_in_dim3A_104 = vector.shape_cast %reduce_or3A_103 : vector<784xi1> to vector<784x1xi1>
    %jit3A_105 = arith.constant 0.000000e+00 : f32
    %broadcast_in_dim3A_106 = vector.shape_cast %broadcast_in_dim3A_104 : vector<784x1xi1> to vector<784x1xi1>
    %broadcast_in_dim3A_107 = vector.broadcast %broadcast_in_dim3A_106 : vector<784x1xi1> to vector<784x8xi1>
    %broadcast_in_dim3A_108 = vector.broadcast %jit3A_105 : f32 to vector<784x8xf32>
    %select_n3A_109 = arith.select %broadcast_in_dim3A_107, %dot_general3A_93, %broadcast_in_dim3A_108 : vector<784x8xi1>, vector<784x8xf32>
    %swap3A_110 = arith.constant 0 : index
    %swap3A_111 = arith.constant 0 : index
    %swap3A_112 = arith.constant 0 : index
    %swap3A_113 = vector.load %arg7[%swap3A_110, %swap3A_111, %swap3A_112] : memref<1x784x8xf32, #tpu.memory_space<vmem>>, vector<1x784x8xf32>
    %swap3A_114 = vector.shape_cast %swap3A_113 : vector<1x784x8xf32> to vector<784x8xf32>
    %swap3A_115 = vector.shape_cast %select_n3A_109 : vector<784x8xf32> to vector<1x784x8xf32>
    tpu.vector_store %arg7[%swap3A_110, %swap3A_111, %swap3A_112], %swap3A_115 {strides = array<i32>} : memref<1x784x8xf32, #tpu.memory_space<vmem>>, vector<1x784x8xf32>,
    return
  }
  func.func @transform_0(%arg0: i32) -> (i32, i32, i32) {
    %c0_i32 = arith.constant 0 : i32
    %c0_i32_0 = arith.constant 0 : i32
    %c0_i32_1 = arith.constant 0 : i32
    return %arg0, %c0_i32, %c0_i32_0 : i32, i32, i32
  }
  func.func @transform_1(%arg0: i32) -> (i32, i32, i32) {
    %c0_i32 = arith.constant 0 : i32
    %c0_i32_0 = arith.constant 0 : i32
    %c0_i32_1 = arith.constant 0 : i32
    return %arg0, %c0_i32, %c0_i32_0 : i32, i32, i32
  }
  func.func @transform_2(%arg0: i32) -> (i32, i32, i32) {
    %c0_i32 = arith.constant 0 : i32
    %c0_i32_0 = arith.constant 0 : i32
    %c0_i32_1 = arith.constant 0 : i32
    return %arg0, %c0_i32, %c0_i32_0 : i32, i32, i32
  }
  func.func @transform_3(%arg0: i32) -> (i32, i32, i32) {
    %c0_i32 = arith.constant 0 : i32
    %c0_i32_0 = arith.constant 0 : i32
    %c0_i32_1 = arith.constant 0 : i32
    return %arg0, %c0_i32, %c0_i32_0 : i32, i32, i32
  }
  func.func @transform_4(%arg0: i32) -> (i32, i32, i32) {
    %c0_i32 = arith.constant 0 : i32
    %c0_i32_0 = arith.constant 0 : i32
    %c0_i32_1 = arith.constant 0 : i32
    return %arg0, %c0_i32, %c0_i32_0 : i32, i32, i32
  }
  func.func @transform_5(%arg0: i32) -> (i32, i32, i32) {
    %c0_i32 = arith.constant 0 : i32
    %c0_i32_0 = arith.constant 0 : i32
    %c0_i32_1 = arith.constant 0 : i32
    return %arg0, %c0_i32, %c0_i32_0 : i32, i32, i32
  }
  func.func @transform_6(%arg0: i32) -> (i32, i32, i32) {
    %c0_i32 = arith.constant 0 : i32
    %c0_i32_0 = arith.constant 0 : i32
    %c0_i32_1 = arith.constant 0 : i32
    return %arg0, %c0_i32, %c0_i32_0 : i32, i32, i32
  }
}

module attributes {stable_mosaic.version = 14 : i64} {
  func.func @_dec_kernel(%arg0: i32, %arg1: i32, %arg2: memref<1x112x6272xf32, #tpu.memory_space<vmem>>, %arg3: memref<1x112x896xf32, #tpu.memory_space<vmem>>, %arg4: memref<112x64xf32, #tpu.memory_space<vmem>>, %arg5: memref<9x64x8xf32, #tpu.memory_space<vmem>>, %arg6: memref<1x28x224x8xf32, #tpu.memory_space<vmem>>, %arg7: memref<30x226x64xf32, #tpu.memory_space<vmem>>) attributes {dimension_semantics = [#tpu.dimension_semantics<arbitrary>, #tpu.dimension_semantics<arbitrary>], iteration_bounds = array<i64: 2, 8>, scalar_prefetch = 0 : i64, scratch_operands = 1 : i64, tpu.core_type = #tpu.core_type<tc>, window_params = [{transform_indices = @transform_0, window_bounds = array<i64: 1, 112, 6272>}, {transform_indices = @transform_1, window_bounds = array<i64: 1, 112, 896>}, {pipeline_mode = #tpu.pipeline_mode<synchronous>, transform_indices = @transform_2, window_bounds = array<i64: 112, 64>}, {pipeline_mode = #tpu.pipeline_mode<synchronous>, transform_indices = @transform_3, window_bounds = array<i64: 9, 64, 8>}, {transform_indices = @transform_4, window_bounds = array<i64: 1, 28, 224, 8>}]} {
    %get3A = arith.constant 0 : index
    %get3A_0 = arith.constant 0 : index
    %get3A_1 = vector.load %arg4[%get3A, %get3A_0] : memref<112x64xf32, #tpu.memory_space<vmem>>, vector<112x64xf32>
    %broadcast_in_dim3A = arith.constant 0.000000e+00 : f32
    %broadcast_in_dim3A_2 = vector.broadcast %broadcast_in_dim3A : f32 to vector<30x1x64xf32>
    %swap3A = arith.constant 0 : index
    %swap3A_3 = arith.constant 0 : index
    %swap3A_4 = arith.constant 0 : index
    %swap3A_5 = vector.load %arg7[%swap3A, %swap3A_3, %swap3A_4] : memref<30x226x64xf32, #tpu.memory_space<vmem>>, vector<30x1x64xf32>
    tpu.vector_store %arg7[%swap3A, %swap3A_3, %swap3A_4], %broadcast_in_dim3A_2 {strides = array<i32>} : memref<30x226x64xf32, #tpu.memory_space<vmem>>, vector<30x1x64xf32>,
    %broadcast_in_dim3A_6 = arith.constant 0.000000e+00 : f32
    %broadcast_in_dim3A_7 = vector.broadcast %broadcast_in_dim3A_6 : f32 to vector<30x1x64xf32>
    %swap3A_8 = arith.constant 0 : index
    %swap3A_9 = arith.constant 225 : index
    %swap3A_10 = arith.constant 0 : index
    %swap3A_11 = vector.load %arg7[%swap3A_8, %swap3A_9, %swap3A_10] : memref<30x226x64xf32, #tpu.memory_space<vmem>>, vector<30x1x64xf32>
    tpu.vector_store %arg7[%swap3A_8, %swap3A_9, %swap3A_10], %broadcast_in_dim3A_7 {strides = array<i32>} : memref<30x226x64xf32, #tpu.memory_space<vmem>>, vector<30x1x64xf32>,
    %get3A_12 = arith.constant 0 : index
    %get3A_13 = arith.constant 0 : index
    %get3A_14 = arith.constant 0 : index
    %get3A_15 = vector.load %arg2[%get3A_12, %get3A_13, %get3A_14] : memref<1x112x6272xf32, #tpu.memory_space<vmem>>, vector<1x112x1792xf32>
    %get3A_16 = vector.shape_cast %get3A_15 : vector<1x112x1792xf32> to vector<112x1792xf32>
    %dot_general3A = arith.constant dense<0.000000e+00> : vector<1792x64xf32>
    %dot_general3A_17 = tpu.matmul %get3A_16, %get3A_1, %dot_general3A {dimension_numbers = #tpu.dot_dimension_numbers<[0], [0], [1], [1], [0, 1, 1, 1], [], []>, transpose_lhs_hint = false} : vector<112x1792xf32>, vector<112x64xf32>, vector<1792x64xf32> -> vector<1792x64xf32>
    %reshape3A = vector.shape_cast %dot_general3A_17 : vector<1792x64xf32> to vector<8x224x64xf32>
    %max3A = arith.constant 0.000000e+00 : f32
    %max3A_18 = vector.broadcast %max3A : f32 to vector<8x224x64xf32>
    %max3A_19 = arith.maximumf %reshape3A, %max3A_18 : vector<8x224x64xf32>
    %iota3A = tpu.iota {dimensions = array<i32: 0>} : vector<8x1x1xi32>
    %add3A = arith.constant 0 : i32
    %add3A_20 = vector.broadcast %add3A : i32 to vector<8x1x1xi32>
    %add3A_21 = arith.addi %iota3A, %add3A_20 : vector<8x1x1xi32>
    %mul3A = arith.constant 28 : i32
    %mul3A_22 = arith.muli %arg1, %mul3A : i32
    %add3A_23 = vector.broadcast %mul3A_22 : i32 to vector<8x1x1xi32>
    %add3A_24 = arith.addi %add3A_21, %add3A_23 : vector<8x1x1xi32>
    %ge3A = arith.constant 1 : i32
    %ge3A_25 = vector.broadcast %ge3A : i32 to vector<8x1x1xi32>
    %ge3A_26 = arith.cmpi sge, %add3A_24, %ge3A_25 : vector<8x1x1xi32>
    %le3A = arith.constant 224 : i32
    %le3A_27 = vector.broadcast %le3A : i32 to vector<8x1x1xi32>
    %le3A_28 = arith.cmpi sle, %add3A_24, %le3A_27 : vector<8x1x1xi32>
    %and3A = arith.andi %ge3A_26, %le3A_28 : vector<8x1x1xi1>
    %jit3A = arith.constant 0.000000e+00 : f32
    %broadcast_in_dim3A_29 = vector.shape_cast %and3A : vector<8x1x1xi1> to vector<8x1x1xi1>
    %broadcast_in_dim3A_30 = vector.broadcast %broadcast_in_dim3A_29 : vector<8x1x1xi1> to vector<8x224x64xi1>
    %broadcast_in_dim3A_31 = vector.broadcast %jit3A : f32 to vector<8x224x64xf32>
    %select_n3A = arith.select %broadcast_in_dim3A_30, %max3A_19, %broadcast_in_dim3A_31 : vector<8x224x64xi1>, vector<8x224x64xf32>
    %swap3A_32 = arith.constant 0 : index
    %swap3A_33 = arith.constant 1 : index
    %swap3A_34 = arith.constant 0 : index
    %swap3A_35 = vector.load %arg7[%swap3A_32, %swap3A_33, %swap3A_34] : memref<30x226x64xf32, #tpu.memory_space<vmem>>, vector<8x224x64xf32>
    tpu.vector_store %arg7[%swap3A_32, %swap3A_33, %swap3A_34], %select_n3A {strides = array<i32>} : memref<30x226x64xf32, #tpu.memory_space<vmem>>, vector<8x224x64xf32>,
    %get3A_36 = arith.constant 0 : index
    %get3A_37 = arith.constant 0 : index
    %get3A_38 = arith.constant 1792 : index
    %get3A_39 = vector.load %arg2[%get3A_36, %get3A_37, %get3A_38] : memref<1x112x6272xf32, #tpu.memory_space<vmem>>, vector<1x112x1792xf32>
    %get3A_40 = vector.shape_cast %get3A_39 : vector<1x112x1792xf32> to vector<112x1792xf32>
    %dot_general3A_41 = arith.constant dense<0.000000e+00> : vector<1792x64xf32>
    %dot_general3A_42 = tpu.matmul %get3A_40, %get3A_1, %dot_general3A_41 {dimension_numbers = #tpu.dot_dimension_numbers<[0], [0], [1], [1], [0, 1, 1, 1], [], []>, transpose_lhs_hint = false} : vector<112x1792xf32>, vector<112x64xf32>, vector<1792x64xf32> -> vector<1792x64xf32>
    %reshape3A_43 = vector.shape_cast %dot_general3A_42 : vector<1792x64xf32> to vector<8x224x64xf32>
    %max3A_44 = arith.constant 0.000000e+00 : f32
    %max3A_45 = vector.broadcast %max3A_44 : f32 to vector<8x224x64xf32>
    %max3A_46 = arith.maximumf %reshape3A_43, %max3A_45 : vector<8x224x64xf32>
    %iota3A_47 = tpu.iota {dimensions = array<i32: 0>} : vector<8x1x1xi32>
    %add3A_48 = arith.constant 8 : i32
    %add3A_49 = vector.broadcast %add3A_48 : i32 to vector<8x1x1xi32>
    %add3A_50 = arith.addi %iota3A_47, %add3A_49 : vector<8x1x1xi32>
    %mul3A_51 = arith.constant 28 : i32
    %mul3A_52 = arith.muli %arg1, %mul3A_51 : i32
    %add3A_53 = vector.broadcast %mul3A_52 : i32 to vector<8x1x1xi32>
    %add3A_54 = arith.addi %add3A_50, %add3A_53 : vector<8x1x1xi32>
    %ge3A_55 = arith.constant 1 : i32
    %ge3A_56 = vector.broadcast %ge3A_55 : i32 to vector<8x1x1xi32>
    %ge3A_57 = arith.cmpi sge, %add3A_54, %ge3A_56 : vector<8x1x1xi32>
    %le3A_58 = arith.constant 224 : i32
    %le3A_59 = vector.broadcast %le3A_58 : i32 to vector<8x1x1xi32>
    %le3A_60 = arith.cmpi sle, %add3A_54, %le3A_59 : vector<8x1x1xi32>
    %and3A_61 = arith.andi %ge3A_57, %le3A_60 : vector<8x1x1xi1>
    %jit3A_62 = arith.constant 0.000000e+00 : f32
    %broadcast_in_dim3A_63 = vector.shape_cast %and3A_61 : vector<8x1x1xi1> to vector<8x1x1xi1>
    %broadcast_in_dim3A_64 = vector.broadcast %broadcast_in_dim3A_63 : vector<8x1x1xi1> to vector<8x224x64xi1>
    %broadcast_in_dim3A_65 = vector.broadcast %jit3A_62 : f32 to vector<8x224x64xf32>
    %select_n3A_66 = arith.select %broadcast_in_dim3A_64, %max3A_46, %broadcast_in_dim3A_65 : vector<8x224x64xi1>, vector<8x224x64xf32>
    %swap3A_67 = arith.constant 8 : index
    %swap3A_68 = arith.constant 1 : index
    %swap3A_69 = arith.constant 0 : index
    %swap3A_70 = vector.load %arg7[%swap3A_67, %swap3A_68, %swap3A_69] : memref<30x226x64xf32, #tpu.memory_space<vmem>>, vector<8x224x64xf32>
    tpu.vector_store %arg7[%swap3A_67, %swap3A_68, %swap3A_69], %select_n3A_66 {strides = array<i32>} : memref<30x226x64xf32, #tpu.memory_space<vmem>>, vector<8x224x64xf32>,
    %get3A_71 = arith.constant 0 : index
    %get3A_72 = arith.constant 0 : index
    %get3A_73 = arith.constant 3584 : index
    %get3A_74 = vector.load %arg2[%get3A_71, %get3A_72, %get3A_73] : memref<1x112x6272xf32, #tpu.memory_space<vmem>>, vector<1x112x1792xf32>
    %get3A_75 = vector.shape_cast %get3A_74 : vector<1x112x1792xf32> to vector<112x1792xf32>
    %dot_general3A_76 = arith.constant dense<0.000000e+00> : vector<1792x64xf32>
    %dot_general3A_77 = tpu.matmul %get3A_75, %get3A_1, %dot_general3A_76 {dimension_numbers = #tpu.dot_dimension_numbers<[0], [0], [1], [1], [0, 1, 1, 1], [], []>, transpose_lhs_hint = false} : vector<112x1792xf32>, vector<112x64xf32>, vector<1792x64xf32> -> vector<1792x64xf32>
    %reshape3A_78 = vector.shape_cast %dot_general3A_77 : vector<1792x64xf32> to vector<8x224x64xf32>
    %max3A_79 = arith.constant 0.000000e+00 : f32
    %max3A_80 = vector.broadcast %max3A_79 : f32 to vector<8x224x64xf32>
    %max3A_81 = arith.maximumf %reshape3A_78, %max3A_80 : vector<8x224x64xf32>
    %iota3A_82 = tpu.iota {dimensions = array<i32: 0>} : vector<8x1x1xi32>
    %add3A_83 = arith.constant 16 : i32
    %add3A_84 = vector.broadcast %add3A_83 : i32 to vector<8x1x1xi32>
    %add3A_85 = arith.addi %iota3A_82, %add3A_84 : vector<8x1x1xi32>
    %mul3A_86 = arith.constant 28 : i32
    %mul3A_87 = arith.muli %arg1, %mul3A_86 : i32
    %add3A_88 = vector.broadcast %mul3A_87 : i32 to vector<8x1x1xi32>
    %add3A_89 = arith.addi %add3A_85, %add3A_88 : vector<8x1x1xi32>
    %ge3A_90 = arith.constant 1 : i32
    %ge3A_91 = vector.broadcast %ge3A_90 : i32 to vector<8x1x1xi32>
    %ge3A_92 = arith.cmpi sge, %add3A_89, %ge3A_91 : vector<8x1x1xi32>
    %le3A_93 = arith.constant 224 : i32
    %le3A_94 = vector.broadcast %le3A_93 : i32 to vector<8x1x1xi32>
    %le3A_95 = arith.cmpi sle, %add3A_89, %le3A_94 : vector<8x1x1xi32>
    %and3A_96 = arith.andi %ge3A_92, %le3A_95 : vector<8x1x1xi1>
    %jit3A_97 = arith.constant 0.000000e+00 : f32
    %broadcast_in_dim3A_98 = vector.shape_cast %and3A_96 : vector<8x1x1xi1> to vector<8x1x1xi1>
    %broadcast_in_dim3A_99 = vector.broadcast %broadcast_in_dim3A_98 : vector<8x1x1xi1> to vector<8x224x64xi1>
    %broadcast_in_dim3A_100 = vector.broadcast %jit3A_97 : f32 to vector<8x224x64xf32>
    %select_n3A_101 = arith.select %broadcast_in_dim3A_99, %max3A_81, %broadcast_in_dim3A_100 : vector<8x224x64xi1>, vector<8x224x64xf32>
    %swap3A_102 = arith.constant 16 : index
    %swap3A_103 = arith.constant 1 : index
    %swap3A_104 = arith.constant 0 : index
    %swap3A_105 = vector.load %arg7[%swap3A_102, %swap3A_103, %swap3A_104] : memref<30x226x64xf32, #tpu.memory_space<vmem>>, vector<8x224x64xf32>
    tpu.vector_store %arg7[%swap3A_102, %swap3A_103, %swap3A_104], %select_n3A_101 {strides = array<i32>} : memref<30x226x64xf32, #tpu.memory_space<vmem>>, vector<8x224x64xf32>,
    %get3A_106 = arith.constant 0 : index
    %get3A_107 = arith.constant 0 : index
    %get3A_108 = arith.constant 5376 : index
    %get3A_109 = vector.load %arg2[%get3A_106, %get3A_107, %get3A_108] : memref<1x112x6272xf32, #tpu.memory_space<vmem>>, vector<1x112x896xf32>
    %get3A_110 = vector.shape_cast %get3A_109 : vector<1x112x896xf32> to vector<112x896xf32>
    %dot_general3A_111 = arith.constant dense<0.000000e+00> : vector<896x64xf32>
    %dot_general3A_112 = tpu.matmul %get3A_110, %get3A_1, %dot_general3A_111 {dimension_numbers = #tpu.dot_dimension_numbers<[0], [0], [1], [1], [0, 1, 1, 1], [], []>, transpose_lhs_hint = false} : vector<112x896xf32>, vector<112x64xf32>, vector<896x64xf32> -> vector<896x64xf32>
    %reshape3A_113 = vector.shape_cast %dot_general3A_112 : vector<896x64xf32> to vector<4x224x64xf32>
    %max3A_114 = arith.constant 0.000000e+00 : f32
    %max3A_115 = vector.broadcast %max3A_114 : f32 to vector<4x224x64xf32>
    %max3A_116 = arith.maximumf %reshape3A_113, %max3A_115 : vector<4x224x64xf32>
    %iota3A_117 = tpu.iota {dimensions = array<i32: 0>} : vector<4x1x1xi32>
    %add3A_118 = arith.constant 24 : i32
    %add3A_119 = vector.broadcast %add3A_118 : i32 to vector<4x1x1xi32>
    %add3A_120 = arith.addi %iota3A_117, %add3A_119 : vector<4x1x1xi32>
    %mul3A_121 = arith.constant 28 : i32
    %mul3A_122 = arith.muli %arg1, %mul3A_121 : i32
    %add3A_123 = vector.broadcast %mul3A_122 : i32 to vector<4x1x1xi32>
    %add3A_124 = arith.addi %add3A_120, %add3A_123 : vector<4x1x1xi32>
    %ge3A_125 = arith.constant 1 : i32
    %ge3A_126 = vector.broadcast %ge3A_125 : i32 to vector<4x1x1xi32>
    %ge3A_127 = arith.cmpi sge, %add3A_124, %ge3A_126 : vector<4x1x1xi32>
    %le3A_128 = arith.constant 224 : i32
    %le3A_129 = vector.broadcast %le3A_128 : i32 to vector<4x1x1xi32>
    %le3A_130 = arith.cmpi sle, %add3A_124, %le3A_129 : vector<4x1x1xi32>
    %and3A_131 = arith.andi %ge3A_127, %le3A_130 : vector<4x1x1xi1>
    %jit3A_132 = arith.constant 0.000000e+00 : f32
    %broadcast_in_dim3A_133 = vector.shape_cast %and3A_131 : vector<4x1x1xi1> to vector<4x1x1xi1>
    %broadcast_in_dim3A_134 = vector.broadcast %broadcast_in_dim3A_133 : vector<4x1x1xi1> to vector<4x224x64xi1>
    %broadcast_in_dim3A_135 = vector.broadcast %jit3A_132 : f32 to vector<4x224x64xf32>
    %select_n3A_136 = arith.select %broadcast_in_dim3A_134, %max3A_116, %broadcast_in_dim3A_135 : vector<4x224x64xi1>, vector<4x224x64xf32>
    %swap3A_137 = arith.constant 24 : index
    %swap3A_138 = arith.constant 1 : index
    %swap3A_139 = arith.constant 0 : index
    %swap3A_140 = vector.load %arg7[%swap3A_137, %swap3A_138, %swap3A_139] : memref<30x226x64xf32, #tpu.memory_space<vmem>>, vector<4x224x64xf32>
    tpu.vector_store %arg7[%swap3A_137, %swap3A_138, %swap3A_139], %select_n3A_136 {strides = array<i32>} : memref<30x226x64xf32, #tpu.memory_space<vmem>>, vector<4x224x64xf32>,
    %get3A_141 = arith.constant 0 : index
    %get3A_142 = arith.constant 0 : index
    %get3A_143 = arith.constant 0 : index
    %get3A_144 = vector.load %arg3[%get3A_141, %get3A_142, %get3A_143] : memref<1x112x896xf32, #tpu.memory_space<vmem>>, vector<1x112x448xf32>
    %get3A_145 = vector.shape_cast %get3A_144 : vector<1x112x448xf32> to vector<112x448xf32>
    %dot_general3A_146 = arith.constant dense<0.000000e+00> : vector<448x64xf32>
    %dot_general3A_147 = tpu.matmul %get3A_145, %get3A_1, %dot_general3A_146 {dimension_numbers = #tpu.dot_dimension_numbers<[0], [0], [1], [1], [0, 1, 1, 1], [], []>, transpose_lhs_hint = false} : vector<112x448xf32>, vector<112x64xf32>, vector<448x64xf32> -> vector<448x64xf32>
    %reshape3A_148 = vector.shape_cast %dot_general3A_147 : vector<448x64xf32> to vector<2x224x64xf32>
    %max3A_149 = arith.constant 0.000000e+00 : f32
    %max3A_150 = vector.broadcast %max3A_149 : f32 to vector<2x224x64xf32>
    %max3A_151 = arith.maximumf %reshape3A_148, %max3A_150 : vector<2x224x64xf32>
    %iota3A_152 = tpu.iota {dimensions = array<i32: 0>} : vector<2x1x1xi32>
    %add3A_153 = arith.constant 28 : i32
    %add3A_154 = vector.broadcast %add3A_153 : i32 to vector<2x1x1xi32>
    %add3A_155 = arith.addi %iota3A_152, %add3A_154 : vector<2x1x1xi32>
    %mul3A_156 = arith.constant 28 : i32
    %mul3A_157 = arith.muli %arg1, %mul3A_156 : i32
    %add3A_158 = vector.broadcast %mul3A_157 : i32 to vector<2x1x1xi32>
    %add3A_159 = arith.addi %add3A_155, %add3A_158 : vector<2x1x1xi32>
    %ge3A_160 = arith.constant 1 : i32
    %ge3A_161 = vector.broadcast %ge3A_160 : i32 to vector<2x1x1xi32>
    %ge3A_162 = arith.cmpi sge, %add3A_159, %ge3A_161 : vector<2x1x1xi32>
    %le3A_163 = arith.constant 224 : i32
    %le3A_164 = vector.broadcast %le3A_163 : i32 to vector<2x1x1xi32>
    %le3A_165 = arith.cmpi sle, %add3A_159, %le3A_164 : vector<2x1x1xi32>
    %and3A_166 = arith.andi %ge3A_162, %le3A_165 : vector<2x1x1xi1>
    %jit3A_167 = arith.constant 0.000000e+00 : f32
    %broadcast_in_dim3A_168 = vector.shape_cast %and3A_166 : vector<2x1x1xi1> to vector<2x1x1xi1>
    %broadcast_in_dim3A_169 = vector.broadcast %broadcast_in_dim3A_168 : vector<2x1x1xi1> to vector<2x224x64xi1>
    %broadcast_in_dim3A_170 = vector.broadcast %jit3A_167 : f32 to vector<2x224x64xf32>
    %select_n3A_171 = arith.select %broadcast_in_dim3A_169, %max3A_151, %broadcast_in_dim3A_170 : vector<2x224x64xi1>, vector<2x224x64xf32>
    %swap3A_172 = arith.constant 28 : index
    %swap3A_173 = arith.constant 1 : index
    %swap3A_174 = arith.constant 0 : index
    %swap3A_175 = vector.load %arg7[%swap3A_172, %swap3A_173, %swap3A_174] : memref<30x226x64xf32, #tpu.memory_space<vmem>>, vector<2x224x64xf32>
    tpu.vector_store %arg7[%swap3A_172, %swap3A_173, %swap3A_174], %select_n3A_171 {strides = array<i32>} : memref<30x226x64xf32, #tpu.memory_space<vmem>>, vector<2x224x64xf32>,
    %get3A_176 = arith.constant 0 : index
    %get3A_177 = arith.constant 0 : index
    %get3A_178 = arith.constant 0 : index
    %get3A_179 = vector.load %arg5[%get3A_176, %get3A_177, %get3A_178] : memref<9x64x8xf32, #tpu.memory_space<vmem>>, vector<9x64x8xf32>
    %broadcast_in_dim3A_180 = arith.constant 0.000000e+00 : f32
    %broadcast_in_dim3A_181 = vector.broadcast %broadcast_in_dim3A_180 : f32 to vector<1568x8xf32>
    %get3A_182 = arith.constant 0 : index
    %get3A_183 = arith.constant 0 : index
    %get3A_184 = arith.constant 0 : index
    %get3A_185 = vector.load %arg7[%get3A_182, %get3A_183, %get3A_184] : memref<30x226x64xf32, #tpu.memory_space<vmem>>, vector<9x224x64xf32>
    %slice3A = vector.extract_strided_slice %get3A_185 {offsets = [0, 0, 0], sizes = [7, 224, 64], strides = [1, 1, 1]} : vector<9x224x64xf32> to vector<7x224x64xf32>
    %reshape3A_186 = vector.shape_cast %slice3A : vector<7x224x64xf32> to vector<1568x64xf32>
    %slice3A_187 = vector.extract_strided_slice %get3A_179 {offsets = [0, 0, 0], sizes = [1, 64, 8], strides = [1, 1, 1]} : vector<9x64x8xf32> to vector<1x64x8xf32>
    %squeeze3A = vector.shape_cast %slice3A_187 : vector<1x64x8xf32> to vector<64x8xf32>
    %dot_general3A_188 = arith.constant dense<0.000000e+00> : vector<1568x8xf32>
    %dot_general3A_189 = tpu.matmul %reshape3A_186, %squeeze3A, %dot_general3A_188 {dimension_numbers = #tpu.dot_dimension_numbers<[1], [0], [0], [1], [0, 0, 1, 1], [], []>, transpose_lhs_hint = false} : vector<1568x64xf32>, vector<64x8xf32>, vector<1568x8xf32> -> vector<1568x8xf32>
    %add3A_190 = arith.addf %broadcast_in_dim3A_181, %dot_general3A_189 : vector<1568x8xf32>
    %slice3A_191 = vector.extract_strided_slice %get3A_185 {offsets = [1, 0, 0], sizes = [7, 224, 64], strides = [1, 1, 1]} : vector<9x224x64xf32> to vector<7x224x64xf32>
    %reshape3A_192 = vector.shape_cast %slice3A_191 : vector<7x224x64xf32> to vector<1568x64xf32>
    %slice3A_193 = vector.extract_strided_slice %get3A_179 {offsets = [3, 0, 0], sizes = [1, 64, 8], strides = [1, 1, 1]} : vector<9x64x8xf32> to vector<1x64x8xf32>
    %squeeze3A_194 = vector.shape_cast %slice3A_193 : vector<1x64x8xf32> to vector<64x8xf32>
    %dot_general3A_195 = arith.constant dense<0.000000e+00> : vector<1568x8xf32>
    %dot_general3A_196 = tpu.matmul %reshape3A_192, %squeeze3A_194, %dot_general3A_195 {dimension_numbers = #tpu.dot_dimension_numbers<[1], [0], [0], [1], [0, 0, 1, 1], [], []>, transpose_lhs_hint = false} : vector<1568x64xf32>, vector<64x8xf32>, vector<1568x8xf32> -> vector<1568x8xf32>
    %add3A_197 = arith.addf %add3A_190, %dot_general3A_196 : vector<1568x8xf32>
    %slice3A_198 = vector.extract_strided_slice %get3A_185 {offsets = [2, 0, 0], sizes = [7, 224, 64], strides = [1, 1, 1]} : vector<9x224x64xf32> to vector<7x224x64xf32>
    %reshape3A_199 = vector.shape_cast %slice3A_198 : vector<7x224x64xf32> to vector<1568x64xf32>
    %slice3A_200 = vector.extract_strided_slice %get3A_179 {offsets = [6, 0, 0], sizes = [1, 64, 8], strides = [1, 1, 1]} : vector<9x64x8xf32> to vector<1x64x8xf32>
    %squeeze3A_201 = vector.shape_cast %slice3A_200 : vector<1x64x8xf32> to vector<64x8xf32>
    %dot_general3A_202 = arith.constant dense<0.000000e+00> : vector<1568x8xf32>
    %dot_general3A_203 = tpu.matmul %reshape3A_199, %squeeze3A_201, %dot_general3A_202 {dimension_numbers = #tpu.dot_dimension_numbers<[1], [0], [0], [1], [0, 0, 1, 1], [], []>, transpose_lhs_hint = false} : vector<1568x64xf32>, vector<64x8xf32>, vector<1568x8xf32> -> vector<1568x8xf32>
    %add3A_204 = arith.addf %add3A_197, %dot_general3A_203 : vector<1568x8xf32>
    %get3A_205 = arith.constant 0 : index
    %get3A_206 = arith.constant 1 : index
    %get3A_207 = arith.constant 0 : index
    %get3A_208 = vector.load %arg7[%get3A_205, %get3A_206, %get3A_207] : memref<30x226x64xf32, #tpu.memory_space<vmem>>, vector<9x224x64xf32>
    %slice3A_209 = vector.extract_strided_slice %get3A_208 {offsets = [0, 0, 0], sizes = [7, 224, 64], strides = [1, 1, 1]} : vector<9x224x64xf32> to vector<7x224x64xf32>
    %reshape3A_210 = vector.shape_cast %slice3A_209 : vector<7x224x64xf32> to vector<1568x64xf32>
    %slice3A_211 = vector.extract_strided_slice %get3A_179 {offsets = [1, 0, 0], sizes = [1, 64, 8], strides = [1, 1, 1]} : vector<9x64x8xf32> to vector<1x64x8xf32>
    %squeeze3A_212 = vector.shape_cast %slice3A_211 : vector<1x64x8xf32> to vector<64x8xf32>
    %dot_general3A_213 = arith.constant dense<0.000000e+00> : vector<1568x8xf32>
    %dot_general3A_214 = tpu.matmul %reshape3A_210, %squeeze3A_212, %dot_general3A_213 {dimension_numbers = #tpu.dot_dimension_numbers<[1], [0], [0], [1], [0, 0, 1, 1], [], []>, transpose_lhs_hint = false} : vector<1568x64xf32>, vector<64x8xf32>, vector<1568x8xf32> -> vector<1568x8xf32>
    %add3A_215 = arith.addf %add3A_204, %dot_general3A_214 : vector<1568x8xf32>
    %slice3A_216 = vector.extract_strided_slice %get3A_208 {offsets = [1, 0, 0], sizes = [7, 224, 64], strides = [1, 1, 1]} : vector<9x224x64xf32> to vector<7x224x64xf32>
    %reshape3A_217 = vector.shape_cast %slice3A_216 : vector<7x224x64xf32> to vector<1568x64xf32>
    %slice3A_218 = vector.extract_strided_slice %get3A_179 {offsets = [4, 0, 0], sizes = [1, 64, 8], strides = [1, 1, 1]} : vector<9x64x8xf32> to vector<1x64x8xf32>
    %squeeze3A_219 = vector.shape_cast %slice3A_218 : vector<1x64x8xf32> to vector<64x8xf32>
    %dot_general3A_220 = arith.constant dense<0.000000e+00> : vector<1568x8xf32>
    %dot_general3A_221 = tpu.matmul %reshape3A_217, %squeeze3A_219, %dot_general3A_220 {dimension_numbers = #tpu.dot_dimension_numbers<[1], [0], [0], [1], [0, 0, 1, 1], [], []>, transpose_lhs_hint = false} : vector<1568x64xf32>, vector<64x8xf32>, vector<1568x8xf32> -> vector<1568x8xf32>
    %add3A_222 = arith.addf %add3A_215, %dot_general3A_221 : vector<1568x8xf32>
    %slice3A_223 = vector.extract_strided_slice %get3A_208 {offsets = [2, 0, 0], sizes = [7, 224, 64], strides = [1, 1, 1]} : vector<9x224x64xf32> to vector<7x224x64xf32>
    %reshape3A_224 = vector.shape_cast %slice3A_223 : vector<7x224x64xf32> to vector<1568x64xf32>
    %slice3A_225 = vector.extract_strided_slice %get3A_179 {offsets = [7, 0, 0], sizes = [1, 64, 8], strides = [1, 1, 1]} : vector<9x64x8xf32> to vector<1x64x8xf32>
    %squeeze3A_226 = vector.shape_cast %slice3A_225 : vector<1x64x8xf32> to vector<64x8xf32>
    %dot_general3A_227 = arith.constant dense<0.000000e+00> : vector<1568x8xf32>
    %dot_general3A_228 = tpu.matmul %reshape3A_224, %squeeze3A_226, %dot_general3A_227 {dimension_numbers = #tpu.dot_dimension_numbers<[1], [0], [0], [1], [0, 0, 1, 1], [], []>, transpose_lhs_hint = false} : vector<1568x64xf32>, vector<64x8xf32>, vector<1568x8xf32> -> vector<1568x8xf32>
    %add3A_229 = arith.addf %add3A_222, %dot_general3A_228 : vector<1568x8xf32>
    %get3A_230 = arith.constant 0 : index
    %get3A_231 = arith.constant 2 : index
    %get3A_232 = arith.constant 0 : index
    %get3A_233 = vector.load %arg7[%get3A_230, %get3A_231, %get3A_232] : memref<30x226x64xf32, #tpu.memory_space<vmem>>, vector<9x224x64xf32>
    %slice3A_234 = vector.extract_strided_slice %get3A_233 {offsets = [0, 0, 0], sizes = [7, 224, 64], strides = [1, 1, 1]} : vector<9x224x64xf32> to vector<7x224x64xf32>
    %reshape3A_235 = vector.shape_cast %slice3A_234 : vector<7x224x64xf32> to vector<1568x64xf32>
    %slice3A_236 = vector.extract_strided_slice %get3A_179 {offsets = [2, 0, 0], sizes = [1, 64, 8], strides = [1, 1, 1]} : vector<9x64x8xf32> to vector<1x64x8xf32>
    %squeeze3A_237 = vector.shape_cast %slice3A_236 : vector<1x64x8xf32> to vector<64x8xf32>
    %dot_general3A_238 = arith.constant dense<0.000000e+00> : vector<1568x8xf32>
    %dot_general3A_239 = tpu.matmul %reshape3A_235, %squeeze3A_237, %dot_general3A_238 {dimension_numbers = #tpu.dot_dimension_numbers<[1], [0], [0], [1], [0, 0, 1, 1], [], []>, transpose_lhs_hint = false} : vector<1568x64xf32>, vector<64x8xf32>, vector<1568x8xf32> -> vector<1568x8xf32>
    %add3A_240 = arith.addf %add3A_229, %dot_general3A_239 : vector<1568x8xf32>
    %slice3A_241 = vector.extract_strided_slice %get3A_233 {offsets = [1, 0, 0], sizes = [7, 224, 64], strides = [1, 1, 1]} : vector<9x224x64xf32> to vector<7x224x64xf32>
    %reshape3A_242 = vector.shape_cast %slice3A_241 : vector<7x224x64xf32> to vector<1568x64xf32>
    %slice3A_243 = vector.extract_strided_slice %get3A_179 {offsets = [5, 0, 0], sizes = [1, 64, 8], strides = [1, 1, 1]} : vector<9x64x8xf32> to vector<1x64x8xf32>
    %squeeze3A_244 = vector.shape_cast %slice3A_243 : vector<1x64x8xf32> to vector<64x8xf32>
    %dot_general3A_245 = arith.constant dense<0.000000e+00> : vector<1568x8xf32>
    %dot_general3A_246 = tpu.matmul %reshape3A_242, %squeeze3A_244, %dot_general3A_245 {dimension_numbers = #tpu.dot_dimension_numbers<[1], [0], [0], [1], [0, 0, 1, 1], [], []>, transpose_lhs_hint = false} : vector<1568x64xf32>, vector<64x8xf32>, vector<1568x8xf32> -> vector<1568x8xf32>
    %add3A_247 = arith.addf %add3A_240, %dot_general3A_246 : vector<1568x8xf32>
    %slice3A_248 = vector.extract_strided_slice %get3A_233 {offsets = [2, 0, 0], sizes = [7, 224, 64], strides = [1, 1, 1]} : vector<9x224x64xf32> to vector<7x224x64xf32>
    %reshape3A_249 = vector.shape_cast %slice3A_248 : vector<7x224x64xf32> to vector<1568x64xf32>
    %slice3A_250 = vector.extract_strided_slice %get3A_179 {offsets = [8, 0, 0], sizes = [1, 64, 8], strides = [1, 1, 1]} : vector<9x64x8xf32> to vector<1x64x8xf32>
    %squeeze3A_251 = vector.shape_cast %slice3A_250 : vector<1x64x8xf32> to vector<64x8xf32>
    %dot_general3A_252 = arith.constant dense<0.000000e+00> : vector<1568x8xf32>
    %dot_general3A_253 = tpu.matmul %reshape3A_249, %squeeze3A_251, %dot_general3A_252 {dimension_numbers = #tpu.dot_dimension_numbers<[1], [0], [0], [1], [0, 0, 1, 1], [], []>, transpose_lhs_hint = false} : vector<1568x64xf32>, vector<64x8xf32>, vector<1568x8xf32> -> vector<1568x8xf32>
    %add3A_254 = arith.addf %add3A_247, %dot_general3A_253 : vector<1568x8xf32>
    %reshape3A_255 = vector.shape_cast %add3A_254 : vector<1568x8xf32> to vector<7x224x8xf32>
    %swap3A_256 = arith.constant 0 : index
    %swap3A_257 = arith.constant 0 : index
    %swap3A_258 = arith.constant 0 : index
    %swap3A_259 = arith.constant 0 : index
    %swap3A_260 = vector.load %arg6[%swap3A_256, %swap3A_257, %swap3A_258, %swap3A_259] : memref<1x28x224x8xf32, #tpu.memory_space<vmem>>, vector<1x7x224x8xf32>
    %swap3A_261 = vector.shape_cast %swap3A_260 : vector<1x7x224x8xf32> to vector<7x224x8xf32>
    %swap3A_262 = vector.shape_cast %reshape3A_255 : vector<7x224x8xf32> to vector<1x7x224x8xf32>
    tpu.vector_store %arg6[%swap3A_256, %swap3A_257, %swap3A_258, %swap3A_259], %swap3A_262 {strides = array<i32>} : memref<1x28x224x8xf32, #tpu.memory_space<vmem>>, vector<1x7x224x8xf32>,
    %broadcast_in_dim3A_263 = arith.constant 0.000000e+00 : f32
    %broadcast_in_dim3A_264 = vector.broadcast %broadcast_in_dim3A_263 : f32 to vector<1568x8xf32>
    %get3A_265 = arith.constant 7 : index
    %get3A_266 = arith.constant 0 : index
    %get3A_267 = arith.constant 0 : index
    %get3A_268 = vector.load %arg7[%get3A_265, %get3A_266, %get3A_267] : memref<30x226x64xf32, #tpu.memory_space<vmem>>, vector<9x224x64xf32>
    %slice3A_269 = vector.extract_strided_slice %get3A_268 {offsets = [0, 0, 0], sizes = [7, 224, 64], strides = [1, 1, 1]} : vector<9x224x64xf32> to vector<7x224x64xf32>
    %reshape3A_270 = vector.shape_cast %slice3A_269 : vector<7x224x64xf32> to vector<1568x64xf32>
    %slice3A_271 = vector.extract_strided_slice %get3A_179 {offsets = [0, 0, 0], sizes = [1, 64, 8], strides = [1, 1, 1]} : vector<9x64x8xf32> to vector<1x64x8xf32>
    %squeeze3A_272 = vector.shape_cast %slice3A_271 : vector<1x64x8xf32> to vector<64x8xf32>
    %dot_general3A_273 = arith.constant dense<0.000000e+00> : vector<1568x8xf32>
    %dot_general3A_274 = tpu.matmul %reshape3A_270, %squeeze3A_272, %dot_general3A_273 {dimension_numbers = #tpu.dot_dimension_numbers<[1], [0], [0], [1], [0, 0, 1, 1], [], []>, transpose_lhs_hint = false} : vector<1568x64xf32>, vector<64x8xf32>, vector<1568x8xf32> -> vector<1568x8xf32>
    %add3A_275 = arith.addf %broadcast_in_dim3A_264, %dot_general3A_274 : vector<1568x8xf32>
    %slice3A_276 = vector.extract_strided_slice %get3A_268 {offsets = [1, 0, 0], sizes = [7, 224, 64], strides = [1, 1, 1]} : vector<9x224x64xf32> to vector<7x224x64xf32>
    %reshape3A_277 = vector.shape_cast %slice3A_276 : vector<7x224x64xf32> to vector<1568x64xf32>
    %slice3A_278 = vector.extract_strided_slice %get3A_179 {offsets = [3, 0, 0], sizes = [1, 64, 8], strides = [1, 1, 1]} : vector<9x64x8xf32> to vector<1x64x8xf32>
    %squeeze3A_279 = vector.shape_cast %slice3A_278 : vector<1x64x8xf32> to vector<64x8xf32>
    %dot_general3A_280 = arith.constant dense<0.000000e+00> : vector<1568x8xf32>
    %dot_general3A_281 = tpu.matmul %reshape3A_277, %squeeze3A_279, %dot_general3A_280 {dimension_numbers = #tpu.dot_dimension_numbers<[1], [0], [0], [1], [0, 0, 1, 1], [], []>, transpose_lhs_hint = false} : vector<1568x64xf32>, vector<64x8xf32>, vector<1568x8xf32> -> vector<1568x8xf32>
    %add3A_282 = arith.addf %add3A_275, %dot_general3A_281 : vector<1568x8xf32>
    %slice3A_283 = vector.extract_strided_slice %get3A_268 {offsets = [2, 0, 0], sizes = [7, 224, 64], strides = [1, 1, 1]} : vector<9x224x64xf32> to vector<7x224x64xf32>
    %reshape3A_284 = vector.shape_cast %slice3A_283 : vector<7x224x64xf32> to vector<1568x64xf32>
    %slice3A_285 = vector.extract_strided_slice %get3A_179 {offsets = [6, 0, 0], sizes = [1, 64, 8], strides = [1, 1, 1]} : vector<9x64x8xf32> to vector<1x64x8xf32>
    %squeeze3A_286 = vector.shape_cast %slice3A_285 : vector<1x64x8xf32> to vector<64x8xf32>
    %dot_general3A_287 = arith.constant dense<0.000000e+00> : vector<1568x8xf32>
    %dot_general3A_288 = tpu.matmul %reshape3A_284, %squeeze3A_286, %dot_general3A_287 {dimension_numbers = #tpu.dot_dimension_numbers<[1], [0], [0], [1], [0, 0, 1, 1], [], []>, transpose_lhs_hint = false} : vector<1568x64xf32>, vector<64x8xf32>, vector<1568x8xf32> -> vector<1568x8xf32>
    %add3A_289 = arith.addf %add3A_282, %dot_general3A_288 : vector<1568x8xf32>
    %get3A_290 = arith.constant 7 : index
    %get3A_291 = arith.constant 1 : index
    %get3A_292 = arith.constant 0 : index
    %get3A_293 = vector.load %arg7[%get3A_290, %get3A_291, %get3A_292] : memref<30x226x64xf32, #tpu.memory_space<vmem>>, vector<9x224x64xf32>
    %slice3A_294 = vector.extract_strided_slice %get3A_293 {offsets = [0, 0, 0], sizes = [7, 224, 64], strides = [1, 1, 1]} : vector<9x224x64xf32> to vector<7x224x64xf32>
    %reshape3A_295 = vector.shape_cast %slice3A_294 : vector<7x224x64xf32> to vector<1568x64xf32>
    %slice3A_296 = vector.extract_strided_slice %get3A_179 {offsets = [1, 0, 0], sizes = [1, 64, 8], strides = [1, 1, 1]} : vector<9x64x8xf32> to vector<1x64x8xf32>
    %squeeze3A_297 = vector.shape_cast %slice3A_296 : vector<1x64x8xf32> to vector<64x8xf32>
    %dot_general3A_298 = arith.constant dense<0.000000e+00> : vector<1568x8xf32>
    %dot_general3A_299 = tpu.matmul %reshape3A_295, %squeeze3A_297, %dot_general3A_298 {dimension_numbers = #tpu.dot_dimension_numbers<[1], [0], [0], [1], [0, 0, 1, 1], [], []>, transpose_lhs_hint = false} : vector<1568x64xf32>, vector<64x8xf32>, vector<1568x8xf32> -> vector<1568x8xf32>
    %add3A_300 = arith.addf %add3A_289, %dot_general3A_299 : vector<1568x8xf32>
    %slice3A_301 = vector.extract_strided_slice %get3A_293 {offsets = [1, 0, 0], sizes = [7, 224, 64], strides = [1, 1, 1]} : vector<9x224x64xf32> to vector<7x224x64xf32>
    %reshape3A_302 = vector.shape_cast %slice3A_301 : vector<7x224x64xf32> to vector<1568x64xf32>
    %slice3A_303 = vector.extract_strided_slice %get3A_179 {offsets = [4, 0, 0], sizes = [1, 64, 8], strides = [1, 1, 1]} : vector<9x64x8xf32> to vector<1x64x8xf32>
    %squeeze3A_304 = vector.shape_cast %slice3A_303 : vector<1x64x8xf32> to vector<64x8xf32>
    %dot_general3A_305 = arith.constant dense<0.000000e+00> : vector<1568x8xf32>
    %dot_general3A_306 = tpu.matmul %reshape3A_302, %squeeze3A_304, %dot_general3A_305 {dimension_numbers = #tpu.dot_dimension_numbers<[1], [0], [0], [1], [0, 0, 1, 1], [], []>, transpose_lhs_hint = false} : vector<1568x64xf32>, vector<64x8xf32>, vector<1568x8xf32> -> vector<1568x8xf32>
    %add3A_307 = arith.addf %add3A_300, %dot_general3A_306 : vector<1568x8xf32>
    %slice3A_308 = vector.extract_strided_slice %get3A_293 {offsets = [2, 0, 0], sizes = [7, 224, 64], strides = [1, 1, 1]} : vector<9x224x64xf32> to vector<7x224x64xf32>
    %reshape3A_309 = vector.shape_cast %slice3A_308 : vector<7x224x64xf32> to vector<1568x64xf32>
    %slice3A_310 = vector.extract_strided_slice %get3A_179 {offsets = [7, 0, 0], sizes = [1, 64, 8], strides = [1, 1, 1]} : vector<9x64x8xf32> to vector<1x64x8xf32>
    %squeeze3A_311 = vector.shape_cast %slice3A_310 : vector<1x64x8xf32> to vector<64x8xf32>
    %dot_general3A_312 = arith.constant dense<0.000000e+00> : vector<1568x8xf32>
    %dot_general3A_313 = tpu.matmul %reshape3A_309, %squeeze3A_311, %dot_general3A_312 {dimension_numbers = #tpu.dot_dimension_numbers<[1], [0], [0], [1], [0, 0, 1, 1], [], []>, transpose_lhs_hint = false} : vector<1568x64xf32>, vector<64x8xf32>, vector<1568x8xf32> -> vector<1568x8xf32>
    %add3A_314 = arith.addf %add3A_307, %dot_general3A_313 : vector<1568x8xf32>
    %get3A_315 = arith.constant 7 : index
    %get3A_316 = arith.constant 2 : index
    %get3A_317 = arith.constant 0 : index
    %get3A_318 = vector.load %arg7[%get3A_315, %get3A_316, %get3A_317] : memref<30x226x64xf32, #tpu.memory_space<vmem>>, vector<9x224x64xf32>
    %slice3A_319 = vector.extract_strided_slice %get3A_318 {offsets = [0, 0, 0], sizes = [7, 224, 64], strides = [1, 1, 1]} : vector<9x224x64xf32> to vector<7x224x64xf32>
    %reshape3A_320 = vector.shape_cast %slice3A_319 : vector<7x224x64xf32> to vector<1568x64xf32>
    %slice3A_321 = vector.extract_strided_slice %get3A_179 {offsets = [2, 0, 0], sizes = [1, 64, 8], strides = [1, 1, 1]} : vector<9x64x8xf32> to vector<1x64x8xf32>
    %squeeze3A_322 = vector.shape_cast %slice3A_321 : vector<1x64x8xf32> to vector<64x8xf32>
    %dot_general3A_323 = arith.constant dense<0.000000e+00> : vector<1568x8xf32>
    %dot_general3A_324 = tpu.matmul %reshape3A_320, %squeeze3A_322, %dot_general3A_323 {dimension_numbers = #tpu.dot_dimension_numbers<[1], [0], [0], [1], [0, 0, 1, 1], [], []>, transpose_lhs_hint = false} : vector<1568x64xf32>, vector<64x8xf32>, vector<1568x8xf32> -> vector<1568x8xf32>
    %add3A_325 = arith.addf %add3A_314, %dot_general3A_324 : vector<1568x8xf32>
    %slice3A_326 = vector.extract_strided_slice %get3A_318 {offsets = [1, 0, 0], sizes = [7, 224, 64], strides = [1, 1, 1]} : vector<9x224x64xf32> to vector<7x224x64xf32>
    %reshape3A_327 = vector.shape_cast %slice3A_326 : vector<7x224x64xf32> to vector<1568x64xf32>
    %slice3A_328 = vector.extract_strided_slice %get3A_179 {offsets = [5, 0, 0], sizes = [1, 64, 8], strides = [1, 1, 1]} : vector<9x64x8xf32> to vector<1x64x8xf32>
    %squeeze3A_329 = vector.shape_cast %slice3A_328 : vector<1x64x8xf32> to vector<64x8xf32>
    %dot_general3A_330 = arith.constant dense<0.000000e+00> : vector<1568x8xf32>
    %dot_general3A_331 = tpu.matmul %reshape3A_327, %squeeze3A_329, %dot_general3A_330 {dimension_numbers = #tpu.dot_dimension_numbers<[1], [0], [0], [1], [0, 0, 1, 1], [], []>, transpose_lhs_hint = false} : vector<1568x64xf32>, vector<64x8xf32>, vector<1568x8xf32> -> vector<1568x8xf32>
    %add3A_332 = arith.addf %add3A_325, %dot_general3A_331 : vector<1568x8xf32>
    %slice3A_333 = vector.extract_strided_slice %get3A_318 {offsets = [2, 0, 0], sizes = [7, 224, 64], strides = [1, 1, 1]} : vector<9x224x64xf32> to vector<7x224x64xf32>
    %reshape3A_334 = vector.shape_cast %slice3A_333 : vector<7x224x64xf32> to vector<1568x64xf32>
    %slice3A_335 = vector.extract_strided_slice %get3A_179 {offsets = [8, 0, 0], sizes = [1, 64, 8], strides = [1, 1, 1]} : vector<9x64x8xf32> to vector<1x64x8xf32>
    %squeeze3A_336 = vector.shape_cast %slice3A_335 : vector<1x64x8xf32> to vector<64x8xf32>
    %dot_general3A_337 = arith.constant dense<0.000000e+00> : vector<1568x8xf32>
    %dot_general3A_338 = tpu.matmul %reshape3A_334, %squeeze3A_336, %dot_general3A_337 {dimension_numbers = #tpu.dot_dimension_numbers<[1], [0], [0], [1], [0, 0, 1, 1], [], []>, transpose_lhs_hint = false} : vector<1568x64xf32>, vector<64x8xf32>, vector<1568x8xf32> -> vector<1568x8xf32>
    %add3A_339 = arith.addf %add3A_332, %dot_general3A_338 : vector<1568x8xf32>
    %reshape3A_340 = vector.shape_cast %add3A_339 : vector<1568x8xf32> to vector<7x224x8xf32>
    %swap3A_341 = arith.constant 0 : index
    %swap3A_342 = arith.constant 7 : index
    %swap3A_343 = arith.constant 0 : index
    %swap3A_344 = arith.constant 0 : index
    %swap3A_345 = vector.load %arg6[%swap3A_341, %swap3A_342, %swap3A_343, %swap3A_344] : memref<1x28x224x8xf32, #tpu.memory_space<vmem>>, vector<1x7x224x8xf32>
    %swap3A_346 = vector.shape_cast %swap3A_345 : vector<1x7x224x8xf32> to vector<7x224x8xf32>
    %swap3A_347 = vector.shape_cast %reshape3A_340 : vector<7x224x8xf32> to vector<1x7x224x8xf32>
    tpu.vector_store %arg6[%swap3A_341, %swap3A_342, %swap3A_343, %swap3A_344], %swap3A_347 {strides = array<i32>} : memref<1x28x224x8xf32, #tpu.memory_space<vmem>>, vector<1x7x224x8xf32>,
    %broadcast_in_dim3A_348 = arith.constant 0.000000e+00 : f32
    %broadcast_in_dim3A_349 = vector.broadcast %broadcast_in_dim3A_348 : f32 to vector<1568x8xf32>
    %get3A_350 = arith.constant 14 : index
    %get3A_351 = arith.constant 0 : index
    %get3A_352 = arith.constant 0 : index
    %get3A_353 = vector.load %arg7[%get3A_350, %get3A_351, %get3A_352] : memref<30x226x64xf32, #tpu.memory_space<vmem>>, vector<9x224x64xf32>
    %slice3A_354 = vector.extract_strided_slice %get3A_353 {offsets = [0, 0, 0], sizes = [7, 224, 64], strides = [1, 1, 1]} : vector<9x224x64xf32> to vector<7x224x64xf32>
    %reshape3A_355 = vector.shape_cast %slice3A_354 : vector<7x224x64xf32> to vector<1568x64xf32>
    %slice3A_356 = vector.extract_strided_slice %get3A_179 {offsets = [0, 0, 0], sizes = [1, 64, 8], strides = [1, 1, 1]} : vector<9x64x8xf32> to vector<1x64x8xf32>
    %squeeze3A_357 = vector.shape_cast %slice3A_356 : vector<1x64x8xf32> to vector<64x8xf32>
    %dot_general3A_358 = arith.constant dense<0.000000e+00> : vector<1568x8xf32>
    %dot_general3A_359 = tpu.matmul %reshape3A_355, %squeeze3A_357, %dot_general3A_358 {dimension_numbers = #tpu.dot_dimension_numbers<[1], [0], [0], [1], [0, 0, 1, 1], [], []>, transpose_lhs_hint = false} : vector<1568x64xf32>, vector<64x8xf32>, vector<1568x8xf32> -> vector<1568x8xf32>
    %add3A_360 = arith.addf %broadcast_in_dim3A_349, %dot_general3A_359 : vector<1568x8xf32>
    %slice3A_361 = vector.extract_strided_slice %get3A_353 {offsets = [1, 0, 0], sizes = [7, 224, 64], strides = [1, 1, 1]} : vector<9x224x64xf32> to vector<7x224x64xf32>
    %reshape3A_362 = vector.shape_cast %slice3A_361 : vector<7x224x64xf32> to vector<1568x64xf32>
    %slice3A_363 = vector.extract_strided_slice %get3A_179 {offsets = [3, 0, 0], sizes = [1, 64, 8], strides = [1, 1, 1]} : vector<9x64x8xf32> to vector<1x64x8xf32>
    %squeeze3A_364 = vector.shape_cast %slice3A_363 : vector<1x64x8xf32> to vector<64x8xf32>
    %dot_general3A_365 = arith.constant dense<0.000000e+00> : vector<1568x8xf32>
    %dot_general3A_366 = tpu.matmul %reshape3A_362, %squeeze3A_364, %dot_general3A_365 {dimension_numbers = #tpu.dot_dimension_numbers<[1], [0], [0], [1], [0, 0, 1, 1], [], []>, transpose_lhs_hint = false} : vector<1568x64xf32>, vector<64x8xf32>, vector<1568x8xf32> -> vector<1568x8xf32>
    %add3A_367 = arith.addf %add3A_360, %dot_general3A_366 : vector<1568x8xf32>
    %slice3A_368 = vector.extract_strided_slice %get3A_353 {offsets = [2, 0, 0], sizes = [7, 224, 64], strides = [1, 1, 1]} : vector<9x224x64xf32> to vector<7x224x64xf32>
    %reshape3A_369 = vector.shape_cast %slice3A_368 : vector<7x224x64xf32> to vector<1568x64xf32>
    %slice3A_370 = vector.extract_strided_slice %get3A_179 {offsets = [6, 0, 0], sizes = [1, 64, 8], strides = [1, 1, 1]} : vector<9x64x8xf32> to vector<1x64x8xf32>
    %squeeze3A_371 = vector.shape_cast %slice3A_370 : vector<1x64x8xf32> to vector<64x8xf32>
    %dot_general3A_372 = arith.constant dense<0.000000e+00> : vector<1568x8xf32>
    %dot_general3A_373 = tpu.matmul %reshape3A_369, %squeeze3A_371, %dot_general3A_372 {dimension_numbers = #tpu.dot_dimension_numbers<[1], [0], [0], [1], [0, 0, 1, 1], [], []>, transpose_lhs_hint = false} : vector<1568x64xf32>, vector<64x8xf32>, vector<1568x8xf32> -> vector<1568x8xf32>
    %add3A_374 = arith.addf %add3A_367, %dot_general3A_373 : vector<1568x8xf32>
    %get3A_375 = arith.constant 14 : index
    %get3A_376 = arith.constant 1 : index
    %get3A_377 = arith.constant 0 : index
    %get3A_378 = vector.load %arg7[%get3A_375, %get3A_376, %get3A_377] : memref<30x226x64xf32, #tpu.memory_space<vmem>>, vector<9x224x64xf32>
    %slice3A_379 = vector.extract_strided_slice %get3A_378 {offsets = [0, 0, 0], sizes = [7, 224, 64], strides = [1, 1, 1]} : vector<9x224x64xf32> to vector<7x224x64xf32>
    %reshape3A_380 = vector.shape_cast %slice3A_379 : vector<7x224x64xf32> to vector<1568x64xf32>
    %slice3A_381 = vector.extract_strided_slice %get3A_179 {offsets = [1, 0, 0], sizes = [1, 64, 8], strides = [1, 1, 1]} : vector<9x64x8xf32> to vector<1x64x8xf32>
    %squeeze3A_382 = vector.shape_cast %slice3A_381 : vector<1x64x8xf32> to vector<64x8xf32>
    %dot_general3A_383 = arith.constant dense<0.000000e+00> : vector<1568x8xf32>
    %dot_general3A_384 = tpu.matmul %reshape3A_380, %squeeze3A_382, %dot_general3A_383 {dimension_numbers = #tpu.dot_dimension_numbers<[1], [0], [0], [1], [0, 0, 1, 1], [], []>, transpose_lhs_hint = false} : vector<1568x64xf32>, vector<64x8xf32>, vector<1568x8xf32> -> vector<1568x8xf32>
    %add3A_385 = arith.addf %add3A_374, %dot_general3A_384 : vector<1568x8xf32>
    %slice3A_386 = vector.extract_strided_slice %get3A_378 {offsets = [1, 0, 0], sizes = [7, 224, 64], strides = [1, 1, 1]} : vector<9x224x64xf32> to vector<7x224x64xf32>
    %reshape3A_387 = vector.shape_cast %slice3A_386 : vector<7x224x64xf32> to vector<1568x64xf32>
    %slice3A_388 = vector.extract_strided_slice %get3A_179 {offsets = [4, 0, 0], sizes = [1, 64, 8], strides = [1, 1, 1]} : vector<9x64x8xf32> to vector<1x64x8xf32>
    %squeeze3A_389 = vector.shape_cast %slice3A_388 : vector<1x64x8xf32> to vector<64x8xf32>
    %dot_general3A_390 = arith.constant dense<0.000000e+00> : vector<1568x8xf32>
    %dot_general3A_391 = tpu.matmul %reshape3A_387, %squeeze3A_389, %dot_general3A_390 {dimension_numbers = #tpu.dot_dimension_numbers<[1], [0], [0], [1], [0, 0, 1, 1], [], []>, transpose_lhs_hint = false} : vector<1568x64xf32>, vector<64x8xf32>, vector<1568x8xf32> -> vector<1568x8xf32>
    %add3A_392 = arith.addf %add3A_385, %dot_general3A_391 : vector<1568x8xf32>
    %slice3A_393 = vector.extract_strided_slice %get3A_378 {offsets = [2, 0, 0], sizes = [7, 224, 64], strides = [1, 1, 1]} : vector<9x224x64xf32> to vector<7x224x64xf32>
    %reshape3A_394 = vector.shape_cast %slice3A_393 : vector<7x224x64xf32> to vector<1568x64xf32>
    %slice3A_395 = vector.extract_strided_slice %get3A_179 {offsets = [7, 0, 0], sizes = [1, 64, 8], strides = [1, 1, 1]} : vector<9x64x8xf32> to vector<1x64x8xf32>
    %squeeze3A_396 = vector.shape_cast %slice3A_395 : vector<1x64x8xf32> to vector<64x8xf32>
    %dot_general3A_397 = arith.constant dense<0.000000e+00> : vector<1568x8xf32>
    %dot_general3A_398 = tpu.matmul %reshape3A_394, %squeeze3A_396, %dot_general3A_397 {dimension_numbers = #tpu.dot_dimension_numbers<[1], [0], [0], [1], [0, 0, 1, 1], [], []>, transpose_lhs_hint = false} : vector<1568x64xf32>, vector<64x8xf32>, vector<1568x8xf32> -> vector<1568x8xf32>
    %add3A_399 = arith.addf %add3A_392, %dot_general3A_398 : vector<1568x8xf32>
    %get3A_400 = arith.constant 14 : index
    %get3A_401 = arith.constant 2 : index
    %get3A_402 = arith.constant 0 : index
    %get3A_403 = vector.load %arg7[%get3A_400, %get3A_401, %get3A_402] : memref<30x226x64xf32, #tpu.memory_space<vmem>>, vector<9x224x64xf32>
    %slice3A_404 = vector.extract_strided_slice %get3A_403 {offsets = [0, 0, 0], sizes = [7, 224, 64], strides = [1, 1, 1]} : vector<9x224x64xf32> to vector<7x224x64xf32>
    %reshape3A_405 = vector.shape_cast %slice3A_404 : vector<7x224x64xf32> to vector<1568x64xf32>
    %slice3A_406 = vector.extract_strided_slice %get3A_179 {offsets = [2, 0, 0], sizes = [1, 64, 8], strides = [1, 1, 1]} : vector<9x64x8xf32> to vector<1x64x8xf32>
    %squeeze3A_407 = vector.shape_cast %slice3A_406 : vector<1x64x8xf32> to vector<64x8xf32>
    %dot_general3A_408 = arith.constant dense<0.000000e+00> : vector<1568x8xf32>
    %dot_general3A_409 = tpu.matmul %reshape3A_405, %squeeze3A_407, %dot_general3A_408 {dimension_numbers = #tpu.dot_dimension_numbers<[1], [0], [0], [1], [0, 0, 1, 1], [], []>, transpose_lhs_hint = false} : vector<1568x64xf32>, vector<64x8xf32>, vector<1568x8xf32> -> vector<1568x8xf32>
    %add3A_410 = arith.addf %add3A_399, %dot_general3A_409 : vector<1568x8xf32>
    %slice3A_411 = vector.extract_strided_slice %get3A_403 {offsets = [1, 0, 0], sizes = [7, 224, 64], strides = [1, 1, 1]} : vector<9x224x64xf32> to vector<7x224x64xf32>
    %reshape3A_412 = vector.shape_cast %slice3A_411 : vector<7x224x64xf32> to vector<1568x64xf32>
    %slice3A_413 = vector.extract_strided_slice %get3A_179 {offsets = [5, 0, 0], sizes = [1, 64, 8], strides = [1, 1, 1]} : vector<9x64x8xf32> to vector<1x64x8xf32>
    %squeeze3A_414 = vector.shape_cast %slice3A_413 : vector<1x64x8xf32> to vector<64x8xf32>
    %dot_general3A_415 = arith.constant dense<0.000000e+00> : vector<1568x8xf32>
    %dot_general3A_416 = tpu.matmul %reshape3A_412, %squeeze3A_414, %dot_general3A_415 {dimension_numbers = #tpu.dot_dimension_numbers<[1], [0], [0], [1], [0, 0, 1, 1], [], []>, transpose_lhs_hint = false} : vector<1568x64xf32>, vector<64x8xf32>, vector<1568x8xf32> -> vector<1568x8xf32>
    %add3A_417 = arith.addf %add3A_410, %dot_general3A_416 : vector<1568x8xf32>
    %slice3A_418 = vector.extract_strided_slice %get3A_403 {offsets = [2, 0, 0], sizes = [7, 224, 64], strides = [1, 1, 1]} : vector<9x224x64xf32> to vector<7x224x64xf32>
    %reshape3A_419 = vector.shape_cast %slice3A_418 : vector<7x224x64xf32> to vector<1568x64xf32>
    %slice3A_420 = vector.extract_strided_slice %get3A_179 {offsets = [8, 0, 0], sizes = [1, 64, 8], strides = [1, 1, 1]} : vector<9x64x8xf32> to vector<1x64x8xf32>
    %squeeze3A_421 = vector.shape_cast %slice3A_420 : vector<1x64x8xf32> to vector<64x8xf32>
    %dot_general3A_422 = arith.constant dense<0.000000e+00> : vector<1568x8xf32>
    %dot_general3A_423 = tpu.matmul %reshape3A_419, %squeeze3A_421, %dot_general3A_422 {dimension_numbers = #tpu.dot_dimension_numbers<[1], [0], [0], [1], [0, 0, 1, 1], [], []>, transpose_lhs_hint = false} : vector<1568x64xf32>, vector<64x8xf32>, vector<1568x8xf32> -> vector<1568x8xf32>
    %add3A_424 = arith.addf %add3A_417, %dot_general3A_423 : vector<1568x8xf32>
    %reshape3A_425 = vector.shape_cast %add3A_424 : vector<1568x8xf32> to vector<7x224x8xf32>
    %swap3A_426 = arith.constant 0 : index
    %swap3A_427 = arith.constant 14 : index
    %swap3A_428 = arith.constant 0 : index
    %swap3A_429 = arith.constant 0 : index
    %swap3A_430 = vector.load %arg6[%swap3A_426, %swap3A_427, %swap3A_428, %swap3A_429] : memref<1x28x224x8xf32, #tpu.memory_space<vmem>>, vector<1x7x224x8xf32>
    %swap3A_431 = vector.shape_cast %swap3A_430 : vector<1x7x224x8xf32> to vector<7x224x8xf32>
    %swap3A_432 = vector.shape_cast %reshape3A_425 : vector<7x224x8xf32> to vector<1x7x224x8xf32>
    tpu.vector_store %arg6[%swap3A_426, %swap3A_427, %swap3A_428, %swap3A_429], %swap3A_432 {strides = array<i32>} : memref<1x28x224x8xf32, #tpu.memory_space<vmem>>, vector<1x7x224x8xf32>,
    %broadcast_in_dim3A_433 = arith.constant 0.000000e+00 : f32
    %broadcast_in_dim3A_434 = vector.broadcast %broadcast_in_dim3A_433 : f32 to vector<1568x8xf32>
    %get3A_435 = arith.constant 21 : index
    %get3A_436 = arith.constant 0 : index
    %get3A_437 = arith.constant 0 : index
    %get3A_438 = vector.load %arg7[%get3A_435, %get3A_436, %get3A_437] : memref<30x226x64xf32, #tpu.memory_space<vmem>>, vector<9x224x64xf32>
    %slice3A_439 = vector.extract_strided_slice %get3A_438 {offsets = [0, 0, 0], sizes = [7, 224, 64], strides = [1, 1, 1]} : vector<9x224x64xf32> to vector<7x224x64xf32>
    %reshape3A_440 = vector.shape_cast %slice3A_439 : vector<7x224x64xf32> to vector<1568x64xf32>
    %slice3A_441 = vector.extract_strided_slice %get3A_179 {offsets = [0, 0, 0], sizes = [1, 64, 8], strides = [1, 1, 1]} : vector<9x64x8xf32> to vector<1x64x8xf32>
    %squeeze3A_442 = vector.shape_cast %slice3A_441 : vector<1x64x8xf32> to vector<64x8xf32>
    %dot_general3A_443 = arith.constant dense<0.000000e+00> : vector<1568x8xf32>
    %dot_general3A_444 = tpu.matmul %reshape3A_440, %squeeze3A_442, %dot_general3A_443 {dimension_numbers = #tpu.dot_dimension_numbers<[1], [0], [0], [1], [0, 0, 1, 1], [], []>, transpose_lhs_hint = false} : vector<1568x64xf32>, vector<64x8xf32>, vector<1568x8xf32> -> vector<1568x8xf32>
    %add3A_445 = arith.addf %broadcast_in_dim3A_434, %dot_general3A_444 : vector<1568x8xf32>
    %slice3A_446 = vector.extract_strided_slice %get3A_438 {offsets = [1, 0, 0], sizes = [7, 224, 64], strides = [1, 1, 1]} : vector<9x224x64xf32> to vector<7x224x64xf32>
    %reshape3A_447 = vector.shape_cast %slice3A_446 : vector<7x224x64xf32> to vector<1568x64xf32>
    %slice3A_448 = vector.extract_strided_slice %get3A_179 {offsets = [3, 0, 0], sizes = [1, 64, 8], strides = [1, 1, 1]} : vector<9x64x8xf32> to vector<1x64x8xf32>
    %squeeze3A_449 = vector.shape_cast %slice3A_448 : vector<1x64x8xf32> to vector<64x8xf32>
    %dot_general3A_450 = arith.constant dense<0.000000e+00> : vector<1568x8xf32>
    %dot_general3A_451 = tpu.matmul %reshape3A_447, %squeeze3A_449, %dot_general3A_450 {dimension_numbers = #tpu.dot_dimension_numbers<[1], [0], [0], [1], [0, 0, 1, 1], [], []>, transpose_lhs_hint = false} : vector<1568x64xf32>, vector<64x8xf32>, vector<1568x8xf32> -> vector<1568x8xf32>
    %add3A_452 = arith.addf %add3A_445, %dot_general3A_451 : vector<1568x8xf32>
    %slice3A_453 = vector.extract_strided_slice %get3A_438 {offsets = [2, 0, 0], sizes = [7, 224, 64], strides = [1, 1, 1]} : vector<9x224x64xf32> to vector<7x224x64xf32>
    %reshape3A_454 = vector.shape_cast %slice3A_453 : vector<7x224x64xf32> to vector<1568x64xf32>
    %slice3A_455 = vector.extract_strided_slice %get3A_179 {offsets = [6, 0, 0], sizes = [1, 64, 8], strides = [1, 1, 1]} : vector<9x64x8xf32> to vector<1x64x8xf32>
    %squeeze3A_456 = vector.shape_cast %slice3A_455 : vector<1x64x8xf32> to vector<64x8xf32>
    %dot_general3A_457 = arith.constant dense<0.000000e+00> : vector<1568x8xf32>
    %dot_general3A_458 = tpu.matmul %reshape3A_454, %squeeze3A_456, %dot_general3A_457 {dimension_numbers = #tpu.dot_dimension_numbers<[1], [0], [0], [1], [0, 0, 1, 1], [], []>, transpose_lhs_hint = false} : vector<1568x64xf32>, vector<64x8xf32>, vector<1568x8xf32> -> vector<1568x8xf32>
    %add3A_459 = arith.addf %add3A_452, %dot_general3A_458 : vector<1568x8xf32>
    %get3A_460 = arith.constant 21 : index
    %get3A_461 = arith.constant 1 : index
    %get3A_462 = arith.constant 0 : index
    %get3A_463 = vector.load %arg7[%get3A_460, %get3A_461, %get3A_462] : memref<30x226x64xf32, #tpu.memory_space<vmem>>, vector<9x224x64xf32>
    %slice3A_464 = vector.extract_strided_slice %get3A_463 {offsets = [0, 0, 0], sizes = [7, 224, 64], strides = [1, 1, 1]} : vector<9x224x64xf32> to vector<7x224x64xf32>
    %reshape3A_465 = vector.shape_cast %slice3A_464 : vector<7x224x64xf32> to vector<1568x64xf32>
    %slice3A_466 = vector.extract_strided_slice %get3A_179 {offsets = [1, 0, 0], sizes = [1, 64, 8], strides = [1, 1, 1]} : vector<9x64x8xf32> to vector<1x64x8xf32>
    %squeeze3A_467 = vector.shape_cast %slice3A_466 : vector<1x64x8xf32> to vector<64x8xf32>
    %dot_general3A_468 = arith.constant dense<0.000000e+00> : vector<1568x8xf32>
    %dot_general3A_469 = tpu.matmul %reshape3A_465, %squeeze3A_467, %dot_general3A_468 {dimension_numbers = #tpu.dot_dimension_numbers<[1], [0], [0], [1], [0, 0, 1, 1], [], []>, transpose_lhs_hint = false} : vector<1568x64xf32>, vector<64x8xf32>, vector<1568x8xf32> -> vector<1568x8xf32>
    %add3A_470 = arith.addf %add3A_459, %dot_general3A_469 : vector<1568x8xf32>
    %slice3A_471 = vector.extract_strided_slice %get3A_463 {offsets = [1, 0, 0], sizes = [7, 224, 64], strides = [1, 1, 1]} : vector<9x224x64xf32> to vector<7x224x64xf32>
    %reshape3A_472 = vector.shape_cast %slice3A_471 : vector<7x224x64xf32> to vector<1568x64xf32>
    %slice3A_473 = vector.extract_strided_slice %get3A_179 {offsets = [4, 0, 0], sizes = [1, 64, 8], strides = [1, 1, 1]} : vector<9x64x8xf32> to vector<1x64x8xf32>
    %squeeze3A_474 = vector.shape_cast %slice3A_473 : vector<1x64x8xf32> to vector<64x8xf32>
    %dot_general3A_475 = arith.constant dense<0.000000e+00> : vector<1568x8xf32>
    %dot_general3A_476 = tpu.matmul %reshape3A_472, %squeeze3A_474, %dot_general3A_475 {dimension_numbers = #tpu.dot_dimension_numbers<[1], [0], [0], [1], [0, 0, 1, 1], [], []>, transpose_lhs_hint = false} : vector<1568x64xf32>, vector<64x8xf32>, vector<1568x8xf32> -> vector<1568x8xf32>
    %add3A_477 = arith.addf %add3A_470, %dot_general3A_476 : vector<1568x8xf32>
    %slice3A_478 = vector.extract_strided_slice %get3A_463 {offsets = [2, 0, 0], sizes = [7, 224, 64], strides = [1, 1, 1]} : vector<9x224x64xf32> to vector<7x224x64xf32>
    %reshape3A_479 = vector.shape_cast %slice3A_478 : vector<7x224x64xf32> to vector<1568x64xf32>
    %slice3A_480 = vector.extract_strided_slice %get3A_179 {offsets = [7, 0, 0], sizes = [1, 64, 8], strides = [1, 1, 1]} : vector<9x64x8xf32> to vector<1x64x8xf32>
    %squeeze3A_481 = vector.shape_cast %slice3A_480 : vector<1x64x8xf32> to vector<64x8xf32>
    %dot_general3A_482 = arith.constant dense<0.000000e+00> : vector<1568x8xf32>
    %dot_general3A_483 = tpu.matmul %reshape3A_479, %squeeze3A_481, %dot_general3A_482 {dimension_numbers = #tpu.dot_dimension_numbers<[1], [0], [0], [1], [0, 0, 1, 1], [], []>, transpose_lhs_hint = false} : vector<1568x64xf32>, vector<64x8xf32>, vector<1568x8xf32> -> vector<1568x8xf32>
    %add3A_484 = arith.addf %add3A_477, %dot_general3A_483 : vector<1568x8xf32>
    %get3A_485 = arith.constant 21 : index
    %get3A_486 = arith.constant 2 : index
    %get3A_487 = arith.constant 0 : index
    %get3A_488 = vector.load %arg7[%get3A_485, %get3A_486, %get3A_487] : memref<30x226x64xf32, #tpu.memory_space<vmem>>, vector<9x224x64xf32>
    %slice3A_489 = vector.extract_strided_slice %get3A_488 {offsets = [0, 0, 0], sizes = [7, 224, 64], strides = [1, 1, 1]} : vector<9x224x64xf32> to vector<7x224x64xf32>
    %reshape3A_490 = vector.shape_cast %slice3A_489 : vector<7x224x64xf32> to vector<1568x64xf32>
    %slice3A_491 = vector.extract_strided_slice %get3A_179 {offsets = [2, 0, 0], sizes = [1, 64, 8], strides = [1, 1, 1]} : vector<9x64x8xf32> to vector<1x64x8xf32>
    %squeeze3A_492 = vector.shape_cast %slice3A_491 : vector<1x64x8xf32> to vector<64x8xf32>
    %dot_general3A_493 = arith.constant dense<0.000000e+00> : vector<1568x8xf32>
    %dot_general3A_494 = tpu.matmul %reshape3A_490, %squeeze3A_492, %dot_general3A_493 {dimension_numbers = #tpu.dot_dimension_numbers<[1], [0], [0], [1], [0, 0, 1, 1], [], []>, transpose_lhs_hint = false} : vector<1568x64xf32>, vector<64x8xf32>, vector<1568x8xf32> -> vector<1568x8xf32>
    %add3A_495 = arith.addf %add3A_484, %dot_general3A_494 : vector<1568x8xf32>
    %slice3A_496 = vector.extract_strided_slice %get3A_488 {offsets = [1, 0, 0], sizes = [7, 224, 64], strides = [1, 1, 1]} : vector<9x224x64xf32> to vector<7x224x64xf32>
    %reshape3A_497 = vector.shape_cast %slice3A_496 : vector<7x224x64xf32> to vector<1568x64xf32>
    %slice3A_498 = vector.extract_strided_slice %get3A_179 {offsets = [5, 0, 0], sizes = [1, 64, 8], strides = [1, 1, 1]} : vector<9x64x8xf32> to vector<1x64x8xf32>
    %squeeze3A_499 = vector.shape_cast %slice3A_498 : vector<1x64x8xf32> to vector<64x8xf32>
    %dot_general3A_500 = arith.constant dense<0.000000e+00> : vector<1568x8xf32>
    %dot_general3A_501 = tpu.matmul %reshape3A_497, %squeeze3A_499, %dot_general3A_500 {dimension_numbers = #tpu.dot_dimension_numbers<[1], [0], [0], [1], [0, 0, 1, 1], [], []>, transpose_lhs_hint = false} : vector<1568x64xf32>, vector<64x8xf32>, vector<1568x8xf32> -> vector<1568x8xf32>
    %add3A_502 = arith.addf %add3A_495, %dot_general3A_501 : vector<1568x8xf32>
    %slice3A_503 = vector.extract_strided_slice %get3A_488 {offsets = [2, 0, 0], sizes = [7, 224, 64], strides = [1, 1, 1]} : vector<9x224x64xf32> to vector<7x224x64xf32>
    %reshape3A_504 = vector.shape_cast %slice3A_503 : vector<7x224x64xf32> to vector<1568x64xf32>
    %slice3A_505 = vector.extract_strided_slice %get3A_179 {offsets = [8, 0, 0], sizes = [1, 64, 8], strides = [1, 1, 1]} : vector<9x64x8xf32> to vector<1x64x8xf32>
    %squeeze3A_506 = vector.shape_cast %slice3A_505 : vector<1x64x8xf32> to vector<64x8xf32>
    %dot_general3A_507 = arith.constant dense<0.000000e+00> : vector<1568x8xf32>
    %dot_general3A_508 = tpu.matmul %reshape3A_504, %squeeze3A_506, %dot_general3A_507 {dimension_numbers = #tpu.dot_dimension_numbers<[1], [0], [0], [1], [0, 0, 1, 1], [], []>, transpose_lhs_hint = false} : vector<1568x64xf32>, vector<64x8xf32>, vector<1568x8xf32> -> vector<1568x8xf32>
    %add3A_509 = arith.addf %add3A_502, %dot_general3A_508 : vector<1568x8xf32>
    %reshape3A_510 = vector.shape_cast %add3A_509 : vector<1568x8xf32> to vector<7x224x8xf32>
    %swap3A_511 = arith.constant 0 : index
    %swap3A_512 = arith.constant 21 : index
    %swap3A_513 = arith.constant 0 : index
    %swap3A_514 = arith.constant 0 : index
    %swap3A_515 = vector.load %arg6[%swap3A_511, %swap3A_512, %swap3A_513, %swap3A_514] : memref<1x28x224x8xf32, #tpu.memory_space<vmem>>, vector<1x7x224x8xf32>
    %swap3A_516 = vector.shape_cast %swap3A_515 : vector<1x7x224x8xf32> to vector<7x224x8xf32>
    %swap3A_517 = vector.shape_cast %reshape3A_510 : vector<7x224x8xf32> to vector<1x7x224x8xf32>
    tpu.vector_store %arg6[%swap3A_511, %swap3A_512, %swap3A_513, %swap3A_514], %swap3A_517 {strides = array<i32>} : memref<1x28x224x8xf32, #tpu.memory_space<vmem>>, vector<1x7x224x8xf32>,
    return
  }
  func.func @transform_0(%arg0: i32, %arg1: i32) -> (i32, i32, i32) {
    %c0_i32 = arith.constant 0 : i32
    %c0_i32_0 = arith.constant 0 : i32
    return %arg0, %c0_i32, %arg1 : i32, i32, i32
  }
  func.func @transform_1(%arg0: i32, %arg1: i32) -> (i32, i32, i32) {
    %mul3A = arith.constant 7 : i32
    %mul3A_0 = arith.muli %arg1, %mul3A : i32
    %add3A = arith.constant 7 : i32
    %add3A_1 = arith.addi %mul3A_0, %add3A : i32
    %c0_i32 = arith.constant 0 : i32
    %c0_i32_2 = arith.constant 0 : i32
    return %arg0, %c0_i32, %add3A_1 : i32, i32, i32
  }
  func.func @transform_2(%arg0: i32, %arg1: i32) -> (i32, i32) {
    %c0_i32 = arith.constant 0 : i32
    %c0_i32_0 = arith.constant 0 : i32
    %c0_i32_1 = arith.constant 0 : i32
    return %c0_i32, %c0_i32_0 : i32, i32
  }
  func.func @transform_3(%arg0: i32, %arg1: i32) -> (i32, i32, i32) {
    %c0_i32 = arith.constant 0 : i32
    %c0_i32_0 = arith.constant 0 : i32
    %c0_i32_1 = arith.constant 0 : i32
    %c0_i32_2 = arith.constant 0 : i32
    return %c0_i32, %c0_i32_0, %c0_i32_1 : i32, i32, i32
  }
  func.func @transform_4(%arg0: i32, %arg1: i32) -> (i32, i32, i32, i32) {
    %c0_i32 = arith.constant 0 : i32
    %c0_i32_0 = arith.constant 0 : i32
    %c0_i32_1 = arith.constant 0 : i32
    return %arg0, %arg1, %c0_i32, %c0_i32_0 : i32, i32, i32, i32
  }
}

</mosaic_0001>

<sc_bundles>
// kernel: sparse-core-data-format-call.cloned.1.call-start
scs
called_computation_lowered:
.L_overlay_start_0:
0x0: {  	s1 =	sld [smem:$0x3FD9]  }
0x1: {  	s2 =	sld [smem:$0x3FFE];
	_ =	sdelay $0x1  }
0x2: {  	s3 =	srdreg.scid  }
0x3: {  	s0 =	sand.u32 $0x1, s3  }
0x4: {  	s17 =	sshll.u32 s0, $0xA;
	s1 =	sadd.s32 s2, s1  }
0x5: {  	s1 =	sadd.s32 s1, s17  }
0x6: {  	[smem:$0x3FBB] =	sst s1  }
0x7: {  	_ = 	snop  }
0x8: {  	(tm) =	ssettm $0x1  }
0x9: {  	s18 =	sld [smem:$0x3FFB];
	_ =	sdelay $0x3  }
0xa: {  	_ =	strace s18  }
0xb: {  	s1 =	sld [smem:$0x3FFC];
	_ =	sdelay $0x3  }
0xc: {  	_ =	strace s1  }
0xd: {  	s1 =	sld [smem:$0x3FFD];
	_ =	sdelay $0x3  }
0xe: {  	_ =	strace s1  }
0xf: {  	_ =	strace $0x8FFFFFFF  }
0x10: {  	s19 =	sld [smem:$0x3FDB];
	_ =	sdelay $0x1  }
0x11: {  	s20 =	simm.s32 $_scs_section_size  }
0x12: {  	s4 =	simm.s32 $_size__tile_overlayer_lowered;
	s5 =	simm.s32 $_tile_overlayer_lowered  }
0x13: {  	s23 =	simm.s32 $0x1BFF;
	s22 =	sshll.u32 s5, $0x1;
	s1 =	sadd.s32 s20, s19  }
0x14: {  	s6 =	simm.s32 $0x0;
	s21 =	sshll.u32 s4, $0x1;
	s4 =	sadd.s32 s22, s1  }
0x15: {  	[timem:s6], [sflag:s23] =	dma.local [hbm:s4], s21  }
0x16: {  	_ =	swait.ge [sflag:s23], s21  }
0x17: {  	s2 =	ssub.s32 $0x0, s21;
	[sflag:s23] =	ssyncset.done $0x0  }
0x18: {  	[sflag:s23] =	ssyncadd.s32 s2;
	_ =	sdelay $0x1  }
0x19: {  	s24 =	simm.s32 $0x1B8B  }
0x1a: {  	_ =	swait.ge [sflag:s24], $0x1  }
0x1b: {  	[sflag:s24] =	ssyncset.done $0x0  }
0x1c: {  	s26 =	simm.s32 $0x1B8E;
	s25 =	sld [smem:$0x3FFE];
	[sflag:s24] =	ssyncadd.s32 $0xFFFFFFFF  }
0x1d: {  	s27 =	simm.s32 $execute0_lowered;
	[smem:$0x3FD2] =	sst s26  }
0x1e: {  	s4 =	sshll.u32 s27, $0x1;
	_ =	strace $0x80000046;
	[dreg:$0x1] =	wrdreg $0xFFFFFFFF  }
0x1f: {  	s28 =	simm.s32 $_size_execute0_lowered;
	s1 =	sadd.s32 s1, s4;
	[dreg:$0x0] =	wrdreg $0x0  }
0x20: {  	s4 =	sshll.u32 s28, $0x1;
	[dreg:$0x2] =	wrdreg s1  }
0x21: {  	[dreg:$0x3] =	wrdreg s4  }
0x22: {  	[dreg:$0x4] =	wrdreg $0xC0  }
0x23: {  	_ =	task [dreg:s6], $0x5FFFF  }
0x24: {  	[dreg:$0x1] =	wrdreg $0xFFFFFFFF  }
0x25: {  	[dreg:$0x0] =	wrdreg $0x60  }
0x26: {  	[dreg:$0x2] =	wrdreg s25  }
0x27: {  	[dreg:$0x3] =	wrdreg $0x9  }
0x28: {  	_ =	task.clear_ibuf [dreg:s6], $0x4FFFF;
	_ =	strace $0x90000046  }
0x29: {  	s29 =	simm.s32 $0x9;
	_ =	strace $0x80000048  }
0x2a: {  	_ =	swait.ge [sflag:s29], $0x1  }
0x2b: {  	[sflag:s29] =	ssyncadd.s32 $0xFFFFFFFF  }
0x2c: {  	_ =	strace $0x90000048  }
0x2d: {  	_ =	sfence  }
0x2e: {  	s30 =	sld [smem:$0x0];
	_ =	sdelay $0x2  }
0x2f: {  	s31 =	sshll.u32 s3, $0xD;
	s3 =	sshrl.u32 s3, $0x2  }
0x30: {  	s2 =	sand.u32 $0x4000, s31;
	s1 =	sadd.s32 s3, s30  }
0x31: {  	s0 =	sor.u32 s2, s0;
	s1 =	sshll.u32 s1, $0x11  }
0x32: {  	s0 =	sor.u32 s1, s0  }
0x33: {  	s0 =	sadd.s32 $0x8F2B, s0  }
0x34: {  	[sflag:s0] =	ssyncadd.remote.s32 $0x1  }
0x35: {  	_ =	sfence.sel $0xFFFF  }
0x36: {  	[dreg:$0x0] =	wrdreg $0xFFFFFFFF;
	(pc) =	sbr.abs _section_cstart, $3  }
0x37: {  	[dreg:$0x1] =	wrdreg $0xFFFFFFFF  }
0x38: {  	_ =	task.clear_ibuf [dreg:s6], $0x2FFFF;
	_ =	strace $0x9FFFFFFF  }
0x39: {  	(tm) =	ssettm $0x7FFFFFFF  }
tec
execute0_lowered:
.L_overlay_start_1:
0x0: {  	(tag) =	ssettag $0x1  }
0x1: {  	s0 =	rddreg [dreg:$0x0];
	s1 =	srdreg.scid;
	_ =	strace $0x80000047  }
0x2: {  	s2 =	stileid.u32;
	s27 =	simm.s32 $0x1;
	s3 =	simm.s32 $0x2  }
0x3: {  	s20 =	simm.s32 $0x0;
	s21 =	simm.s32 $0x0;
	s22 =	simm.s32 $0x0  }
0x4: {  	s14 =	simm.s32 $0x0;
	s23 =	simm.s32 $0x0;
	s15 =	simm.s32 $0x0  }
0x5: {  	s16 =	simm.s32 $0x0;
	s19 =	simm.s32 $0x0;
	s1 =	sshll.u32 s1, $0x7  }
0x6: {  	s25 =	sshrl.u32 s2, $0x1;
	s7 =	sand.u32 $0x1, s2;
	s26 =	sshll.u32 s2, $0x4  }
0x7: {  	s6 =	sand.u32 $0x80, s1;
	s9 =	sand.u32 $0x3, s25;
	[dreg:$0x4] =	wrdreg s7  }
0x8: {  	s10 =	sand.u32 $0x80, s26;
	s28 =	ssub.s32 $0x2, s7;
	[dreg:$0x2] =	wrdreg s6  }
0x9: {  	s1 =	sadd.s32 s6, s0;
	s0 =	sadd.s32 $0x17D400, s0;
	[dreg:$0x5] =	wrdreg s9  }
0xa: {  	s29 =	sshrl.u32 s28, $0x1;
	s30 =	smax.u32 s10, $0x60;
	[dreg:$0x6] =	wrdreg s10  }
0xb: {  	s31 =	sshll.u32 s10, $0x5;
	[dreg:$0x3] =	wrdreg s0;
	s0 =	sand.u32 $0x1, s28  }
.Ltmp0:
0xc: {  	s2 =	sshll.u32 s30, $0x7;
	s0 =	sadd.s32 s0, s29;
	(pc) =	sbr.rel .LBB1_1-.Ltmp0, $4  }
0xd: {  	s11 =	sxor.u32 $0x7000, s2;
	s8 =	smul.u32 $0x1B, s0;
	s0 =	sadd.s32 s31, s1  }
0xe: {  	[sflag:s27] =	ssyncpa.u1 $0x0;
	[dreg:$0x7] =	wrdreg s11;
	s12 =	sadd.s32 $0x3400, s0  }
0xf: {  	[sflag:s3] =	ssyncpa.u1 $0x0;
	s13 =	sadd.s32 $0x1, s8;
	[dreg:$0x8] =	wrdreg s12  }
0x10: {  	s18 =	smov.u32 s7;
	s17 =	smov.u32 s9;
	[dreg:$0x9] =	wrdreg s13  }
.LBB1_11:
0x11: {  	p0 =	sgt.s32 s14, $0x68  }
0x12: {  	s0 =	smov.u32 s14;
	s1 =	smul.u32 $0xC3C00, s16;
	s3 =	rddreg [dreg:$0x3]  }
0x13: {  	s2 =	smul.u32 $0x1D00, s15;
	s29 =	sshll.u32 s14, $0x5;
	s6 =	rddreg [dreg:$0x2]  }
0x14: {  	s30 =	sor.u32 $0x8000, s28;
	s7 =	rddreg [dreg:$0x4];
	s0 =	simm.s32 @!p0 $0x68  }
0x15: {  	s31 =	simm.s32 $0x400;
	s9 =	rddreg [dreg:$0x5];
	s0 =	sshll.u32 s0, $0x7  }
0x16: {  	s10 =	rddreg [dreg:$0x6];
	s1 =	sadd.s32 s3, s1;
	s0 =	ssub.s32 $0x7400, s0  }
0x17: {  	s11 =	rddreg [dreg:$0x7];
	s1 =	sadd.s32 s2, s1;
	s0 =	smul.u32 s24, s0  }
0x18: {  	s4 =	simm.s32 $0x800;
	s12 =	rddreg [dreg:$0x8];
	s1 =	sadd.s32 s23, s1  }
0x19: {  	s13 =	rddreg [dreg:$0x9];
	s1 =	sadd.s32 s29, s1;
	s0 =	sand.u32 $0x3FFFFF80, s0  }
0x1a: {  	[hbm4b:s1+s31] =	stream.strided.scatter [tilespmem:s30], [sflag:$0x2], s0, s4, s31, $0x20;
	[tilespmem:$0x10100] =	vst v63  }
.LBB1_12:
0x1b: {  	p0 =	slt.u32 s19, $0x2;
	s0 =	smov.u32 s22;
	s2 =	smov.u32 s21  }
0x1c: {  	p1 =	sgt.s32 @!p0 s22, $0x1;
	s1 =	sshra.s32 @!p0 s22, $0x1F;
	s3 =	sshra.s32 @!p0 s21, $0x1F  }
0x1d: {  	p2 =	sgt.s32 @!p0 s20, $0x68;
	p1 =	por !p1, p0;
	s1 =	sand.u32 @!p0 s1, s22  }
0x1e: {  	p2 =	por !p2, p0;
	s0 =	simm.s32 @p1 $0x1;
	p1 =	sgt.s32 @!p0 s21, $0x6B  }
0x1f: {  	s1 =	sxor.u32 @!p0 $0xFFFFFFFF, s1;
	s20 =	simm.s32 @p2 $0x68;
	p1 =	por !p1, p0  }
0x20: {  	s0 =	sadd.s32 @!p0 s1, s0;
	s1 =	sand.u32 @!p0 s3, s21;
	s2 =	simm.s32 @p1 $0x6B  }
0x21: {  	p1 =	sgt.s32 @!p0 s0, $0x0;
	s0 =	sshll.u32 @!p0 s0, $0x7;
	s1 =	ssub.s32 @!p0 s2, s1  }
0x22: {  	s0 =	ssub.s32 @!p0 $0x80, s0;
	p1 =	por !p1, p0;
	s2 =	sadd.s32 @!p0 $0xFFFFFF95, s1  }
0x23: {  	s0 =	simm.s32 @!p1 $0x0;
	p2 =	sgt.s32 @!p0 s2, $0x0;
	s2 =	ssub.s32 @!p0 $0xE8, s20  }
0x24: {  	s1 =	ssub.s32 @!p0 $0x6C, s1;
	p1 =	por !p2, p0;
	s0 =	smul.u32 @!p0 s2, s0  }
0x25: {  	s1 =	simm.s32 @!p1 $0x0  }
0x26: {  	s0 =	smul.u32 @!p0 s1, s0;
	s1 =	sadd.s32 $0x4, s17  }
0x27: {  	s4 =	smov.u32 s18;
	s3 =	sadd.s32 $0x2, s18;
	p1 =	sgt.s32 s1, $0x6B  }
0x28: {  	s31 =	sadd.s32 $0x1, s19;
	s4 =	smov.u32 @p1 s3  }
0x29: {  	s23 =	smov.u32 s10;
	s1 =	smov.u32 @p1 s9;
	p1 =	sgt.s32 s4, $0x1  }
0x2a: {  	s22 =	smov.u32 s16;
	s4 =	smov.u32 @p1 s7;
	p1 =	sne.s32 s19, s13  }
.Ltmp1:
0x2b: {  	s16 =	smov.u32 s18;
	s21 =	smov.u32 s15;
	(pc) =	sbr.rel @!p1 .LBB1_13-.Ltmp1, $4  }
0x2c: {  	s15 =	smov.u32 s17;
	s2 =	simm.s32 @!p0 $0x2;
	s0 =	sand.u32 @!p0 $0x3FFFFF80, s0  }
0x2d: {  	s20 =	smov.u32 s14;
	s14 =	smov.u32 s6;
	_ =	swait.ge @!p0 [sflag:s2], s0  }
0x2e: {  	s0 =	ssub.s32 @!p0 $0x0, s0;
	s17 =	smov.u32 s1;
	[sflag:s2] =	ssyncset.done @!p0 $0x0  }
0x2f: {  	s19 =	smov.u32 s31;
	[sflag:s2] =	ssyncadd.s32 @!p0 s0;
	s18 =	smov.u32 s4  }
.LBB1_1:
0x30: {  	p0 =	sge.u32 s19, s8  }
0x31: {  	s0 =	smov.u32 s18;
	p1 =	sgt.s32 @!p0 s18, $0x1;
	s1 =	sshra.s32 @!p0 s18, $0x1F  }
0x32: {  	s2 =	smov.u32 s17;
	p1 =	por !p1, p0;
	s1 =	sand.u32 @!p0 s1, s18  }
0x33: {  	s0 =	simm.s32 @p1 $0x1;
	p1 =	sgt.s32 @!p0 s17, $0x6B;
	s1 =	sxor.u32 @!p0 $0xFFFFFFFF, s1  }
0x34: {  	s3 =	sshra.s32 @!p0 s17, $0x1F;
	p1 =	por !p1, p0;
	s0 =	sadd.s32 @!p0 s1, s0  }
0x35: {  	s1 =	sand.u32 @!p0 s3, s17;
	s2 =	simm.s32 @p1 $0x6B;
	p1 =	sgt.s32 @!p0 s0, $0x0  }
0x36: {  	s0 =	ssub.s32 @!p0 $0x1, s0;
	s1 =	ssub.s32 @!p0 s2, s1;
	p1 =	por !p1, p0  }
0x37: {  	s2 =	sadd.s32 @!p0 $0xFFFFFF95, s1;
	s0 =	simm.s32 @!p1 $0x0  }
0x38: {  	p1 =	sgt.s32 @!p0 s2, $0x0;
	s0 =	smul.u32 @!p0 s0, s11  }
0x39: {  	s1 =	ssub.s32 @!p0 $0x6C, s1;
	s2 =	smul.u32 @!p0 $0xBD000, s18;
	p1 =	por !p1, p0  }
0x3a: {  	s31 =	sadd.s32 $0xFFFFFFFF, s19;
	s3 =	smul.u32 @!p0 $0x1C00, s17;
	s1 =	simm.s32 @!p1 $0x0  }
0x3b: {  	s2 =	sadd.s32 @!p0 s2, s12;
	s0 =	smul.u32 @!p0 s1, s0;
	s1 =	sxor.u32 @!p0 $0xFFFFFFFF, s19  }
0x3c: {  	s5 =	simm.s32 @!p0 $0x800;
	s2 =	sadd.s32 @!p0 s3, s2;
	s1 =	sshll.u32 @!p0 s1, $0xE  }
0x3d: {  	s3 =	simm.s32 @!p0 $0x400;
	s1 =	sand.u32 @!p0 $0x4000, s1;
	s0 =	sand.u32 @!p0 $0x3FFFF000, s0  }
0x3e: {  	[tilespmem:s1], [sflag:$0x1] =	stream.strided.gather @!p0 [hbm4b:s2+s3], s0, s5, s3, $0x38;
	[tilespmem:$0x10100] =	vst v63  }
0x3f: {  	p0 =	sge.u32 s31, s8  }
.Ltmp2:
0x40: {  	_ = 	snop;
	(pc) =	sbr.rel @p0 .LBB1_12-.Ltmp2, $1  }
0x41: {  	_ =	sdelay $0x3  }
0x42: {  	p0 =	sgt.s32 s16, $0x1;
	s0 =	smov.u32 s16  }
0x43: {  	s1 =	sshra.s32 s16, $0x1F;
	s2 =	smov.u32 s15;
	s3 =	sshra.s32 s15, $0x1F  }
0x44: {  	s0 =	simm.s32 @!p0 $0x1;
	s1 =	sand.u32 s1, s16;
	p0 =	sgt.s32 s15, $0x6B  }
0x45: {  	s3 =	sand.u32 s3, s15;
	s1 =	sxor.u32 $0xFFFFFFFF, s1;
	s2 =	simm.s32 @!p0 $0x6B  }
0x46: {  	s0 =	sadd.s32 s1, s0;
	s26 =	ssub.s32 s2, s3  }
0x47: {  	p0 =	sgt.s32 s0, $0x0;
	s2 =	sadd.s32 $0xFFFFFF95, s26  }
0x48: {  	s0 =	ssub.s32 $0x1, s0;
	s1 =	ssub.s32 $0x6C, s26;
	p1 =	sgt.s32 s2, $0x0  }
0x49: {  	s0 =	simm.s32 @p0 $0x0;
	p0 =	sgt.s32 s23, $0x60;
	s1 =	simm.s32 @p1 $0x0  }
0x4a: {  	s2 =	smov.u32 s23;
	s24 =	smul.u32 s0, s1;
	s0 =	sadd.s32 $0x1, s16  }
0x4b: {  	p2 =	slt.s32 s14, $0x62;
	s2 =	simm.s32 @!p0 $0x60;
	p0 =	slt.s32 s0, $0x2  }
0x4c: {  	s29 =	sshll.u32 s2, $0x7;
	s2 =	sadd.s32 $0x1, s15;
	s0 =	simm.s32 @!p0 $0x2  }
0x4d: {  	s1 =	ssub.s32 $0x7000, s29;
	p0 =	slt.s32 s2, $0x6C;
	s25 =	ssub.s32 s0, s16  }
0x4e: {  	s2 =	simm.s32 @!p0 $0x6C;
	p0 =	slt.s32 s23, $0x60;
	s0 =	smov.u32 s23  }
0x4f: {  	s26 =	ssub.s32 s2, s15;
	s0 =	simm.s32 @!p0 $0x60;
	p0 =	slt.s32 s25, $0x1  }
0x50: {  	s1 =	smul.u32 s24, s1;
	s0 =	ssub.s32 s0, s23;
	p1 =	slt.s32 @!p0 s26, $0x1  }
0x51: {  	s27 =	sadd.s32 $0x80, s0;
	s0 =	smov.u32 s14;
	p1 =	por p0, p1  }
0x52: {  	s0 =	simm.s32 @!p2 $0x62;
	p2 =	seq.s32 @!p1 s27, $0x0  }
0x53: {  	s30 =	sand.u32 $0x3FFFFF80, s1;
	s1 =	ssub.s32 s0, s14;
	p1 =	por p1, p2  }
0x54: {  	p2 =	slt.s32 @!p1 s1, $0xFFFFFF82  }
0x55: {  	p1 =	por p1, p2  }
.Ltmp3:
0x56: {  	_ = 	snop;
	(pc) =	sbr.rel @p1 .LBB1_11-.Ltmp3, $4  }
0x57: {  	s31 =	simm.s32 $0x1  }
0x58: {  	_ =	swait.ge [sflag:s31], s30  }
0x59: {  	s2 =	ssub.s32 $0x0, s30;
	[sflag:s31] =	ssyncset.done $0x0;
	s0 =	sand.u32 $0x1, s19  }
0x5a: {  	[sflag:s31] =	ssyncadd.s32 s2;
	s28 =	smul.u32 $0x4080, s0  }
0x5b: {  	s1 =	sadd.s32 $0x8E, s1;
	s30 =	sshll.u32 @!p0 s0, $0xE  }
0x5c: {  	s0 =	simm.s32 $0x0;
	s29 =	sand.u32 $0xFFFFFFF0, s1;
	s31 =	sor.u32 @!p0 $0x8000, s28  }
.LBB1_4:
0x5d: {  	s1 =	simm.s32 $0x0  }
.LBB1_5:
0x5e: {  	s2 =	sadd.s32 s0, s1  }
0x5f: {  	s3 =	smul.u32 $0x10200, s2  }
0x60: {  	s2 =	sshll.u32 s2, $0x10  }
0x61: {  	s2 =	sshra.s32 s2, $0x2;
	s3 =	sshra.s32 s3, $0x2  }
0x62: {  	s12 =	sadd.s32 s2, s30;
	s13 =	sadd.s32 s3, s31;
	s3 =	simm.s32 $0x0  }
.LBB1_6:
0x63: {  	s7 =	sshll.u32 s3, $0x7;
	s2 =	sshrl.u32 s3, $0x4  }
0x64: {  	s9 =	sand.u32 $0x7F, s3;
	s10 =	simm.s32 $0x0;
	s5 =	sand.u32 $0x380, s7  }
0x65: {  	s11 =	simm.s32 $0x0;
	s9 =	sadd.s32 s9, s13;
	s5 =	sadd.s32 s5, s12  }
.LBB1_7:
0x66: {  	s4 =	sand.u32 $0x3C00, s10  }
0x67: {  	s4 =	sadd.s32 s7, s4  }
0x68: {  	s4 =	sand.u32 $0x3C00, s4  }
0x69: {  	s6 =	sand.u32 $0x70, s11;
	s4 =	sadd.s32 s4, s5  }
0x6a: {  	s4 =	sadd.s32 s6, s4;
	s6 =	sadd.s32 s11, s2  }
0x6b: {  	s11 =	sadd.s32 $0x10, s11;
	s6 =	sand.u32 $0x78, s6  }
0x6c: {  	v0 =	vld [tilespmem:s4+$0x0];
	p0 =	slt.u32 s11, s29;
	s4 =	smul.u32 $0x204, s6  }
.Ltmp4:
0x6d: {  	_ = 	snop;
	(pc) =	sbr.rel @p0 .LBB1_7-.Ltmp4, $4  }
0x6e: {  	_ = 	snop  }
0x6f: {  	s4 =	sshrl.u32 s4, $0x2  }
0x70: {  	s4 =	sadd.s32 s4, s9  }
0x71: {  	s10 =	sadd.s32 $0x80, s10;
	[tilespmem:s4+$0x0 ss:$0x81] =	vst.msk $0xffff, v0  }
0x72: {  	s3 =	sadd.s32 $0x1, s3  }
0x73: {  	p0 =	sne.s32 s3, s27  }
.Ltmp5:
0x74: {  	_ = 	snop;
	(pc) =	sbr.rel @p0 .LBB1_6-.Ltmp5, $1  }
0x75: {  	_ =	sdelay $0x3  }
0x76: {  	s1 =	sadd.s32 $0x1, s1  }
0x77: {  	p0 =	sne.s32 s1, s26  }
.Ltmp6:
0x78: {  	_ = 	snop;
	(pc) =	sbr.rel @p0 .LBB1_5-.Ltmp6, $1  }
0x79: {  	_ =	sdelay $0x3  }
0x7a: {  	s0 =	sadd.s32 $0x1, s0  }
0x7b: {  	p0 =	sne.s32 s0, s25  }
.Ltmp7:
0x7c: {  	_ = 	snop;
	(pc) =	sbr.rel @p0 .LBB1_4-.Ltmp7, $4  }
.Ltmp8:
0x7d: {  	_ = 	snop;
	(pc) =	sbr.rel @!p0 .LBB1_11-.Ltmp8, $4  }
0x7e: {  	_ = 	snop  }
0x7f: {  	_ = 	snop  }
0x80: {  	_ = 	snop  }
0x81: {  	_ = 	snop  }
.LBB1_13:
0x82: {  	_ =	sfence.sel $0x180000  }
0x83: {  	s0 =	simm.s32 $0x1;
	[bflag:$0x0] =	sbarrier.arrive $0xFFFF  }
0x84: {  	s30 =	simm.s32 $0x2;
	[sflag:s0] =	ssyncpa.u1 $0x1  }
0x85: {  	[sflag:s30] =	ssyncpa.u1 $0x1  }
0x86: {  	_ =	strace $0x90000047  }
0x87: {  	s31 =	stileid.u32;
	[bflag:$0x2] =	sbarrier.arrive $0xFFFF  }
0x88: {  	p0 =	sne.s32 s31, $0x0;
	s0 =	rddreg [dreg:$0x1]  }
0x89: {  	s0 =	sadd.s32 @!p0 $0x100000, s0  }
0x8a: {  	[sflag:s0] =	ssyncadd.tile.s32 @!p0 $0x1;
	_ =	shalt  }
.Lfunc_end1:
_tile_overlayer_lowered:
.L_overlay_start_2:
0x8b: {  	(tag) =	ssettag $0x2  }
0x8c: {  	s0 =	rddreg [dreg:$0x0];
	s2 =	stileid.u32  }
0x8d: {  	s1 =	rddreg [dreg:$0x1];
	p0 =	sne.s32 s2, $0x0  }
0x8e: {  	s3 =	rddreg [dreg:$0x2];
	[bflag:$0x3] =	sbarrier.arrive $0xFFFF;
	s2 =	simm.s32 @!p0 $0x1C01  }
0x8f: {  	[timem:s3], [sflag:s2] =	dma.local @!p0 [hbm:s0], s1  }
0x90: {  	s0 =	simm.s32 @!p0 $0x1  }
0x91: {  	_ =	swait.ge @!p0 [sflag:s0], s1  }
0x92: {  	s1 =	ssub.s32 @!p0 $0x0, s1;
	[sflag:s0] =	ssyncset.done @!p0 $0x0  }
0x93: {  	[sflag:s0] =	ssyncadd.s32 @!p0 s1  }
0x94: {  	[bflag:$0x3] =	sbarrier.arrive $0xFFFF  }
0x95: {  	_ =	shalt  }

</sc_bundles>
